<compile_context>
chip_gen: v7x
topology: tpu7x:2x2x1
jax: 0.10.2.dev20260603
libtpu: 0.0.44.dev20260713+nightly
codegen_flags: <defaults>
</compile_context>

<pallas_src>
import functools

import jax
import jax.numpy as jnp
from jax import lax
from jax.experimental import pallas as pl
from jax.experimental.pallas import tpu as pltpu
from jax.experimental.pallas import tpu_sc as plsc

N = 10000
E = 320000
D = 128
HD = D // 2

NC = 2
NS = 16
NW = NC * NS
N_PAD = 10240
RPT = N_PAD // NS

EPS = E // NS
CH = 125
NCHUNK = EPS // CH

NCHUNK_D = NCHUNK // NC
NB = 8
NROUND = NCHUNK // NB

BN = 2560
GRID = N_PAD // BN

_MESH = plsc.VectorSubcoreMesh(core_axis_name="c", subcore_axis_name="s")


@functools.partial(
    pl.kernel,
    out_type=jax.ShapeDtypeStruct((NC, N_PAD), jnp.float32),
    mesh=_MESH,
    compiler_params=pltpu.CompilerParams(use_tc_tiling_on_sc=False),
    scratch_types=[
        pltpu.VMEM((NCHUNK_D, CH), jnp.int32),
        pltpu.VMEM((CH,), jnp.float32),
        pltpu.VMEM_SHARED((N_PAD,), jnp.float32),
        pltpu.SemaphoreType.DMA,
    ],
)
def _deg_kernel(idx_hbm, zeros_hbm, out_hbm, dst_all, ones_v, deg_sh, sem):
    c = lax.axis_index("c")
    s = lax.axis_index("s")
    for i in range(0, CH - 15, 16):
        ones_v[pl.ds(i, 16)] = jnp.ones((16,), jnp.float32)
    ones_v[pl.ds(CH - 16, 16)] = jnp.ones((16,), jnp.float32)
    pltpu.sync_copy(idx_hbm.at[1, s, pl.ds(c * NCHUNK_D, NCHUNK_D)], dst_all)
    pltpu.sync_copy(zeros_hbm, deg_sh.at[pl.ds(s * RPT, RPT)])
    plsc.subcore_barrier()

    def group(j, carry):
        for b in range(NB):
            pltpu.async_copy(ones_v, deg_sh.at[dst_all.at[NB * j + b]],
                             sem, add=True)
        for b in range(NB):
            pltpu.make_async_copy(ones_v, deg_sh.at[dst_all.at[0]],
                                  sem).wait()
        return carry

    lax.fori_loop(0, NCHUNK_D // NB, group, 0)
    plsc.subcore_barrier()
    pltpu.sync_copy(deg_sh.at[pl.ds(s * RPT, RPT)],
                    out_hbm.at[c, pl.ds(s * RPT, RPT)])


@functools.partial(
    pl.kernel,
    out_type=jax.ShapeDtypeStruct((NC, N_PAD, HD), jnp.bfloat16),
    mesh=_MESH,
    compiler_params=pltpu.CompilerParams(use_tc_tiling_on_sc=False),
    scratch_types=[
        pltpu.VMEM((2, NCHUNK, CH), jnp.int32),
        pltpu.VMEM((NB, CH, HD), jnp.bfloat16),
        pltpu.VMEM_SHARED((N_PAD, HD), jnp.bfloat16),
        [pltpu.SemaphoreType.DMA] * NB,
        [pltpu.SemaphoreType.DMA] * NB,
    ],
)
def _scatter_kernel(g_hbm, idx_hbm, zeros_hbm, out_hbm,
                    idx_all, bufs, acc_sh, gsems, ssems):
    c = lax.axis_index("c")
    s = lax.axis_index("s")
    g_half = g_hbm.at[c]
    pltpu.sync_copy(idx_hbm.at[0, s], idx_all.at[0])
    pltpu.sync_copy(idx_hbm.at[1, s], idx_all.at[1])
    pltpu.sync_copy(zeros_hbm, acc_sh.at[pl.ds(s * RPT, RPT)])
    plsc.subcore_barrier()

    def gather(i, b):
        pltpu.async_copy(g_half.at[idx_all.at[0, i]], bufs.at[b], gsems[b])

    def gather_wait(b):
        pltpu.make_async_copy(g_half.at[idx_all.at[0, 0]], bufs.at[b],
                              gsems[b]).wait()

    def scatter(i, b):
        pltpu.async_copy(bufs.at[b], acc_sh.at[idx_all.at[1, i]], ssems[b],
                         add=True)

    def scatter_wait(b):
        pltpu.make_async_copy(bufs.at[b], acc_sh.at[idx_all.at[1, 0]],
                              ssems[b]).wait()

    for b in range(NB):
        gather(b, b)

    def body(j, carry):
        i0 = NB * j
        for b in range(NB):
            gather_wait(b)
            scatter(i0 + b, b)
        for b in range(NB):
            scatter_wait(b)
            gather(jnp.minimum(i0 + NB + b, NCHUNK - 1), b)
        return carry

    lax.fori_loop(0, NROUND, body, 0)
    for b in range(NB):
        gather_wait(b)
    plsc.subcore_barrier()
    pltpu.sync_copy(acc_sh.at[pl.ds(s * RPT, RPT)],
                    out_hbm.at[c, pl.ds(s * RPT, RPT)])


BNR = BN // 128


def _dis3(degp_ref):
    r = pl.program_id(0) * BNR
    deg = (degp_ref[0, pl.ds(r, BNR), :]
           + degp_ref[1, pl.ds(r, BNR), :] + 1.0)
    return lax.rsqrt(deg)[:, :, None]


def _row_scale(m, dis3):
    w = m.shape[1]
    return (m.reshape(BNR, 128, w) * dis3).reshape(BN, w)


def _k1_body(x_ref, w_ref, degp_ref, o_ref):
    dis = _dis3(degp_ref)
    h = jnp.dot(x_ref[...], w_ref[...], preferred_element_type=jnp.float32)
    g = _row_scale(h, dis).astype(jnp.bfloat16)
    o_ref[0] = g[:, :HD]
    o_ref[1] = g[:, HD:]


def _merge_halves(acc_ref, g_ref, b_ref, dis):
    th = []
    for hh in range(NC):
        sh = acc_ref[hh].astype(jnp.float32) + g_ref[hh].astype(jnp.float32)
        sh = _row_scale(sh, dis) + b_ref[0, hh * HD:(hh + 1) * HD][None, :]
        th.append(jnp.maximum(sh, 0.0))
    return th


def _k3_body(acc_ref, g_ref, degp_ref, b_ref, w_ref, o_ref):
    dis = _dis3(degp_ref)
    t0, t1 = _merge_halves(acc_ref, g_ref, b_ref, dis)
    h = (jnp.dot(t0, w_ref[:HD, :], preferred_element_type=jnp.float32)
         + jnp.dot(t1, w_ref[HD:, :], preferred_element_type=jnp.float32))
    g2 = _row_scale(h, dis).astype(jnp.bfloat16)
    o_ref[0] = g2[:, :HD]
    o_ref[1] = g2[:, HD:]


def _k5_body(acc_ref, g_ref, degp_ref, b_ref, o_ref):
    dis = _dis3(degp_ref)
    t0, t1 = _merge_halves(acc_ref, g_ref, b_ref, dis)
    o_ref[:, :HD] = t0
    o_ref[:, HD:] = t1


_ROWS = pl.BlockSpec((BN, D), lambda i: (i, 0))
_HALVES = pl.BlockSpec((NC, BN, HD), lambda i: (0, i, 0))
_DEGP = pl.BlockSpec((NC, N_PAD // 128, 128), lambda i: (0, 0, 0))
_MAT = pl.BlockSpec((D, D), lambda i: (0, 0))
_BIAS = pl.BlockSpec((1, D), lambda i: (0, 0))

_k1 = pl.pallas_call(
    _k1_body, grid=(GRID,),
    in_specs=[_ROWS, _MAT, _DEGP],
    out_specs=_HALVES,
    out_shape=jax.ShapeDtypeStruct((NC, N_PAD, HD), jnp.bfloat16),
)
_k3 = pl.pallas_call(
    _k3_body, grid=(GRID,),
    in_specs=[_HALVES, _HALVES, _DEGP, _BIAS, _MAT],
    out_specs=_HALVES,
    out_shape=jax.ShapeDtypeStruct((NC, N_PAD, HD), jnp.bfloat16),
)
_k5 = pl.pallas_call(
    _k5_body, grid=(GRID,),
    in_specs=[_HALVES, _HALVES, _DEGP, _BIAS],
    out_specs=_ROWS,
    out_shape=jax.ShapeDtypeStruct((N, D), jnp.float32),
)


def kernel(x, e, W1, b1, W2, b2):
    idx = e.reshape(2, NS, NCHUNK, CH)
    zeros1 = jnp.zeros((RPT,), jnp.float32)
    zeros2 = jnp.zeros((RPT, HD), jnp.bfloat16)

    degp = _deg_kernel(idx, zeros1)
    degp = degp.reshape(NC, N_PAD // 128, 128)
    b1r = b1.reshape(1, D)
    b2r = b2.reshape(1, D)

    g1 = _k1(x, W1, degp)
    acc1 = _scatter_kernel(g1, idx, zeros2)
    g2 = _k3(acc1, g1, degp, b1r, W2)
    acc2 = _scatter_kernel(g2, idx, zeros2)
    return _k5(acc2, g2, degp, b2r)

# --- scband reference (transcript-rebuilt; emitter-appended) ---
"""Pipeline reference for scband-gnn-4432406249964 (READ-ONLY COPY).

The authoritative reference and input builder live on the scoring server;
editing this copy changes nothing except your own understanding.
"""

import jax, jax.numpy as jnp
import numpy as np

N = 10000
E = 320000
D = 128


def _glorot(key, fan_in, fan_out):
    limit = float(np.sqrt(6.0 / (fan_in + fan_out)))
    return jax.random.uniform(key, (fan_in, fan_out), dtype=jnp.float32, minval=-limit, maxval=limit)


def setup_inputs(seed: int = 0) -> dict:
    key = jax.random.key(seed)
    k1, k2, k3, k4 = jax.random.split(key, 4)
    x = jax.random.normal(k1, (N, D), dtype=jnp.float32)
    e = jax.random.randint(k2, (2, E), 0, N, dtype=jnp.int32)
    W1 = _glorot(k3, D, D)
    b1 = jnp.zeros((D,), dtype=jnp.float32)
    W2 = _glorot(k4, D, D)
    b2 = jnp.zeros((D,), dtype=jnp.float32)
    return {"x": x, "e": e, "W1": W1, "b1": b1, "W2": W2, "b2": b2}


def _gcn_conv(x, e, W, b):
    # PyG GCNConv: add self-loops, symmetric normalization D^-1/2 (A+I) D^-1/2 X W + b
    n = x.shape[0]
    loop = jnp.arange(n, dtype=e.dtype)
    src = jnp.concatenate([e[0], loop])
    dst = jnp.concatenate([e[1], loop])
    deg = jnp.zeros((n,), dtype=x.dtype).at[dst].add(1.0)
    deg_inv_sqrt = jnp.where(deg > 0, deg ** -0.5, 0.0)
    norm = deg_inv_sqrt[src] * deg_inv_sqrt[dst]
    h = x @ W
    msg = h[src] * norm[:, None]
    out = jnp.zeros((n, h.shape[1]), dtype=x.dtype).at[dst].add(msg)
    return out + b


def reference(x, e, W1, b1, W2, b2):
    # dropout p=0.0 is a no-op; due to the `i == len(self.convs)` bug, relu
    # is applied after every conv including the last one.
    h = _gcn_conv(x, e, W1, b1)
    h = jax.nn.relu(h)
    h = _gcn_conv(h, e, W2, b2)
    h = jax.nn.relu(h)
    return h

if __name__ == "__main__":
    import jax
    _d = setup_inputs()
    print(jax.jit(kernel)(*tuple(_d.values())))

</pallas_src>

<mosaic_0001>
#map = affine_map<(d0, d1) -> (0, 0, 0, 0)>
#map1 = affine_map<(d0, d1) -> (0)>
#map2 = affine_map<(d0, d1) -> (0, 0)>
module attributes {stable_mosaic.version = 14 : i64} {
  func.func @_deg_kernel(%arg0: i32, %arg1: i32, %arg2: memref<2x16x160x125xi32, #tpu.memory_space<hbm>>, %arg3: memref<640xf32, #tpu.memory_space<hbm>>, %arg4: memref<2x10240xf32, #tpu.memory_space<hbm>>, %arg5: memref<80x125xi32, #tpu.memory_space<vmem>>, %arg6: memref<125xf32, #tpu.memory_space<vmem>>, %arg7: memref<10240xf32, #tpu.memory_space<vmem_shared>>, %arg8: memref<!tpu.dma_semaphore, #tpu.memory_space<semaphore_mem>>) attributes {dimension_semantics = [#tpu.dimension_semantics<core_parallel>, #tpu.dimension_semantics<subcore_parallel>], iteration_bounds = array<i64: 2, 16>, scalar_prefetch = 0 : i64, scratch_operands = 4 : i64, tpu.core_type = #tpu.core_type<sc_vector_subcore>, window_params = [{transform_indices = #map}, {transform_indices = #map1}, {transform_indices = #map2}]} {
    %broadcast_in_dim3A = arith.constant 1.000000e+00 : f32
    %broadcast_in_dim3A_0 = vector.broadcast %broadcast_in_dim3A : f32 to vector<16xf32>
    %swap3A = arith.constant 0 : index
    %swap3A_1 = tpu.vector_load %arg6[%swap3A] {strides = array<i32>} : memref<125xf32, #tpu.memory_space<vmem>>, vector<16xf32>,
    %swap3A_2 = vector.shape_cast %swap3A_1 : vector<16xf32> to vector<16xf32>
    %swap3A_3 = vector.shape_cast %broadcast_in_dim3A_0 : vector<16xf32> to vector<16xf32>
    tpu.vector_store %arg6[%swap3A], %swap3A_3 {strides = array<i32>} : memref<125xf32, #tpu.memory_space<vmem>>, vector<16xf32>,
    %broadcast_in_dim3A_4 = arith.constant 1.000000e+00 : f32
    %broadcast_in_dim3A_5 = vector.broadcast %broadcast_in_dim3A_4 : f32 to vector<16xf32>
    %swap3A_6 = arith.constant 16 : index
    %swap3A_7 = tpu.vector_load %arg6[%swap3A_6] {strides = array<i32>} : memref<125xf32, #tpu.memory_space<vmem>>, vector<16xf32>,
    %swap3A_8 = vector.shape_cast %swap3A_7 : vector<16xf32> to vector<16xf32>
    %swap3A_9 = vector.shape_cast %broadcast_in_dim3A_5 : vector<16xf32> to vector<16xf32>
    tpu.vector_store %arg6[%swap3A_6], %swap3A_9 {strides = array<i32>} : memref<125xf32, #tpu.memory_space<vmem>>, vector<16xf32>,
    %broadcast_in_dim3A_10 = arith.constant 1.000000e+00 : f32
    %broadcast_in_dim3A_11 = vector.broadcast %broadcast_in_dim3A_10 : f32 to vector<16xf32>
    %swap3A_12 = arith.constant 32 : index
    %swap3A_13 = tpu.vector_load %arg6[%swap3A_12] {strides = array<i32>} : memref<125xf32, #tpu.memory_space<vmem>>, vector<16xf32>,
    %swap3A_14 = vector.shape_cast %swap3A_13 : vector<16xf32> to vector<16xf32>
    %swap3A_15 = vector.shape_cast %broadcast_in_dim3A_11 : vector<16xf32> to vector<16xf32>
    tpu.vector_store %arg6[%swap3A_12], %swap3A_15 {strides = array<i32>} : memref<125xf32, #tpu.memory_space<vmem>>, vector<16xf32>,
    %broadcast_in_dim3A_16 = arith.constant 1.000000e+00 : f32
    %broadcast_in_dim3A_17 = vector.broadcast %broadcast_in_dim3A_16 : f32 to vector<16xf32>
    %swap3A_18 = arith.constant 48 : index
    %swap3A_19 = tpu.vector_load %arg6[%swap3A_18] {strides = array<i32>} : memref<125xf32, #tpu.memory_space<vmem>>, vector<16xf32>,
    %swap3A_20 = vector.shape_cast %swap3A_19 : vector<16xf32> to vector<16xf32>
    %swap3A_21 = vector.shape_cast %broadcast_in_dim3A_17 : vector<16xf32> to vector<16xf32>
    tpu.vector_store %arg6[%swap3A_18], %swap3A_21 {strides = array<i32>} : memref<125xf32, #tpu.memory_space<vmem>>, vector<16xf32>,
    %broadcast_in_dim3A_22 = arith.constant 1.000000e+00 : f32
    %broadcast_in_dim3A_23 = vector.broadcast %broadcast_in_dim3A_22 : f32 to vector<16xf32>
    %swap3A_24 = arith.constant 64 : index
    %swap3A_25 = tpu.vector_load %arg6[%swap3A_24] {strides = array<i32>} : memref<125xf32, #tpu.memory_space<vmem>>, vector<16xf32>,
    %swap3A_26 = vector.shape_cast %swap3A_25 : vector<16xf32> to vector<16xf32>
    %swap3A_27 = vector.shape_cast %broadcast_in_dim3A_23 : vector<16xf32> to vector<16xf32>
    tpu.vector_store %arg6[%swap3A_24], %swap3A_27 {strides = array<i32>} : memref<125xf32, #tpu.memory_space<vmem>>, vector<16xf32>,
    %broadcast_in_dim3A_28 = arith.constant 1.000000e+00 : f32
    %broadcast_in_dim3A_29 = vector.broadcast %broadcast_in_dim3A_28 : f32 to vector<16xf32>
    %swap3A_30 = arith.constant 80 : index
    %swap3A_31 = tpu.vector_load %arg6[%swap3A_30] {strides = array<i32>} : memref<125xf32, #tpu.memory_space<vmem>>, vector<16xf32>,
    %swap3A_32 = vector.shape_cast %swap3A_31 : vector<16xf32> to vector<16xf32>
    %swap3A_33 = vector.shape_cast %broadcast_in_dim3A_29 : vector<16xf32> to vector<16xf32>
    tpu.vector_store %arg6[%swap3A_30], %swap3A_33 {strides = array<i32>} : memref<125xf32, #tpu.memory_space<vmem>>, vector<16xf32>,
    %broadcast_in_dim3A_34 = arith.constant 1.000000e+00 : f32
    %broadcast_in_dim3A_35 = vector.broadcast %broadcast_in_dim3A_34 : f32 to vector<16xf32>
    %swap3A_36 = arith.constant 96 : index
    %swap3A_37 = tpu.vector_load %arg6[%swap3A_36] {strides = array<i32>} : memref<125xf32, #tpu.memory_space<vmem>>, vector<16xf32>,
    %swap3A_38 = vector.shape_cast %swap3A_37 : vector<16xf32> to vector<16xf32>
    %swap3A_39 = vector.shape_cast %broadcast_in_dim3A_35 : vector<16xf32> to vector<16xf32>
    tpu.vector_store %arg6[%swap3A_36], %swap3A_39 {strides = array<i32>} : memref<125xf32, #tpu.memory_space<vmem>>, vector<16xf32>,
    %broadcast_in_dim3A_40 = arith.constant 1.000000e+00 : f32
    %broadcast_in_dim3A_41 = vector.broadcast %broadcast_in_dim3A_40 : f32 to vector<16xf32>
    %swap3A_42 = arith.constant 109 : index
    %swap3A_43 = tpu.vector_load %arg6[%swap3A_42] {strides = array<i32>} : memref<125xf32, #tpu.memory_space<vmem>>, vector<16xf32>,
    %swap3A_44 = vector.shape_cast %swap3A_43 : vector<16xf32> to vector<16xf32>
    %swap3A_45 = vector.shape_cast %broadcast_in_dim3A_41 : vector<16xf32> to vector<16xf32>
    tpu.vector_store %arg6[%swap3A_42], %swap3A_45 {strides = array<i32>} : memref<125xf32, #tpu.memory_space<vmem>>, vector<16xf32>,
    %mul3A = arith.constant 80 : i32
    %mul3A_46 = arith.muli %arg0, %mul3A : i32
    %run_scoped3A = arith.constant 1 : i32
    "tpu.region"() ({
      %run_scoped3A_59 = tpu.sem_alloc : memref<!tpu.dma_semaphore, #tpu.memory_space<semaphore_mem>>
      %dma_start3A = arith.constant 0 : i32
      %dma_start3A_60 = tpu.memref_slice %arg2[%run_scoped3A, %arg1, %mul3A_46, %dma_start3A] : memref<2x16x160x125xi32, #tpu.memory_space<hbm>> -> memref<1x1x80x125xi32, #tpu.memory_space<hbm>>
      %dma_start3A_61 = tpu.memref_squeeze %dma_start3A_60 : memref<1x1x80x125xi32, #tpu.memory_space<hbm>> -> memref<80x125xi32, #tpu.memory_space<hbm>>
      %dma_start3A_62 = arith.constant 0 : i32
      %dma_start3A_63 = tpu.memref_slice %arg2[%run_scoped3A, %arg1, %mul3A_46, %dma_start3A_62] : memref<2x16x160x125xi32, #tpu.memory_space<hbm>> -> memref<1x1x80x125xi32, #tpu.memory_space<hbm>>
      %dma_start3A_64 = tpu.memref_squeeze %dma_start3A_63 : memref<1x1x80x125xi32, #tpu.memory_space<hbm>> -> memref<80x125xi32, #tpu.memory_space<hbm>>
      tpu.enqueue_dma source(%dma_start3A_64 : memref<80x125xi32, #tpu.memory_space<hbm>>) target(%arg5 : memref<80x125xi32, #tpu.memory_space<vmem>>) target_semaphore(%run_scoped3A_59 : memref<!tpu.dma_semaphore, #tpu.memory_space<semaphore_mem>>)
      %dma_wait3A = arith.constant 0 : i32
      %dma_wait3A_65 = tpu.memref_slice %arg2[%run_scoped3A, %arg1, %mul3A_46, %dma_wait3A] : memref<2x16x160x125xi32, #tpu.memory_space<hbm>> -> memref<1x1x80x125xi32, #tpu.memory_space<hbm>>
      %dma_wait3A_66 = tpu.memref_squeeze %dma_wait3A_65 : memref<1x1x80x125xi32, #tpu.memory_space<hbm>> -> memref<80x125xi32, #tpu.memory_space<hbm>>
      %dma_wait3A_67 = arith.constant 0 : i32
      %dma_wait3A_68 = tpu.memref_slice %arg2[%run_scoped3A, %arg1, %mul3A_46, %dma_wait3A_67] : memref<2x16x160x125xi32, #tpu.memory_space<hbm>> -> memref<1x1x80x125xi32, #tpu.memory_space<hbm>>
      %dma_wait3A_69 = tpu.memref_squeeze %dma_wait3A_68 : memref<1x1x80x125xi32, #tpu.memory_space<hbm>> -> memref<80x125xi32, #tpu.memory_space<hbm>>
      tpu.wait_dma2 semaphore(%run_scoped3A_59 : memref<!tpu.dma_semaphore, #tpu.memory_space<semaphore_mem>>) src(%dma_wait3A_69 : memref<80x125xi32, #tpu.memory_space<hbm>>) dst(%arg5 : memref<80x125xi32, #tpu.memory_space<vmem>>)
      tpu.yield
    }) : () -> ()
    %mul3A_47 = arith.constant 640 : i32
    %mul3A_48 = arith.muli %arg1, %mul3A_47 : i32
    "tpu.region"() ({
      %run_scoped3A_59 = tpu.sem_alloc : memref<!tpu.dma_semaphore, #tpu.memory_space<semaphore_mem>>
      %dma_start3A = tpu.memref_slice %arg7[%mul3A_48] : memref<10240xf32, #tpu.memory_space<vmem_shared>> -> memref<640xf32, #tpu.memory_space<vmem_shared>>
      tpu.enqueue_dma source(%arg3 : memref<640xf32, #tpu.memory_space<hbm>>) target(%dma_start3A : memref<640xf32, #tpu.memory_space<vmem_shared>>) target_semaphore(%run_scoped3A_59 : memref<!tpu.dma_semaphore, #tpu.memory_space<semaphore_mem>>)
      %dma_wait3A = tpu.memref_slice %arg7[%mul3A_48] : memref<10240xf32, #tpu.memory_space<vmem_shared>> -> memref<640xf32, #tpu.memory_space<vmem_shared>>
      tpu.wait_dma2 semaphore(%run_scoped3A_59 : memref<!tpu.dma_semaphore, #tpu.memory_space<semaphore_mem>>) src(%arg3 : memref<640xf32, #tpu.memory_space<hbm>>) dst(%dma_wait3A : memref<640xf32, #tpu.memory_space<vmem_shared>>)
      tpu.yield
    }) : () -> ()
    %barrier3A = arith.constant 0 : index
    tpu.barrier barrier_id(%barrier3A)
    %scan3A = arith.constant 0 : i32
    %scan3A_49 = arith.constant 0 : i32
    %scan3A_50 = arith.constant 10 : i32
    %scan3A_51 = arith.addi %scan3A_49, %scan3A_50 : i32
    %scan3A_52 = arith.constant 1 : i32
    scf.for %scan3A_59 = %scan3A_49 to %scan3A_51 step %scan3A_52  : i32 {
      %mul3A_60 = arith.constant 8 : i32
      %mul3A_61 = arith.muli %mul3A_60, %scan3A_59 : i32
      %add3A = arith.constant 0 : i32
      %add3A_62 = arith.addi %mul3A_61, %add3A : i32
      %dma_start3A = arith.constant 0 : i32
      %dma_start3A_63 = tpu.memref_slice %arg5[%add3A_62, %dma_start3A] : memref<80x125xi32, #tpu.memory_space<vmem>> -> memref<1x125xi32, #tpu.memory_space<vmem>>
      %dma_start3A_64 = tpu.memref_squeeze %dma_start3A_63 : memref<1x125xi32, #tpu.memory_space<vmem>> -> memref<125xi32, #tpu.memory_space<vmem>>
      %dma_start3A_65 = arith.constant 0 : i32
      %dma_start3A_66 = tpu.memref_slice %arg7[%dma_start3A_65] : memref<10240xf32, #tpu.memory_space<vmem_shared>> -> memref<10240xf32, #tpu.memory_space<vmem_shared>>
      tpu.enqueue_indirect_dma source(%arg6 : memref<125xf32, #tpu.memory_space<vmem>>) target(%dma_start3A_66 : memref<10240xf32, #tpu.memory_space<vmem_shared>>) offsets(%dma_start3A_64 : memref<125xi32, #tpu.memory_space<vmem>>) semaphore(%arg8 : memref<!tpu.dma_semaphore, #tpu.memory_space<semaphore_mem>>) {add = true}
      %mul3A_67 = arith.constant 8 : i32
      %mul3A_68 = arith.muli %mul3A_67, %scan3A_59 : i32
      %add3A_69 = arith.constant 1 : i32
      %add3A_70 = arith.addi %mul3A_68, %add3A_69 : i32
      %dma_start3A_71 = arith.constant 0 : i32
      %dma_start3A_72 = tpu.memref_slice %arg5[%add3A_70, %dma_start3A_71] : memref<80x125xi32, #tpu.memory_space<vmem>> -> memref<1x125xi32, #tpu.memory_space<vmem>>
      %dma_start3A_73 = tpu.memref_squeeze %dma_start3A_72 : memref<1x125xi32, #tpu.memory_space<vmem>> -> memref<125xi32, #tpu.memory_space<vmem>>
      %dma_start3A_74 = arith.constant 0 : i32
      %dma_start3A_75 = tpu.memref_slice %arg7[%dma_start3A_74] : memref<10240xf32, #tpu.memory_space<vmem_shared>> -> memref<10240xf32, #tpu.memory_space<vmem_shared>>
      tpu.enqueue_indirect_dma source(%arg6 : memref<125xf32, #tpu.memory_space<vmem>>) target(%dma_start3A_75 : memref<10240xf32, #tpu.memory_space<vmem_shared>>) offsets(%dma_start3A_73 : memref<125xi32, #tpu.memory_space<vmem>>) semaphore(%arg8 : memref<!tpu.dma_semaphore, #tpu.memory_space<semaphore_mem>>) {add = true}
      %mul3A_76 = arith.constant 8 : i32
      %mul3A_77 = arith.muli %mul3A_76, %scan3A_59 : i32
      %add3A_78 = arith.constant 2 : i32
      %add3A_79 = arith.addi %mul3A_77, %add3A_78 : i32
      %dma_start3A_80 = arith.constant 0 : i32
      %dma_start3A_81 = tpu.memref_slice %arg5[%add3A_79, %dma_start3A_80] : memref<80x125xi32, #tpu.memory_space<vmem>> -> memref<1x125xi32, #tpu.memory_space<vmem>>
      %dma_start3A_82 = tpu.memref_squeeze %dma_start3A_81 : memref<1x125xi32, #tpu.memory_space<vmem>> -> memref<125xi32, #tpu.memory_space<vmem>>
      %dma_start3A_83 = arith.constant 0 : i32
      %dma_start3A_84 = tpu.memref_slice %arg7[%dma_start3A_83] : memref<10240xf32, #tpu.memory_space<vmem_shared>> -> memref<10240xf32, #tpu.memory_space<vmem_shared>>
      tpu.enqueue_indirect_dma source(%arg6 : memref<125xf32, #tpu.memory_space<vmem>>) target(%dma_start3A_84 : memref<10240xf32, #tpu.memory_space<vmem_shared>>) offsets(%dma_start3A_82 : memref<125xi32, #tpu.memory_space<vmem>>) semaphore(%arg8 : memref<!tpu.dma_semaphore, #tpu.memory_space<semaphore_mem>>) {add = true}
      %mul3A_85 = arith.constant 8 : i32
      %mul3A_86 = arith.muli %mul3A_85, %scan3A_59 : i32
      %add3A_87 = arith.constant 3 : i32
      %add3A_88 = arith.addi %mul3A_86, %add3A_87 : i32
      %dma_start3A_89 = arith.constant 0 : i32
      %dma_start3A_90 = tpu.memref_slice %arg5[%add3A_88, %dma_start3A_89] : memref<80x125xi32, #tpu.memory_space<vmem>> -> memref<1x125xi32, #tpu.memory_space<vmem>>
      %dma_start3A_91 = tpu.memref_squeeze %dma_start3A_90 : memref<1x125xi32, #tpu.memory_space<vmem>> -> memref<125xi32, #tpu.memory_space<vmem>>
      %dma_start3A_92 = arith.constant 0 : i32
      %dma_start3A_93 = tpu.memref_slice %arg7[%dma_start3A_92] : memref<10240xf32, #tpu.memory_space<vmem_shared>> -> memref<10240xf32, #tpu.memory_space<vmem_shared>>
      tpu.enqueue_indirect_dma source(%arg6 : memref<125xf32, #tpu.memory_space<vmem>>) target(%dma_start3A_93 : memref<10240xf32, #tpu.memory_space<vmem_shared>>) offsets(%dma_start3A_91 : memref<125xi32, #tpu.memory_space<vmem>>) semaphore(%arg8 : memref<!tpu.dma_semaphore, #tpu.memory_space<semaphore_mem>>) {add = true}
      %mul3A_94 = arith.constant 8 : i32
      %mul3A_95 = arith.muli %mul3A_94, %scan3A_59 : i32
      %add3A_96 = arith.constant 4 : i32
      %add3A_97 = arith.addi %mul3A_95, %add3A_96 : i32
      %dma_start3A_98 = arith.constant 0 : i32
      %dma_start3A_99 = tpu.memref_slice %arg5[%add3A_97, %dma_start3A_98] : memref<80x125xi32, #tpu.memory_space<vmem>> -> memref<1x125xi32, #tpu.memory_space<vmem>>
      %dma_start3A_100 = tpu.memref_squeeze %dma_start3A_99 : memref<1x125xi32, #tpu.memory_space<vmem>> -> memref<125xi32, #tpu.memory_space<vmem>>
      %dma_start3A_101 = arith.constant 0 : i32
      %dma_start3A_102 = tpu.memref_slice %arg7[%dma_start3A_101] : memref<10240xf32, #tpu.memory_space<vmem_shared>> -> memref<10240xf32, #tpu.memory_space<vmem_shared>>
      tpu.enqueue_indirect_dma source(%arg6 : memref<125xf32, #tpu.memory_space<vmem>>) target(%dma_start3A_102 : memref<10240xf32, #tpu.memory_space<vmem_shared>>) offsets(%dma_start3A_100 : memref<125xi32, #tpu.memory_space<vmem>>) semaphore(%arg8 : memref<!tpu.dma_semaphore, #tpu.memory_space<semaphore_mem>>) {add = true}
      %mul3A_103 = arith.constant 8 : i32
      %mul3A_104 = arith.muli %mul3A_103, %scan3A_59 : i32
      %add3A_105 = arith.constant 5 : i32
      %add3A_106 = arith.addi %mul3A_104, %add3A_105 : i32
      %dma_start3A_107 = arith.constant 0 : i32
      %dma_start3A_108 = tpu.memref_slice %arg5[%add3A_106, %dma_start3A_107] : memref<80x125xi32, #tpu.memory_space<vmem>> -> memref<1x125xi32, #tpu.memory_space<vmem>>
      %dma_start3A_109 = tpu.memref_squeeze %dma_start3A_108 : memref<1x125xi32, #tpu.memory_space<vmem>> -> memref<125xi32, #tpu.memory_space<vmem>>
      %dma_start3A_110 = arith.constant 0 : i32
      %dma_start3A_111 = tpu.memref_slice %arg7[%dma_start3A_110] : memref<10240xf32, #tpu.memory_space<vmem_shared>> -> memref<10240xf32, #tpu.memory_space<vmem_shared>>
      tpu.enqueue_indirect_dma source(%arg6 : memref<125xf32, #tpu.memory_space<vmem>>) target(%dma_start3A_111 : memref<10240xf32, #tpu.memory_space<vmem_shared>>) offsets(%dma_start3A_109 : memref<125xi32, #tpu.memory_space<vmem>>) semaphore(%arg8 : memref<!tpu.dma_semaphore, #tpu.memory_space<semaphore_mem>>) {add = true}
      %mul3A_112 = arith.constant 8 : i32
      %mul3A_113 = arith.muli %mul3A_112, %scan3A_59 : i32
      %add3A_114 = arith.constant 6 : i32
      %add3A_115 = arith.addi %mul3A_113, %add3A_114 : i32
      %dma_start3A_116 = arith.constant 0 : i32
      %dma_start3A_117 = tpu.memref_slice %arg5[%add3A_115, %dma_start3A_116] : memref<80x125xi32, #tpu.memory_space<vmem>> -> memref<1x125xi32, #tpu.memory_space<vmem>>
      %dma_start3A_118 = tpu.memref_squeeze %dma_start3A_117 : memref<1x125xi32, #tpu.memory_space<vmem>> -> memref<125xi32, #tpu.memory_space<vmem>>
      %dma_start3A_119 = arith.constant 0 : i32
      %dma_start3A_120 = tpu.memref_slice %arg7[%dma_start3A_119] : memref<10240xf32, #tpu.memory_space<vmem_shared>> -> memref<10240xf32, #tpu.memory_space<vmem_shared>>
      tpu.enqueue_indirect_dma source(%arg6 : memref<125xf32, #tpu.memory_space<vmem>>) target(%dma_start3A_120 : memref<10240xf32, #tpu.memory_space<vmem_shared>>) offsets(%dma_start3A_118 : memref<125xi32, #tpu.memory_space<vmem>>) semaphore(%arg8 : memref<!tpu.dma_semaphore, #tpu.memory_space<semaphore_mem>>) {add = true}
      %mul3A_121 = arith.constant 8 : i32
      %mul3A_122 = arith.muli %mul3A_121, %scan3A_59 : i32
      %add3A_123 = arith.constant 7 : i32
      %add3A_124 = arith.addi %mul3A_122, %add3A_123 : i32
      %dma_start3A_125 = arith.constant 0 : i32
      %dma_start3A_126 = tpu.memref_slice %arg5[%add3A_124, %dma_start3A_125] : memref<80x125xi32, #tpu.memory_space<vmem>> -> memref<1x125xi32, #tpu.memory_space<vmem>>
      %dma_start3A_127 = tpu.memref_squeeze %dma_start3A_126 : memref<1x125xi32, #tpu.memory_space<vmem>> -> memref<125xi32, #tpu.memory_space<vmem>>
      %dma_start3A_128 = arith.constant 0 : i32
      %dma_start3A_129 = tpu.memref_slice %arg7[%dma_start3A_128] : memref<10240xf32, #tpu.memory_space<vmem_shared>> -> memref<10240xf32, #tpu.memory_space<vmem_shared>>
      tpu.enqueue_indirect_dma source(%arg6 : memref<125xf32, #tpu.memory_space<vmem>>) target(%dma_start3A_129 : memref<10240xf32, #tpu.memory_space<vmem_shared>>) offsets(%dma_start3A_127 : memref<125xi32, #tpu.memory_space<vmem>>) semaphore(%arg8 : memref<!tpu.dma_semaphore, #tpu.memory_space<semaphore_mem>>) {add = true}
      %dma_wait3A = arith.constant 0 : i32
      %dma_wait3A_130 = arith.constant 0 : i32
      %dma_wait3A_131 = tpu.memref_slice %arg5[%dma_wait3A, %dma_wait3A_130] : memref<80x125xi32, #tpu.memory_space<vmem>> -> memref<1x125xi32, #tpu.memory_space<vmem>>
      %dma_wait3A_132 = tpu.memref_squeeze %dma_wait3A_131 : memref<1x125xi32, #tpu.memory_space<vmem>> -> memref<125xi32, #tpu.memory_space<vmem>>
      %dma_wait3A_133 = arith.constant 0 : i32
      %dma_wait3A_134 = tpu.memref_slice %arg7[%dma_wait3A_133] : memref<10240xf32, #tpu.memory_space<vmem_shared>> -> memref<10240xf32, #tpu.memory_space<vmem_shared>>
      tpu.wait_indirect_dma semaphore(%arg8 : memref<!tpu.dma_semaphore, #tpu.memory_space<semaphore_mem>>) src(%arg6 : memref<125xf32, #tpu.memory_space<vmem>>) dst(%dma_wait3A_134 : memref<10240xf32, #tpu.memory_space<vmem_shared>>)
      %dma_wait3A_135 = arith.constant 0 : i32
      %dma_wait3A_136 = arith.constant 0 : i32
      %dma_wait3A_137 = tpu.memref_slice %arg5[%dma_wait3A_135, %dma_wait3A_136] : memref<80x125xi32, #tpu.memory_space<vmem>> -> memref<1x125xi32, #tpu.memory_space<vmem>>
      %dma_wait3A_138 = tpu.memref_squeeze %dma_wait3A_137 : memref<1x125xi32, #tpu.memory_space<vmem>> -> memref<125xi32, #tpu.memory_space<vmem>>
      %dma_wait3A_139 = arith.constant 0 : i32
      %dma_wait3A_140 = tpu.memref_slice %arg7[%dma_wait3A_139] : memref<10240xf32, #tpu.memory_space<vmem_shared>> -> memref<10240xf32, #tpu.memory_space<vmem_shared>>
      tpu.wait_indirect_dma semaphore(%arg8 : memref<!tpu.dma_semaphore, #tpu.memory_space<semaphore_mem>>) src(%arg6 : memref<125xf32, #tpu.memory_space<vmem>>) dst(%dma_wait3A_140 : memref<10240xf32, #tpu.memory_space<vmem_shared>>)
      %dma_wait3A_141 = arith.constant 0 : i32
      %dma_wait3A_142 = arith.constant 0 : i32
      %dma_wait3A_143 = tpu.memref_slice %arg5[%dma_wait3A_141, %dma_wait3A_142] : memref<80x125xi32, #tpu.memory_space<vmem>> -> memref<1x125xi32, #tpu.memory_space<vmem>>
      %dma_wait3A_144 = tpu.memref_squeeze %dma_wait3A_143 : memref<1x125xi32, #tpu.memory_space<vmem>> -> memref<125xi32, #tpu.memory_space<vmem>>
      %dma_wait3A_145 = arith.constant 0 : i32
      %dma_wait3A_146 = tpu.memref_slice %arg7[%dma_wait3A_145] : memref<10240xf32, #tpu.memory_space<vmem_shared>> -> memref<10240xf32, #tpu.memory_space<vmem_shared>>
      tpu.wait_indirect_dma semaphore(%arg8 : memref<!tpu.dma_semaphore, #tpu.memory_space<semaphore_mem>>) src(%arg6 : memref<125xf32, #tpu.memory_space<vmem>>) dst(%dma_wait3A_146 : memref<10240xf32, #tpu.memory_space<vmem_shared>>)
      %dma_wait3A_147 = arith.constant 0 : i32
      %dma_wait3A_148 = arith.constant 0 : i32
      %dma_wait3A_149 = tpu.memref_slice %arg5[%dma_wait3A_147, %dma_wait3A_148] : memref<80x125xi32, #tpu.memory_space<vmem>> -> memref<1x125xi32, #tpu.memory_space<vmem>>
      %dma_wait3A_150 = tpu.memref_squeeze %dma_wait3A_149 : memref<1x125xi32, #tpu.memory_space<vmem>> -> memref<125xi32, #tpu.memory_space<vmem>>
      %dma_wait3A_151 = arith.constant 0 : i32
      %dma_wait3A_152 = tpu.memref_slice %arg7[%dma_wait3A_151] : memref<10240xf32, #tpu.memory_space<vmem_shared>> -> memref<10240xf32, #tpu.memory_space<vmem_shared>>
      tpu.wait_indirect_dma semaphore(%arg8 : memref<!tpu.dma_semaphore, #tpu.memory_space<semaphore_mem>>) src(%arg6 : memref<125xf32, #tpu.memory_space<vmem>>) dst(%dma_wait3A_152 : memref<10240xf32, #tpu.memory_space<vmem_shared>>)
      %dma_wait3A_153 = arith.constant 0 : i32
      %dma_wait3A_154 = arith.constant 0 : i32
      %dma_wait3A_155 = tpu.memref_slice %arg5[%dma_wait3A_153, %dma_wait3A_154] : memref<80x125xi32, #tpu.memory_space<vmem>> -> memref<1x125xi32, #tpu.memory_space<vmem>>
      %dma_wait3A_156 = tpu.memref_squeeze %dma_wait3A_155 : memref<1x125xi32, #tpu.memory_space<vmem>> -> memref<125xi32, #tpu.memory_space<vmem>>
      %dma_wait3A_157 = arith.constant 0 : i32
      %dma_wait3A_158 = tpu.memref_slice %arg7[%dma_wait3A_157] : memref<10240xf32, #tpu.memory_space<vmem_shared>> -> memref<10240xf32, #tpu.memory_space<vmem_shared>>
      tpu.wait_indirect_dma semaphore(%arg8 : memref<!tpu.dma_semaphore, #tpu.memory_space<semaphore_mem>>) src(%arg6 : memref<125xf32, #tpu.memory_space<vmem>>) dst(%dma_wait3A_158 : memref<10240xf32, #tpu.memory_space<vmem_shared>>)
      %dma_wait3A_159 = arith.constant 0 : i32
      %dma_wait3A_160 = arith.constant 0 : i32
      %dma_wait3A_161 = tpu.memref_slice %arg5[%dma_wait3A_159, %dma_wait3A_160] : memref<80x125xi32, #tpu.memory_space<vmem>> -> memref<1x125xi32, #tpu.memory_space<vmem>>
      %dma_wait3A_162 = tpu.memref_squeeze %dma_wait3A_161 : memref<1x125xi32, #tpu.memory_space<vmem>> -> memref<125xi32, #tpu.memory_space<vmem>>
      %dma_wait3A_163 = arith.constant 0 : i32
      %dma_wait3A_164 = tpu.memref_slice %arg7[%dma_wait3A_163] : memref<10240xf32, #tpu.memory_space<vmem_shared>> -> memref<10240xf32, #tpu.memory_space<vmem_shared>>
      tpu.wait_indirect_dma semaphore(%arg8 : memref<!tpu.dma_semaphore, #tpu.memory_space<semaphore_mem>>) src(%arg6 : memref<125xf32, #tpu.memory_space<vmem>>) dst(%dma_wait3A_164 : memref<10240xf32, #tpu.memory_space<vmem_shared>>)
      %dma_wait3A_165 = arith.constant 0 : i32
      %dma_wait3A_166 = arith.constant 0 : i32
      %dma_wait3A_167 = tpu.memref_slice %arg5[%dma_wait3A_165, %dma_wait3A_166] : memref<80x125xi32, #tpu.memory_space<vmem>> -> memref<1x125xi32, #tpu.memory_space<vmem>>
      %dma_wait3A_168 = tpu.memref_squeeze %dma_wait3A_167 : memref<1x125xi32, #tpu.memory_space<vmem>> -> memref<125xi32, #tpu.memory_space<vmem>>
      %dma_wait3A_169 = arith.constant 0 : i32
      %dma_wait3A_170 = tpu.memref_slice %arg7[%dma_wait3A_169] : memref<10240xf32, #tpu.memory_space<vmem_shared>> -> memref<10240xf32, #tpu.memory_space<vmem_shared>>
      tpu.wait_indirect_dma semaphore(%arg8 : memref<!tpu.dma_semaphore, #tpu.memory_space<semaphore_mem>>) src(%arg6 : memref<125xf32, #tpu.memory_space<vmem>>) dst(%dma_wait3A_170 : memref<10240xf32, #tpu.memory_space<vmem_shared>>)
      %dma_wait3A_171 = arith.constant 0 : i32
      %dma_wait3A_172 = arith.constant 0 : i32
      %dma_wait3A_173 = tpu.memref_slice %arg5[%dma_wait3A_171, %dma_wait3A_172] : memref<80x125xi32, #tpu.memory_space<vmem>> -> memref<1x125xi32, #tpu.memory_space<vmem>>
      %dma_wait3A_174 = tpu.memref_squeeze %dma_wait3A_173 : memref<1x125xi32, #tpu.memory_space<vmem>> -> memref<125xi32, #tpu.memory_space<vmem>>
      %dma_wait3A_175 = arith.constant 0 : i32
      %dma_wait3A_176 = tpu.memref_slice %arg7[%dma_wait3A_175] : memref<10240xf32, #tpu.memory_space<vmem_shared>> -> memref<10240xf32, #tpu.memory_space<vmem_shared>>
      tpu.wait_indirect_dma semaphore(%arg8 : memref<!tpu.dma_semaphore, #tpu.memory_space<semaphore_mem>>) src(%arg6 : memref<125xf32, #tpu.memory_space<vmem>>) dst(%dma_wait3A_176 : memref<10240xf32, #tpu.memory_space<vmem_shared>>)
    }
    %scan3A_53 = arith.constant 10 : i32
    %barrier3A_54 = arith.constant 0 : index
    tpu.barrier barrier_id(%barrier3A_54)
    %mul3A_55 = arith.constant 640 : i32
    %mul3A_56 = arith.muli %arg1, %mul3A_55 : i32
    %mul3A_57 = arith.constant 640 : i32
    %mul3A_58 = arith.muli %arg1, %mul3A_57 : i32
    "tpu.region"() ({
      %run_scoped3A_59 = tpu.sem_alloc : memref<!tpu.dma_semaphore, #tpu.memory_space<semaphore_mem>>
      %dma_start3A = tpu.memref_slice %arg4[%arg0, %mul3A_58] : memref<2x10240xf32, #tpu.memory_space<hbm>> -> memref<1x640xf32, #tpu.memory_space<hbm>>
      %dma_start3A_60 = tpu.memref_squeeze %dma_start3A : memref<1x640xf32, #tpu.memory_space<hbm>> -> memref<640xf32, #tpu.memory_space<hbm>>
      %dma_start3A_61 = tpu.memref_slice %arg7[%mul3A_56] : memref<10240xf32, #tpu.memory_space<vmem_shared>> -> memref<640xf32, #tpu.memory_space<vmem_shared>>
      tpu.enqueue_dma source(%dma_start3A_61 : memref<640xf32, #tpu.memory_space<vmem_shared>>) target(%dma_start3A_60 : memref<640xf32, #tpu.memory_space<hbm>>) target_semaphore(%run_scoped3A_59 : memref<!tpu.dma_semaphore, #tpu.memory_space<semaphore_mem>>)
      %dma_wait3A = tpu.memref_slice %arg4[%arg0, %mul3A_58] : memref<2x10240xf32, #tpu.memory_space<hbm>> -> memref<1x640xf32, #tpu.memory_space<hbm>>
      %dma_wait3A_62 = tpu.memref_squeeze %dma_wait3A : memref<1x640xf32, #tpu.memory_space<hbm>> -> memref<640xf32, #tpu.memory_space<hbm>>
      %dma_wait3A_63 = tpu.memref_slice %arg7[%mul3A_56] : memref<10240xf32, #tpu.memory_space<vmem_shared>> -> memref<640xf32, #tpu.memory_space<vmem_shared>>
      tpu.wait_dma2 semaphore(%run_scoped3A_59 : memref<!tpu.dma_semaphore, #tpu.memory_space<semaphore_mem>>) src(%dma_wait3A_63 : memref<640xf32, #tpu.memory_space<vmem_shared>>) dst(%dma_wait3A_62 : memref<640xf32, #tpu.memory_space<hbm>>)
      tpu.yield
    }) : () -> ()
    return
  }
}

#map = affine_map<(d0, d1) -> (0, 0, 0)>
#map1 = affine_map<(d0, d1) -> (0, 0, 0, 0)>
#map2 = affine_map<(d0, d1) -> (0, 0)>
module attributes {stable_mosaic.version = 14 : i64} {
  func.func @_scatter_kernel(%arg0: i32, %arg1: i32, %arg2: memref<2x10240x64xbf16, #tpu.memory_space<hbm>>, %arg3: memref<2x16x160x125xi32, #tpu.memory_space<hbm>>, %arg4: memref<640x64xbf16, #tpu.memory_space<hbm>>, %arg5: memref<2x10240x64xbf16, #tpu.memory_space<hbm>>, %arg6: memref<2x160x125xi32, #tpu.memory_space<vmem>>, %arg7: memref<8x125x64xbf16, #tpu.memory_space<vmem>>, %arg8: memref<10240x64xbf16, #tpu.memory_space<vmem_shared>>, %arg9: memref<!tpu.dma_semaphore, #tpu.memory_space<semaphore_mem>>, %arg10: memref<!tpu.dma_semaphore, #tpu.memory_space<semaphore_mem>>, %arg11: memref<!tpu.dma_semaphore, #tpu.memory_space<semaphore_mem>>, %arg12: memref<!tpu.dma_semaphore, #tpu.memory_space<semaphore_mem>>, %arg13: memref<!tpu.dma_semaphore, #tpu.memory_space<semaphore_mem>>, %arg14: memref<!tpu.dma_semaphore, #tpu.memory_space<semaphore_mem>>, %arg15: memref<!tpu.dma_semaphore, #tpu.memory_space<semaphore_mem>>, %arg16: memref<!tpu.dma_semaphore, #tpu.memory_space<semaphore_mem>>, %arg17: memref<!tpu.dma_semaphore, #tpu.memory_space<semaphore_mem>>, %arg18: memref<!tpu.dma_semaphore, #tpu.memory_space<semaphore_mem>>, %arg19: memref<!tpu.dma_semaphore, #tpu.memory_space<semaphore_mem>>, %arg20: memref<!tpu.dma_semaphore, #tpu.memory_space<semaphore_mem>>, %arg21: memref<!tpu.dma_semaphore, #tpu.memory_space<semaphore_mem>>, %arg22: memref<!tpu.dma_semaphore, #tpu.memory_space<semaphore_mem>>, %arg23: memref<!tpu.dma_semaphore, #tpu.memory_space<semaphore_mem>>, %arg24: memref<!tpu.dma_semaphore, #tpu.memory_space<semaphore_mem>>) attributes {dimension_semantics = [#tpu.dimension_semantics<core_parallel>, #tpu.dimension_semantics<subcore_parallel>], iteration_bounds = array<i64: 2, 16>, scalar_prefetch = 0 : i64, scratch_operands = 19 : i64, tpu.core_type = #tpu.core_type<sc_vector_subcore>, window_params = [{transform_indices = #map}, {transform_indices = #map1}, {transform_indices = #map2}, {transform_indices = #map}]} {
    %run_scoped3A = arith.constant 0 : i32
    %run_scoped3A_0 = arith.constant 0 : i32
    "tpu.region"() ({
      %run_scoped3A_284 = tpu.sem_alloc : memref<!tpu.dma_semaphore, #tpu.memory_space<semaphore_mem>>
      %dma_start3A_285 = arith.constant 0 : i32
      %dma_start3A_286 = arith.constant 0 : i32
      %dma_start3A_287 = tpu.memref_slice %arg6[%run_scoped3A_0, %dma_start3A_285, %dma_start3A_286] : memref<2x160x125xi32, #tpu.memory_space<vmem>> -> memref<1x160x125xi32, #tpu.memory_space<vmem>>
      %dma_start3A_288 = tpu.memref_squeeze %dma_start3A_287 : memref<1x160x125xi32, #tpu.memory_space<vmem>> -> memref<160x125xi32, #tpu.memory_space<vmem>>
      %dma_start3A_289 = arith.constant 0 : i32
      %dma_start3A_290 = arith.constant 0 : i32
      %dma_start3A_291 = tpu.memref_slice %arg3[%run_scoped3A, %arg1, %dma_start3A_289, %dma_start3A_290] : memref<2x16x160x125xi32, #tpu.memory_space<hbm>> -> memref<1x1x160x125xi32, #tpu.memory_space<hbm>>
      %dma_start3A_292 = tpu.memref_squeeze %dma_start3A_291 : memref<1x1x160x125xi32, #tpu.memory_space<hbm>> -> memref<160x125xi32, #tpu.memory_space<hbm>>
      %dma_start3A_293 = arith.constant 0 : i32
      %dma_start3A_294 = arith.constant 0 : i32
      %dma_start3A_295 = tpu.memref_slice %arg6[%run_scoped3A_0, %dma_start3A_293, %dma_start3A_294] : memref<2x160x125xi32, #tpu.memory_space<vmem>> -> memref<1x160x125xi32, #tpu.memory_space<vmem>>
      %dma_start3A_296 = tpu.memref_squeeze %dma_start3A_295 : memref<1x160x125xi32, #tpu.memory_space<vmem>> -> memref<160x125xi32, #tpu.memory_space<vmem>>
      %dma_start3A_297 = arith.constant 0 : i32
      %dma_start3A_298 = arith.constant 0 : i32
      %dma_start3A_299 = tpu.memref_slice %arg3[%run_scoped3A, %arg1, %dma_start3A_297, %dma_start3A_298] : memref<2x16x160x125xi32, #tpu.memory_space<hbm>> -> memref<1x1x160x125xi32, #tpu.memory_space<hbm>>
      %dma_start3A_300 = tpu.memref_squeeze %dma_start3A_299 : memref<1x1x160x125xi32, #tpu.memory_space<hbm>> -> memref<160x125xi32, #tpu.memory_space<hbm>>
      tpu.enqueue_dma source(%dma_start3A_300 : memref<160x125xi32, #tpu.memory_space<hbm>>) target(%dma_start3A_296 : memref<160x125xi32, #tpu.memory_space<vmem>>) target_semaphore(%run_scoped3A_284 : memref<!tpu.dma_semaphore, #tpu.memory_space<semaphore_mem>>)
      %dma_wait3A_301 = arith.constant 0 : i32
      %dma_wait3A_302 = arith.constant 0 : i32
      %dma_wait3A_303 = tpu.memref_slice %arg6[%run_scoped3A_0, %dma_wait3A_301, %dma_wait3A_302] : memref<2x160x125xi32, #tpu.memory_space<vmem>> -> memref<1x160x125xi32, #tpu.memory_space<vmem>>
      %dma_wait3A_304 = tpu.memref_squeeze %dma_wait3A_303 : memref<1x160x125xi32, #tpu.memory_space<vmem>> -> memref<160x125xi32, #tpu.memory_space<vmem>>
      %dma_wait3A_305 = arith.constant 0 : i32
      %dma_wait3A_306 = arith.constant 0 : i32
      %dma_wait3A_307 = tpu.memref_slice %arg3[%run_scoped3A, %arg1, %dma_wait3A_305, %dma_wait3A_306] : memref<2x16x160x125xi32, #tpu.memory_space<hbm>> -> memref<1x1x160x125xi32, #tpu.memory_space<hbm>>
      %dma_wait3A_308 = tpu.memref_squeeze %dma_wait3A_307 : memref<1x1x160x125xi32, #tpu.memory_space<hbm>> -> memref<160x125xi32, #tpu.memory_space<hbm>>
      %dma_wait3A_309 = arith.constant 0 : i32
      %dma_wait3A_310 = arith.constant 0 : i32
      %dma_wait3A_311 = tpu.memref_slice %arg6[%run_scoped3A_0, %dma_wait3A_309, %dma_wait3A_310] : memref<2x160x125xi32, #tpu.memory_space<vmem>> -> memref<1x160x125xi32, #tpu.memory_space<vmem>>
      %dma_wait3A_312 = tpu.memref_squeeze %dma_wait3A_311 : memref<1x160x125xi32, #tpu.memory_space<vmem>> -> memref<160x125xi32, #tpu.memory_space<vmem>>
      %dma_wait3A_313 = arith.constant 0 : i32
      %dma_wait3A_314 = arith.constant 0 : i32
      %dma_wait3A_315 = tpu.memref_slice %arg3[%run_scoped3A, %arg1, %dma_wait3A_313, %dma_wait3A_314] : memref<2x16x160x125xi32, #tpu.memory_space<hbm>> -> memref<1x1x160x125xi32, #tpu.memory_space<hbm>>
      %dma_wait3A_316 = tpu.memref_squeeze %dma_wait3A_315 : memref<1x1x160x125xi32, #tpu.memory_space<hbm>> -> memref<160x125xi32, #tpu.memory_space<hbm>>
      tpu.wait_dma2 semaphore(%run_scoped3A_284 : memref<!tpu.dma_semaphore, #tpu.memory_space<semaphore_mem>>) src(%dma_wait3A_316 : memref<160x125xi32, #tpu.memory_space<hbm>>) dst(%dma_wait3A_312 : memref<160x125xi32, #tpu.memory_space<vmem>>)
      tpu.yield
    }) : () -> ()
    %run_scoped3A_1 = arith.constant 1 : i32
    %run_scoped3A_2 = arith.constant 1 : i32
    "tpu.region"() ({
      %run_scoped3A_284 = tpu.sem_alloc : memref<!tpu.dma_semaphore, #tpu.memory_space<semaphore_mem>>
      %dma_start3A_285 = arith.constant 0 : i32
      %dma_start3A_286 = arith.constant 0 : i32
      %dma_start3A_287 = tpu.memref_slice %arg6[%run_scoped3A_2, %dma_start3A_285, %dma_start3A_286] : memref<2x160x125xi32, #tpu.memory_space<vmem>> -> memref<1x160x125xi32, #tpu.memory_space<vmem>>
      %dma_start3A_288 = tpu.memref_squeeze %dma_start3A_287 : memref<1x160x125xi32, #tpu.memory_space<vmem>> -> memref<160x125xi32, #tpu.memory_space<vmem>>
      %dma_start3A_289 = arith.constant 0 : i32
      %dma_start3A_290 = arith.constant 0 : i32
      %dma_start3A_291 = tpu.memref_slice %arg3[%run_scoped3A_1, %arg1, %dma_start3A_289, %dma_start3A_290] : memref<2x16x160x125xi32, #tpu.memory_space<hbm>> -> memref<1x1x160x125xi32, #tpu.memory_space<hbm>>
      %dma_start3A_292 = tpu.memref_squeeze %dma_start3A_291 : memref<1x1x160x125xi32, #tpu.memory_space<hbm>> -> memref<160x125xi32, #tpu.memory_space<hbm>>
      %dma_start3A_293 = arith.constant 0 : i32
      %dma_start3A_294 = arith.constant 0 : i32
      %dma_start3A_295 = tpu.memref_slice %arg6[%run_scoped3A_2, %dma_start3A_293, %dma_start3A_294] : memref<2x160x125xi32, #tpu.memory_space<vmem>> -> memref<1x160x125xi32, #tpu.memory_space<vmem>>
      %dma_start3A_296 = tpu.memref_squeeze %dma_start3A_295 : memref<1x160x125xi32, #tpu.memory_space<vmem>> -> memref<160x125xi32, #tpu.memory_space<vmem>>
      %dma_start3A_297 = arith.constant 0 : i32
      %dma_start3A_298 = arith.constant 0 : i32
      %dma_start3A_299 = tpu.memref_slice %arg3[%run_scoped3A_1, %arg1, %dma_start3A_297, %dma_start3A_298] : memref<2x16x160x125xi32, #tpu.memory_space<hbm>> -> memref<1x1x160x125xi32, #tpu.memory_space<hbm>>
      %dma_start3A_300 = tpu.memref_squeeze %dma_start3A_299 : memref<1x1x160x125xi32, #tpu.memory_space<hbm>> -> memref<160x125xi32, #tpu.memory_space<hbm>>
      tpu.enqueue_dma source(%dma_start3A_300 : memref<160x125xi32, #tpu.memory_space<hbm>>) target(%dma_start3A_296 : memref<160x125xi32, #tpu.memory_space<vmem>>) target_semaphore(%run_scoped3A_284 : memref<!tpu.dma_semaphore, #tpu.memory_space<semaphore_mem>>)
      %dma_wait3A_301 = arith.constant 0 : i32
      %dma_wait3A_302 = arith.constant 0 : i32
      %dma_wait3A_303 = tpu.memref_slice %arg6[%run_scoped3A_2, %dma_wait3A_301, %dma_wait3A_302] : memref<2x160x125xi32, #tpu.memory_space<vmem>> -> memref<1x160x125xi32, #tpu.memory_space<vmem>>
      %dma_wait3A_304 = tpu.memref_squeeze %dma_wait3A_303 : memref<1x160x125xi32, #tpu.memory_space<vmem>> -> memref<160x125xi32, #tpu.memory_space<vmem>>
      %dma_wait3A_305 = arith.constant 0 : i32
      %dma_wait3A_306 = arith.constant 0 : i32
      %dma_wait3A_307 = tpu.memref_slice %arg3[%run_scoped3A_1, %arg1, %dma_wait3A_305, %dma_wait3A_306] : memref<2x16x160x125xi32, #tpu.memory_space<hbm>> -> memref<1x1x160x125xi32, #tpu.memory_space<hbm>>
      %dma_wait3A_308 = tpu.memref_squeeze %dma_wait3A_307 : memref<1x1x160x125xi32, #tpu.memory_space<hbm>> -> memref<160x125xi32, #tpu.memory_space<hbm>>
      %dma_wait3A_309 = arith.constant 0 : i32
      %dma_wait3A_310 = arith.constant 0 : i32
      %dma_wait3A_311 = tpu.memref_slice %arg6[%run_scoped3A_2, %dma_wait3A_309, %dma_wait3A_310] : memref<2x160x125xi32, #tpu.memory_space<vmem>> -> memref<1x160x125xi32, #tpu.memory_space<vmem>>
      %dma_wait3A_312 = tpu.memref_squeeze %dma_wait3A_311 : memref<1x160x125xi32, #tpu.memory_space<vmem>> -> memref<160x125xi32, #tpu.memory_space<vmem>>
      %dma_wait3A_313 = arith.constant 0 : i32
      %dma_wait3A_314 = arith.constant 0 : i32
      %dma_wait3A_315 = tpu.memref_slice %arg3[%run_scoped3A_1, %arg1, %dma_wait3A_313, %dma_wait3A_314] : memref<2x16x160x125xi32, #tpu.memory_space<hbm>> -> memref<1x1x160x125xi32, #tpu.memory_space<hbm>>
      %dma_wait3A_316 = tpu.memref_squeeze %dma_wait3A_315 : memref<1x1x160x125xi32, #tpu.memory_space<hbm>> -> memref<160x125xi32, #tpu.memory_space<hbm>>
      tpu.wait_dma2 semaphore(%run_scoped3A_284 : memref<!tpu.dma_semaphore, #tpu.memory_space<semaphore_mem>>) src(%dma_wait3A_316 : memref<160x125xi32, #tpu.memory_space<hbm>>) dst(%dma_wait3A_312 : memref<160x125xi32, #tpu.memory_space<vmem>>)
      tpu.yield
    }) : () -> ()
    %mul3A = arith.constant 640 : i32
    %mul3A_3 = arith.muli %arg1, %mul3A : i32
    "tpu.region"() ({
      %run_scoped3A_284 = tpu.sem_alloc : memref<!tpu.dma_semaphore, #tpu.memory_space<semaphore_mem>>
      %dma_start3A_285 = arith.constant 0 : i32
      %dma_start3A_286 = tpu.memref_slice %arg8[%mul3A_3, %dma_start3A_285] : memref<10240x64xbf16, #tpu.memory_space<vmem_shared>> -> memref<640x64xbf16, #tpu.memory_space<vmem_shared>>
      tpu.enqueue_dma source(%arg4 : memref<640x64xbf16, #tpu.memory_space<hbm>>) target(%dma_start3A_286 : memref<640x64xbf16, #tpu.memory_space<vmem_shared>>) target_semaphore(%run_scoped3A_284 : memref<!tpu.dma_semaphore, #tpu.memory_space<semaphore_mem>>)
      %dma_wait3A_287 = arith.constant 0 : i32
      %dma_wait3A_288 = tpu.memref_slice %arg8[%mul3A_3, %dma_wait3A_287] : memref<10240x64xbf16, #tpu.memory_space<vmem_shared>> -> memref<640x64xbf16, #tpu.memory_space<vmem_shared>>
      tpu.wait_dma2 semaphore(%run_scoped3A_284 : memref<!tpu.dma_semaphore, #tpu.memory_space<semaphore_mem>>) src(%arg4 : memref<640x64xbf16, #tpu.memory_space<hbm>>) dst(%dma_wait3A_288 : memref<640x64xbf16, #tpu.memory_space<vmem_shared>>)
      tpu.yield
    }) : () -> ()
    %barrier3A = arith.constant 0 : index
    tpu.barrier barrier_id(%barrier3A)
    %dma_start3A = arith.constant 0 : i32
    %dma_start3A_4 = arith.constant 0 : i32
    %dma_start3A_5 = arith.constant 0 : i32
    %dma_start3A_6 = arith.constant 0 : i32
    %dma_start3A_7 = arith.constant 0 : i32
    %dma_start3A_8 = tpu.memref_slice %arg7[%dma_start3A_5, %dma_start3A_6, %dma_start3A_7] : memref<8x125x64xbf16, #tpu.memory_space<vmem>> -> memref<1x125x64xbf16, #tpu.memory_space<vmem>>
    %dma_start3A_9 = tpu.memref_squeeze %dma_start3A_8 : memref<1x125x64xbf16, #tpu.memory_space<vmem>> -> memref<125x64xbf16, #tpu.memory_space<vmem>>
    %dma_start3A_10 = arith.constant 0 : i32
    %dma_start3A_11 = tpu.memref_slice %arg6[%dma_start3A, %dma_start3A_4, %dma_start3A_10] : memref<2x160x125xi32, #tpu.memory_space<vmem>> -> memref<1x1x125xi32, #tpu.memory_space<vmem>>
    %dma_start3A_12 = tpu.memref_squeeze %dma_start3A_11 : memref<1x1x125xi32, #tpu.memory_space<vmem>> -> memref<125xi32, #tpu.memory_space<vmem>>
    %dma_start3A_13 = arith.constant 0 : i32
    %dma_start3A_14 = arith.constant 0 : i32
    %dma_start3A_15 = tpu.memref_slice %arg2[%arg0, %dma_start3A_13, %dma_start3A_14] : memref<2x10240x64xbf16, #tpu.memory_space<hbm>> -> memref<1x10240x64xbf16, #tpu.memory_space<hbm>>
    %dma_start3A_16 = tpu.memref_squeeze %dma_start3A_15 : memref<1x10240x64xbf16, #tpu.memory_space<hbm>> -> memref<10240x64xbf16, #tpu.memory_space<hbm>>
    %dma_start3A_17 = arith.constant 0 : i32
    %dma_start3A_18 = arith.constant 0 : i32
    %dma_start3A_19 = tpu.memref_slice %dma_start3A_16[%dma_start3A_17, %dma_start3A_18] : memref<10240x64xbf16, #tpu.memory_space<hbm>> -> memref<10240x64xbf16, #tpu.memory_space<hbm>>
    tpu.enqueue_indirect_dma source(%dma_start3A_19 : memref<10240x64xbf16, #tpu.memory_space<hbm>>) target(%dma_start3A_9 : memref<125x64xbf16, #tpu.memory_space<vmem>>) offsets(%dma_start3A_12 : memref<125xi32, #tpu.memory_space<vmem>>) semaphore(%arg9 : memref<!tpu.dma_semaphore, #tpu.memory_space<semaphore_mem>>)
    %dma_start3A_20 = arith.constant 0 : i32
    %dma_start3A_21 = arith.constant 1 : i32
    %dma_start3A_22 = arith.constant 1 : i32
    %dma_start3A_23 = arith.constant 0 : i32
    %dma_start3A_24 = arith.constant 0 : i32
    %dma_start3A_25 = tpu.memref_slice %arg7[%dma_start3A_22, %dma_start3A_23, %dma_start3A_24] : memref<8x125x64xbf16, #tpu.memory_space<vmem>> -> memref<1x125x64xbf16, #tpu.memory_space<vmem>>
    %dma_start3A_26 = tpu.memref_squeeze %dma_start3A_25 : memref<1x125x64xbf16, #tpu.memory_space<vmem>> -> memref<125x64xbf16, #tpu.memory_space<vmem>>
    %dma_start3A_27 = arith.constant 0 : i32
    %dma_start3A_28 = tpu.memref_slice %arg6[%dma_start3A_20, %dma_start3A_21, %dma_start3A_27] : memref<2x160x125xi32, #tpu.memory_space<vmem>> -> memref<1x1x125xi32, #tpu.memory_space<vmem>>
    %dma_start3A_29 = tpu.memref_squeeze %dma_start3A_28 : memref<1x1x125xi32, #tpu.memory_space<vmem>> -> memref<125xi32, #tpu.memory_space<vmem>>
    %dma_start3A_30 = arith.constant 0 : i32
    %dma_start3A_31 = arith.constant 0 : i32
    %dma_start3A_32 = tpu.memref_slice %arg2[%arg0, %dma_start3A_30, %dma_start3A_31] : memref<2x10240x64xbf16, #tpu.memory_space<hbm>> -> memref<1x10240x64xbf16, #tpu.memory_space<hbm>>
    %dma_start3A_33 = tpu.memref_squeeze %dma_start3A_32 : memref<1x10240x64xbf16, #tpu.memory_space<hbm>> -> memref<10240x64xbf16, #tpu.memory_space<hbm>>
    %dma_start3A_34 = arith.constant 0 : i32
    %dma_start3A_35 = arith.constant 0 : i32
    %dma_start3A_36 = tpu.memref_slice %dma_start3A_33[%dma_start3A_34, %dma_start3A_35] : memref<10240x64xbf16, #tpu.memory_space<hbm>> -> memref<10240x64xbf16, #tpu.memory_space<hbm>>
    tpu.enqueue_indirect_dma source(%dma_start3A_36 : memref<10240x64xbf16, #tpu.memory_space<hbm>>) target(%dma_start3A_26 : memref<125x64xbf16, #tpu.memory_space<vmem>>) offsets(%dma_start3A_29 : memref<125xi32, #tpu.memory_space<vmem>>) semaphore(%arg10 : memref<!tpu.dma_semaphore, #tpu.memory_space<semaphore_mem>>)
    %dma_start3A_37 = arith.constant 0 : i32
    %dma_start3A_38 = arith.constant 2 : i32
    %dma_start3A_39 = arith.constant 2 : i32
    %dma_start3A_40 = arith.constant 0 : i32
    %dma_start3A_41 = arith.constant 0 : i32
    %dma_start3A_42 = tpu.memref_slice %arg7[%dma_start3A_39, %dma_start3A_40, %dma_start3A_41] : memref<8x125x64xbf16, #tpu.memory_space<vmem>> -> memref<1x125x64xbf16, #tpu.memory_space<vmem>>
    %dma_start3A_43 = tpu.memref_squeeze %dma_start3A_42 : memref<1x125x64xbf16, #tpu.memory_space<vmem>> -> memref<125x64xbf16, #tpu.memory_space<vmem>>
    %dma_start3A_44 = arith.constant 0 : i32
    %dma_start3A_45 = tpu.memref_slice %arg6[%dma_start3A_37, %dma_start3A_38, %dma_start3A_44] : memref<2x160x125xi32, #tpu.memory_space<vmem>> -> memref<1x1x125xi32, #tpu.memory_space<vmem>>
    %dma_start3A_46 = tpu.memref_squeeze %dma_start3A_45 : memref<1x1x125xi32, #tpu.memory_space<vmem>> -> memref<125xi32, #tpu.memory_space<vmem>>
    %dma_start3A_47 = arith.constant 0 : i32
    %dma_start3A_48 = arith.constant 0 : i32
    %dma_start3A_49 = tpu.memref_slice %arg2[%arg0, %dma_start3A_47, %dma_start3A_48] : memref<2x10240x64xbf16, #tpu.memory_space<hbm>> -> memref<1x10240x64xbf16, #tpu.memory_space<hbm>>
    %dma_start3A_50 = tpu.memref_squeeze %dma_start3A_49 : memref<1x10240x64xbf16, #tpu.memory_space<hbm>> -> memref<10240x64xbf16, #tpu.memory_space<hbm>>
    %dma_start3A_51 = arith.constant 0 : i32
    %dma_start3A_52 = arith.constant 0 : i32
    %dma_start3A_53 = tpu.memref_slice %dma_start3A_50[%dma_start3A_51, %dma_start3A_52] : memref<10240x64xbf16, #tpu.memory_space<hbm>> -> memref<10240x64xbf16, #tpu.memory_space<hbm>>
    tpu.enqueue_indirect_dma source(%dma_start3A_53 : memref<10240x64xbf16, #tpu.memory_space<hbm>>) target(%dma_start3A_43 : memref<125x64xbf16, #tpu.memory_space<vmem>>) offsets(%dma_start3A_46 : memref<125xi32, #tpu.memory_space<vmem>>) semaphore(%arg11 : memref<!tpu.dma_semaphore, #tpu.memory_space<semaphore_mem>>)
    %dma_start3A_54 = arith.constant 0 : i32
    %dma_start3A_55 = arith.constant 3 : i32
    %dma_start3A_56 = arith.constant 3 : i32
    %dma_start3A_57 = arith.constant 0 : i32
    %dma_start3A_58 = arith.constant 0 : i32
    %dma_start3A_59 = tpu.memref_slice %arg7[%dma_start3A_56, %dma_start3A_57, %dma_start3A_58] : memref<8x125x64xbf16, #tpu.memory_space<vmem>> -> memref<1x125x64xbf16, #tpu.memory_space<vmem>>
    %dma_start3A_60 = tpu.memref_squeeze %dma_start3A_59 : memref<1x125x64xbf16, #tpu.memory_space<vmem>> -> memref<125x64xbf16, #tpu.memory_space<vmem>>
    %dma_start3A_61 = arith.constant 0 : i32
    %dma_start3A_62 = tpu.memref_slice %arg6[%dma_start3A_54, %dma_start3A_55, %dma_start3A_61] : memref<2x160x125xi32, #tpu.memory_space<vmem>> -> memref<1x1x125xi32, #tpu.memory_space<vmem>>
    %dma_start3A_63 = tpu.memref_squeeze %dma_start3A_62 : memref<1x1x125xi32, #tpu.memory_space<vmem>> -> memref<125xi32, #tpu.memory_space<vmem>>
    %dma_start3A_64 = arith.constant 0 : i32
    %dma_start3A_65 = arith.constant 0 : i32
    %dma_start3A_66 = tpu.memref_slice %arg2[%arg0, %dma_start3A_64, %dma_start3A_65] : memref<2x10240x64xbf16, #tpu.memory_space<hbm>> -> memref<1x10240x64xbf16, #tpu.memory_space<hbm>>
    %dma_start3A_67 = tpu.memref_squeeze %dma_start3A_66 : memref<1x10240x64xbf16, #tpu.memory_space<hbm>> -> memref<10240x64xbf16, #tpu.memory_space<hbm>>
    %dma_start3A_68 = arith.constant 0 : i32
    %dma_start3A_69 = arith.constant 0 : i32
    %dma_start3A_70 = tpu.memref_slice %dma_start3A_67[%dma_start3A_68, %dma_start3A_69] : memref<10240x64xbf16, #tpu.memory_space<hbm>> -> memref<10240x64xbf16, #tpu.memory_space<hbm>>
    tpu.enqueue_indirect_dma source(%dma_start3A_70 : memref<10240x64xbf16, #tpu.memory_space<hbm>>) target(%dma_start3A_60 : memref<125x64xbf16, #tpu.memory_space<vmem>>) offsets(%dma_start3A_63 : memref<125xi32, #tpu.memory_space<vmem>>) semaphore(%arg12 : memref<!tpu.dma_semaphore, #tpu.memory_space<semaphore_mem>>)
    %dma_start3A_71 = arith.constant 0 : i32
    %dma_start3A_72 = arith.constant 4 : i32
    %dma_start3A_73 = arith.constant 4 : i32
    %dma_start3A_74 = arith.constant 0 : i32
    %dma_start3A_75 = arith.constant 0 : i32
    %dma_start3A_76 = tpu.memref_slice %arg7[%dma_start3A_73, %dma_start3A_74, %dma_start3A_75] : memref<8x125x64xbf16, #tpu.memory_space<vmem>> -> memref<1x125x64xbf16, #tpu.memory_space<vmem>>
    %dma_start3A_77 = tpu.memref_squeeze %dma_start3A_76 : memref<1x125x64xbf16, #tpu.memory_space<vmem>> -> memref<125x64xbf16, #tpu.memory_space<vmem>>
    %dma_start3A_78 = arith.constant 0 : i32
    %dma_start3A_79 = tpu.memref_slice %arg6[%dma_start3A_71, %dma_start3A_72, %dma_start3A_78] : memref<2x160x125xi32, #tpu.memory_space<vmem>> -> memref<1x1x125xi32, #tpu.memory_space<vmem>>
    %dma_start3A_80 = tpu.memref_squeeze %dma_start3A_79 : memref<1x1x125xi32, #tpu.memory_space<vmem>> -> memref<125xi32, #tpu.memory_space<vmem>>
    %dma_start3A_81 = arith.constant 0 : i32
    %dma_start3A_82 = arith.constant 0 : i32
    %dma_start3A_83 = tpu.memref_slice %arg2[%arg0, %dma_start3A_81, %dma_start3A_82] : memref<2x10240x64xbf16, #tpu.memory_space<hbm>> -> memref<1x10240x64xbf16, #tpu.memory_space<hbm>>
    %dma_start3A_84 = tpu.memref_squeeze %dma_start3A_83 : memref<1x10240x64xbf16, #tpu.memory_space<hbm>> -> memref<10240x64xbf16, #tpu.memory_space<hbm>>
    %dma_start3A_85 = arith.constant 0 : i32
    %dma_start3A_86 = arith.constant 0 : i32
    %dma_start3A_87 = tpu.memref_slice %dma_start3A_84[%dma_start3A_85, %dma_start3A_86] : memref<10240x64xbf16, #tpu.memory_space<hbm>> -> memref<10240x64xbf16, #tpu.memory_space<hbm>>
    tpu.enqueue_indirect_dma source(%dma_start3A_87 : memref<10240x64xbf16, #tpu.memory_space<hbm>>) target(%dma_start3A_77 : memref<125x64xbf16, #tpu.memory_space<vmem>>) offsets(%dma_start3A_80 : memref<125xi32, #tpu.memory_space<vmem>>) semaphore(%arg13 : memref<!tpu.dma_semaphore, #tpu.memory_space<semaphore_mem>>)
    %dma_start3A_88 = arith.constant 0 : i32
    %dma_start3A_89 = arith.constant 5 : i32
    %dma_start3A_90 = arith.constant 5 : i32
    %dma_start3A_91 = arith.constant 0 : i32
    %dma_start3A_92 = arith.constant 0 : i32
    %dma_start3A_93 = tpu.memref_slice %arg7[%dma_start3A_90, %dma_start3A_91, %dma_start3A_92] : memref<8x125x64xbf16, #tpu.memory_space<vmem>> -> memref<1x125x64xbf16, #tpu.memory_space<vmem>>
    %dma_start3A_94 = tpu.memref_squeeze %dma_start3A_93 : memref<1x125x64xbf16, #tpu.memory_space<vmem>> -> memref<125x64xbf16, #tpu.memory_space<vmem>>
    %dma_start3A_95 = arith.constant 0 : i32
    %dma_start3A_96 = tpu.memref_slice %arg6[%dma_start3A_88, %dma_start3A_89, %dma_start3A_95] : memref<2x160x125xi32, #tpu.memory_space<vmem>> -> memref<1x1x125xi32, #tpu.memory_space<vmem>>
    %dma_start3A_97 = tpu.memref_squeeze %dma_start3A_96 : memref<1x1x125xi32, #tpu.memory_space<vmem>> -> memref<125xi32, #tpu.memory_space<vmem>>
    %dma_start3A_98 = arith.constant 0 : i32
    %dma_start3A_99 = arith.constant 0 : i32
    %dma_start3A_100 = tpu.memref_slice %arg2[%arg0, %dma_start3A_98, %dma_start3A_99] : memref<2x10240x64xbf16, #tpu.memory_space<hbm>> -> memref<1x10240x64xbf16, #tpu.memory_space<hbm>>
    %dma_start3A_101 = tpu.memref_squeeze %dma_start3A_100 : memref<1x10240x64xbf16, #tpu.memory_space<hbm>> -> memref<10240x64xbf16, #tpu.memory_space<hbm>>
    %dma_start3A_102 = arith.constant 0 : i32
    %dma_start3A_103 = arith.constant 0 : i32
    %dma_start3A_104 = tpu.memref_slice %dma_start3A_101[%dma_start3A_102, %dma_start3A_103] : memref<10240x64xbf16, #tpu.memory_space<hbm>> -> memref<10240x64xbf16, #tpu.memory_space<hbm>>
    tpu.enqueue_indirect_dma source(%dma_start3A_104 : memref<10240x64xbf16, #tpu.memory_space<hbm>>) target(%dma_start3A_94 : memref<125x64xbf16, #tpu.memory_space<vmem>>) offsets(%dma_start3A_97 : memref<125xi32, #tpu.memory_space<vmem>>) semaphore(%arg14 : memref<!tpu.dma_semaphore, #tpu.memory_space<semaphore_mem>>)
    %dma_start3A_105 = arith.constant 0 : i32
    %dma_start3A_106 = arith.constant 6 : i32
    %dma_start3A_107 = arith.constant 6 : i32
    %dma_start3A_108 = arith.constant 0 : i32
    %dma_start3A_109 = arith.constant 0 : i32
    %dma_start3A_110 = tpu.memref_slice %arg7[%dma_start3A_107, %dma_start3A_108, %dma_start3A_109] : memref<8x125x64xbf16, #tpu.memory_space<vmem>> -> memref<1x125x64xbf16, #tpu.memory_space<vmem>>
    %dma_start3A_111 = tpu.memref_squeeze %dma_start3A_110 : memref<1x125x64xbf16, #tpu.memory_space<vmem>> -> memref<125x64xbf16, #tpu.memory_space<vmem>>
    %dma_start3A_112 = arith.constant 0 : i32
    %dma_start3A_113 = tpu.memref_slice %arg6[%dma_start3A_105, %dma_start3A_106, %dma_start3A_112] : memref<2x160x125xi32, #tpu.memory_space<vmem>> -> memref<1x1x125xi32, #tpu.memory_space<vmem>>
    %dma_start3A_114 = tpu.memref_squeeze %dma_start3A_113 : memref<1x1x125xi32, #tpu.memory_space<vmem>> -> memref<125xi32, #tpu.memory_space<vmem>>
    %dma_start3A_115 = arith.constant 0 : i32
    %dma_start3A_116 = arith.constant 0 : i32
    %dma_start3A_117 = tpu.memref_slice %arg2[%arg0, %dma_start3A_115, %dma_start3A_116] : memref<2x10240x64xbf16, #tpu.memory_space<hbm>> -> memref<1x10240x64xbf16, #tpu.memory_space<hbm>>
    %dma_start3A_118 = tpu.memref_squeeze %dma_start3A_117 : memref<1x10240x64xbf16, #tpu.memory_space<hbm>> -> memref<10240x64xbf16, #tpu.memory_space<hbm>>
    %dma_start3A_119 = arith.constant 0 : i32
    %dma_start3A_120 = arith.constant 0 : i32
    %dma_start3A_121 = tpu.memref_slice %dma_start3A_118[%dma_start3A_119, %dma_start3A_120] : memref<10240x64xbf16, #tpu.memory_space<hbm>> -> memref<10240x64xbf16, #tpu.memory_space<hbm>>
    tpu.enqueue_indirect_dma source(%dma_start3A_121 : memref<10240x64xbf16, #tpu.memory_space<hbm>>) target(%dma_start3A_111 : memref<125x64xbf16, #tpu.memory_space<vmem>>) offsets(%dma_start3A_114 : memref<125xi32, #tpu.memory_space<vmem>>) semaphore(%arg15 : memref<!tpu.dma_semaphore, #tpu.memory_space<semaphore_mem>>)
    %dma_start3A_122 = arith.constant 0 : i32
    %dma_start3A_123 = arith.constant 7 : i32
    %dma_start3A_124 = arith.constant 7 : i32
    %dma_start3A_125 = arith.constant 0 : i32
    %dma_start3A_126 = arith.constant 0 : i32
    %dma_start3A_127 = tpu.memref_slice %arg7[%dma_start3A_124, %dma_start3A_125, %dma_start3A_126] : memref<8x125x64xbf16, #tpu.memory_space<vmem>> -> memref<1x125x64xbf16, #tpu.memory_space<vmem>>
    %dma_start3A_128 = tpu.memref_squeeze %dma_start3A_127 : memref<1x125x64xbf16, #tpu.memory_space<vmem>> -> memref<125x64xbf16, #tpu.memory_space<vmem>>
    %dma_start3A_129 = arith.constant 0 : i32
    %dma_start3A_130 = tpu.memref_slice %arg6[%dma_start3A_122, %dma_start3A_123, %dma_start3A_129] : memref<2x160x125xi32, #tpu.memory_space<vmem>> -> memref<1x1x125xi32, #tpu.memory_space<vmem>>
    %dma_start3A_131 = tpu.memref_squeeze %dma_start3A_130 : memref<1x1x125xi32, #tpu.memory_space<vmem>> -> memref<125xi32, #tpu.memory_space<vmem>>
    %dma_start3A_132 = arith.constant 0 : i32
    %dma_start3A_133 = arith.constant 0 : i32
    %dma_start3A_134 = tpu.memref_slice %arg2[%arg0, %dma_start3A_132, %dma_start3A_133] : memref<2x10240x64xbf16, #tpu.memory_space<hbm>> -> memref<1x10240x64xbf16, #tpu.memory_space<hbm>>
    %dma_start3A_135 = tpu.memref_squeeze %dma_start3A_134 : memref<1x10240x64xbf16, #tpu.memory_space<hbm>> -> memref<10240x64xbf16, #tpu.memory_space<hbm>>
    %dma_start3A_136 = arith.constant 0 : i32
    %dma_start3A_137 = arith.constant 0 : i32
    %dma_start3A_138 = tpu.memref_slice %dma_start3A_135[%dma_start3A_136, %dma_start3A_137] : memref<10240x64xbf16, #tpu.memory_space<hbm>> -> memref<10240x64xbf16, #tpu.memory_space<hbm>>
    tpu.enqueue_indirect_dma source(%dma_start3A_138 : memref<10240x64xbf16, #tpu.memory_space<hbm>>) target(%dma_start3A_128 : memref<125x64xbf16, #tpu.memory_space<vmem>>) offsets(%dma_start3A_131 : memref<125xi32, #tpu.memory_space<vmem>>) semaphore(%arg16 : memref<!tpu.dma_semaphore, #tpu.memory_space<semaphore_mem>>)
    %scan3A = arith.constant 0 : i32
    %scan3A_139 = arith.constant 0 : i32
    %scan3A_140 = arith.constant 20 : i32
    %scan3A_141 = arith.addi %scan3A_139, %scan3A_140 : i32
    %scan3A_142 = arith.constant 1 : i32
    scf.for %scan3A_284 = %scan3A_139 to %scan3A_141 step %scan3A_142  : i32 {
      %mul3A_285 = arith.constant 8 : i32
      %mul3A_286 = arith.muli %mul3A_285, %scan3A_284 : i32
      %dma_wait3A_287 = arith.constant 0 : i32
      %dma_wait3A_288 = arith.constant 0 : i32
      %dma_wait3A_289 = arith.constant 0 : i32
      %dma_wait3A_290 = arith.constant 0 : i32
      %dma_wait3A_291 = arith.constant 0 : i32
      %dma_wait3A_292 = tpu.memref_slice %arg7[%dma_wait3A_289, %dma_wait3A_290, %dma_wait3A_291] : memref<8x125x64xbf16, #tpu.memory_space<vmem>> -> memref<1x125x64xbf16, #tpu.memory_space<vmem>>
      %dma_wait3A_293 = tpu.memref_squeeze %dma_wait3A_292 : memref<1x125x64xbf16, #tpu.memory_space<vmem>> -> memref<125x64xbf16, #tpu.memory_space<vmem>>
      %dma_wait3A_294 = arith.constant 0 : i32
      %dma_wait3A_295 = tpu.memref_slice %arg6[%dma_wait3A_287, %dma_wait3A_288, %dma_wait3A_294] : memref<2x160x125xi32, #tpu.memory_space<vmem>> -> memref<1x1x125xi32, #tpu.memory_space<vmem>>
      %dma_wait3A_296 = tpu.memref_squeeze %dma_wait3A_295 : memref<1x1x125xi32, #tpu.memory_space<vmem>> -> memref<125xi32, #tpu.memory_space<vmem>>
      %dma_wait3A_297 = arith.constant 0 : i32
      %dma_wait3A_298 = arith.constant 0 : i32
      %dma_wait3A_299 = tpu.memref_slice %arg2[%arg0, %dma_wait3A_297, %dma_wait3A_298] : memref<2x10240x64xbf16, #tpu.memory_space<hbm>> -> memref<1x10240x64xbf16, #tpu.memory_space<hbm>>
      %dma_wait3A_300 = tpu.memref_squeeze %dma_wait3A_299 : memref<1x10240x64xbf16, #tpu.memory_space<hbm>> -> memref<10240x64xbf16, #tpu.memory_space<hbm>>
      %dma_wait3A_301 = arith.constant 0 : i32
      %dma_wait3A_302 = arith.constant 0 : i32
      %dma_wait3A_303 = tpu.memref_slice %dma_wait3A_300[%dma_wait3A_301, %dma_wait3A_302] : memref<10240x64xbf16, #tpu.memory_space<hbm>> -> memref<10240x64xbf16, #tpu.memory_space<hbm>>
      tpu.wait_indirect_dma semaphore(%arg9 : memref<!tpu.dma_semaphore, #tpu.memory_space<semaphore_mem>>) src(%dma_wait3A_303 : memref<10240x64xbf16, #tpu.memory_space<hbm>>) dst(%dma_wait3A_293 : memref<125x64xbf16, #tpu.memory_space<vmem>>)
      %add3A = arith.constant 0 : i32
      %add3A_304 = arith.addi %mul3A_286, %add3A : i32
      %dma_start3A_305 = arith.constant 0 : i32
      %dma_start3A_306 = arith.constant 1 : i32
      %dma_start3A_307 = arith.constant 0 : i32
      %dma_start3A_308 = arith.constant 0 : i32
      %dma_start3A_309 = tpu.memref_slice %arg7[%dma_start3A_305, %dma_start3A_307, %dma_start3A_308] : memref<8x125x64xbf16, #tpu.memory_space<vmem>> -> memref<1x125x64xbf16, #tpu.memory_space<vmem>>
      %dma_start3A_310 = tpu.memref_squeeze %dma_start3A_309 : memref<1x125x64xbf16, #tpu.memory_space<vmem>> -> memref<125x64xbf16, #tpu.memory_space<vmem>>
      %dma_start3A_311 = arith.constant 0 : i32
      %dma_start3A_312 = tpu.memref_slice %arg6[%dma_start3A_306, %add3A_304, %dma_start3A_311] : memref<2x160x125xi32, #tpu.memory_space<vmem>> -> memref<1x1x125xi32, #tpu.memory_space<vmem>>
      %dma_start3A_313 = tpu.memref_squeeze %dma_start3A_312 : memref<1x1x125xi32, #tpu.memory_space<vmem>> -> memref<125xi32, #tpu.memory_space<vmem>>
      %dma_start3A_314 = arith.constant 0 : i32
      %dma_start3A_315 = arith.constant 0 : i32
      %dma_start3A_316 = tpu.memref_slice %arg8[%dma_start3A_314, %dma_start3A_315] : memref<10240x64xbf16, #tpu.memory_space<vmem_shared>> -> memref<10240x64xbf16, #tpu.memory_space<vmem_shared>>
      tpu.enqueue_indirect_dma source(%dma_start3A_310 : memref<125x64xbf16, #tpu.memory_space<vmem>>) target(%dma_start3A_316 : memref<10240x64xbf16, #tpu.memory_space<vmem_shared>>) offsets(%dma_start3A_313 : memref<125xi32, #tpu.memory_space<vmem>>) semaphore(%arg17 : memref<!tpu.dma_semaphore, #tpu.memory_space<semaphore_mem>>) {add = true}
      %dma_wait3A_317 = arith.constant 0 : i32
      %dma_wait3A_318 = arith.constant 0 : i32
      %dma_wait3A_319 = arith.constant 1 : i32
      %dma_wait3A_320 = arith.constant 0 : i32
      %dma_wait3A_321 = arith.constant 0 : i32
      %dma_wait3A_322 = tpu.memref_slice %arg7[%dma_wait3A_319, %dma_wait3A_320, %dma_wait3A_321] : memref<8x125x64xbf16, #tpu.memory_space<vmem>> -> memref<1x125x64xbf16, #tpu.memory_space<vmem>>
      %dma_wait3A_323 = tpu.memref_squeeze %dma_wait3A_322 : memref<1x125x64xbf16, #tpu.memory_space<vmem>> -> memref<125x64xbf16, #tpu.memory_space<vmem>>
      %dma_wait3A_324 = arith.constant 0 : i32
      %dma_wait3A_325 = tpu.memref_slice %arg6[%dma_wait3A_317, %dma_wait3A_318, %dma_wait3A_324] : memref<2x160x125xi32, #tpu.memory_space<vmem>> -> memref<1x1x125xi32, #tpu.memory_space<vmem>>
      %dma_wait3A_326 = tpu.memref_squeeze %dma_wait3A_325 : memref<1x1x125xi32, #tpu.memory_space<vmem>> -> memref<125xi32, #tpu.memory_space<vmem>>
      %dma_wait3A_327 = arith.constant 0 : i32
      %dma_wait3A_328 = arith.constant 0 : i32
      %dma_wait3A_329 = tpu.memref_slice %arg2[%arg0, %dma_wait3A_327, %dma_wait3A_328] : memref<2x10240x64xbf16, #tpu.memory_space<hbm>> -> memref<1x10240x64xbf16, #tpu.memory_space<hbm>>
      %dma_wait3A_330 = tpu.memref_squeeze %dma_wait3A_329 : memref<1x10240x64xbf16, #tpu.memory_space<hbm>> -> memref<10240x64xbf16, #tpu.memory_space<hbm>>
      %dma_wait3A_331 = arith.constant 0 : i32
      %dma_wait3A_332 = arith.constant 0 : i32
      %dma_wait3A_333 = tpu.memref_slice %dma_wait3A_330[%dma_wait3A_331, %dma_wait3A_332] : memref<10240x64xbf16, #tpu.memory_space<hbm>> -> memref<10240x64xbf16, #tpu.memory_space<hbm>>
      tpu.wait_indirect_dma semaphore(%arg10 : memref<!tpu.dma_semaphore, #tpu.memory_space<semaphore_mem>>) src(%dma_wait3A_333 : memref<10240x64xbf16, #tpu.memory_space<hbm>>) dst(%dma_wait3A_323 : memref<125x64xbf16, #tpu.memory_space<vmem>>)
      %add3A_334 = arith.constant 1 : i32
      %add3A_335 = arith.addi %mul3A_286, %add3A_334 : i32
      %dma_start3A_336 = arith.constant 1 : i32
      %dma_start3A_337 = arith.constant 1 : i32
      %dma_start3A_338 = arith.constant 0 : i32
      %dma_start3A_339 = arith.constant 0 : i32
      %dma_start3A_340 = tpu.memref_slice %arg7[%dma_start3A_336, %dma_start3A_338, %dma_start3A_339] : memref<8x125x64xbf16, #tpu.memory_space<vmem>> -> memref<1x125x64xbf16, #tpu.memory_space<vmem>>
      %dma_start3A_341 = tpu.memref_squeeze %dma_start3A_340 : memref<1x125x64xbf16, #tpu.memory_space<vmem>> -> memref<125x64xbf16, #tpu.memory_space<vmem>>
      %dma_start3A_342 = arith.constant 0 : i32
      %dma_start3A_343 = tpu.memref_slice %arg6[%dma_start3A_337, %add3A_335, %dma_start3A_342] : memref<2x160x125xi32, #tpu.memory_space<vmem>> -> memref<1x1x125xi32, #tpu.memory_space<vmem>>
      %dma_start3A_344 = tpu.memref_squeeze %dma_start3A_343 : memref<1x1x125xi32, #tpu.memory_space<vmem>> -> memref<125xi32, #tpu.memory_space<vmem>>
      %dma_start3A_345 = arith.constant 0 : i32
      %dma_start3A_346 = arith.constant 0 : i32
      %dma_start3A_347 = tpu.memref_slice %arg8[%dma_start3A_345, %dma_start3A_346] : memref<10240x64xbf16, #tpu.memory_space<vmem_shared>> -> memref<10240x64xbf16, #tpu.memory_space<vmem_shared>>
      tpu.enqueue_indirect_dma source(%dma_start3A_341 : memref<125x64xbf16, #tpu.memory_space<vmem>>) target(%dma_start3A_347 : memref<10240x64xbf16, #tpu.memory_space<vmem_shared>>) offsets(%dma_start3A_344 : memref<125xi32, #tpu.memory_space<vmem>>) semaphore(%arg18 : memref<!tpu.dma_semaphore, #tpu.memory_space<semaphore_mem>>) {add = true}
      %dma_wait3A_348 = arith.constant 0 : i32
      %dma_wait3A_349 = arith.constant 0 : i32
      %dma_wait3A_350 = arith.constant 2 : i32
      %dma_wait3A_351 = arith.constant 0 : i32
      %dma_wait3A_352 = arith.constant 0 : i32
      %dma_wait3A_353 = tpu.memref_slice %arg7[%dma_wait3A_350, %dma_wait3A_351, %dma_wait3A_352] : memref<8x125x64xbf16, #tpu.memory_space<vmem>> -> memref<1x125x64xbf16, #tpu.memory_space<vmem>>
      %dma_wait3A_354 = tpu.memref_squeeze %dma_wait3A_353 : memref<1x125x64xbf16, #tpu.memory_space<vmem>> -> memref<125x64xbf16, #tpu.memory_space<vmem>>
      %dma_wait3A_355 = arith.constant 0 : i32
      %dma_wait3A_356 = tpu.memref_slice %arg6[%dma_wait3A_348, %dma_wait3A_349, %dma_wait3A_355] : memref<2x160x125xi32, #tpu.memory_space<vmem>> -> memref<1x1x125xi32, #tpu.memory_space<vmem>>
      %dma_wait3A_357 = tpu.memref_squeeze %dma_wait3A_356 : memref<1x1x125xi32, #tpu.memory_space<vmem>> -> memref<125xi32, #tpu.memory_space<vmem>>
      %dma_wait3A_358 = arith.constant 0 : i32
      %dma_wait3A_359 = arith.constant 0 : i32
      %dma_wait3A_360 = tpu.memref_slice %arg2[%arg0, %dma_wait3A_358, %dma_wait3A_359] : memref<2x10240x64xbf16, #tpu.memory_space<hbm>> -> memref<1x10240x64xbf16, #tpu.memory_space<hbm>>
      %dma_wait3A_361 = tpu.memref_squeeze %dma_wait3A_360 : memref<1x10240x64xbf16, #tpu.memory_space<hbm>> -> memref<10240x64xbf16, #tpu.memory_space<hbm>>
      %dma_wait3A_362 = arith.constant 0 : i32
      %dma_wait3A_363 = arith.constant 0 : i32
      %dma_wait3A_364 = tpu.memref_slice %dma_wait3A_361[%dma_wait3A_362, %dma_wait3A_363] : memref<10240x64xbf16, #tpu.memory_space<hbm>> -> memref<10240x64xbf16, #tpu.memory_space<hbm>>
      tpu.wait_indirect_dma semaphore(%arg11 : memref<!tpu.dma_semaphore, #tpu.memory_space<semaphore_mem>>) src(%dma_wait3A_364 : memref<10240x64xbf16, #tpu.memory_space<hbm>>) dst(%dma_wait3A_354 : memref<125x64xbf16, #tpu.memory_space<vmem>>)
      %add3A_365 = arith.constant 2 : i32
      %add3A_366 = arith.addi %mul3A_286, %add3A_365 : i32
      %dma_start3A_367 = arith.constant 2 : i32
      %dma_start3A_368 = arith.constant 1 : i32
      %dma_start3A_369 = arith.constant 0 : i32
      %dma_start3A_370 = arith.constant 0 : i32
      %dma_start3A_371 = tpu.memref_slice %arg7[%dma_start3A_367, %dma_start3A_369, %dma_start3A_370] : memref<8x125x64xbf16, #tpu.memory_space<vmem>> -> memref<1x125x64xbf16, #tpu.memory_space<vmem>>
      %dma_start3A_372 = tpu.memref_squeeze %dma_start3A_371 : memref<1x125x64xbf16, #tpu.memory_space<vmem>> -> memref<125x64xbf16, #tpu.memory_space<vmem>>
      %dma_start3A_373 = arith.constant 0 : i32
      %dma_start3A_374 = tpu.memref_slice %arg6[%dma_start3A_368, %add3A_366, %dma_start3A_373] : memref<2x160x125xi32, #tpu.memory_space<vmem>> -> memref<1x1x125xi32, #tpu.memory_space<vmem>>
      %dma_start3A_375 = tpu.memref_squeeze %dma_start3A_374 : memref<1x1x125xi32, #tpu.memory_space<vmem>> -> memref<125xi32, #tpu.memory_space<vmem>>
      %dma_start3A_376 = arith.constant 0 : i32
      %dma_start3A_377 = arith.constant 0 : i32
      %dma_start3A_378 = tpu.memref_slice %arg8[%dma_start3A_376, %dma_start3A_377] : memref<10240x64xbf16, #tpu.memory_space<vmem_shared>> -> memref<10240x64xbf16, #tpu.memory_space<vmem_shared>>
      tpu.enqueue_indirect_dma source(%dma_start3A_372 : memref<125x64xbf16, #tpu.memory_space<vmem>>) target(%dma_start3A_378 : memref<10240x64xbf16, #tpu.memory_space<vmem_shared>>) offsets(%dma_start3A_375 : memref<125xi32, #tpu.memory_space<vmem>>) semaphore(%arg19 : memref<!tpu.dma_semaphore, #tpu.memory_space<semaphore_mem>>) {add = true}
      %dma_wait3A_379 = arith.constant 0 : i32
      %dma_wait3A_380 = arith.constant 0 : i32
      %dma_wait3A_381 = arith.constant 3 : i32
      %dma_wait3A_382 = arith.constant 0 : i32
      %dma_wait3A_383 = arith.constant 0 : i32
      %dma_wait3A_384 = tpu.memref_slice %arg7[%dma_wait3A_381, %dma_wait3A_382, %dma_wait3A_383] : memref<8x125x64xbf16, #tpu.memory_space<vmem>> -> memref<1x125x64xbf16, #tpu.memory_space<vmem>>
      %dma_wait3A_385 = tpu.memref_squeeze %dma_wait3A_384 : memref<1x125x64xbf16, #tpu.memory_space<vmem>> -> memref<125x64xbf16, #tpu.memory_space<vmem>>
      %dma_wait3A_386 = arith.constant 0 : i32
      %dma_wait3A_387 = tpu.memref_slice %arg6[%dma_wait3A_379, %dma_wait3A_380, %dma_wait3A_386] : memref<2x160x125xi32, #tpu.memory_space<vmem>> -> memref<1x1x125xi32, #tpu.memory_space<vmem>>
      %dma_wait3A_388 = tpu.memref_squeeze %dma_wait3A_387 : memref<1x1x125xi32, #tpu.memory_space<vmem>> -> memref<125xi32, #tpu.memory_space<vmem>>
      %dma_wait3A_389 = arith.constant 0 : i32
      %dma_wait3A_390 = arith.constant 0 : i32
      %dma_wait3A_391 = tpu.memref_slice %arg2[%arg0, %dma_wait3A_389, %dma_wait3A_390] : memref<2x10240x64xbf16, #tpu.memory_space<hbm>> -> memref<1x10240x64xbf16, #tpu.memory_space<hbm>>
      %dma_wait3A_392 = tpu.memref_squeeze %dma_wait3A_391 : memref<1x10240x64xbf16, #tpu.memory_space<hbm>> -> memref<10240x64xbf16, #tpu.memory_space<hbm>>
      %dma_wait3A_393 = arith.constant 0 : i32
      %dma_wait3A_394 = arith.constant 0 : i32
      %dma_wait3A_395 = tpu.memref_slice %dma_wait3A_392[%dma_wait3A_393, %dma_wait3A_394] : memref<10240x64xbf16, #tpu.memory_space<hbm>> -> memref<10240x64xbf16, #tpu.memory_space<hbm>>
      tpu.wait_indirect_dma semaphore(%arg12 : memref<!tpu.dma_semaphore, #tpu.memory_space<semaphore_mem>>) src(%dma_wait3A_395 : memref<10240x64xbf16, #tpu.memory_space<hbm>>) dst(%dma_wait3A_385 : memref<125x64xbf16, #tpu.memory_space<vmem>>)
      %add3A_396 = arith.constant 3 : i32
      %add3A_397 = arith.addi %mul3A_286, %add3A_396 : i32
      %dma_start3A_398 = arith.constant 3 : i32
      %dma_start3A_399 = arith.constant 1 : i32
      %dma_start3A_400 = arith.constant 0 : i32
      %dma_start3A_401 = arith.constant 0 : i32
      %dma_start3A_402 = tpu.memref_slice %arg7[%dma_start3A_398, %dma_start3A_400, %dma_start3A_401] : memref<8x125x64xbf16, #tpu.memory_space<vmem>> -> memref<1x125x64xbf16, #tpu.memory_space<vmem>>
      %dma_start3A_403 = tpu.memref_squeeze %dma_start3A_402 : memref<1x125x64xbf16, #tpu.memory_space<vmem>> -> memref<125x64xbf16, #tpu.memory_space<vmem>>
      %dma_start3A_404 = arith.constant 0 : i32
      %dma_start3A_405 = tpu.memref_slice %arg6[%dma_start3A_399, %add3A_397, %dma_start3A_404] : memref<2x160x125xi32, #tpu.memory_space<vmem>> -> memref<1x1x125xi32, #tpu.memory_space<vmem>>
      %dma_start3A_406 = tpu.memref_squeeze %dma_start3A_405 : memref<1x1x125xi32, #tpu.memory_space<vmem>> -> memref<125xi32, #tpu.memory_space<vmem>>
      %dma_start3A_407 = arith.constant 0 : i32
      %dma_start3A_408 = arith.constant 0 : i32
      %dma_start3A_409 = tpu.memref_slice %arg8[%dma_start3A_407, %dma_start3A_408] : memref<10240x64xbf16, #tpu.memory_space<vmem_shared>> -> memref<10240x64xbf16, #tpu.memory_space<vmem_shared>>
      tpu.enqueue_indirect_dma source(%dma_start3A_403 : memref<125x64xbf16, #tpu.memory_space<vmem>>) target(%dma_start3A_409 : memref<10240x64xbf16, #tpu.memory_space<vmem_shared>>) offsets(%dma_start3A_406 : memref<125xi32, #tpu.memory_space<vmem>>) semaphore(%arg20 : memref<!tpu.dma_semaphore, #tpu.memory_space<semaphore_mem>>) {add = true}
      %dma_wait3A_410 = arith.constant 0 : i32
      %dma_wait3A_411 = arith.constant 0 : i32
      %dma_wait3A_412 = arith.constant 4 : i32
      %dma_wait3A_413 = arith.constant 0 : i32
      %dma_wait3A_414 = arith.constant 0 : i32
      %dma_wait3A_415 = tpu.memref_slice %arg7[%dma_wait3A_412, %dma_wait3A_413, %dma_wait3A_414] : memref<8x125x64xbf16, #tpu.memory_space<vmem>> -> memref<1x125x64xbf16, #tpu.memory_space<vmem>>
      %dma_wait3A_416 = tpu.memref_squeeze %dma_wait3A_415 : memref<1x125x64xbf16, #tpu.memory_space<vmem>> -> memref<125x64xbf16, #tpu.memory_space<vmem>>
      %dma_wait3A_417 = arith.constant 0 : i32
      %dma_wait3A_418 = tpu.memref_slice %arg6[%dma_wait3A_410, %dma_wait3A_411, %dma_wait3A_417] : memref<2x160x125xi32, #tpu.memory_space<vmem>> -> memref<1x1x125xi32, #tpu.memory_space<vmem>>
      %dma_wait3A_419 = tpu.memref_squeeze %dma_wait3A_418 : memref<1x1x125xi32, #tpu.memory_space<vmem>> -> memref<125xi32, #tpu.memory_space<vmem>>
      %dma_wait3A_420 = arith.constant 0 : i32
      %dma_wait3A_421 = arith.constant 0 : i32
      %dma_wait3A_422 = tpu.memref_slice %arg2[%arg0, %dma_wait3A_420, %dma_wait3A_421] : memref<2x10240x64xbf16, #tpu.memory_space<hbm>> -> memref<1x10240x64xbf16, #tpu.memory_space<hbm>>
      %dma_wait3A_423 = tpu.memref_squeeze %dma_wait3A_422 : memref<1x10240x64xbf16, #tpu.memory_space<hbm>> -> memref<10240x64xbf16, #tpu.memory_space<hbm>>
      %dma_wait3A_424 = arith.constant 0 : i32
      %dma_wait3A_425 = arith.constant 0 : i32
      %dma_wait3A_426 = tpu.memref_slice %dma_wait3A_423[%dma_wait3A_424, %dma_wait3A_425] : memref<10240x64xbf16, #tpu.memory_space<hbm>> -> memref<10240x64xbf16, #tpu.memory_space<hbm>>
      tpu.wait_indirect_dma semaphore(%arg13 : memref<!tpu.dma_semaphore, #tpu.memory_space<semaphore_mem>>) src(%dma_wait3A_426 : memref<10240x64xbf16, #tpu.memory_space<hbm>>) dst(%dma_wait3A_416 : memref<125x64xbf16, #tpu.memory_space<vmem>>)
      %add3A_427 = arith.constant 4 : i32
      %add3A_428 = arith.addi %mul3A_286, %add3A_427 : i32
      %dma_start3A_429 = arith.constant 4 : i32
      %dma_start3A_430 = arith.constant 1 : i32
      %dma_start3A_431 = arith.constant 0 : i32
      %dma_start3A_432 = arith.constant 0 : i32
      %dma_start3A_433 = tpu.memref_slice %arg7[%dma_start3A_429, %dma_start3A_431, %dma_start3A_432] : memref<8x125x64xbf16, #tpu.memory_space<vmem>> -> memref<1x125x64xbf16, #tpu.memory_space<vmem>>
      %dma_start3A_434 = tpu.memref_squeeze %dma_start3A_433 : memref<1x125x64xbf16, #tpu.memory_space<vmem>> -> memref<125x64xbf16, #tpu.memory_space<vmem>>
      %dma_start3A_435 = arith.constant 0 : i32
      %dma_start3A_436 = tpu.memref_slice %arg6[%dma_start3A_430, %add3A_428, %dma_start3A_435] : memref<2x160x125xi32, #tpu.memory_space<vmem>> -> memref<1x1x125xi32, #tpu.memory_space<vmem>>
      %dma_start3A_437 = tpu.memref_squeeze %dma_start3A_436 : memref<1x1x125xi32, #tpu.memory_space<vmem>> -> memref<125xi32, #tpu.memory_space<vmem>>
      %dma_start3A_438 = arith.constant 0 : i32
      %dma_start3A_439 = arith.constant 0 : i32
      %dma_start3A_440 = tpu.memref_slice %arg8[%dma_start3A_438, %dma_start3A_439] : memref<10240x64xbf16, #tpu.memory_space<vmem_shared>> -> memref<10240x64xbf16, #tpu.memory_space<vmem_shared>>
      tpu.enqueue_indirect_dma source(%dma_start3A_434 : memref<125x64xbf16, #tpu.memory_space<vmem>>) target(%dma_start3A_440 : memref<10240x64xbf16, #tpu.memory_space<vmem_shared>>) offsets(%dma_start3A_437 : memref<125xi32, #tpu.memory_space<vmem>>) semaphore(%arg21 : memref<!tpu.dma_semaphore, #tpu.memory_space<semaphore_mem>>) {add = true}
      %dma_wait3A_441 = arith.constant 0 : i32
      %dma_wait3A_442 = arith.constant 0 : i32
      %dma_wait3A_443 = arith.constant 5 : i32
      %dma_wait3A_444 = arith.constant 0 : i32
      %dma_wait3A_445 = arith.constant 0 : i32
      %dma_wait3A_446 = tpu.memref_slice %arg7[%dma_wait3A_443, %dma_wait3A_444, %dma_wait3A_445] : memref<8x125x64xbf16, #tpu.memory_space<vmem>> -> memref<1x125x64xbf16, #tpu.memory_space<vmem>>
      %dma_wait3A_447 = tpu.memref_squeeze %dma_wait3A_446 : memref<1x125x64xbf16, #tpu.memory_space<vmem>> -> memref<125x64xbf16, #tpu.memory_space<vmem>>
      %dma_wait3A_448 = arith.constant 0 : i32
      %dma_wait3A_449 = tpu.memref_slice %arg6[%dma_wait3A_441, %dma_wait3A_442, %dma_wait3A_448] : memref<2x160x125xi32, #tpu.memory_space<vmem>> -> memref<1x1x125xi32, #tpu.memory_space<vmem>>
      %dma_wait3A_450 = tpu.memref_squeeze %dma_wait3A_449 : memref<1x1x125xi32, #tpu.memory_space<vmem>> -> memref<125xi32, #tpu.memory_space<vmem>>
      %dma_wait3A_451 = arith.constant 0 : i32
      %dma_wait3A_452 = arith.constant 0 : i32
      %dma_wait3A_453 = tpu.memref_slice %arg2[%arg0, %dma_wait3A_451, %dma_wait3A_452] : memref<2x10240x64xbf16, #tpu.memory_space<hbm>> -> memref<1x10240x64xbf16, #tpu.memory_space<hbm>>
      %dma_wait3A_454 = tpu.memref_squeeze %dma_wait3A_453 : memref<1x10240x64xbf16, #tpu.memory_space<hbm>> -> memref<10240x64xbf16, #tpu.memory_space<hbm>>
      %dma_wait3A_455 = arith.constant 0 : i32
      %dma_wait3A_456 = arith.constant 0 : i32
      %dma_wait3A_457 = tpu.memref_slice %dma_wait3A_454[%dma_wait3A_455, %dma_wait3A_456] : memref<10240x64xbf16, #tpu.memory_space<hbm>> -> memref<10240x64xbf16, #tpu.memory_space<hbm>>
      tpu.wait_indirect_dma semaphore(%arg14 : memref<!tpu.dma_semaphore, #tpu.memory_space<semaphore_mem>>) src(%dma_wait3A_457 : memref<10240x64xbf16, #tpu.memory_space<hbm>>) dst(%dma_wait3A_447 : memref<125x64xbf16, #tpu.memory_space<vmem>>)
      %add3A_458 = arith.constant 5 : i32
      %add3A_459 = arith.addi %mul3A_286, %add3A_458 : i32
      %dma_start3A_460 = arith.constant 5 : i32
      %dma_start3A_461 = arith.constant 1 : i32
      %dma_start3A_462 = arith.constant 0 : i32
      %dma_start3A_463 = arith.constant 0 : i32
      %dma_start3A_464 = tpu.memref_slice %arg7[%dma_start3A_460, %dma_start3A_462, %dma_start3A_463] : memref<8x125x64xbf16, #tpu.memory_space<vmem>> -> memref<1x125x64xbf16, #tpu.memory_space<vmem>>
      %dma_start3A_465 = tpu.memref_squeeze %dma_start3A_464 : memref<1x125x64xbf16, #tpu.memory_space<vmem>> -> memref<125x64xbf16, #tpu.memory_space<vmem>>
      %dma_start3A_466 = arith.constant 0 : i32
      %dma_start3A_467 = tpu.memref_slice %arg6[%dma_start3A_461, %add3A_459, %dma_start3A_466] : memref<2x160x125xi32, #tpu.memory_space<vmem>> -> memref<1x1x125xi32, #tpu.memory_space<vmem>>
      %dma_start3A_468 = tpu.memref_squeeze %dma_start3A_467 : memref<1x1x125xi32, #tpu.memory_space<vmem>> -> memref<125xi32, #tpu.memory_space<vmem>>
      %dma_start3A_469 = arith.constant 0 : i32
      %dma_start3A_470 = arith.constant 0 : i32
      %dma_start3A_471 = tpu.memref_slice %arg8[%dma_start3A_469, %dma_start3A_470] : memref<10240x64xbf16, #tpu.memory_space<vmem_shared>> -> memref<10240x64xbf16, #tpu.memory_space<vmem_shared>>
      tpu.enqueue_indirect_dma source(%dma_start3A_465 : memref<125x64xbf16, #tpu.memory_space<vmem>>) target(%dma_start3A_471 : memref<10240x64xbf16, #tpu.memory_space<vmem_shared>>) offsets(%dma_start3A_468 : memref<125xi32, #tpu.memory_space<vmem>>) semaphore(%arg22 : memref<!tpu.dma_semaphore, #tpu.memory_space<semaphore_mem>>) {add = true}
      %dma_wait3A_472 = arith.constant 0 : i32
      %dma_wait3A_473 = arith.constant 0 : i32
      %dma_wait3A_474 = arith.constant 6 : i32
      %dma_wait3A_475 = arith.constant 0 : i32
      %dma_wait3A_476 = arith.constant 0 : i32
      %dma_wait3A_477 = tpu.memref_slice %arg7[%dma_wait3A_474, %dma_wait3A_475, %dma_wait3A_476] : memref<8x125x64xbf16, #tpu.memory_space<vmem>> -> memref<1x125x64xbf16, #tpu.memory_space<vmem>>
      %dma_wait3A_478 = tpu.memref_squeeze %dma_wait3A_477 : memref<1x125x64xbf16, #tpu.memory_space<vmem>> -> memref<125x64xbf16, #tpu.memory_space<vmem>>
      %dma_wait3A_479 = arith.constant 0 : i32
      %dma_wait3A_480 = tpu.memref_slice %arg6[%dma_wait3A_472, %dma_wait3A_473, %dma_wait3A_479] : memref<2x160x125xi32, #tpu.memory_space<vmem>> -> memref<1x1x125xi32, #tpu.memory_space<vmem>>
      %dma_wait3A_481 = tpu.memref_squeeze %dma_wait3A_480 : memref<1x1x125xi32, #tpu.memory_space<vmem>> -> memref<125xi32, #tpu.memory_space<vmem>>
      %dma_wait3A_482 = arith.constant 0 : i32
      %dma_wait3A_483 = arith.constant 0 : i32
      %dma_wait3A_484 = tpu.memref_slice %arg2[%arg0, %dma_wait3A_482, %dma_wait3A_483] : memref<2x10240x64xbf16, #tpu.memory_space<hbm>> -> memref<1x10240x64xbf16, #tpu.memory_space<hbm>>
      %dma_wait3A_485 = tpu.memref_squeeze %dma_wait3A_484 : memref<1x10240x64xbf16, #tpu.memory_space<hbm>> -> memref<10240x64xbf16, #tpu.memory_space<hbm>>
      %dma_wait3A_486 = arith.constant 0 : i32
      %dma_wait3A_487 = arith.constant 0 : i32
      %dma_wait3A_488 = tpu.memref_slice %dma_wait3A_485[%dma_wait3A_486, %dma_wait3A_487] : memref<10240x64xbf16, #tpu.memory_space<hbm>> -> memref<10240x64xbf16, #tpu.memory_space<hbm>>
      tpu.wait_indirect_dma semaphore(%arg15 : memref<!tpu.dma_semaphore, #tpu.memory_space<semaphore_mem>>) src(%dma_wait3A_488 : memref<10240x64xbf16, #tpu.memory_space<hbm>>) dst(%dma_wait3A_478 : memref<125x64xbf16, #tpu.memory_space<vmem>>)
      %add3A_489 = arith.constant 6 : i32
      %add3A_490 = arith.addi %mul3A_286, %add3A_489 : i32
      %dma_start3A_491 = arith.constant 6 : i32
      %dma_start3A_492 = arith.constant 1 : i32
      %dma_start3A_493 = arith.constant 0 : i32
      %dma_start3A_494 = arith.constant 0 : i32
      %dma_start3A_495 = tpu.memref_slice %arg7[%dma_start3A_491, %dma_start3A_493, %dma_start3A_494] : memref<8x125x64xbf16, #tpu.memory_space<vmem>> -> memref<1x125x64xbf16, #tpu.memory_space<vmem>>
      %dma_start3A_496 = tpu.memref_squeeze %dma_start3A_495 : memref<1x125x64xbf16, #tpu.memory_space<vmem>> -> memref<125x64xbf16, #tpu.memory_space<vmem>>
      %dma_start3A_497 = arith.constant 0 : i32
      %dma_start3A_498 = tpu.memref_slice %arg6[%dma_start3A_492, %add3A_490, %dma_start3A_497] : memref<2x160x125xi32, #tpu.memory_space<vmem>> -> memref<1x1x125xi32, #tpu.memory_space<vmem>>
      %dma_start3A_499 = tpu.memref_squeeze %dma_start3A_498 : memref<1x1x125xi32, #tpu.memory_space<vmem>> -> memref<125xi32, #tpu.memory_space<vmem>>
      %dma_start3A_500 = arith.constant 0 : i32
      %dma_start3A_501 = arith.constant 0 : i32
      %dma_start3A_502 = tpu.memref_slice %arg8[%dma_start3A_500, %dma_start3A_501] : memref<10240x64xbf16, #tpu.memory_space<vmem_shared>> -> memref<10240x64xbf16, #tpu.memory_space<vmem_shared>>
      tpu.enqueue_indirect_dma source(%dma_start3A_496 : memref<125x64xbf16, #tpu.memory_space<vmem>>) target(%dma_start3A_502 : memref<10240x64xbf16, #tpu.memory_space<vmem_shared>>) offsets(%dma_start3A_499 : memref<125xi32, #tpu.memory_space<vmem>>) semaphore(%arg23 : memref<!tpu.dma_semaphore, #tpu.memory_space<semaphore_mem>>) {add = true}
      %dma_wait3A_503 = arith.constant 0 : i32
      %dma_wait3A_504 = arith.constant 0 : i32
      %dma_wait3A_505 = arith.constant 7 : i32
      %dma_wait3A_506 = arith.constant 0 : i32
      %dma_wait3A_507 = arith.constant 0 : i32
      %dma_wait3A_508 = tpu.memref_slice %arg7[%dma_wait3A_505, %dma_wait3A_506, %dma_wait3A_507] : memref<8x125x64xbf16, #tpu.memory_space<vmem>> -> memref<1x125x64xbf16, #tpu.memory_space<vmem>>
      %dma_wait3A_509 = tpu.memref_squeeze %dma_wait3A_508 : memref<1x125x64xbf16, #tpu.memory_space<vmem>> -> memref<125x64xbf16, #tpu.memory_space<vmem>>
      %dma_wait3A_510 = arith.constant 0 : i32
      %dma_wait3A_511 = tpu.memref_slice %arg6[%dma_wait3A_503, %dma_wait3A_504, %dma_wait3A_510] : memref<2x160x125xi32, #tpu.memory_space<vmem>> -> memref<1x1x125xi32, #tpu.memory_space<vmem>>
      %dma_wait3A_512 = tpu.memref_squeeze %dma_wait3A_511 : memref<1x1x125xi32, #tpu.memory_space<vmem>> -> memref<125xi32, #tpu.memory_space<vmem>>
      %dma_wait3A_513 = arith.constant 0 : i32
      %dma_wait3A_514 = arith.constant 0 : i32
      %dma_wait3A_515 = tpu.memref_slice %arg2[%arg0, %dma_wait3A_513, %dma_wait3A_514] : memref<2x10240x64xbf16, #tpu.memory_space<hbm>> -> memref<1x10240x64xbf16, #tpu.memory_space<hbm>>
      %dma_wait3A_516 = tpu.memref_squeeze %dma_wait3A_515 : memref<1x10240x64xbf16, #tpu.memory_space<hbm>> -> memref<10240x64xbf16, #tpu.memory_space<hbm>>
      %dma_wait3A_517 = arith.constant 0 : i32
      %dma_wait3A_518 = arith.constant 0 : i32
      %dma_wait3A_519 = tpu.memref_slice %dma_wait3A_516[%dma_wait3A_517, %dma_wait3A_518] : memref<10240x64xbf16, #tpu.memory_space<hbm>> -> memref<10240x64xbf16, #tpu.memory_space<hbm>>
      tpu.wait_indirect_dma semaphore(%arg16 : memref<!tpu.dma_semaphore, #tpu.memory_space<semaphore_mem>>) src(%dma_wait3A_519 : memref<10240x64xbf16, #tpu.memory_space<hbm>>) dst(%dma_wait3A_509 : memref<125x64xbf16, #tpu.memory_space<vmem>>)
      %add3A_520 = arith.constant 7 : i32
      %add3A_521 = arith.addi %mul3A_286, %add3A_520 : i32
      %dma_start3A_522 = arith.constant 7 : i32
      %dma_start3A_523 = arith.constant 1 : i32
      %dma_start3A_524 = arith.constant 0 : i32
      %dma_start3A_525 = arith.constant 0 : i32
      %dma_start3A_526 = tpu.memref_slice %arg7[%dma_start3A_522, %dma_start3A_524, %dma_start3A_525] : memref<8x125x64xbf16, #tpu.memory_space<vmem>> -> memref<1x125x64xbf16, #tpu.memory_space<vmem>>
      %dma_start3A_527 = tpu.memref_squeeze %dma_start3A_526 : memref<1x125x64xbf16, #tpu.memory_space<vmem>> -> memref<125x64xbf16, #tpu.memory_space<vmem>>
      %dma_start3A_528 = arith.constant 0 : i32
      %dma_start3A_529 = tpu.memref_slice %arg6[%dma_start3A_523, %add3A_521, %dma_start3A_528] : memref<2x160x125xi32, #tpu.memory_space<vmem>> -> memref<1x1x125xi32, #tpu.memory_space<vmem>>
      %dma_start3A_530 = tpu.memref_squeeze %dma_start3A_529 : memref<1x1x125xi32, #tpu.memory_space<vmem>> -> memref<125xi32, #tpu.memory_space<vmem>>
      %dma_start3A_531 = arith.constant 0 : i32
      %dma_start3A_532 = arith.constant 0 : i32
      %dma_start3A_533 = tpu.memref_slice %arg8[%dma_start3A_531, %dma_start3A_532] : memref<10240x64xbf16, #tpu.memory_space<vmem_shared>> -> memref<10240x64xbf16, #tpu.memory_space<vmem_shared>>
      tpu.enqueue_indirect_dma source(%dma_start3A_527 : memref<125x64xbf16, #tpu.memory_space<vmem>>) target(%dma_start3A_533 : memref<10240x64xbf16, #tpu.memory_space<vmem_shared>>) offsets(%dma_start3A_530 : memref<125xi32, #tpu.memory_space<vmem>>) semaphore(%arg24 : memref<!tpu.dma_semaphore, #tpu.memory_space<semaphore_mem>>) {add = true}
      %dma_wait3A_534 = arith.constant 0 : i32
      %dma_wait3A_535 = arith.constant 1 : i32
      %dma_wait3A_536 = arith.constant 0 : i32
      %dma_wait3A_537 = arith.constant 0 : i32
      %dma_wait3A_538 = arith.constant 0 : i32
      %dma_wait3A_539 = tpu.memref_slice %arg7[%dma_wait3A_534, %dma_wait3A_537, %dma_wait3A_538] : memref<8x125x64xbf16, #tpu.memory_space<vmem>> -> memref<1x125x64xbf16, #tpu.memory_space<vmem>>
      %dma_wait3A_540 = tpu.memref_squeeze %dma_wait3A_539 : memref<1x125x64xbf16, #tpu.memory_space<vmem>> -> memref<125x64xbf16, #tpu.memory_space<vmem>>
      %dma_wait3A_541 = arith.constant 0 : i32
      %dma_wait3A_542 = tpu.memref_slice %arg6[%dma_wait3A_535, %dma_wait3A_536, %dma_wait3A_541] : memref<2x160x125xi32, #tpu.memory_space<vmem>> -> memref<1x1x125xi32, #tpu.memory_space<vmem>>
      %dma_wait3A_543 = tpu.memref_squeeze %dma_wait3A_542 : memref<1x1x125xi32, #tpu.memory_space<vmem>> -> memref<125xi32, #tpu.memory_space<vmem>>
      %dma_wait3A_544 = arith.constant 0 : i32
      %dma_wait3A_545 = arith.constant 0 : i32
      %dma_wait3A_546 = tpu.memref_slice %arg8[%dma_wait3A_544, %dma_wait3A_545] : memref<10240x64xbf16, #tpu.memory_space<vmem_shared>> -> memref<10240x64xbf16, #tpu.memory_space<vmem_shared>>
      tpu.wait_indirect_dma semaphore(%arg17 : memref<!tpu.dma_semaphore, #tpu.memory_space<semaphore_mem>>) src(%dma_wait3A_540 : memref<125x64xbf16, #tpu.memory_space<vmem>>) dst(%dma_wait3A_546 : memref<10240x64xbf16, #tpu.memory_space<vmem_shared>>)
      %add3A_547 = arith.constant 8 : i32
      %add3A_548 = arith.addi %mul3A_286, %add3A_547 : i32
      %add3A_549 = arith.constant 0 : i32
      %add3A_550 = arith.addi %add3A_548, %add3A_549 : i32
      %min3A = arith.constant 159 : i32
      %min3A_551 = arith.minsi %add3A_550, %min3A : i32
      %dma_start3A_552 = arith.constant 0 : i32
      %dma_start3A_553 = arith.constant 0 : i32
      %dma_start3A_554 = arith.constant 0 : i32
      %dma_start3A_555 = arith.constant 0 : i32
      %dma_start3A_556 = tpu.memref_slice %arg7[%dma_start3A_553, %dma_start3A_554, %dma_start3A_555] : memref<8x125x64xbf16, #tpu.memory_space<vmem>> -> memref<1x125x64xbf16, #tpu.memory_space<vmem>>
      %dma_start3A_557 = tpu.memref_squeeze %dma_start3A_556 : memref<1x125x64xbf16, #tpu.memory_space<vmem>> -> memref<125x64xbf16, #tpu.memory_space<vmem>>
      %dma_start3A_558 = arith.constant 0 : i32
      %dma_start3A_559 = tpu.memref_slice %arg6[%dma_start3A_552, %min3A_551, %dma_start3A_558] : memref<2x160x125xi32, #tpu.memory_space<vmem>> -> memref<1x1x125xi32, #tpu.memory_space<vmem>>
      %dma_start3A_560 = tpu.memref_squeeze %dma_start3A_559 : memref<1x1x125xi32, #tpu.memory_space<vmem>> -> memref<125xi32, #tpu.memory_space<vmem>>
      %dma_start3A_561 = arith.constant 0 : i32
      %dma_start3A_562 = arith.constant 0 : i32
      %dma_start3A_563 = tpu.memref_slice %arg2[%arg0, %dma_start3A_561, %dma_start3A_562] : memref<2x10240x64xbf16, #tpu.memory_space<hbm>> -> memref<1x10240x64xbf16, #tpu.memory_space<hbm>>
      %dma_start3A_564 = tpu.memref_squeeze %dma_start3A_563 : memref<1x10240x64xbf16, #tpu.memory_space<hbm>> -> memref<10240x64xbf16, #tpu.memory_space<hbm>>
      %dma_start3A_565 = arith.constant 0 : i32
      %dma_start3A_566 = arith.constant 0 : i32
      %dma_start3A_567 = tpu.memref_slice %dma_start3A_564[%dma_start3A_565, %dma_start3A_566] : memref<10240x64xbf16, #tpu.memory_space<hbm>> -> memref<10240x64xbf16, #tpu.memory_space<hbm>>
      tpu.enqueue_indirect_dma source(%dma_start3A_567 : memref<10240x64xbf16, #tpu.memory_space<hbm>>) target(%dma_start3A_557 : memref<125x64xbf16, #tpu.memory_space<vmem>>) offsets(%dma_start3A_560 : memref<125xi32, #tpu.memory_space<vmem>>) semaphore(%arg9 : memref<!tpu.dma_semaphore, #tpu.memory_space<semaphore_mem>>)
      %dma_wait3A_568 = arith.constant 1 : i32
      %dma_wait3A_569 = arith.constant 1 : i32
      %dma_wait3A_570 = arith.constant 0 : i32
      %dma_wait3A_571 = arith.constant 0 : i32
      %dma_wait3A_572 = arith.constant 0 : i32
      %dma_wait3A_573 = tpu.memref_slice %arg7[%dma_wait3A_568, %dma_wait3A_571, %dma_wait3A_572] : memref<8x125x64xbf16, #tpu.memory_space<vmem>> -> memref<1x125x64xbf16, #tpu.memory_space<vmem>>
      %dma_wait3A_574 = tpu.memref_squeeze %dma_wait3A_573 : memref<1x125x64xbf16, #tpu.memory_space<vmem>> -> memref<125x64xbf16, #tpu.memory_space<vmem>>
      %dma_wait3A_575 = arith.constant 0 : i32
      %dma_wait3A_576 = tpu.memref_slice %arg6[%dma_wait3A_569, %dma_wait3A_570, %dma_wait3A_575] : memref<2x160x125xi32, #tpu.memory_space<vmem>> -> memref<1x1x125xi32, #tpu.memory_space<vmem>>
      %dma_wait3A_577 = tpu.memref_squeeze %dma_wait3A_576 : memref<1x1x125xi32, #tpu.memory_space<vmem>> -> memref<125xi32, #tpu.memory_space<vmem>>
      %dma_wait3A_578 = arith.constant 0 : i32
      %dma_wait3A_579 = arith.constant 0 : i32
      %dma_wait3A_580 = tpu.memref_slice %arg8[%dma_wait3A_578, %dma_wait3A_579] : memref<10240x64xbf16, #tpu.memory_space<vmem_shared>> -> memref<10240x64xbf16, #tpu.memory_space<vmem_shared>>
      tpu.wait_indirect_dma semaphore(%arg18 : memref<!tpu.dma_semaphore, #tpu.memory_space<semaphore_mem>>) src(%dma_wait3A_574 : memref<125x64xbf16, #tpu.memory_space<vmem>>) dst(%dma_wait3A_580 : memref<10240x64xbf16, #tpu.memory_space<vmem_shared>>)
      %add3A_581 = arith.constant 8 : i32
      %add3A_582 = arith.addi %mul3A_286, %add3A_581 : i32
      %add3A_583 = arith.constant 1 : i32
      %add3A_584 = arith.addi %add3A_582, %add3A_583 : i32
      %min3A_585 = arith.constant 159 : i32
      %min3A_586 = arith.minsi %add3A_584, %min3A_585 : i32
      %dma_start3A_587 = arith.constant 0 : i32
      %dma_start3A_588 = arith.constant 1 : i32
      %dma_start3A_589 = arith.constant 0 : i32
      %dma_start3A_590 = arith.constant 0 : i32
      %dma_start3A_591 = tpu.memref_slice %arg7[%dma_start3A_588, %dma_start3A_589, %dma_start3A_590] : memref<8x125x64xbf16, #tpu.memory_space<vmem>> -> memref<1x125x64xbf16, #tpu.memory_space<vmem>>
      %dma_start3A_592 = tpu.memref_squeeze %dma_start3A_591 : memref<1x125x64xbf16, #tpu.memory_space<vmem>> -> memref<125x64xbf16, #tpu.memory_space<vmem>>
      %dma_start3A_593 = arith.constant 0 : i32
      %dma_start3A_594 = tpu.memref_slice %arg6[%dma_start3A_587, %min3A_586, %dma_start3A_593] : memref<2x160x125xi32, #tpu.memory_space<vmem>> -> memref<1x1x125xi32, #tpu.memory_space<vmem>>
      %dma_start3A_595 = tpu.memref_squeeze %dma_start3A_594 : memref<1x1x125xi32, #tpu.memory_space<vmem>> -> memref<125xi32, #tpu.memory_space<vmem>>
      %dma_start3A_596 = arith.constant 0 : i32
      %dma_start3A_597 = arith.constant 0 : i32
      %dma_start3A_598 = tpu.memref_slice %arg2[%arg0, %dma_start3A_596, %dma_start3A_597] : memref<2x10240x64xbf16, #tpu.memory_space<hbm>> -> memref<1x10240x64xbf16, #tpu.memory_space<hbm>>
      %dma_start3A_599 = tpu.memref_squeeze %dma_start3A_598 : memref<1x10240x64xbf16, #tpu.memory_space<hbm>> -> memref<10240x64xbf16, #tpu.memory_space<hbm>>
      %dma_start3A_600 = arith.constant 0 : i32
      %dma_start3A_601 = arith.constant 0 : i32
      %dma_start3A_602 = tpu.memref_slice %dma_start3A_599[%dma_start3A_600, %dma_start3A_601] : memref<10240x64xbf16, #tpu.memory_space<hbm>> -> memref<10240x64xbf16, #tpu.memory_space<hbm>>
      tpu.enqueue_indirect_dma source(%dma_start3A_602 : memref<10240x64xbf16, #tpu.memory_space<hbm>>) target(%dma_start3A_592 : memref<125x64xbf16, #tpu.memory_space<vmem>>) offsets(%dma_start3A_595 : memref<125xi32, #tpu.memory_space<vmem>>) semaphore(%arg10 : memref<!tpu.dma_semaphore, #tpu.memory_space<semaphore_mem>>)
      %dma_wait3A_603 = arith.constant 2 : i32
      %dma_wait3A_604 = arith.constant 1 : i32
      %dma_wait3A_605 = arith.constant 0 : i32
      %dma_wait3A_606 = arith.constant 0 : i32
      %dma_wait3A_607 = arith.constant 0 : i32
      %dma_wait3A_608 = tpu.memref_slice %arg7[%dma_wait3A_603, %dma_wait3A_606, %dma_wait3A_607] : memref<8x125x64xbf16, #tpu.memory_space<vmem>> -> memref<1x125x64xbf16, #tpu.memory_space<vmem>>
      %dma_wait3A_609 = tpu.memref_squeeze %dma_wait3A_608 : memref<1x125x64xbf16, #tpu.memory_space<vmem>> -> memref<125x64xbf16, #tpu.memory_space<vmem>>
      %dma_wait3A_610 = arith.constant 0 : i32
      %dma_wait3A_611 = tpu.memref_slice %arg6[%dma_wait3A_604, %dma_wait3A_605, %dma_wait3A_610] : memref<2x160x125xi32, #tpu.memory_space<vmem>> -> memref<1x1x125xi32, #tpu.memory_space<vmem>>
      %dma_wait3A_612 = tpu.memref_squeeze %dma_wait3A_611 : memref<1x1x125xi32, #tpu.memory_space<vmem>> -> memref<125xi32, #tpu.memory_space<vmem>>
      %dma_wait3A_613 = arith.constant 0 : i32
      %dma_wait3A_614 = arith.constant 0 : i32
      %dma_wait3A_615 = tpu.memref_slice %arg8[%dma_wait3A_613, %dma_wait3A_614] : memref<10240x64xbf16, #tpu.memory_space<vmem_shared>> -> memref<10240x64xbf16, #tpu.memory_space<vmem_shared>>
      tpu.wait_indirect_dma semaphore(%arg19 : memref<!tpu.dma_semaphore, #tpu.memory_space<semaphore_mem>>) src(%dma_wait3A_609 : memref<125x64xbf16, #tpu.memory_space<vmem>>) dst(%dma_wait3A_615 : memref<10240x64xbf16, #tpu.memory_space<vmem_shared>>)
      %add3A_616 = arith.constant 8 : i32
      %add3A_617 = arith.addi %mul3A_286, %add3A_616 : i32
      %add3A_618 = arith.constant 2 : i32
      %add3A_619 = arith.addi %add3A_617, %add3A_618 : i32
      %min3A_620 = arith.constant 159 : i32
      %min3A_621 = arith.minsi %add3A_619, %min3A_620 : i32
      %dma_start3A_622 = arith.constant 0 : i32
      %dma_start3A_623 = arith.constant 2 : i32
      %dma_start3A_624 = arith.constant 0 : i32
      %dma_start3A_625 = arith.constant 0 : i32
      %dma_start3A_626 = tpu.memref_slice %arg7[%dma_start3A_623, %dma_start3A_624, %dma_start3A_625] : memref<8x125x64xbf16, #tpu.memory_space<vmem>> -> memref<1x125x64xbf16, #tpu.memory_space<vmem>>
      %dma_start3A_627 = tpu.memref_squeeze %dma_start3A_626 : memref<1x125x64xbf16, #tpu.memory_space<vmem>> -> memref<125x64xbf16, #tpu.memory_space<vmem>>
      %dma_start3A_628 = arith.constant 0 : i32
      %dma_start3A_629 = tpu.memref_slice %arg6[%dma_start3A_622, %min3A_621, %dma_start3A_628] : memref<2x160x125xi32, #tpu.memory_space<vmem>> -> memref<1x1x125xi32, #tpu.memory_space<vmem>>
      %dma_start3A_630 = tpu.memref_squeeze %dma_start3A_629 : memref<1x1x125xi32, #tpu.memory_space<vmem>> -> memref<125xi32, #tpu.memory_space<vmem>>
      %dma_start3A_631 = arith.constant 0 : i32
      %dma_start3A_632 = arith.constant 0 : i32
      %dma_start3A_633 = tpu.memref_slice %arg2[%arg0, %dma_start3A_631, %dma_start3A_632] : memref<2x10240x64xbf16, #tpu.memory_space<hbm>> -> memref<1x10240x64xbf16, #tpu.memory_space<hbm>>
      %dma_start3A_634 = tpu.memref_squeeze %dma_start3A_633 : memref<1x10240x64xbf16, #tpu.memory_space<hbm>> -> memref<10240x64xbf16, #tpu.memory_space<hbm>>
      %dma_start3A_635 = arith.constant 0 : i32
      %dma_start3A_636 = arith.constant 0 : i32
      %dma_start3A_637 = tpu.memref_slice %dma_start3A_634[%dma_start3A_635, %dma_start3A_636] : memref<10240x64xbf16, #tpu.memory_space<hbm>> -> memref<10240x64xbf16, #tpu.memory_space<hbm>>
      tpu.enqueue_indirect_dma source(%dma_start3A_637 : memref<10240x64xbf16, #tpu.memory_space<hbm>>) target(%dma_start3A_627 : memref<125x64xbf16, #tpu.memory_space<vmem>>) offsets(%dma_start3A_630 : memref<125xi32, #tpu.memory_space<vmem>>) semaphore(%arg11 : memref<!tpu.dma_semaphore, #tpu.memory_space<semaphore_mem>>)
      %dma_wait3A_638 = arith.constant 3 : i32
      %dma_wait3A_639 = arith.constant 1 : i32
      %dma_wait3A_640 = arith.constant 0 : i32
      %dma_wait3A_641 = arith.constant 0 : i32
      %dma_wait3A_642 = arith.constant 0 : i32
      %dma_wait3A_643 = tpu.memref_slice %arg7[%dma_wait3A_638, %dma_wait3A_641, %dma_wait3A_642] : memref<8x125x64xbf16, #tpu.memory_space<vmem>> -> memref<1x125x64xbf16, #tpu.memory_space<vmem>>
      %dma_wait3A_644 = tpu.memref_squeeze %dma_wait3A_643 : memref<1x125x64xbf16, #tpu.memory_space<vmem>> -> memref<125x64xbf16, #tpu.memory_space<vmem>>
      %dma_wait3A_645 = arith.constant 0 : i32
      %dma_wait3A_646 = tpu.memref_slice %arg6[%dma_wait3A_639, %dma_wait3A_640, %dma_wait3A_645] : memref<2x160x125xi32, #tpu.memory_space<vmem>> -> memref<1x1x125xi32, #tpu.memory_space<vmem>>
      %dma_wait3A_647 = tpu.memref_squeeze %dma_wait3A_646 : memref<1x1x125xi32, #tpu.memory_space<vmem>> -> memref<125xi32, #tpu.memory_space<vmem>>
      %dma_wait3A_648 = arith.constant 0 : i32
      %dma_wait3A_649 = arith.constant 0 : i32
      %dma_wait3A_650 = tpu.memref_slice %arg8[%dma_wait3A_648, %dma_wait3A_649] : memref<10240x64xbf16, #tpu.memory_space<vmem_shared>> -> memref<10240x64xbf16, #tpu.memory_space<vmem_shared>>
      tpu.wait_indirect_dma semaphore(%arg20 : memref<!tpu.dma_semaphore, #tpu.memory_space<semaphore_mem>>) src(%dma_wait3A_644 : memref<125x64xbf16, #tpu.memory_space<vmem>>) dst(%dma_wait3A_650 : memref<10240x64xbf16, #tpu.memory_space<vmem_shared>>)
      %add3A_651 = arith.constant 8 : i32
      %add3A_652 = arith.addi %mul3A_286, %add3A_651 : i32
      %add3A_653 = arith.constant 3 : i32
      %add3A_654 = arith.addi %add3A_652, %add3A_653 : i32
      %min3A_655 = arith.constant 159 : i32
      %min3A_656 = arith.minsi %add3A_654, %min3A_655 : i32
      %dma_start3A_657 = arith.constant 0 : i32
      %dma_start3A_658 = arith.constant 3 : i32
      %dma_start3A_659 = arith.constant 0 : i32
      %dma_start3A_660 = arith.constant 0 : i32
      %dma_start3A_661 = tpu.memref_slice %arg7[%dma_start3A_658, %dma_start3A_659, %dma_start3A_660] : memref<8x125x64xbf16, #tpu.memory_space<vmem>> -> memref<1x125x64xbf16, #tpu.memory_space<vmem>>
      %dma_start3A_662 = tpu.memref_squeeze %dma_start3A_661 : memref<1x125x64xbf16, #tpu.memory_space<vmem>> -> memref<125x64xbf16, #tpu.memory_space<vmem>>
      %dma_start3A_663 = arith.constant 0 : i32
      %dma_start3A_664 = tpu.memref_slice %arg6[%dma_start3A_657, %min3A_656, %dma_start3A_663] : memref<2x160x125xi32, #tpu.memory_space<vmem>> -> memref<1x1x125xi32, #tpu.memory_space<vmem>>
      %dma_start3A_665 = tpu.memref_squeeze %dma_start3A_664 : memref<1x1x125xi32, #tpu.memory_space<vmem>> -> memref<125xi32, #tpu.memory_space<vmem>>
      %dma_start3A_666 = arith.constant 0 : i32
      %dma_start3A_667 = arith.constant 0 : i32
      %dma_start3A_668 = tpu.memref_slice %arg2[%arg0, %dma_start3A_666, %dma_start3A_667] : memref<2x10240x64xbf16, #tpu.memory_space<hbm>> -> memref<1x10240x64xbf16, #tpu.memory_space<hbm>>
      %dma_start3A_669 = tpu.memref_squeeze %dma_start3A_668 : memref<1x10240x64xbf16, #tpu.memory_space<hbm>> -> memref<10240x64xbf16, #tpu.memory_space<hbm>>
      %dma_start3A_670 = arith.constant 0 : i32
      %dma_start3A_671 = arith.constant 0 : i32
      %dma_start3A_672 = tpu.memref_slice %dma_start3A_669[%dma_start3A_670, %dma_start3A_671] : memref<10240x64xbf16, #tpu.memory_space<hbm>> -> memref<10240x64xbf16, #tpu.memory_space<hbm>>
      tpu.enqueue_indirect_dma source(%dma_start3A_672 : memref<10240x64xbf16, #tpu.memory_space<hbm>>) target(%dma_start3A_662 : memref<125x64xbf16, #tpu.memory_space<vmem>>) offsets(%dma_start3A_665 : memref<125xi32, #tpu.memory_space<vmem>>) semaphore(%arg12 : memref<!tpu.dma_semaphore, #tpu.memory_space<semaphore_mem>>)
      %dma_wait3A_673 = arith.constant 4 : i32
      %dma_wait3A_674 = arith.constant 1 : i32
      %dma_wait3A_675 = arith.constant 0 : i32
      %dma_wait3A_676 = arith.constant 0 : i32
      %dma_wait3A_677 = arith.constant 0 : i32
      %dma_wait3A_678 = tpu.memref_slice %arg7[%dma_wait3A_673, %dma_wait3A_676, %dma_wait3A_677] : memref<8x125x64xbf16, #tpu.memory_space<vmem>> -> memref<1x125x64xbf16, #tpu.memory_space<vmem>>
      %dma_wait3A_679 = tpu.memref_squeeze %dma_wait3A_678 : memref<1x125x64xbf16, #tpu.memory_space<vmem>> -> memref<125x64xbf16, #tpu.memory_space<vmem>>
      %dma_wait3A_680 = arith.constant 0 : i32
      %dma_wait3A_681 = tpu.memref_slice %arg6[%dma_wait3A_674, %dma_wait3A_675, %dma_wait3A_680] : memref<2x160x125xi32, #tpu.memory_space<vmem>> -> memref<1x1x125xi32, #tpu.memory_space<vmem>>
      %dma_wait3A_682 = tpu.memref_squeeze %dma_wait3A_681 : memref<1x1x125xi32, #tpu.memory_space<vmem>> -> memref<125xi32, #tpu.memory_space<vmem>>
      %dma_wait3A_683 = arith.constant 0 : i32
      %dma_wait3A_684 = arith.constant 0 : i32
      %dma_wait3A_685 = tpu.memref_slice %arg8[%dma_wait3A_683, %dma_wait3A_684] : memref<10240x64xbf16, #tpu.memory_space<vmem_shared>> -> memref<10240x64xbf16, #tpu.memory_space<vmem_shared>>
      tpu.wait_indirect_dma semaphore(%arg21 : memref<!tpu.dma_semaphore, #tpu.memory_space<semaphore_mem>>) src(%dma_wait3A_679 : memref<125x64xbf16, #tpu.memory_space<vmem>>) dst(%dma_wait3A_685 : memref<10240x64xbf16, #tpu.memory_space<vmem_shared>>)
      %add3A_686 = arith.constant 8 : i32
      %add3A_687 = arith.addi %mul3A_286, %add3A_686 : i32
      %add3A_688 = arith.constant 4 : i32
      %add3A_689 = arith.addi %add3A_687, %add3A_688 : i32
      %min3A_690 = arith.constant 159 : i32
      %min3A_691 = arith.minsi %add3A_689, %min3A_690 : i32
      %dma_start3A_692 = arith.constant 0 : i32
      %dma_start3A_693 = arith.constant 4 : i32
      %dma_start3A_694 = arith.constant 0 : i32
      %dma_start3A_695 = arith.constant 0 : i32
      %dma_start3A_696 = tpu.memref_slice %arg7[%dma_start3A_693, %dma_start3A_694, %dma_start3A_695] : memref<8x125x64xbf16, #tpu.memory_space<vmem>> -> memref<1x125x64xbf16, #tpu.memory_space<vmem>>
      %dma_start3A_697 = tpu.memref_squeeze %dma_start3A_696 : memref<1x125x64xbf16, #tpu.memory_space<vmem>> -> memref<125x64xbf16, #tpu.memory_space<vmem>>
      %dma_start3A_698 = arith.constant 0 : i32
      %dma_start3A_699 = tpu.memref_slice %arg6[%dma_start3A_692, %min3A_691, %dma_start3A_698] : memref<2x160x125xi32, #tpu.memory_space<vmem>> -> memref<1x1x125xi32, #tpu.memory_space<vmem>>
      %dma_start3A_700 = tpu.memref_squeeze %dma_start3A_699 : memref<1x1x125xi32, #tpu.memory_space<vmem>> -> memref<125xi32, #tpu.memory_space<vmem>>
      %dma_start3A_701 = arith.constant 0 : i32
      %dma_start3A_702 = arith.constant 0 : i32
      %dma_start3A_703 = tpu.memref_slice %arg2[%arg0, %dma_start3A_701, %dma_start3A_702] : memref<2x10240x64xbf16, #tpu.memory_space<hbm>> -> memref<1x10240x64xbf16, #tpu.memory_space<hbm>>
      %dma_start3A_704 = tpu.memref_squeeze %dma_start3A_703 : memref<1x10240x64xbf16, #tpu.memory_space<hbm>> -> memref<10240x64xbf16, #tpu.memory_space<hbm>>
      %dma_start3A_705 = arith.constant 0 : i32
      %dma_start3A_706 = arith.constant 0 : i32
      %dma_start3A_707 = tpu.memref_slice %dma_start3A_704[%dma_start3A_705, %dma_start3A_706] : memref<10240x64xbf16, #tpu.memory_space<hbm>> -> memref<10240x64xbf16, #tpu.memory_space<hbm>>
      tpu.enqueue_indirect_dma source(%dma_start3A_707 : memref<10240x64xbf16, #tpu.memory_space<hbm>>) target(%dma_start3A_697 : memref<125x64xbf16, #tpu.memory_space<vmem>>) offsets(%dma_start3A_700 : memref<125xi32, #tpu.memory_space<vmem>>) semaphore(%arg13 : memref<!tpu.dma_semaphore, #tpu.memory_space<semaphore_mem>>)
      %dma_wait3A_708 = arith.constant 5 : i32
      %dma_wait3A_709 = arith.constant 1 : i32
      %dma_wait3A_710 = arith.constant 0 : i32
      %dma_wait3A_711 = arith.constant 0 : i32
      %dma_wait3A_712 = arith.constant 0 : i32
      %dma_wait3A_713 = tpu.memref_slice %arg7[%dma_wait3A_708, %dma_wait3A_711, %dma_wait3A_712] : memref<8x125x64xbf16, #tpu.memory_space<vmem>> -> memref<1x125x64xbf16, #tpu.memory_space<vmem>>
      %dma_wait3A_714 = tpu.memref_squeeze %dma_wait3A_713 : memref<1x125x64xbf16, #tpu.memory_space<vmem>> -> memref<125x64xbf16, #tpu.memory_space<vmem>>
      %dma_wait3A_715 = arith.constant 0 : i32
      %dma_wait3A_716 = tpu.memref_slice %arg6[%dma_wait3A_709, %dma_wait3A_710, %dma_wait3A_715] : memref<2x160x125xi32, #tpu.memory_space<vmem>> -> memref<1x1x125xi32, #tpu.memory_space<vmem>>
      %dma_wait3A_717 = tpu.memref_squeeze %dma_wait3A_716 : memref<1x1x125xi32, #tpu.memory_space<vmem>> -> memref<125xi32, #tpu.memory_space<vmem>>
      %dma_wait3A_718 = arith.constant 0 : i32
      %dma_wait3A_719 = arith.constant 0 : i32
      %dma_wait3A_720 = tpu.memref_slice %arg8[%dma_wait3A_718, %dma_wait3A_719] : memref<10240x64xbf16, #tpu.memory_space<vmem_shared>> -> memref<10240x64xbf16, #tpu.memory_space<vmem_shared>>
      tpu.wait_indirect_dma semaphore(%arg22 : memref<!tpu.dma_semaphore, #tpu.memory_space<semaphore_mem>>) src(%dma_wait3A_714 : memref<125x64xbf16, #tpu.memory_space<vmem>>) dst(%dma_wait3A_720 : memref<10240x64xbf16, #tpu.memory_space<vmem_shared>>)
      %add3A_721 = arith.constant 8 : i32
      %add3A_722 = arith.addi %mul3A_286, %add3A_721 : i32
      %add3A_723 = arith.constant 5 : i32
      %add3A_724 = arith.addi %add3A_722, %add3A_723 : i32
      %min3A_725 = arith.constant 159 : i32
      %min3A_726 = arith.minsi %add3A_724, %min3A_725 : i32
      %dma_start3A_727 = arith.constant 0 : i32
      %dma_start3A_728 = arith.constant 5 : i32
      %dma_start3A_729 = arith.constant 0 : i32
      %dma_start3A_730 = arith.constant 0 : i32
      %dma_start3A_731 = tpu.memref_slice %arg7[%dma_start3A_728, %dma_start3A_729, %dma_start3A_730] : memref<8x125x64xbf16, #tpu.memory_space<vmem>> -> memref<1x125x64xbf16, #tpu.memory_space<vmem>>
      %dma_start3A_732 = tpu.memref_squeeze %dma_start3A_731 : memref<1x125x64xbf16, #tpu.memory_space<vmem>> -> memref<125x64xbf16, #tpu.memory_space<vmem>>
      %dma_start3A_733 = arith.constant 0 : i32
      %dma_start3A_734 = tpu.memref_slice %arg6[%dma_start3A_727, %min3A_726, %dma_start3A_733] : memref<2x160x125xi32, #tpu.memory_space<vmem>> -> memref<1x1x125xi32, #tpu.memory_space<vmem>>
      %dma_start3A_735 = tpu.memref_squeeze %dma_start3A_734 : memref<1x1x125xi32, #tpu.memory_space<vmem>> -> memref<125xi32, #tpu.memory_space<vmem>>
      %dma_start3A_736 = arith.constant 0 : i32
      %dma_start3A_737 = arith.constant 0 : i32
      %dma_start3A_738 = tpu.memref_slice %arg2[%arg0, %dma_start3A_736, %dma_start3A_737] : memref<2x10240x64xbf16, #tpu.memory_space<hbm>> -> memref<1x10240x64xbf16, #tpu.memory_space<hbm>>
      %dma_start3A_739 = tpu.memref_squeeze %dma_start3A_738 : memref<1x10240x64xbf16, #tpu.memory_space<hbm>> -> memref<10240x64xbf16, #tpu.memory_space<hbm>>
      %dma_start3A_740 = arith.constant 0 : i32
      %dma_start3A_741 = arith.constant 0 : i32
      %dma_start3A_742 = tpu.memref_slice %dma_start3A_739[%dma_start3A_740, %dma_start3A_741] : memref<10240x64xbf16, #tpu.memory_space<hbm>> -> memref<10240x64xbf16, #tpu.memory_space<hbm>>
      tpu.enqueue_indirect_dma source(%dma_start3A_742 : memref<10240x64xbf16, #tpu.memory_space<hbm>>) target(%dma_start3A_732 : memref<125x64xbf16, #tpu.memory_space<vmem>>) offsets(%dma_start3A_735 : memref<125xi32, #tpu.memory_space<vmem>>) semaphore(%arg14 : memref<!tpu.dma_semaphore, #tpu.memory_space<semaphore_mem>>)
      %dma_wait3A_743 = arith.constant 6 : i32
      %dma_wait3A_744 = arith.constant 1 : i32
      %dma_wait3A_745 = arith.constant 0 : i32
      %dma_wait3A_746 = arith.constant 0 : i32
      %dma_wait3A_747 = arith.constant 0 : i32
      %dma_wait3A_748 = tpu.memref_slice %arg7[%dma_wait3A_743, %dma_wait3A_746, %dma_wait3A_747] : memref<8x125x64xbf16, #tpu.memory_space<vmem>> -> memref<1x125x64xbf16, #tpu.memory_space<vmem>>
      %dma_wait3A_749 = tpu.memref_squeeze %dma_wait3A_748 : memref<1x125x64xbf16, #tpu.memory_space<vmem>> -> memref<125x64xbf16, #tpu.memory_space<vmem>>
      %dma_wait3A_750 = arith.constant 0 : i32
      %dma_wait3A_751 = tpu.memref_slice %arg6[%dma_wait3A_744, %dma_wait3A_745, %dma_wait3A_750] : memref<2x160x125xi32, #tpu.memory_space<vmem>> -> memref<1x1x125xi32, #tpu.memory_space<vmem>>
      %dma_wait3A_752 = tpu.memref_squeeze %dma_wait3A_751 : memref<1x1x125xi32, #tpu.memory_space<vmem>> -> memref<125xi32, #tpu.memory_space<vmem>>
      %dma_wait3A_753 = arith.constant 0 : i32
      %dma_wait3A_754 = arith.constant 0 : i32
      %dma_wait3A_755 = tpu.memref_slice %arg8[%dma_wait3A_753, %dma_wait3A_754] : memref<10240x64xbf16, #tpu.memory_space<vmem_shared>> -> memref<10240x64xbf16, #tpu.memory_space<vmem_shared>>
      tpu.wait_indirect_dma semaphore(%arg23 : memref<!tpu.dma_semaphore, #tpu.memory_space<semaphore_mem>>) src(%dma_wait3A_749 : memref<125x64xbf16, #tpu.memory_space<vmem>>) dst(%dma_wait3A_755 : memref<10240x64xbf16, #tpu.memory_space<vmem_shared>>)
      %add3A_756 = arith.constant 8 : i32
      %add3A_757 = arith.addi %mul3A_286, %add3A_756 : i32
      %add3A_758 = arith.constant 6 : i32
      %add3A_759 = arith.addi %add3A_757, %add3A_758 : i32
      %min3A_760 = arith.constant 159 : i32
      %min3A_761 = arith.minsi %add3A_759, %min3A_760 : i32
      %dma_start3A_762 = arith.constant 0 : i32
      %dma_start3A_763 = arith.constant 6 : i32
      %dma_start3A_764 = arith.constant 0 : i32
      %dma_start3A_765 = arith.constant 0 : i32
      %dma_start3A_766 = tpu.memref_slice %arg7[%dma_start3A_763, %dma_start3A_764, %dma_start3A_765] : memref<8x125x64xbf16, #tpu.memory_space<vmem>> -> memref<1x125x64xbf16, #tpu.memory_space<vmem>>
      %dma_start3A_767 = tpu.memref_squeeze %dma_start3A_766 : memref<1x125x64xbf16, #tpu.memory_space<vmem>> -> memref<125x64xbf16, #tpu.memory_space<vmem>>
      %dma_start3A_768 = arith.constant 0 : i32
      %dma_start3A_769 = tpu.memref_slice %arg6[%dma_start3A_762, %min3A_761, %dma_start3A_768] : memref<2x160x125xi32, #tpu.memory_space<vmem>> -> memref<1x1x125xi32, #tpu.memory_space<vmem>>
      %dma_start3A_770 = tpu.memref_squeeze %dma_start3A_769 : memref<1x1x125xi32, #tpu.memory_space<vmem>> -> memref<125xi32, #tpu.memory_space<vmem>>
      %dma_start3A_771 = arith.constant 0 : i32
      %dma_start3A_772 = arith.constant 0 : i32
      %dma_start3A_773 = tpu.memref_slice %arg2[%arg0, %dma_start3A_771, %dma_start3A_772] : memref<2x10240x64xbf16, #tpu.memory_space<hbm>> -> memref<1x10240x64xbf16, #tpu.memory_space<hbm>>
      %dma_start3A_774 = tpu.memref_squeeze %dma_start3A_773 : memref<1x10240x64xbf16, #tpu.memory_space<hbm>> -> memref<10240x64xbf16, #tpu.memory_space<hbm>>
      %dma_start3A_775 = arith.constant 0 : i32
      %dma_start3A_776 = arith.constant 0 : i32
      %dma_start3A_777 = tpu.memref_slice %dma_start3A_774[%dma_start3A_775, %dma_start3A_776] : memref<10240x64xbf16, #tpu.memory_space<hbm>> -> memref<10240x64xbf16, #tpu.memory_space<hbm>>
      tpu.enqueue_indirect_dma source(%dma_start3A_777 : memref<10240x64xbf16, #tpu.memory_space<hbm>>) target(%dma_start3A_767 : memref<125x64xbf16, #tpu.memory_space<vmem>>) offsets(%dma_start3A_770 : memref<125xi32, #tpu.memory_space<vmem>>) semaphore(%arg15 : memref<!tpu.dma_semaphore, #tpu.memory_space<semaphore_mem>>)
      %dma_wait3A_778 = arith.constant 7 : i32
      %dma_wait3A_779 = arith.constant 1 : i32
      %dma_wait3A_780 = arith.constant 0 : i32
      %dma_wait3A_781 = arith.constant 0 : i32
      %dma_wait3A_782 = arith.constant 0 : i32
      %dma_wait3A_783 = tpu.memref_slice %arg7[%dma_wait3A_778, %dma_wait3A_781, %dma_wait3A_782] : memref<8x125x64xbf16, #tpu.memory_space<vmem>> -> memref<1x125x64xbf16, #tpu.memory_space<vmem>>
      %dma_wait3A_784 = tpu.memref_squeeze %dma_wait3A_783 : memref<1x125x64xbf16, #tpu.memory_space<vmem>> -> memref<125x64xbf16, #tpu.memory_space<vmem>>
      %dma_wait3A_785 = arith.constant 0 : i32
      %dma_wait3A_786 = tpu.memref_slice %arg6[%dma_wait3A_779, %dma_wait3A_780, %dma_wait3A_785] : memref<2x160x125xi32, #tpu.memory_space<vmem>> -> memref<1x1x125xi32, #tpu.memory_space<vmem>>
      %dma_wait3A_787 = tpu.memref_squeeze %dma_wait3A_786 : memref<1x1x125xi32, #tpu.memory_space<vmem>> -> memref<125xi32, #tpu.memory_space<vmem>>
      %dma_wait3A_788 = arith.constant 0 : i32
      %dma_wait3A_789 = arith.constant 0 : i32
      %dma_wait3A_790 = tpu.memref_slice %arg8[%dma_wait3A_788, %dma_wait3A_789] : memref<10240x64xbf16, #tpu.memory_space<vmem_shared>> -> memref<10240x64xbf16, #tpu.memory_space<vmem_shared>>
      tpu.wait_indirect_dma semaphore(%arg24 : memref<!tpu.dma_semaphore, #tpu.memory_space<semaphore_mem>>) src(%dma_wait3A_784 : memref<125x64xbf16, #tpu.memory_space<vmem>>) dst(%dma_wait3A_790 : memref<10240x64xbf16, #tpu.memory_space<vmem_shared>>)
      %add3A_791 = arith.constant 8 : i32
      %add3A_792 = arith.addi %mul3A_286, %add3A_791 : i32
      %add3A_793 = arith.constant 7 : i32
      %add3A_794 = arith.addi %add3A_792, %add3A_793 : i32
      %min3A_795 = arith.constant 159 : i32
      %min3A_796 = arith.minsi %add3A_794, %min3A_795 : i32
      %dma_start3A_797 = arith.constant 0 : i32
      %dma_start3A_798 = arith.constant 7 : i32
      %dma_start3A_799 = arith.constant 0 : i32
      %dma_start3A_800 = arith.constant 0 : i32
      %dma_start3A_801 = tpu.memref_slice %arg7[%dma_start3A_798, %dma_start3A_799, %dma_start3A_800] : memref<8x125x64xbf16, #tpu.memory_space<vmem>> -> memref<1x125x64xbf16, #tpu.memory_space<vmem>>
      %dma_start3A_802 = tpu.memref_squeeze %dma_start3A_801 : memref<1x125x64xbf16, #tpu.memory_space<vmem>> -> memref<125x64xbf16, #tpu.memory_space<vmem>>
      %dma_start3A_803 = arith.constant 0 : i32
      %dma_start3A_804 = tpu.memref_slice %arg6[%dma_start3A_797, %min3A_796, %dma_start3A_803] : memref<2x160x125xi32, #tpu.memory_space<vmem>> -> memref<1x1x125xi32, #tpu.memory_space<vmem>>
      %dma_start3A_805 = tpu.memref_squeeze %dma_start3A_804 : memref<1x1x125xi32, #tpu.memory_space<vmem>> -> memref<125xi32, #tpu.memory_space<vmem>>
      %dma_start3A_806 = arith.constant 0 : i32
      %dma_start3A_807 = arith.constant 0 : i32
      %dma_start3A_808 = tpu.memref_slice %arg2[%arg0, %dma_start3A_806, %dma_start3A_807] : memref<2x10240x64xbf16, #tpu.memory_space<hbm>> -> memref<1x10240x64xbf16, #tpu.memory_space<hbm>>
      %dma_start3A_809 = tpu.memref_squeeze %dma_start3A_808 : memref<1x10240x64xbf16, #tpu.memory_space<hbm>> -> memref<10240x64xbf16, #tpu.memory_space<hbm>>
      %dma_start3A_810 = arith.constant 0 : i32
      %dma_start3A_811 = arith.constant 0 : i32
      %dma_start3A_812 = tpu.memref_slice %dma_start3A_809[%dma_start3A_810, %dma_start3A_811] : memref<10240x64xbf16, #tpu.memory_space<hbm>> -> memref<10240x64xbf16, #tpu.memory_space<hbm>>
      tpu.enqueue_indirect_dma source(%dma_start3A_812 : memref<10240x64xbf16, #tpu.memory_space<hbm>>) target(%dma_start3A_802 : memref<125x64xbf16, #tpu.memory_space<vmem>>) offsets(%dma_start3A_805 : memref<125xi32, #tpu.memory_space<vmem>>) semaphore(%arg16 : memref<!tpu.dma_semaphore, #tpu.memory_space<semaphore_mem>>)
    }
    %scan3A_143 = arith.constant 20 : i32
    %dma_wait3A = arith.constant 0 : i32
    %dma_wait3A_144 = arith.constant 0 : i32
    %dma_wait3A_145 = arith.constant 0 : i32
    %dma_wait3A_146 = arith.constant 0 : i32
    %dma_wait3A_147 = arith.constant 0 : i32
    %dma_wait3A_148 = tpu.memref_slice %arg7[%dma_wait3A_145, %dma_wait3A_146, %dma_wait3A_147] : memref<8x125x64xbf16, #tpu.memory_space<vmem>> -> memref<1x125x64xbf16, #tpu.memory_space<vmem>>
    %dma_wait3A_149 = tpu.memref_squeeze %dma_wait3A_148 : memref<1x125x64xbf16, #tpu.memory_space<vmem>> -> memref<125x64xbf16, #tpu.memory_space<vmem>>
    %dma_wait3A_150 = arith.constant 0 : i32
    %dma_wait3A_151 = tpu.memref_slice %arg6[%dma_wait3A, %dma_wait3A_144, %dma_wait3A_150] : memref<2x160x125xi32, #tpu.memory_space<vmem>> -> memref<1x1x125xi32, #tpu.memory_space<vmem>>
    %dma_wait3A_152 = tpu.memref_squeeze %dma_wait3A_151 : memref<1x1x125xi32, #tpu.memory_space<vmem>> -> memref<125xi32, #tpu.memory_space<vmem>>
    %dma_wait3A_153 = arith.constant 0 : i32
    %dma_wait3A_154 = arith.constant 0 : i32
    %dma_wait3A_155 = tpu.memref_slice %arg2[%arg0, %dma_wait3A_153, %dma_wait3A_154] : memref<2x10240x64xbf16, #tpu.memory_space<hbm>> -> memref<1x10240x64xbf16, #tpu.memory_space<hbm>>
    %dma_wait3A_156 = tpu.memref_squeeze %dma_wait3A_155 : memref<1x10240x64xbf16, #tpu.memory_space<hbm>> -> memref<10240x64xbf16, #tpu.memory_space<hbm>>
    %dma_wait3A_157 = arith.constant 0 : i32
    %dma_wait3A_158 = arith.constant 0 : i32
    %dma_wait3A_159 = tpu.memref_slice %dma_wait3A_156[%dma_wait3A_157, %dma_wait3A_158] : memref<10240x64xbf16, #tpu.memory_space<hbm>> -> memref<10240x64xbf16, #tpu.memory_space<hbm>>
    tpu.wait_indirect_dma semaphore(%arg9 : memref<!tpu.dma_semaphore, #tpu.memory_space<semaphore_mem>>) src(%dma_wait3A_159 : memref<10240x64xbf16, #tpu.memory_space<hbm>>) dst(%dma_wait3A_149 : memref<125x64xbf16, #tpu.memory_space<vmem>>)
    %dma_wait3A_160 = arith.constant 0 : i32
    %dma_wait3A_161 = arith.constant 0 : i32
    %dma_wait3A_162 = arith.constant 1 : i32
    %dma_wait3A_163 = arith.constant 0 : i32
    %dma_wait3A_164 = arith.constant 0 : i32
    %dma_wait3A_165 = tpu.memref_slice %arg7[%dma_wait3A_162, %dma_wait3A_163, %dma_wait3A_164] : memref<8x125x64xbf16, #tpu.memory_space<vmem>> -> memref<1x125x64xbf16, #tpu.memory_space<vmem>>
    %dma_wait3A_166 = tpu.memref_squeeze %dma_wait3A_165 : memref<1x125x64xbf16, #tpu.memory_space<vmem>> -> memref<125x64xbf16, #tpu.memory_space<vmem>>
    %dma_wait3A_167 = arith.constant 0 : i32
    %dma_wait3A_168 = tpu.memref_slice %arg6[%dma_wait3A_160, %dma_wait3A_161, %dma_wait3A_167] : memref<2x160x125xi32, #tpu.memory_space<vmem>> -> memref<1x1x125xi32, #tpu.memory_space<vmem>>
    %dma_wait3A_169 = tpu.memref_squeeze %dma_wait3A_168 : memref<1x1x125xi32, #tpu.memory_space<vmem>> -> memref<125xi32, #tpu.memory_space<vmem>>
    %dma_wait3A_170 = arith.constant 0 : i32
    %dma_wait3A_171 = arith.constant 0 : i32
    %dma_wait3A_172 = tpu.memref_slice %arg2[%arg0, %dma_wait3A_170, %dma_wait3A_171] : memref<2x10240x64xbf16, #tpu.memory_space<hbm>> -> memref<1x10240x64xbf16, #tpu.memory_space<hbm>>
    %dma_wait3A_173 = tpu.memref_squeeze %dma_wait3A_172 : memref<1x10240x64xbf16, #tpu.memory_space<hbm>> -> memref<10240x64xbf16, #tpu.memory_space<hbm>>
    %dma_wait3A_174 = arith.constant 0 : i32
    %dma_wait3A_175 = arith.constant 0 : i32
    %dma_wait3A_176 = tpu.memref_slice %dma_wait3A_173[%dma_wait3A_174, %dma_wait3A_175] : memref<10240x64xbf16, #tpu.memory_space<hbm>> -> memref<10240x64xbf16, #tpu.memory_space<hbm>>
    tpu.wait_indirect_dma semaphore(%arg10 : memref<!tpu.dma_semaphore, #tpu.memory_space<semaphore_mem>>) src(%dma_wait3A_176 : memref<10240x64xbf16, #tpu.memory_space<hbm>>) dst(%dma_wait3A_166 : memref<125x64xbf16, #tpu.memory_space<vmem>>)
    %dma_wait3A_177 = arith.constant 0 : i32
    %dma_wait3A_178 = arith.constant 0 : i32
    %dma_wait3A_179 = arith.constant 2 : i32
    %dma_wait3A_180 = arith.constant 0 : i32
    %dma_wait3A_181 = arith.constant 0 : i32
    %dma_wait3A_182 = tpu.memref_slice %arg7[%dma_wait3A_179, %dma_wait3A_180, %dma_wait3A_181] : memref<8x125x64xbf16, #tpu.memory_space<vmem>> -> memref<1x125x64xbf16, #tpu.memory_space<vmem>>
    %dma_wait3A_183 = tpu.memref_squeeze %dma_wait3A_182 : memref<1x125x64xbf16, #tpu.memory_space<vmem>> -> memref<125x64xbf16, #tpu.memory_space<vmem>>
    %dma_wait3A_184 = arith.constant 0 : i32
    %dma_wait3A_185 = tpu.memref_slice %arg6[%dma_wait3A_177, %dma_wait3A_178, %dma_wait3A_184] : memref<2x160x125xi32, #tpu.memory_space<vmem>> -> memref<1x1x125xi32, #tpu.memory_space<vmem>>
    %dma_wait3A_186 = tpu.memref_squeeze %dma_wait3A_185 : memref<1x1x125xi32, #tpu.memory_space<vmem>> -> memref<125xi32, #tpu.memory_space<vmem>>
    %dma_wait3A_187 = arith.constant 0 : i32
    %dma_wait3A_188 = arith.constant 0 : i32
    %dma_wait3A_189 = tpu.memref_slice %arg2[%arg0, %dma_wait3A_187, %dma_wait3A_188] : memref<2x10240x64xbf16, #tpu.memory_space<hbm>> -> memref<1x10240x64xbf16, #tpu.memory_space<hbm>>
    %dma_wait3A_190 = tpu.memref_squeeze %dma_wait3A_189 : memref<1x10240x64xbf16, #tpu.memory_space<hbm>> -> memref<10240x64xbf16, #tpu.memory_space<hbm>>
    %dma_wait3A_191 = arith.constant 0 : i32
    %dma_wait3A_192 = arith.constant 0 : i32
    %dma_wait3A_193 = tpu.memref_slice %dma_wait3A_190[%dma_wait3A_191, %dma_wait3A_192] : memref<10240x64xbf16, #tpu.memory_space<hbm>> -> memref<10240x64xbf16, #tpu.memory_space<hbm>>
    tpu.wait_indirect_dma semaphore(%arg11 : memref<!tpu.dma_semaphore, #tpu.memory_space<semaphore_mem>>) src(%dma_wait3A_193 : memref<10240x64xbf16, #tpu.memory_space<hbm>>) dst(%dma_wait3A_183 : memref<125x64xbf16, #tpu.memory_space<vmem>>)
    %dma_wait3A_194 = arith.constant 0 : i32
    %dma_wait3A_195 = arith.constant 0 : i32
    %dma_wait3A_196 = arith.constant 3 : i32
    %dma_wait3A_197 = arith.constant 0 : i32
    %dma_wait3A_198 = arith.constant 0 : i32
    %dma_wait3A_199 = tpu.memref_slice %arg7[%dma_wait3A_196, %dma_wait3A_197, %dma_wait3A_198] : memref<8x125x64xbf16, #tpu.memory_space<vmem>> -> memref<1x125x64xbf16, #tpu.memory_space<vmem>>
    %dma_wait3A_200 = tpu.memref_squeeze %dma_wait3A_199 : memref<1x125x64xbf16, #tpu.memory_space<vmem>> -> memref<125x64xbf16, #tpu.memory_space<vmem>>
    %dma_wait3A_201 = arith.constant 0 : i32
    %dma_wait3A_202 = tpu.memref_slice %arg6[%dma_wait3A_194, %dma_wait3A_195, %dma_wait3A_201] : memref<2x160x125xi32, #tpu.memory_space<vmem>> -> memref<1x1x125xi32, #tpu.memory_space<vmem>>
    %dma_wait3A_203 = tpu.memref_squeeze %dma_wait3A_202 : memref<1x1x125xi32, #tpu.memory_space<vmem>> -> memref<125xi32, #tpu.memory_space<vmem>>
    %dma_wait3A_204 = arith.constant 0 : i32
    %dma_wait3A_205 = arith.constant 0 : i32
    %dma_wait3A_206 = tpu.memref_slice %arg2[%arg0, %dma_wait3A_204, %dma_wait3A_205] : memref<2x10240x64xbf16, #tpu.memory_space<hbm>> -> memref<1x10240x64xbf16, #tpu.memory_space<hbm>>
    %dma_wait3A_207 = tpu.memref_squeeze %dma_wait3A_206 : memref<1x10240x64xbf16, #tpu.memory_space<hbm>> -> memref<10240x64xbf16, #tpu.memory_space<hbm>>
    %dma_wait3A_208 = arith.constant 0 : i32
    %dma_wait3A_209 = arith.constant 0 : i32
    %dma_wait3A_210 = tpu.memref_slice %dma_wait3A_207[%dma_wait3A_208, %dma_wait3A_209] : memref<10240x64xbf16, #tpu.memory_space<hbm>> -> memref<10240x64xbf16, #tpu.memory_space<hbm>>
    tpu.wait_indirect_dma semaphore(%arg12 : memref<!tpu.dma_semaphore, #tpu.memory_space<semaphore_mem>>) src(%dma_wait3A_210 : memref<10240x64xbf16, #tpu.memory_space<hbm>>) dst(%dma_wait3A_200 : memref<125x64xbf16, #tpu.memory_space<vmem>>)
    %dma_wait3A_211 = arith.constant 0 : i32
    %dma_wait3A_212 = arith.constant 0 : i32
    %dma_wait3A_213 = arith.constant 4 : i32
    %dma_wait3A_214 = arith.constant 0 : i32
    %dma_wait3A_215 = arith.constant 0 : i32
    %dma_wait3A_216 = tpu.memref_slice %arg7[%dma_wait3A_213, %dma_wait3A_214, %dma_wait3A_215] : memref<8x125x64xbf16, #tpu.memory_space<vmem>> -> memref<1x125x64xbf16, #tpu.memory_space<vmem>>
    %dma_wait3A_217 = tpu.memref_squeeze %dma_wait3A_216 : memref<1x125x64xbf16, #tpu.memory_space<vmem>> -> memref<125x64xbf16, #tpu.memory_space<vmem>>
    %dma_wait3A_218 = arith.constant 0 : i32
    %dma_wait3A_219 = tpu.memref_slice %arg6[%dma_wait3A_211, %dma_wait3A_212, %dma_wait3A_218] : memref<2x160x125xi32, #tpu.memory_space<vmem>> -> memref<1x1x125xi32, #tpu.memory_space<vmem>>
    %dma_wait3A_220 = tpu.memref_squeeze %dma_wait3A_219 : memref<1x1x125xi32, #tpu.memory_space<vmem>> -> memref<125xi32, #tpu.memory_space<vmem>>
    %dma_wait3A_221 = arith.constant 0 : i32
    %dma_wait3A_222 = arith.constant 0 : i32
    %dma_wait3A_223 = tpu.memref_slice %arg2[%arg0, %dma_wait3A_221, %dma_wait3A_222] : memref<2x10240x64xbf16, #tpu.memory_space<hbm>> -> memref<1x10240x64xbf16, #tpu.memory_space<hbm>>
    %dma_wait3A_224 = tpu.memref_squeeze %dma_wait3A_223 : memref<1x10240x64xbf16, #tpu.memory_space<hbm>> -> memref<10240x64xbf16, #tpu.memory_space<hbm>>
    %dma_wait3A_225 = arith.constant 0 : i32
    %dma_wait3A_226 = arith.constant 0 : i32
    %dma_wait3A_227 = tpu.memref_slice %dma_wait3A_224[%dma_wait3A_225, %dma_wait3A_226] : memref<10240x64xbf16, #tpu.memory_space<hbm>> -> memref<10240x64xbf16, #tpu.memory_space<hbm>>
    tpu.wait_indirect_dma semaphore(%arg13 : memref<!tpu.dma_semaphore, #tpu.memory_space<semaphore_mem>>) src(%dma_wait3A_227 : memref<10240x64xbf16, #tpu.memory_space<hbm>>) dst(%dma_wait3A_217 : memref<125x64xbf16, #tpu.memory_space<vmem>>)
    %dma_wait3A_228 = arith.constant 0 : i32
    %dma_wait3A_229 = arith.constant 0 : i32
    %dma_wait3A_230 = arith.constant 5 : i32
    %dma_wait3A_231 = arith.constant 0 : i32
    %dma_wait3A_232 = arith.constant 0 : i32
    %dma_wait3A_233 = tpu.memref_slice %arg7[%dma_wait3A_230, %dma_wait3A_231, %dma_wait3A_232] : memref<8x125x64xbf16, #tpu.memory_space<vmem>> -> memref<1x125x64xbf16, #tpu.memory_space<vmem>>
    %dma_wait3A_234 = tpu.memref_squeeze %dma_wait3A_233 : memref<1x125x64xbf16, #tpu.memory_space<vmem>> -> memref<125x64xbf16, #tpu.memory_space<vmem>>
    %dma_wait3A_235 = arith.constant 0 : i32
    %dma_wait3A_236 = tpu.memref_slice %arg6[%dma_wait3A_228, %dma_wait3A_229, %dma_wait3A_235] : memref<2x160x125xi32, #tpu.memory_space<vmem>> -> memref<1x1x125xi32, #tpu.memory_space<vmem>>
    %dma_wait3A_237 = tpu.memref_squeeze %dma_wait3A_236 : memref<1x1x125xi32, #tpu.memory_space<vmem>> -> memref<125xi32, #tpu.memory_space<vmem>>
    %dma_wait3A_238 = arith.constant 0 : i32
    %dma_wait3A_239 = arith.constant 0 : i32
    %dma_wait3A_240 = tpu.memref_slice %arg2[%arg0, %dma_wait3A_238, %dma_wait3A_239] : memref<2x10240x64xbf16, #tpu.memory_space<hbm>> -> memref<1x10240x64xbf16, #tpu.memory_space<hbm>>
    %dma_wait3A_241 = tpu.memref_squeeze %dma_wait3A_240 : memref<1x10240x64xbf16, #tpu.memory_space<hbm>> -> memref<10240x64xbf16, #tpu.memory_space<hbm>>
    %dma_wait3A_242 = arith.constant 0 : i32
    %dma_wait3A_243 = arith.constant 0 : i32
    %dma_wait3A_244 = tpu.memref_slice %dma_wait3A_241[%dma_wait3A_242, %dma_wait3A_243] : memref<10240x64xbf16, #tpu.memory_space<hbm>> -> memref<10240x64xbf16, #tpu.memory_space<hbm>>
    tpu.wait_indirect_dma semaphore(%arg14 : memref<!tpu.dma_semaphore, #tpu.memory_space<semaphore_mem>>) src(%dma_wait3A_244 : memref<10240x64xbf16, #tpu.memory_space<hbm>>) dst(%dma_wait3A_234 : memref<125x64xbf16, #tpu.memory_space<vmem>>)
    %dma_wait3A_245 = arith.constant 0 : i32
    %dma_wait3A_246 = arith.constant 0 : i32
    %dma_wait3A_247 = arith.constant 6 : i32
    %dma_wait3A_248 = arith.constant 0 : i32
    %dma_wait3A_249 = arith.constant 0 : i32
    %dma_wait3A_250 = tpu.memref_slice %arg7[%dma_wait3A_247, %dma_wait3A_248, %dma_wait3A_249] : memref<8x125x64xbf16, #tpu.memory_space<vmem>> -> memref<1x125x64xbf16, #tpu.memory_space<vmem>>
    %dma_wait3A_251 = tpu.memref_squeeze %dma_wait3A_250 : memref<1x125x64xbf16, #tpu.memory_space<vmem>> -> memref<125x64xbf16, #tpu.memory_space<vmem>>
    %dma_wait3A_252 = arith.constant 0 : i32
    %dma_wait3A_253 = tpu.memref_slice %arg6[%dma_wait3A_245, %dma_wait3A_246, %dma_wait3A_252] : memref<2x160x125xi32, #tpu.memory_space<vmem>> -> memref<1x1x125xi32, #tpu.memory_space<vmem>>
    %dma_wait3A_254 = tpu.memref_squeeze %dma_wait3A_253 : memref<1x1x125xi32, #tpu.memory_space<vmem>> -> memref<125xi32, #tpu.memory_space<vmem>>
    %dma_wait3A_255 = arith.constant 0 : i32
    %dma_wait3A_256 = arith.constant 0 : i32
    %dma_wait3A_257 = tpu.memref_slice %arg2[%arg0, %dma_wait3A_255, %dma_wait3A_256] : memref<2x10240x64xbf16, #tpu.memory_space<hbm>> -> memref<1x10240x64xbf16, #tpu.memory_space<hbm>>
    %dma_wait3A_258 = tpu.memref_squeeze %dma_wait3A_257 : memref<1x10240x64xbf16, #tpu.memory_space<hbm>> -> memref<10240x64xbf16, #tpu.memory_space<hbm>>
    %dma_wait3A_259 = arith.constant 0 : i32
    %dma_wait3A_260 = arith.constant 0 : i32
    %dma_wait3A_261 = tpu.memref_slice %dma_wait3A_258[%dma_wait3A_259, %dma_wait3A_260] : memref<10240x64xbf16, #tpu.memory_space<hbm>> -> memref<10240x64xbf16, #tpu.memory_space<hbm>>
    tpu.wait_indirect_dma semaphore(%arg15 : memref<!tpu.dma_semaphore, #tpu.memory_space<semaphore_mem>>) src(%dma_wait3A_261 : memref<10240x64xbf16, #tpu.memory_space<hbm>>) dst(%dma_wait3A_251 : memref<125x64xbf16, #tpu.memory_space<vmem>>)
    %dma_wait3A_262 = arith.constant 0 : i32
    %dma_wait3A_263 = arith.constant 0 : i32
    %dma_wait3A_264 = arith.constant 7 : i32
    %dma_wait3A_265 = arith.constant 0 : i32
    %dma_wait3A_266 = arith.constant 0 : i32
    %dma_wait3A_267 = tpu.memref_slice %arg7[%dma_wait3A_264, %dma_wait3A_265, %dma_wait3A_266] : memref<8x125x64xbf16, #tpu.memory_space<vmem>> -> memref<1x125x64xbf16, #tpu.memory_space<vmem>>
    %dma_wait3A_268 = tpu.memref_squeeze %dma_wait3A_267 : memref<1x125x64xbf16, #tpu.memory_space<vmem>> -> memref<125x64xbf16, #tpu.memory_space<vmem>>
    %dma_wait3A_269 = arith.constant 0 : i32
    %dma_wait3A_270 = tpu.memref_slice %arg6[%dma_wait3A_262, %dma_wait3A_263, %dma_wait3A_269] : memref<2x160x125xi32, #tpu.memory_space<vmem>> -> memref<1x1x125xi32, #tpu.memory_space<vmem>>
    %dma_wait3A_271 = tpu.memref_squeeze %dma_wait3A_270 : memref<1x1x125xi32, #tpu.memory_space<vmem>> -> memref<125xi32, #tpu.memory_space<vmem>>
    %dma_wait3A_272 = arith.constant 0 : i32
    %dma_wait3A_273 = arith.constant 0 : i32
    %dma_wait3A_274 = tpu.memref_slice %arg2[%arg0, %dma_wait3A_272, %dma_wait3A_273] : memref<2x10240x64xbf16, #tpu.memory_space<hbm>> -> memref<1x10240x64xbf16, #tpu.memory_space<hbm>>
    %dma_wait3A_275 = tpu.memref_squeeze %dma_wait3A_274 : memref<1x10240x64xbf16, #tpu.memory_space<hbm>> -> memref<10240x64xbf16, #tpu.memory_space<hbm>>
    %dma_wait3A_276 = arith.constant 0 : i32
    %dma_wait3A_277 = arith.constant 0 : i32
    %dma_wait3A_278 = tpu.memref_slice %dma_wait3A_275[%dma_wait3A_276, %dma_wait3A_277] : memref<10240x64xbf16, #tpu.memory_space<hbm>> -> memref<10240x64xbf16, #tpu.memory_space<hbm>>
    tpu.wait_indirect_dma semaphore(%arg16 : memref<!tpu.dma_semaphore, #tpu.memory_space<semaphore_mem>>) src(%dma_wait3A_278 : memref<10240x64xbf16, #tpu.memory_space<hbm>>) dst(%dma_wait3A_268 : memref<125x64xbf16, #tpu.memory_space<vmem>>)
    %barrier3A_279 = arith.constant 0 : index
    tpu.barrier barrier_id(%barrier3A_279)
    %mul3A_280 = arith.constant 640 : i32
    %mul3A_281 = arith.muli %arg1, %mul3A_280 : i32
    %mul3A_282 = arith.constant 640 : i32
    %mul3A_283 = arith.muli %arg1, %mul3A_282 : i32
    "tpu.region"() ({
      %run_scoped3A_284 = tpu.sem_alloc : memref<!tpu.dma_semaphore, #tpu.memory_space<semaphore_mem>>
      %dma_start3A_285 = arith.constant 0 : i32
      %dma_start3A_286 = tpu.memref_slice %arg5[%arg0, %mul3A_283, %dma_start3A_285] : memref<2x10240x64xbf16, #tpu.memory_space<hbm>> -> memref<1x640x64xbf16, #tpu.memory_space<hbm>>
      %dma_start3A_287 = tpu.memref_squeeze %dma_start3A_286 : memref<1x640x64xbf16, #tpu.memory_space<hbm>> -> memref<640x64xbf16, #tpu.memory_space<hbm>>
      %dma_start3A_288 = arith.constant 0 : i32
      %dma_start3A_289 = tpu.memref_slice %arg8[%mul3A_281, %dma_start3A_288] : memref<10240x64xbf16, #tpu.memory_space<vmem_shared>> -> memref<640x64xbf16, #tpu.memory_space<vmem_shared>>
      tpu.enqueue_dma source(%dma_start3A_289 : memref<640x64xbf16, #tpu.memory_space<vmem_shared>>) target(%dma_start3A_287 : memref<640x64xbf16, #tpu.memory_space<hbm>>) target_semaphore(%run_scoped3A_284 : memref<!tpu.dma_semaphore, #tpu.memory_space<semaphore_mem>>)
      %dma_wait3A_290 = arith.constant 0 : i32
      %dma_wait3A_291 = tpu.memref_slice %arg5[%arg0, %mul3A_283, %dma_wait3A_290] : memref<2x10240x64xbf16, #tpu.memory_space<hbm>> -> memref<1x640x64xbf16, #tpu.memory_space<hbm>>
      %dma_wait3A_292 = tpu.memref_squeeze %dma_wait3A_291 : memref<1x640x64xbf16, #tpu.memory_space<hbm>> -> memref<640x64xbf16, #tpu.memory_space<hbm>>
      %dma_wait3A_293 = arith.constant 0 : i32
      %dma_wait3A_294 = tpu.memref_slice %arg8[%mul3A_281, %dma_wait3A_293] : memref<10240x64xbf16, #tpu.memory_space<vmem_shared>> -> memref<640x64xbf16, #tpu.memory_space<vmem_shared>>
      tpu.wait_dma2 semaphore(%run_scoped3A_284 : memref<!tpu.dma_semaphore, #tpu.memory_space<semaphore_mem>>) src(%dma_wait3A_294 : memref<640x64xbf16, #tpu.memory_space<vmem_shared>>) dst(%dma_wait3A_292 : memref<640x64xbf16, #tpu.memory_space<hbm>>)
      tpu.yield
    }) : () -> ()
    return
  }
}

#map = affine_map<(d0, d1) -> (0, 0, 0)>
#map1 = affine_map<(d0, d1) -> (0, 0, 0, 0)>
#map2 = affine_map<(d0, d1) -> (0, 0)>
module attributes {stable_mosaic.version = 14 : i64} {
  func.func @_scatter_kernel(%arg0: i32, %arg1: i32, %arg2: memref<2x10240x64xbf16, #tpu.memory_space<hbm>>, %arg3: memref<2x16x160x125xi32, #tpu.memory_space<hbm>>, %arg4: memref<640x64xbf16, #tpu.memory_space<hbm>>, %arg5: memref<2x10240x64xbf16, #tpu.memory_space<hbm>>, %arg6: memref<2x160x125xi32, #tpu.memory_space<vmem>>, %arg7: memref<8x125x64xbf16, #tpu.memory_space<vmem>>, %arg8: memref<10240x64xbf16, #tpu.memory_space<vmem_shared>>, %arg9: memref<!tpu.dma_semaphore, #tpu.memory_space<semaphore_mem>>, %arg10: memref<!tpu.dma_semaphore, #tpu.memory_space<semaphore_mem>>, %arg11: memref<!tpu.dma_semaphore, #tpu.memory_space<semaphore_mem>>, %arg12: memref<!tpu.dma_semaphore, #tpu.memory_space<semaphore_mem>>, %arg13: memref<!tpu.dma_semaphore, #tpu.memory_space<semaphore_mem>>, %arg14: memref<!tpu.dma_semaphore, #tpu.memory_space<semaphore_mem>>, %arg15: memref<!tpu.dma_semaphore, #tpu.memory_space<semaphore_mem>>, %arg16: memref<!tpu.dma_semaphore, #tpu.memory_space<semaphore_mem>>, %arg17: memref<!tpu.dma_semaphore, #tpu.memory_space<semaphore_mem>>, %arg18: memref<!tpu.dma_semaphore, #tpu.memory_space<semaphore_mem>>, %arg19: memref<!tpu.dma_semaphore, #tpu.memory_space<semaphore_mem>>, %arg20: memref<!tpu.dma_semaphore, #tpu.memory_space<semaphore_mem>>, %arg21: memref<!tpu.dma_semaphore, #tpu.memory_space<semaphore_mem>>, %arg22: memref<!tpu.dma_semaphore, #tpu.memory_space<semaphore_mem>>, %arg23: memref<!tpu.dma_semaphore, #tpu.memory_space<semaphore_mem>>, %arg24: memref<!tpu.dma_semaphore, #tpu.memory_space<semaphore_mem>>) attributes {dimension_semantics = [#tpu.dimension_semantics<core_parallel>, #tpu.dimension_semantics<subcore_parallel>], iteration_bounds = array<i64: 2, 16>, scalar_prefetch = 0 : i64, scratch_operands = 19 : i64, tpu.core_type = #tpu.core_type<sc_vector_subcore>, window_params = [{transform_indices = #map}, {transform_indices = #map1}, {transform_indices = #map2}, {transform_indices = #map}]} {
    %run_scoped3A = arith.constant 0 : i32
    %run_scoped3A_0 = arith.constant 0 : i32
    "tpu.region"() ({
      %run_scoped3A_284 = tpu.sem_alloc : memref<!tpu.dma_semaphore, #tpu.memory_space<semaphore_mem>>
      %dma_start3A_285 = arith.constant 0 : i32
      %dma_start3A_286 = arith.constant 0 : i32
      %dma_start3A_287 = tpu.memref_slice %arg6[%run_scoped3A_0, %dma_start3A_285, %dma_start3A_286] : memref<2x160x125xi32, #tpu.memory_space<vmem>> -> memref<1x160x125xi32, #tpu.memory_space<vmem>>
      %dma_start3A_288 = tpu.memref_squeeze %dma_start3A_287 : memref<1x160x125xi32, #tpu.memory_space<vmem>> -> memref<160x125xi32, #tpu.memory_space<vmem>>
      %dma_start3A_289 = arith.constant 0 : i32
      %dma_start3A_290 = arith.constant 0 : i32
      %dma_start3A_291 = tpu.memref_slice %arg3[%run_scoped3A, %arg1, %dma_start3A_289, %dma_start3A_290] : memref<2x16x160x125xi32, #tpu.memory_space<hbm>> -> memref<1x1x160x125xi32, #tpu.memory_space<hbm>>
      %dma_start3A_292 = tpu.memref_squeeze %dma_start3A_291 : memref<1x1x160x125xi32, #tpu.memory_space<hbm>> -> memref<160x125xi32, #tpu.memory_space<hbm>>
      %dma_start3A_293 = arith.constant 0 : i32
      %dma_start3A_294 = arith.constant 0 : i32
      %dma_start3A_295 = tpu.memref_slice %arg6[%run_scoped3A_0, %dma_start3A_293, %dma_start3A_294] : memref<2x160x125xi32, #tpu.memory_space<vmem>> -> memref<1x160x125xi32, #tpu.memory_space<vmem>>
      %dma_start3A_296 = tpu.memref_squeeze %dma_start3A_295 : memref<1x160x125xi32, #tpu.memory_space<vmem>> -> memref<160x125xi32, #tpu.memory_space<vmem>>
      %dma_start3A_297 = arith.constant 0 : i32
      %dma_start3A_298 = arith.constant 0 : i32
      %dma_start3A_299 = tpu.memref_slice %arg3[%run_scoped3A, %arg1, %dma_start3A_297, %dma_start3A_298] : memref<2x16x160x125xi32, #tpu.memory_space<hbm>> -> memref<1x1x160x125xi32, #tpu.memory_space<hbm>>
      %dma_start3A_300 = tpu.memref_squeeze %dma_start3A_299 : memref<1x1x160x125xi32, #tpu.memory_space<hbm>> -> memref<160x125xi32, #tpu.memory_space<hbm>>
      tpu.enqueue_dma source(%dma_start3A_300 : memref<160x125xi32, #tpu.memory_space<hbm>>) target(%dma_start3A_296 : memref<160x125xi32, #tpu.memory_space<vmem>>) target_semaphore(%run_scoped3A_284 : memref<!tpu.dma_semaphore, #tpu.memory_space<semaphore_mem>>)
      %dma_wait3A_301 = arith.constant 0 : i32
      %dma_wait3A_302 = arith.constant 0 : i32
      %dma_wait3A_303 = tpu.memref_slice %arg6[%run_scoped3A_0, %dma_wait3A_301, %dma_wait3A_302] : memref<2x160x125xi32, #tpu.memory_space<vmem>> -> memref<1x160x125xi32, #tpu.memory_space<vmem>>
      %dma_wait3A_304 = tpu.memref_squeeze %dma_wait3A_303 : memref<1x160x125xi32, #tpu.memory_space<vmem>> -> memref<160x125xi32, #tpu.memory_space<vmem>>
      %dma_wait3A_305 = arith.constant 0 : i32
      %dma_wait3A_306 = arith.constant 0 : i32
      %dma_wait3A_307 = tpu.memref_slice %arg3[%run_scoped3A, %arg1, %dma_wait3A_305, %dma_wait3A_306] : memref<2x16x160x125xi32, #tpu.memory_space<hbm>> -> memref<1x1x160x125xi32, #tpu.memory_space<hbm>>
      %dma_wait3A_308 = tpu.memref_squeeze %dma_wait3A_307 : memref<1x1x160x125xi32, #tpu.memory_space<hbm>> -> memref<160x125xi32, #tpu.memory_space<hbm>>
      %dma_wait3A_309 = arith.constant 0 : i32
      %dma_wait3A_310 = arith.constant 0 : i32
      %dma_wait3A_311 = tpu.memref_slice %arg6[%run_scoped3A_0, %dma_wait3A_309, %dma_wait3A_310] : memref<2x160x125xi32, #tpu.memory_space<vmem>> -> memref<1x160x125xi32, #tpu.memory_space<vmem>>
      %dma_wait3A_312 = tpu.memref_squeeze %dma_wait3A_311 : memref<1x160x125xi32, #tpu.memory_space<vmem>> -> memref<160x125xi32, #tpu.memory_space<vmem>>
      %dma_wait3A_313 = arith.constant 0 : i32
      %dma_wait3A_314 = arith.constant 0 : i32
      %dma_wait3A_315 = tpu.memref_slice %arg3[%run_scoped3A, %arg1, %dma_wait3A_313, %dma_wait3A_314] : memref<2x16x160x125xi32, #tpu.memory_space<hbm>> -> memref<1x1x160x125xi32, #tpu.memory_space<hbm>>
      %dma_wait3A_316 = tpu.memref_squeeze %dma_wait3A_315 : memref<1x1x160x125xi32, #tpu.memory_space<hbm>> -> memref<160x125xi32, #tpu.memory_space<hbm>>
      tpu.wait_dma2 semaphore(%run_scoped3A_284 : memref<!tpu.dma_semaphore, #tpu.memory_space<semaphore_mem>>) src(%dma_wait3A_316 : memref<160x125xi32, #tpu.memory_space<hbm>>) dst(%dma_wait3A_312 : memref<160x125xi32, #tpu.memory_space<vmem>>)
      tpu.yield
    }) : () -> ()
    %run_scoped3A_1 = arith.constant 1 : i32
    %run_scoped3A_2 = arith.constant 1 : i32
    "tpu.region"() ({
      %run_scoped3A_284 = tpu.sem_alloc : memref<!tpu.dma_semaphore, #tpu.memory_space<semaphore_mem>>
      %dma_start3A_285 = arith.constant 0 : i32
      %dma_start3A_286 = arith.constant 0 : i32
      %dma_start3A_287 = tpu.memref_slice %arg6[%run_scoped3A_2, %dma_start3A_285, %dma_start3A_286] : memref<2x160x125xi32, #tpu.memory_space<vmem>> -> memref<1x160x125xi32, #tpu.memory_space<vmem>>
      %dma_start3A_288 = tpu.memref_squeeze %dma_start3A_287 : memref<1x160x125xi32, #tpu.memory_space<vmem>> -> memref<160x125xi32, #tpu.memory_space<vmem>>
      %dma_start3A_289 = arith.constant 0 : i32
      %dma_start3A_290 = arith.constant 0 : i32
      %dma_start3A_291 = tpu.memref_slice %arg3[%run_scoped3A_1, %arg1, %dma_start3A_289, %dma_start3A_290] : memref<2x16x160x125xi32, #tpu.memory_space<hbm>> -> memref<1x1x160x125xi32, #tpu.memory_space<hbm>>
      %dma_start3A_292 = tpu.memref_squeeze %dma_start3A_291 : memref<1x1x160x125xi32, #tpu.memory_space<hbm>> -> memref<160x125xi32, #tpu.memory_space<hbm>>
      %dma_start3A_293 = arith.constant 0 : i32
      %dma_start3A_294 = arith.constant 0 : i32
      %dma_start3A_295 = tpu.memref_slice %arg6[%run_scoped3A_2, %dma_start3A_293, %dma_start3A_294] : memref<2x160x125xi32, #tpu.memory_space<vmem>> -> memref<1x160x125xi32, #tpu.memory_space<vmem>>
      %dma_start3A_296 = tpu.memref_squeeze %dma_start3A_295 : memref<1x160x125xi32, #tpu.memory_space<vmem>> -> memref<160x125xi32, #tpu.memory_space<vmem>>
      %dma_start3A_297 = arith.constant 0 : i32
      %dma_start3A_298 = arith.constant 0 : i32
      %dma_start3A_299 = tpu.memref_slice %arg3[%run_scoped3A_1, %arg1, %dma_start3A_297, %dma_start3A_298] : memref<2x16x160x125xi32, #tpu.memory_space<hbm>> -> memref<1x1x160x125xi32, #tpu.memory_space<hbm>>
      %dma_start3A_300 = tpu.memref_squeeze %dma_start3A_299 : memref<1x1x160x125xi32, #tpu.memory_space<hbm>> -> memref<160x125xi32, #tpu.memory_space<hbm>>
      tpu.enqueue_dma source(%dma_start3A_300 : memref<160x125xi32, #tpu.memory_space<hbm>>) target(%dma_start3A_296 : memref<160x125xi32, #tpu.memory_space<vmem>>) target_semaphore(%run_scoped3A_284 : memref<!tpu.dma_semaphore, #tpu.memory_space<semaphore_mem>>)
      %dma_wait3A_301 = arith.constant 0 : i32
      %dma_wait3A_302 = arith.constant 0 : i32
      %dma_wait3A_303 = tpu.memref_slice %arg6[%run_scoped3A_2, %dma_wait3A_301, %dma_wait3A_302] : memref<2x160x125xi32, #tpu.memory_space<vmem>> -> memref<1x160x125xi32, #tpu.memory_space<vmem>>
      %dma_wait3A_304 = tpu.memref_squeeze %dma_wait3A_303 : memref<1x160x125xi32, #tpu.memory_space<vmem>> -> memref<160x125xi32, #tpu.memory_space<vmem>>
      %dma_wait3A_305 = arith.constant 0 : i32
      %dma_wait3A_306 = arith.constant 0 : i32
      %dma_wait3A_307 = tpu.memref_slice %arg3[%run_scoped3A_1, %arg1, %dma_wait3A_305, %dma_wait3A_306] : memref<2x16x160x125xi32, #tpu.memory_space<hbm>> -> memref<1x1x160x125xi32, #tpu.memory_space<hbm>>
      %dma_wait3A_308 = tpu.memref_squeeze %dma_wait3A_307 : memref<1x1x160x125xi32, #tpu.memory_space<hbm>> -> memref<160x125xi32, #tpu.memory_space<hbm>>
      %dma_wait3A_309 = arith.constant 0 : i32
      %dma_wait3A_310 = arith.constant 0 : i32
      %dma_wait3A_311 = tpu.memref_slice %arg6[%run_scoped3A_2, %dma_wait3A_309, %dma_wait3A_310] : memref<2x160x125xi32, #tpu.memory_space<vmem>> -> memref<1x160x125xi32, #tpu.memory_space<vmem>>
      %dma_wait3A_312 = tpu.memref_squeeze %dma_wait3A_311 : memref<1x160x125xi32, #tpu.memory_space<vmem>> -> memref<160x125xi32, #tpu.memory_space<vmem>>
      %dma_wait3A_313 = arith.constant 0 : i32
      %dma_wait3A_314 = arith.constant 0 : i32
      %dma_wait3A_315 = tpu.memref_slice %arg3[%run_scoped3A_1, %arg1, %dma_wait3A_313, %dma_wait3A_314] : memref<2x16x160x125xi32, #tpu.memory_space<hbm>> -> memref<1x1x160x125xi32, #tpu.memory_space<hbm>>
      %dma_wait3A_316 = tpu.memref_squeeze %dma_wait3A_315 : memref<1x1x160x125xi32, #tpu.memory_space<hbm>> -> memref<160x125xi32, #tpu.memory_space<hbm>>
      tpu.wait_dma2 semaphore(%run_scoped3A_284 : memref<!tpu.dma_semaphore, #tpu.memory_space<semaphore_mem>>) src(%dma_wait3A_316 : memref<160x125xi32, #tpu.memory_space<hbm>>) dst(%dma_wait3A_312 : memref<160x125xi32, #tpu.memory_space<vmem>>)
      tpu.yield
    }) : () -> ()
    %mul3A = arith.constant 640 : i32
    %mul3A_3 = arith.muli %arg1, %mul3A : i32
    "tpu.region"() ({
      %run_scoped3A_284 = tpu.sem_alloc : memref<!tpu.dma_semaphore, #tpu.memory_space<semaphore_mem>>
      %dma_start3A_285 = arith.constant 0 : i32
      %dma_start3A_286 = tpu.memref_slice %arg8[%mul3A_3, %dma_start3A_285] : memref<10240x64xbf16, #tpu.memory_space<vmem_shared>> -> memref<640x64xbf16, #tpu.memory_space<vmem_shared>>
      tpu.enqueue_dma source(%arg4 : memref<640x64xbf16, #tpu.memory_space<hbm>>) target(%dma_start3A_286 : memref<640x64xbf16, #tpu.memory_space<vmem_shared>>) target_semaphore(%run_scoped3A_284 : memref<!tpu.dma_semaphore, #tpu.memory_space<semaphore_mem>>)
      %dma_wait3A_287 = arith.constant 0 : i32
      %dma_wait3A_288 = tpu.memref_slice %arg8[%mul3A_3, %dma_wait3A_287] : memref<10240x64xbf16, #tpu.memory_space<vmem_shared>> -> memref<640x64xbf16, #tpu.memory_space<vmem_shared>>
      tpu.wait_dma2 semaphore(%run_scoped3A_284 : memref<!tpu.dma_semaphore, #tpu.memory_space<semaphore_mem>>) src(%arg4 : memref<640x64xbf16, #tpu.memory_space<hbm>>) dst(%dma_wait3A_288 : memref<640x64xbf16, #tpu.memory_space<vmem_shared>>)
      tpu.yield
    }) : () -> ()
    %barrier3A = arith.constant 0 : index
    tpu.barrier barrier_id(%barrier3A)
    %dma_start3A = arith.constant 0 : i32
    %dma_start3A_4 = arith.constant 0 : i32
    %dma_start3A_5 = arith.constant 0 : i32
    %dma_start3A_6 = arith.constant 0 : i32
    %dma_start3A_7 = arith.constant 0 : i32
    %dma_start3A_8 = tpu.memref_slice %arg7[%dma_start3A_5, %dma_start3A_6, %dma_start3A_7] : memref<8x125x64xbf16, #tpu.memory_space<vmem>> -> memref<1x125x64xbf16, #tpu.memory_space<vmem>>
    %dma_start3A_9 = tpu.memref_squeeze %dma_start3A_8 : memref<1x125x64xbf16, #tpu.memory_space<vmem>> -> memref<125x64xbf16, #tpu.memory_space<vmem>>
    %dma_start3A_10 = arith.constant 0 : i32
    %dma_start3A_11 = tpu.memref_slice %arg6[%dma_start3A, %dma_start3A_4, %dma_start3A_10] : memref<2x160x125xi32, #tpu.memory_space<vmem>> -> memref<1x1x125xi32, #tpu.memory_space<vmem>>
    %dma_start3A_12 = tpu.memref_squeeze %dma_start3A_11 : memref<1x1x125xi32, #tpu.memory_space<vmem>> -> memref<125xi32, #tpu.memory_space<vmem>>
    %dma_start3A_13 = arith.constant 0 : i32
    %dma_start3A_14 = arith.constant 0 : i32
    %dma_start3A_15 = tpu.memref_slice %arg2[%arg0, %dma_start3A_13, %dma_start3A_14] : memref<2x10240x64xbf16, #tpu.memory_space<hbm>> -> memref<1x10240x64xbf16, #tpu.memory_space<hbm>>
    %dma_start3A_16 = tpu.memref_squeeze %dma_start3A_15 : memref<1x10240x64xbf16, #tpu.memory_space<hbm>> -> memref<10240x64xbf16, #tpu.memory_space<hbm>>
    %dma_start3A_17 = arith.constant 0 : i32
    %dma_start3A_18 = arith.constant 0 : i32
    %dma_start3A_19 = tpu.memref_slice %dma_start3A_16[%dma_start3A_17, %dma_start3A_18] : memref<10240x64xbf16, #tpu.memory_space<hbm>> -> memref<10240x64xbf16, #tpu.memory_space<hbm>>
    tpu.enqueue_indirect_dma source(%dma_start3A_19 : memref<10240x64xbf16, #tpu.memory_space<hbm>>) target(%dma_start3A_9 : memref<125x64xbf16, #tpu.memory_space<vmem>>) offsets(%dma_start3A_12 : memref<125xi32, #tpu.memory_space<vmem>>) semaphore(%arg9 : memref<!tpu.dma_semaphore, #tpu.memory_space<semaphore_mem>>)
    %dma_start3A_20 = arith.constant 0 : i32
    %dma_start3A_21 = arith.constant 1 : i32
    %dma_start3A_22 = arith.constant 1 : i32
    %dma_start3A_23 = arith.constant 0 : i32
    %dma_start3A_24 = arith.constant 0 : i32
    %dma_start3A_25 = tpu.memref_slice %arg7[%dma_start3A_22, %dma_start3A_23, %dma_start3A_24] : memref<8x125x64xbf16, #tpu.memory_space<vmem>> -> memref<1x125x64xbf16, #tpu.memory_space<vmem>>
    %dma_start3A_26 = tpu.memref_squeeze %dma_start3A_25 : memref<1x125x64xbf16, #tpu.memory_space<vmem>> -> memref<125x64xbf16, #tpu.memory_space<vmem>>
    %dma_start3A_27 = arith.constant 0 : i32
    %dma_start3A_28 = tpu.memref_slice %arg6[%dma_start3A_20, %dma_start3A_21, %dma_start3A_27] : memref<2x160x125xi32, #tpu.memory_space<vmem>> -> memref<1x1x125xi32, #tpu.memory_space<vmem>>
    %dma_start3A_29 = tpu.memref_squeeze %dma_start3A_28 : memref<1x1x125xi32, #tpu.memory_space<vmem>> -> memref<125xi32, #tpu.memory_space<vmem>>
    %dma_start3A_30 = arith.constant 0 : i32
    %dma_start3A_31 = arith.constant 0 : i32
    %dma_start3A_32 = tpu.memref_slice %arg2[%arg0, %dma_start3A_30, %dma_start3A_31] : memref<2x10240x64xbf16, #tpu.memory_space<hbm>> -> memref<1x10240x64xbf16, #tpu.memory_space<hbm>>
    %dma_start3A_33 = tpu.memref_squeeze %dma_start3A_32 : memref<1x10240x64xbf16, #tpu.memory_space<hbm>> -> memref<10240x64xbf16, #tpu.memory_space<hbm>>
    %dma_start3A_34 = arith.constant 0 : i32
    %dma_start3A_35 = arith.constant 0 : i32
    %dma_start3A_36 = tpu.memref_slice %dma_start3A_33[%dma_start3A_34, %dma_start3A_35] : memref<10240x64xbf16, #tpu.memory_space<hbm>> -> memref<10240x64xbf16, #tpu.memory_space<hbm>>
    tpu.enqueue_indirect_dma source(%dma_start3A_36 : memref<10240x64xbf16, #tpu.memory_space<hbm>>) target(%dma_start3A_26 : memref<125x64xbf16, #tpu.memory_space<vmem>>) offsets(%dma_start3A_29 : memref<125xi32, #tpu.memory_space<vmem>>) semaphore(%arg10 : memref<!tpu.dma_semaphore, #tpu.memory_space<semaphore_mem>>)
    %dma_start3A_37 = arith.constant 0 : i32
    %dma_start3A_38 = arith.constant 2 : i32
    %dma_start3A_39 = arith.constant 2 : i32
    %dma_start3A_40 = arith.constant 0 : i32
    %dma_start3A_41 = arith.constant 0 : i32
    %dma_start3A_42 = tpu.memref_slice %arg7[%dma_start3A_39, %dma_start3A_40, %dma_start3A_41] : memref<8x125x64xbf16, #tpu.memory_space<vmem>> -> memref<1x125x64xbf16, #tpu.memory_space<vmem>>
    %dma_start3A_43 = tpu.memref_squeeze %dma_start3A_42 : memref<1x125x64xbf16, #tpu.memory_space<vmem>> -> memref<125x64xbf16, #tpu.memory_space<vmem>>
    %dma_start3A_44 = arith.constant 0 : i32
    %dma_start3A_45 = tpu.memref_slice %arg6[%dma_start3A_37, %dma_start3A_38, %dma_start3A_44] : memref<2x160x125xi32, #tpu.memory_space<vmem>> -> memref<1x1x125xi32, #tpu.memory_space<vmem>>
    %dma_start3A_46 = tpu.memref_squeeze %dma_start3A_45 : memref<1x1x125xi32, #tpu.memory_space<vmem>> -> memref<125xi32, #tpu.memory_space<vmem>>
    %dma_start3A_47 = arith.constant 0 : i32
    %dma_start3A_48 = arith.constant 0 : i32
    %dma_start3A_49 = tpu.memref_slice %arg2[%arg0, %dma_start3A_47, %dma_start3A_48] : memref<2x10240x64xbf16, #tpu.memory_space<hbm>> -> memref<1x10240x64xbf16, #tpu.memory_space<hbm>>
    %dma_start3A_50 = tpu.memref_squeeze %dma_start3A_49 : memref<1x10240x64xbf16, #tpu.memory_space<hbm>> -> memref<10240x64xbf16, #tpu.memory_space<hbm>>
    %dma_start3A_51 = arith.constant 0 : i32
    %dma_start3A_52 = arith.constant 0 : i32
    %dma_start3A_53 = tpu.memref_slice %dma_start3A_50[%dma_start3A_51, %dma_start3A_52] : memref<10240x64xbf16, #tpu.memory_space<hbm>> -> memref<10240x64xbf16, #tpu.memory_space<hbm>>
    tpu.enqueue_indirect_dma source(%dma_start3A_53 : memref<10240x64xbf16, #tpu.memory_space<hbm>>) target(%dma_start3A_43 : memref<125x64xbf16, #tpu.memory_space<vmem>>) offsets(%dma_start3A_46 : memref<125xi32, #tpu.memory_space<vmem>>) semaphore(%arg11 : memref<!tpu.dma_semaphore, #tpu.memory_space<semaphore_mem>>)
    %dma_start3A_54 = arith.constant 0 : i32
    %dma_start3A_55 = arith.constant 3 : i32
    %dma_start3A_56 = arith.constant 3 : i32
    %dma_start3A_57 = arith.constant 0 : i32
    %dma_start3A_58 = arith.constant 0 : i32
    %dma_start3A_59 = tpu.memref_slice %arg7[%dma_start3A_56, %dma_start3A_57, %dma_start3A_58] : memref<8x125x64xbf16, #tpu.memory_space<vmem>> -> memref<1x125x64xbf16, #tpu.memory_space<vmem>>
    %dma_start3A_60 = tpu.memref_squeeze %dma_start3A_59 : memref<1x125x64xbf16, #tpu.memory_space<vmem>> -> memref<125x64xbf16, #tpu.memory_space<vmem>>
    %dma_start3A_61 = arith.constant 0 : i32
    %dma_start3A_62 = tpu.memref_slice %arg6[%dma_start3A_54, %dma_start3A_55, %dma_start3A_61] : memref<2x160x125xi32, #tpu.memory_space<vmem>> -> memref<1x1x125xi32, #tpu.memory_space<vmem>>
    %dma_start3A_63 = tpu.memref_squeeze %dma_start3A_62 : memref<1x1x125xi32, #tpu.memory_space<vmem>> -> memref<125xi32, #tpu.memory_space<vmem>>
    %dma_start3A_64 = arith.constant 0 : i32
    %dma_start3A_65 = arith.constant 0 : i32
    %dma_start3A_66 = tpu.memref_slice %arg2[%arg0, %dma_start3A_64, %dma_start3A_65] : memref<2x10240x64xbf16, #tpu.memory_space<hbm>> -> memref<1x10240x64xbf16, #tpu.memory_space<hbm>>
    %dma_start3A_67 = tpu.memref_squeeze %dma_start3A_66 : memref<1x10240x64xbf16, #tpu.memory_space<hbm>> -> memref<10240x64xbf16, #tpu.memory_space<hbm>>
    %dma_start3A_68 = arith.constant 0 : i32
    %dma_start3A_69 = arith.constant 0 : i32
    %dma_start3A_70 = tpu.memref_slice %dma_start3A_67[%dma_start3A_68, %dma_start3A_69] : memref<10240x64xbf16, #tpu.memory_space<hbm>> -> memref<10240x64xbf16, #tpu.memory_space<hbm>>
    tpu.enqueue_indirect_dma source(%dma_start3A_70 : memref<10240x64xbf16, #tpu.memory_space<hbm>>) target(%dma_start3A_60 : memref<125x64xbf16, #tpu.memory_space<vmem>>) offsets(%dma_start3A_63 : memref<125xi32, #tpu.memory_space<vmem>>) semaphore(%arg12 : memref<!tpu.dma_semaphore, #tpu.memory_space<semaphore_mem>>)
    %dma_start3A_71 = arith.constant 0 : i32
    %dma_start3A_72 = arith.constant 4 : i32
    %dma_start3A_73 = arith.constant 4 : i32
    %dma_start3A_74 = arith.constant 0 : i32
    %dma_start3A_75 = arith.constant 0 : i32
    %dma_start3A_76 = tpu.memref_slice %arg7[%dma_start3A_73, %dma_start3A_74, %dma_start3A_75] : memref<8x125x64xbf16, #tpu.memory_space<vmem>> -> memref<1x125x64xbf16, #tpu.memory_space<vmem>>
    %dma_start3A_77 = tpu.memref_squeeze %dma_start3A_76 : memref<1x125x64xbf16, #tpu.memory_space<vmem>> -> memref<125x64xbf16, #tpu.memory_space<vmem>>
    %dma_start3A_78 = arith.constant 0 : i32
    %dma_start3A_79 = tpu.memref_slice %arg6[%dma_start3A_71, %dma_start3A_72, %dma_start3A_78] : memref<2x160x125xi32, #tpu.memory_space<vmem>> -> memref<1x1x125xi32, #tpu.memory_space<vmem>>
    %dma_start3A_80 = tpu.memref_squeeze %dma_start3A_79 : memref<1x1x125xi32, #tpu.memory_space<vmem>> -> memref<125xi32, #tpu.memory_space<vmem>>
    %dma_start3A_81 = arith.constant 0 : i32
    %dma_start3A_82 = arith.constant 0 : i32
    %dma_start3A_83 = tpu.memref_slice %arg2[%arg0, %dma_start3A_81, %dma_start3A_82] : memref<2x10240x64xbf16, #tpu.memory_space<hbm>> -> memref<1x10240x64xbf16, #tpu.memory_space<hbm>>
    %dma_start3A_84 = tpu.memref_squeeze %dma_start3A_83 : memref<1x10240x64xbf16, #tpu.memory_space<hbm>> -> memref<10240x64xbf16, #tpu.memory_space<hbm>>
    %dma_start3A_85 = arith.constant 0 : i32
    %dma_start3A_86 = arith.constant 0 : i32
    %dma_start3A_87 = tpu.memref_slice %dma_start3A_84[%dma_start3A_85, %dma_start3A_86] : memref<10240x64xbf16, #tpu.memory_space<hbm>> -> memref<10240x64xbf16, #tpu.memory_space<hbm>>
    tpu.enqueue_indirect_dma source(%dma_start3A_87 : memref<10240x64xbf16, #tpu.memory_space<hbm>>) target(%dma_start3A_77 : memref<125x64xbf16, #tpu.memory_space<vmem>>) offsets(%dma_start3A_80 : memref<125xi32, #tpu.memory_space<vmem>>) semaphore(%arg13 : memref<!tpu.dma_semaphore, #tpu.memory_space<semaphore_mem>>)
    %dma_start3A_88 = arith.constant 0 : i32
    %dma_start3A_89 = arith.constant 5 : i32
    %dma_start3A_90 = arith.constant 5 : i32
    %dma_start3A_91 = arith.constant 0 : i32
    %dma_start3A_92 = arith.constant 0 : i32
    %dma_start3A_93 = tpu.memref_slice %arg7[%dma_start3A_90, %dma_start3A_91, %dma_start3A_92] : memref<8x125x64xbf16, #tpu.memory_space<vmem>> -> memref<1x125x64xbf16, #tpu.memory_space<vmem>>
    %dma_start3A_94 = tpu.memref_squeeze %dma_start3A_93 : memref<1x125x64xbf16, #tpu.memory_space<vmem>> -> memref<125x64xbf16, #tpu.memory_space<vmem>>
    %dma_start3A_95 = arith.constant 0 : i32
    %dma_start3A_96 = tpu.memref_slice %arg6[%dma_start3A_88, %dma_start3A_89, %dma_start3A_95] : memref<2x160x125xi32, #tpu.memory_space<vmem>> -> memref<1x1x125xi32, #tpu.memory_space<vmem>>
    %dma_start3A_97 = tpu.memref_squeeze %dma_start3A_96 : memref<1x1x125xi32, #tpu.memory_space<vmem>> -> memref<125xi32, #tpu.memory_space<vmem>>
    %dma_start3A_98 = arith.constant 0 : i32
    %dma_start3A_99 = arith.constant 0 : i32
    %dma_start3A_100 = tpu.memref_slice %arg2[%arg0, %dma_start3A_98, %dma_start3A_99] : memref<2x10240x64xbf16, #tpu.memory_space<hbm>> -> memref<1x10240x64xbf16, #tpu.memory_space<hbm>>
    %dma_start3A_101 = tpu.memref_squeeze %dma_start3A_100 : memref<1x10240x64xbf16, #tpu.memory_space<hbm>> -> memref<10240x64xbf16, #tpu.memory_space<hbm>>
    %dma_start3A_102 = arith.constant 0 : i32
    %dma_start3A_103 = arith.constant 0 : i32
    %dma_start3A_104 = tpu.memref_slice %dma_start3A_101[%dma_start3A_102, %dma_start3A_103] : memref<10240x64xbf16, #tpu.memory_space<hbm>> -> memref<10240x64xbf16, #tpu.memory_space<hbm>>
    tpu.enqueue_indirect_dma source(%dma_start3A_104 : memref<10240x64xbf16, #tpu.memory_space<hbm>>) target(%dma_start3A_94 : memref<125x64xbf16, #tpu.memory_space<vmem>>) offsets(%dma_start3A_97 : memref<125xi32, #tpu.memory_space<vmem>>) semaphore(%arg14 : memref<!tpu.dma_semaphore, #tpu.memory_space<semaphore_mem>>)
    %dma_start3A_105 = arith.constant 0 : i32
    %dma_start3A_106 = arith.constant 6 : i32
    %dma_start3A_107 = arith.constant 6 : i32
    %dma_start3A_108 = arith.constant 0 : i32
    %dma_start3A_109 = arith.constant 0 : i32
    %dma_start3A_110 = tpu.memref_slice %arg7[%dma_start3A_107, %dma_start3A_108, %dma_start3A_109] : memref<8x125x64xbf16, #tpu.memory_space<vmem>> -> memref<1x125x64xbf16, #tpu.memory_space<vmem>>
    %dma_start3A_111 = tpu.memref_squeeze %dma_start3A_110 : memref<1x125x64xbf16, #tpu.memory_space<vmem>> -> memref<125x64xbf16, #tpu.memory_space<vmem>>
    %dma_start3A_112 = arith.constant 0 : i32
    %dma_start3A_113 = tpu.memref_slice %arg6[%dma_start3A_105, %dma_start3A_106, %dma_start3A_112] : memref<2x160x125xi32, #tpu.memory_space<vmem>> -> memref<1x1x125xi32, #tpu.memory_space<vmem>>
    %dma_start3A_114 = tpu.memref_squeeze %dma_start3A_113 : memref<1x1x125xi32, #tpu.memory_space<vmem>> -> memref<125xi32, #tpu.memory_space<vmem>>
    %dma_start3A_115 = arith.constant 0 : i32
    %dma_start3A_116 = arith.constant 0 : i32
    %dma_start3A_117 = tpu.memref_slice %arg2[%arg0, %dma_start3A_115, %dma_start3A_116] : memref<2x10240x64xbf16, #tpu.memory_space<hbm>> -> memref<1x10240x64xbf16, #tpu.memory_space<hbm>>
    %dma_start3A_118 = tpu.memref_squeeze %dma_start3A_117 : memref<1x10240x64xbf16, #tpu.memory_space<hbm>> -> memref<10240x64xbf16, #tpu.memory_space<hbm>>
    %dma_start3A_119 = arith.constant 0 : i32
    %dma_start3A_120 = arith.constant 0 : i32
    %dma_start3A_121 = tpu.memref_slice %dma_start3A_118[%dma_start3A_119, %dma_start3A_120] : memref<10240x64xbf16, #tpu.memory_space<hbm>> -> memref<10240x64xbf16, #tpu.memory_space<hbm>>
    tpu.enqueue_indirect_dma source(%dma_start3A_121 : memref<10240x64xbf16, #tpu.memory_space<hbm>>) target(%dma_start3A_111 : memref<125x64xbf16, #tpu.memory_space<vmem>>) offsets(%dma_start3A_114 : memref<125xi32, #tpu.memory_space<vmem>>) semaphore(%arg15 : memref<!tpu.dma_semaphore, #tpu.memory_space<semaphore_mem>>)
    %dma_start3A_122 = arith.constant 0 : i32
    %dma_start3A_123 = arith.constant 7 : i32
    %dma_start3A_124 = arith.constant 7 : i32
    %dma_start3A_125 = arith.constant 0 : i32
    %dma_start3A_126 = arith.constant 0 : i32
    %dma_start3A_127 = tpu.memref_slice %arg7[%dma_start3A_124, %dma_start3A_125, %dma_start3A_126] : memref<8x125x64xbf16, #tpu.memory_space<vmem>> -> memref<1x125x64xbf16, #tpu.memory_space<vmem>>
    %dma_start3A_128 = tpu.memref_squeeze %dma_start3A_127 : memref<1x125x64xbf16, #tpu.memory_space<vmem>> -> memref<125x64xbf16, #tpu.memory_space<vmem>>
    %dma_start3A_129 = arith.constant 0 : i32
    %dma_start3A_130 = tpu.memref_slice %arg6[%dma_start3A_122, %dma_start3A_123, %dma_start3A_129] : memref<2x160x125xi32, #tpu.memory_space<vmem>> -> memref<1x1x125xi32, #tpu.memory_space<vmem>>
    %dma_start3A_131 = tpu.memref_squeeze %dma_start3A_130 : memref<1x1x125xi32, #tpu.memory_space<vmem>> -> memref<125xi32, #tpu.memory_space<vmem>>
    %dma_start3A_132 = arith.constant 0 : i32
    %dma_start3A_133 = arith.constant 0 : i32
    %dma_start3A_134 = tpu.memref_slice %arg2[%arg0, %dma_start3A_132, %dma_start3A_133] : memref<2x10240x64xbf16, #tpu.memory_space<hbm>> -> memref<1x10240x64xbf16, #tpu.memory_space<hbm>>
    %dma_start3A_135 = tpu.memref_squeeze %dma_start3A_134 : memref<1x10240x64xbf16, #tpu.memory_space<hbm>> -> memref<10240x64xbf16, #tpu.memory_space<hbm>>
    %dma_start3A_136 = arith.constant 0 : i32
    %dma_start3A_137 = arith.constant 0 : i32
    %dma_start3A_138 = tpu.memref_slice %dma_start3A_135[%dma_start3A_136, %dma_start3A_137] : memref<10240x64xbf16, #tpu.memory_space<hbm>> -> memref<10240x64xbf16, #tpu.memory_space<hbm>>
    tpu.enqueue_indirect_dma source(%dma_start3A_138 : memref<10240x64xbf16, #tpu.memory_space<hbm>>) target(%dma_start3A_128 : memref<125x64xbf16, #tpu.memory_space<vmem>>) offsets(%dma_start3A_131 : memref<125xi32, #tpu.memory_space<vmem>>) semaphore(%arg16 : memref<!tpu.dma_semaphore, #tpu.memory_space<semaphore_mem>>)
    %scan3A = arith.constant 0 : i32
    %scan3A_139 = arith.constant 0 : i32
    %scan3A_140 = arith.constant 20 : i32
    %scan3A_141 = arith.addi %scan3A_139, %scan3A_140 : i32
    %scan3A_142 = arith.constant 1 : i32
    scf.for %scan3A_284 = %scan3A_139 to %scan3A_141 step %scan3A_142  : i32 {
      %mul3A_285 = arith.constant 8 : i32
      %mul3A_286 = arith.muli %mul3A_285, %scan3A_284 : i32
      %dma_wait3A_287 = arith.constant 0 : i32
      %dma_wait3A_288 = arith.constant 0 : i32
      %dma_wait3A_289 = arith.constant 0 : i32
      %dma_wait3A_290 = arith.constant 0 : i32
      %dma_wait3A_291 = arith.constant 0 : i32
      %dma_wait3A_292 = tpu.memref_slice %arg7[%dma_wait3A_289, %dma_wait3A_290, %dma_wait3A_291] : memref<8x125x64xbf16, #tpu.memory_space<vmem>> -> memref<1x125x64xbf16, #tpu.memory_space<vmem>>
      %dma_wait3A_293 = tpu.memref_squeeze %dma_wait3A_292 : memref<1x125x64xbf16, #tpu.memory_space<vmem>> -> memref<125x64xbf16, #tpu.memory_space<vmem>>
      %dma_wait3A_294 = arith.constant 0 : i32
      %dma_wait3A_295 = tpu.memref_slice %arg6[%dma_wait3A_287, %dma_wait3A_288, %dma_wait3A_294] : memref<2x160x125xi32, #tpu.memory_space<vmem>> -> memref<1x1x125xi32, #tpu.memory_space<vmem>>
      %dma_wait3A_296 = tpu.memref_squeeze %dma_wait3A_295 : memref<1x1x125xi32, #tpu.memory_space<vmem>> -> memref<125xi32, #tpu.memory_space<vmem>>
      %dma_wait3A_297 = arith.constant 0 : i32
      %dma_wait3A_298 = arith.constant 0 : i32
      %dma_wait3A_299 = tpu.memref_slice %arg2[%arg0, %dma_wait3A_297, %dma_wait3A_298] : memref<2x10240x64xbf16, #tpu.memory_space<hbm>> -> memref<1x10240x64xbf16, #tpu.memory_space<hbm>>
      %dma_wait3A_300 = tpu.memref_squeeze %dma_wait3A_299 : memref<1x10240x64xbf16, #tpu.memory_space<hbm>> -> memref<10240x64xbf16, #tpu.memory_space<hbm>>
      %dma_wait3A_301 = arith.constant 0 : i32
      %dma_wait3A_302 = arith.constant 0 : i32
      %dma_wait3A_303 = tpu.memref_slice %dma_wait3A_300[%dma_wait3A_301, %dma_wait3A_302] : memref<10240x64xbf16, #tpu.memory_space<hbm>> -> memref<10240x64xbf16, #tpu.memory_space<hbm>>
      tpu.wait_indirect_dma semaphore(%arg9 : memref<!tpu.dma_semaphore, #tpu.memory_space<semaphore_mem>>) src(%dma_wait3A_303 : memref<10240x64xbf16, #tpu.memory_space<hbm>>) dst(%dma_wait3A_293 : memref<125x64xbf16, #tpu.memory_space<vmem>>)
      %add3A = arith.constant 0 : i32
      %add3A_304 = arith.addi %mul3A_286, %add3A : i32
      %dma_start3A_305 = arith.constant 0 : i32
      %dma_start3A_306 = arith.constant 1 : i32
      %dma_start3A_307 = arith.constant 0 : i32
      %dma_start3A_308 = arith.constant 0 : i32
      %dma_start3A_309 = tpu.memref_slice %arg7[%dma_start3A_305, %dma_start3A_307, %dma_start3A_308] : memref<8x125x64xbf16, #tpu.memory_space<vmem>> -> memref<1x125x64xbf16, #tpu.memory_space<vmem>>
      %dma_start3A_310 = tpu.memref_squeeze %dma_start3A_309 : memref<1x125x64xbf16, #tpu.memory_space<vmem>> -> memref<125x64xbf16, #tpu.memory_space<vmem>>
      %dma_start3A_311 = arith.constant 0 : i32
      %dma_start3A_312 = tpu.memref_slice %arg6[%dma_start3A_306, %add3A_304, %dma_start3A_311] : memref<2x160x125xi32, #tpu.memory_space<vmem>> -> memref<1x1x125xi32, #tpu.memory_space<vmem>>
      %dma_start3A_313 = tpu.memref_squeeze %dma_start3A_312 : memref<1x1x125xi32, #tpu.memory_space<vmem>> -> memref<125xi32, #tpu.memory_space<vmem>>
      %dma_start3A_314 = arith.constant 0 : i32
      %dma_start3A_315 = arith.constant 0 : i32
      %dma_start3A_316 = tpu.memref_slice %arg8[%dma_start3A_314, %dma_start3A_315] : memref<10240x64xbf16, #tpu.memory_space<vmem_shared>> -> memref<10240x64xbf16, #tpu.memory_space<vmem_shared>>
      tpu.enqueue_indirect_dma source(%dma_start3A_310 : memref<125x64xbf16, #tpu.memory_space<vmem>>) target(%dma_start3A_316 : memref<10240x64xbf16, #tpu.memory_space<vmem_shared>>) offsets(%dma_start3A_313 : memref<125xi32, #tpu.memory_space<vmem>>) semaphore(%arg17 : memref<!tpu.dma_semaphore, #tpu.memory_space<semaphore_mem>>) {add = true}
      %dma_wait3A_317 = arith.constant 0 : i32
      %dma_wait3A_318 = arith.constant 0 : i32
      %dma_wait3A_319 = arith.constant 1 : i32
      %dma_wait3A_320 = arith.constant 0 : i32
      %dma_wait3A_321 = arith.constant 0 : i32
      %dma_wait3A_322 = tpu.memref_slice %arg7[%dma_wait3A_319, %dma_wait3A_320, %dma_wait3A_321] : memref<8x125x64xbf16, #tpu.memory_space<vmem>> -> memref<1x125x64xbf16, #tpu.memory_space<vmem>>
      %dma_wait3A_323 = tpu.memref_squeeze %dma_wait3A_322 : memref<1x125x64xbf16, #tpu.memory_space<vmem>> -> memref<125x64xbf16, #tpu.memory_space<vmem>>
      %dma_wait3A_324 = arith.constant 0 : i32
      %dma_wait3A_325 = tpu.memref_slice %arg6[%dma_wait3A_317, %dma_wait3A_318, %dma_wait3A_324] : memref<2x160x125xi32, #tpu.memory_space<vmem>> -> memref<1x1x125xi32, #tpu.memory_space<vmem>>
      %dma_wait3A_326 = tpu.memref_squeeze %dma_wait3A_325 : memref<1x1x125xi32, #tpu.memory_space<vmem>> -> memref<125xi32, #tpu.memory_space<vmem>>
      %dma_wait3A_327 = arith.constant 0 : i32
      %dma_wait3A_328 = arith.constant 0 : i32
      %dma_wait3A_329 = tpu.memref_slice %arg2[%arg0, %dma_wait3A_327, %dma_wait3A_328] : memref<2x10240x64xbf16, #tpu.memory_space<hbm>> -> memref<1x10240x64xbf16, #tpu.memory_space<hbm>>
      %dma_wait3A_330 = tpu.memref_squeeze %dma_wait3A_329 : memref<1x10240x64xbf16, #tpu.memory_space<hbm>> -> memref<10240x64xbf16, #tpu.memory_space<hbm>>
      %dma_wait3A_331 = arith.constant 0 : i32
      %dma_wait3A_332 = arith.constant 0 : i32
      %dma_wait3A_333 = tpu.memref_slice %dma_wait3A_330[%dma_wait3A_331, %dma_wait3A_332] : memref<10240x64xbf16, #tpu.memory_space<hbm>> -> memref<10240x64xbf16, #tpu.memory_space<hbm>>
      tpu.wait_indirect_dma semaphore(%arg10 : memref<!tpu.dma_semaphore, #tpu.memory_space<semaphore_mem>>) src(%dma_wait3A_333 : memref<10240x64xbf16, #tpu.memory_space<hbm>>) dst(%dma_wait3A_323 : memref<125x64xbf16, #tpu.memory_space<vmem>>)
      %add3A_334 = arith.constant 1 : i32
      %add3A_335 = arith.addi %mul3A_286, %add3A_334 : i32
      %dma_start3A_336 = arith.constant 1 : i32
      %dma_start3A_337 = arith.constant 1 : i32
      %dma_start3A_338 = arith.constant 0 : i32
      %dma_start3A_339 = arith.constant 0 : i32
      %dma_start3A_340 = tpu.memref_slice %arg7[%dma_start3A_336, %dma_start3A_338, %dma_start3A_339] : memref<8x125x64xbf16, #tpu.memory_space<vmem>> -> memref<1x125x64xbf16, #tpu.memory_space<vmem>>
      %dma_start3A_341 = tpu.memref_squeeze %dma_start3A_340 : memref<1x125x64xbf16, #tpu.memory_space<vmem>> -> memref<125x64xbf16, #tpu.memory_space<vmem>>
      %dma_start3A_342 = arith.constant 0 : i32
      %dma_start3A_343 = tpu.memref_slice %arg6[%dma_start3A_337, %add3A_335, %dma_start3A_342] : memref<2x160x125xi32, #tpu.memory_space<vmem>> -> memref<1x1x125xi32, #tpu.memory_space<vmem>>
      %dma_start3A_344 = tpu.memref_squeeze %dma_start3A_343 : memref<1x1x125xi32, #tpu.memory_space<vmem>> -> memref<125xi32, #tpu.memory_space<vmem>>
      %dma_start3A_345 = arith.constant 0 : i32
      %dma_start3A_346 = arith.constant 0 : i32
      %dma_start3A_347 = tpu.memref_slice %arg8[%dma_start3A_345, %dma_start3A_346] : memref<10240x64xbf16, #tpu.memory_space<vmem_shared>> -> memref<10240x64xbf16, #tpu.memory_space<vmem_shared>>
      tpu.enqueue_indirect_dma source(%dma_start3A_341 : memref<125x64xbf16, #tpu.memory_space<vmem>>) target(%dma_start3A_347 : memref<10240x64xbf16, #tpu.memory_space<vmem_shared>>) offsets(%dma_start3A_344 : memref<125xi32, #tpu.memory_space<vmem>>) semaphore(%arg18 : memref<!tpu.dma_semaphore, #tpu.memory_space<semaphore_mem>>) {add = true}
      %dma_wait3A_348 = arith.constant 0 : i32
      %dma_wait3A_349 = arith.constant 0 : i32
      %dma_wait3A_350 = arith.constant 2 : i32
      %dma_wait3A_351 = arith.constant 0 : i32
      %dma_wait3A_352 = arith.constant 0 : i32
      %dma_wait3A_353 = tpu.memref_slice %arg7[%dma_wait3A_350, %dma_wait3A_351, %dma_wait3A_352] : memref<8x125x64xbf16, #tpu.memory_space<vmem>> -> memref<1x125x64xbf16, #tpu.memory_space<vmem>>
      %dma_wait3A_354 = tpu.memref_squeeze %dma_wait3A_353 : memref<1x125x64xbf16, #tpu.memory_space<vmem>> -> memref<125x64xbf16, #tpu.memory_space<vmem>>
      %dma_wait3A_355 = arith.constant 0 : i32
      %dma_wait3A_356 = tpu.memref_slice %arg6[%dma_wait3A_348, %dma_wait3A_349, %dma_wait3A_355] : memref<2x160x125xi32, #tpu.memory_space<vmem>> -> memref<1x1x125xi32, #tpu.memory_space<vmem>>
      %dma_wait3A_357 = tpu.memref_squeeze %dma_wait3A_356 : memref<1x1x125xi32, #tpu.memory_space<vmem>> -> memref<125xi32, #tpu.memory_space<vmem>>
      %dma_wait3A_358 = arith.constant 0 : i32
      %dma_wait3A_359 = arith.constant 0 : i32
      %dma_wait3A_360 = tpu.memref_slice %arg2[%arg0, %dma_wait3A_358, %dma_wait3A_359] : memref<2x10240x64xbf16, #tpu.memory_space<hbm>> -> memref<1x10240x64xbf16, #tpu.memory_space<hbm>>
      %dma_wait3A_361 = tpu.memref_squeeze %dma_wait3A_360 : memref<1x10240x64xbf16, #tpu.memory_space<hbm>> -> memref<10240x64xbf16, #tpu.memory_space<hbm>>
      %dma_wait3A_362 = arith.constant 0 : i32
      %dma_wait3A_363 = arith.constant 0 : i32
      %dma_wait3A_364 = tpu.memref_slice %dma_wait3A_361[%dma_wait3A_362, %dma_wait3A_363] : memref<10240x64xbf16, #tpu.memory_space<hbm>> -> memref<10240x64xbf16, #tpu.memory_space<hbm>>
      tpu.wait_indirect_dma semaphore(%arg11 : memref<!tpu.dma_semaphore, #tpu.memory_space<semaphore_mem>>) src(%dma_wait3A_364 : memref<10240x64xbf16, #tpu.memory_space<hbm>>) dst(%dma_wait3A_354 : memref<125x64xbf16, #tpu.memory_space<vmem>>)
      %add3A_365 = arith.constant 2 : i32
      %add3A_366 = arith.addi %mul3A_286, %add3A_365 : i32
      %dma_start3A_367 = arith.constant 2 : i32
      %dma_start3A_368 = arith.constant 1 : i32
      %dma_start3A_369 = arith.constant 0 : i32
      %dma_start3A_370 = arith.constant 0 : i32
      %dma_start3A_371 = tpu.memref_slice %arg7[%dma_start3A_367, %dma_start3A_369, %dma_start3A_370] : memref<8x125x64xbf16, #tpu.memory_space<vmem>> -> memref<1x125x64xbf16, #tpu.memory_space<vmem>>
      %dma_start3A_372 = tpu.memref_squeeze %dma_start3A_371 : memref<1x125x64xbf16, #tpu.memory_space<vmem>> -> memref<125x64xbf16, #tpu.memory_space<vmem>>
      %dma_start3A_373 = arith.constant 0 : i32
      %dma_start3A_374 = tpu.memref_slice %arg6[%dma_start3A_368, %add3A_366, %dma_start3A_373] : memref<2x160x125xi32, #tpu.memory_space<vmem>> -> memref<1x1x125xi32, #tpu.memory_space<vmem>>
      %dma_start3A_375 = tpu.memref_squeeze %dma_start3A_374 : memref<1x1x125xi32, #tpu.memory_space<vmem>> -> memref<125xi32, #tpu.memory_space<vmem>>
      %dma_start3A_376 = arith.constant 0 : i32
      %dma_start3A_377 = arith.constant 0 : i32
      %dma_start3A_378 = tpu.memref_slice %arg8[%dma_start3A_376, %dma_start3A_377] : memref<10240x64xbf16, #tpu.memory_space<vmem_shared>> -> memref<10240x64xbf16, #tpu.memory_space<vmem_shared>>
      tpu.enqueue_indirect_dma source(%dma_start3A_372 : memref<125x64xbf16, #tpu.memory_space<vmem>>) target(%dma_start3A_378 : memref<10240x64xbf16, #tpu.memory_space<vmem_shared>>) offsets(%dma_start3A_375 : memref<125xi32, #tpu.memory_space<vmem>>) semaphore(%arg19 : memref<!tpu.dma_semaphore, #tpu.memory_space<semaphore_mem>>) {add = true}
      %dma_wait3A_379 = arith.constant 0 : i32
      %dma_wait3A_380 = arith.constant 0 : i32
      %dma_wait3A_381 = arith.constant 3 : i32
      %dma_wait3A_382 = arith.constant 0 : i32
      %dma_wait3A_383 = arith.constant 0 : i32
      %dma_wait3A_384 = tpu.memref_slice %arg7[%dma_wait3A_381, %dma_wait3A_382, %dma_wait3A_383] : memref<8x125x64xbf16, #tpu.memory_space<vmem>> -> memref<1x125x64xbf16, #tpu.memory_space<vmem>>
      %dma_wait3A_385 = tpu.memref_squeeze %dma_wait3A_384 : memref<1x125x64xbf16, #tpu.memory_space<vmem>> -> memref<125x64xbf16, #tpu.memory_space<vmem>>
      %dma_wait3A_386 = arith.constant 0 : i32
      %dma_wait3A_387 = tpu.memref_slice %arg6[%dma_wait3A_379, %dma_wait3A_380, %dma_wait3A_386] : memref<2x160x125xi32, #tpu.memory_space<vmem>> -> memref<1x1x125xi32, #tpu.memory_space<vmem>>
      %dma_wait3A_388 = tpu.memref_squeeze %dma_wait3A_387 : memref<1x1x125xi32, #tpu.memory_space<vmem>> -> memref<125xi32, #tpu.memory_space<vmem>>
      %dma_wait3A_389 = arith.constant 0 : i32
      %dma_wait3A_390 = arith.constant 0 : i32
      %dma_wait3A_391 = tpu.memref_slice %arg2[%arg0, %dma_wait3A_389, %dma_wait3A_390] : memref<2x10240x64xbf16, #tpu.memory_space<hbm>> -> memref<1x10240x64xbf16, #tpu.memory_space<hbm>>
      %dma_wait3A_392 = tpu.memref_squeeze %dma_wait3A_391 : memref<1x10240x64xbf16, #tpu.memory_space<hbm>> -> memref<10240x64xbf16, #tpu.memory_space<hbm>>
      %dma_wait3A_393 = arith.constant 0 : i32
      %dma_wait3A_394 = arith.constant 0 : i32
      %dma_wait3A_395 = tpu.memref_slice %dma_wait3A_392[%dma_wait3A_393, %dma_wait3A_394] : memref<10240x64xbf16, #tpu.memory_space<hbm>> -> memref<10240x64xbf16, #tpu.memory_space<hbm>>
      tpu.wait_indirect_dma semaphore(%arg12 : memref<!tpu.dma_semaphore, #tpu.memory_space<semaphore_mem>>) src(%dma_wait3A_395 : memref<10240x64xbf16, #tpu.memory_space<hbm>>) dst(%dma_wait3A_385 : memref<125x64xbf16, #tpu.memory_space<vmem>>)
      %add3A_396 = arith.constant 3 : i32
      %add3A_397 = arith.addi %mul3A_286, %add3A_396 : i32
      %dma_start3A_398 = arith.constant 3 : i32
      %dma_start3A_399 = arith.constant 1 : i32
      %dma_start3A_400 = arith.constant 0 : i32
      %dma_start3A_401 = arith.constant 0 : i32
      %dma_start3A_402 = tpu.memref_slice %arg7[%dma_start3A_398, %dma_start3A_400, %dma_start3A_401] : memref<8x125x64xbf16, #tpu.memory_space<vmem>> -> memref<1x125x64xbf16, #tpu.memory_space<vmem>>
      %dma_start3A_403 = tpu.memref_squeeze %dma_start3A_402 : memref<1x125x64xbf16, #tpu.memory_space<vmem>> -> memref<125x64xbf16, #tpu.memory_space<vmem>>
      %dma_start3A_404 = arith.constant 0 : i32
      %dma_start3A_405 = tpu.memref_slice %arg6[%dma_start3A_399, %add3A_397, %dma_start3A_404] : memref<2x160x125xi32, #tpu.memory_space<vmem>> -> memref<1x1x125xi32, #tpu.memory_space<vmem>>
      %dma_start3A_406 = tpu.memref_squeeze %dma_start3A_405 : memref<1x1x125xi32, #tpu.memory_space<vmem>> -> memref<125xi32, #tpu.memory_space<vmem>>
      %dma_start3A_407 = arith.constant 0 : i32
      %dma_start3A_408 = arith.constant 0 : i32
      %dma_start3A_409 = tpu.memref_slice %arg8[%dma_start3A_407, %dma_start3A_408] : memref<10240x64xbf16, #tpu.memory_space<vmem_shared>> -> memref<10240x64xbf16, #tpu.memory_space<vmem_shared>>
      tpu.enqueue_indirect_dma source(%dma_start3A_403 : memref<125x64xbf16, #tpu.memory_space<vmem>>) target(%dma_start3A_409 : memref<10240x64xbf16, #tpu.memory_space<vmem_shared>>) offsets(%dma_start3A_406 : memref<125xi32, #tpu.memory_space<vmem>>) semaphore(%arg20 : memref<!tpu.dma_semaphore, #tpu.memory_space<semaphore_mem>>) {add = true}
      %dma_wait3A_410 = arith.constant 0 : i32
      %dma_wait3A_411 = arith.constant 0 : i32
      %dma_wait3A_412 = arith.constant 4 : i32
      %dma_wait3A_413 = arith.constant 0 : i32
      %dma_wait3A_414 = arith.constant 0 : i32
      %dma_wait3A_415 = tpu.memref_slice %arg7[%dma_wait3A_412, %dma_wait3A_413, %dma_wait3A_414] : memref<8x125x64xbf16, #tpu.memory_space<vmem>> -> memref<1x125x64xbf16, #tpu.memory_space<vmem>>
      %dma_wait3A_416 = tpu.memref_squeeze %dma_wait3A_415 : memref<1x125x64xbf16, #tpu.memory_space<vmem>> -> memref<125x64xbf16, #tpu.memory_space<vmem>>
      %dma_wait3A_417 = arith.constant 0 : i32
      %dma_wait3A_418 = tpu.memref_slice %arg6[%dma_wait3A_410, %dma_wait3A_411, %dma_wait3A_417] : memref<2x160x125xi32, #tpu.memory_space<vmem>> -> memref<1x1x125xi32, #tpu.memory_space<vmem>>
      %dma_wait3A_419 = tpu.memref_squeeze %dma_wait3A_418 : memref<1x1x125xi32, #tpu.memory_space<vmem>> -> memref<125xi32, #tpu.memory_space<vmem>>
      %dma_wait3A_420 = arith.constant 0 : i32
      %dma_wait3A_421 = arith.constant 0 : i32
      %dma_wait3A_422 = tpu.memref_slice %arg2[%arg0, %dma_wait3A_420, %dma_wait3A_421] : memref<2x10240x64xbf16, #tpu.memory_space<hbm>> -> memref<1x10240x64xbf16, #tpu.memory_space<hbm>>
      %dma_wait3A_423 = tpu.memref_squeeze %dma_wait3A_422 : memref<1x10240x64xbf16, #tpu.memory_space<hbm>> -> memref<10240x64xbf16, #tpu.memory_space<hbm>>
      %dma_wait3A_424 = arith.constant 0 : i32
      %dma_wait3A_425 = arith.constant 0 : i32
      %dma_wait3A_426 = tpu.memref_slice %dma_wait3A_423[%dma_wait3A_424, %dma_wait3A_425] : memref<10240x64xbf16, #tpu.memory_space<hbm>> -> memref<10240x64xbf16, #tpu.memory_space<hbm>>
      tpu.wait_indirect_dma semaphore(%arg13 : memref<!tpu.dma_semaphore, #tpu.memory_space<semaphore_mem>>) src(%dma_wait3A_426 : memref<10240x64xbf16, #tpu.memory_space<hbm>>) dst(%dma_wait3A_416 : memref<125x64xbf16, #tpu.memory_space<vmem>>)
      %add3A_427 = arith.constant 4 : i32
      %add3A_428 = arith.addi %mul3A_286, %add3A_427 : i32
      %dma_start3A_429 = arith.constant 4 : i32
      %dma_start3A_430 = arith.constant 1 : i32
      %dma_start3A_431 = arith.constant 0 : i32
      %dma_start3A_432 = arith.constant 0 : i32
      %dma_start3A_433 = tpu.memref_slice %arg7[%dma_start3A_429, %dma_start3A_431, %dma_start3A_432] : memref<8x125x64xbf16, #tpu.memory_space<vmem>> -> memref<1x125x64xbf16, #tpu.memory_space<vmem>>
      %dma_start3A_434 = tpu.memref_squeeze %dma_start3A_433 : memref<1x125x64xbf16, #tpu.memory_space<vmem>> -> memref<125x64xbf16, #tpu.memory_space<vmem>>
      %dma_start3A_435 = arith.constant 0 : i32
      %dma_start3A_436 = tpu.memref_slice %arg6[%dma_start3A_430, %add3A_428, %dma_start3A_435] : memref<2x160x125xi32, #tpu.memory_space<vmem>> -> memref<1x1x125xi32, #tpu.memory_space<vmem>>
      %dma_start3A_437 = tpu.memref_squeeze %dma_start3A_436 : memref<1x1x125xi32, #tpu.memory_space<vmem>> -> memref<125xi32, #tpu.memory_space<vmem>>
      %dma_start3A_438 = arith.constant 0 : i32
      %dma_start3A_439 = arith.constant 0 : i32
      %dma_start3A_440 = tpu.memref_slice %arg8[%dma_start3A_438, %dma_start3A_439] : memref<10240x64xbf16, #tpu.memory_space<vmem_shared>> -> memref<10240x64xbf16, #tpu.memory_space<vmem_shared>>
      tpu.enqueue_indirect_dma source(%dma_start3A_434 : memref<125x64xbf16, #tpu.memory_space<vmem>>) target(%dma_start3A_440 : memref<10240x64xbf16, #tpu.memory_space<vmem_shared>>) offsets(%dma_start3A_437 : memref<125xi32, #tpu.memory_space<vmem>>) semaphore(%arg21 : memref<!tpu.dma_semaphore, #tpu.memory_space<semaphore_mem>>) {add = true}
      %dma_wait3A_441 = arith.constant 0 : i32
      %dma_wait3A_442 = arith.constant 0 : i32
      %dma_wait3A_443 = arith.constant 5 : i32
      %dma_wait3A_444 = arith.constant 0 : i32
      %dma_wait3A_445 = arith.constant 0 : i32
      %dma_wait3A_446 = tpu.memref_slice %arg7[%dma_wait3A_443, %dma_wait3A_444, %dma_wait3A_445] : memref<8x125x64xbf16, #tpu.memory_space<vmem>> -> memref<1x125x64xbf16, #tpu.memory_space<vmem>>
      %dma_wait3A_447 = tpu.memref_squeeze %dma_wait3A_446 : memref<1x125x64xbf16, #tpu.memory_space<vmem>> -> memref<125x64xbf16, #tpu.memory_space<vmem>>
      %dma_wait3A_448 = arith.constant 0 : i32
      %dma_wait3A_449 = tpu.memref_slice %arg6[%dma_wait3A_441, %dma_wait3A_442, %dma_wait3A_448] : memref<2x160x125xi32, #tpu.memory_space<vmem>> -> memref<1x1x125xi32, #tpu.memory_space<vmem>>
      %dma_wait3A_450 = tpu.memref_squeeze %dma_wait3A_449 : memref<1x1x125xi32, #tpu.memory_space<vmem>> -> memref<125xi32, #tpu.memory_space<vmem>>
      %dma_wait3A_451 = arith.constant 0 : i32
      %dma_wait3A_452 = arith.constant 0 : i32
      %dma_wait3A_453 = tpu.memref_slice %arg2[%arg0, %dma_wait3A_451, %dma_wait3A_452] : memref<2x10240x64xbf16, #tpu.memory_space<hbm>> -> memref<1x10240x64xbf16, #tpu.memory_space<hbm>>
      %dma_wait3A_454 = tpu.memref_squeeze %dma_wait3A_453 : memref<1x10240x64xbf16, #tpu.memory_space<hbm>> -> memref<10240x64xbf16, #tpu.memory_space<hbm>>
      %dma_wait3A_455 = arith.constant 0 : i32
      %dma_wait3A_456 = arith.constant 0 : i32
      %dma_wait3A_457 = tpu.memref_slice %dma_wait3A_454[%dma_wait3A_455, %dma_wait3A_456] : memref<10240x64xbf16, #tpu.memory_space<hbm>> -> memref<10240x64xbf16, #tpu.memory_space<hbm>>
      tpu.wait_indirect_dma semaphore(%arg14 : memref<!tpu.dma_semaphore, #tpu.memory_space<semaphore_mem>>) src(%dma_wait3A_457 : memref<10240x64xbf16, #tpu.memory_space<hbm>>) dst(%dma_wait3A_447 : memref<125x64xbf16, #tpu.memory_space<vmem>>)
      %add3A_458 = arith.constant 5 : i32
      %add3A_459 = arith.addi %mul3A_286, %add3A_458 : i32
      %dma_start3A_460 = arith.constant 5 : i32
      %dma_start3A_461 = arith.constant 1 : i32
      %dma_start3A_462 = arith.constant 0 : i32
      %dma_start3A_463 = arith.constant 0 : i32
      %dma_start3A_464 = tpu.memref_slice %arg7[%dma_start3A_460, %dma_start3A_462, %dma_start3A_463] : memref<8x125x64xbf16, #tpu.memory_space<vmem>> -> memref<1x125x64xbf16, #tpu.memory_space<vmem>>
      %dma_start3A_465 = tpu.memref_squeeze %dma_start3A_464 : memref<1x125x64xbf16, #tpu.memory_space<vmem>> -> memref<125x64xbf16, #tpu.memory_space<vmem>>
      %dma_start3A_466 = arith.constant 0 : i32
      %dma_start3A_467 = tpu.memref_slice %arg6[%dma_start3A_461, %add3A_459, %dma_start3A_466] : memref<2x160x125xi32, #tpu.memory_space<vmem>> -> memref<1x1x125xi32, #tpu.memory_space<vmem>>
      %dma_start3A_468 = tpu.memref_squeeze %dma_start3A_467 : memref<1x1x125xi32, #tpu.memory_space<vmem>> -> memref<125xi32, #tpu.memory_space<vmem>>
      %dma_start3A_469 = arith.constant 0 : i32
      %dma_start3A_470 = arith.constant 0 : i32
      %dma_start3A_471 = tpu.memref_slice %arg8[%dma_start3A_469, %dma_start3A_470] : memref<10240x64xbf16, #tpu.memory_space<vmem_shared>> -> memref<10240x64xbf16, #tpu.memory_space<vmem_shared>>
      tpu.enqueue_indirect_dma source(%dma_start3A_465 : memref<125x64xbf16, #tpu.memory_space<vmem>>) target(%dma_start3A_471 : memref<10240x64xbf16, #tpu.memory_space<vmem_shared>>) offsets(%dma_start3A_468 : memref<125xi32, #tpu.memory_space<vmem>>) semaphore(%arg22 : memref<!tpu.dma_semaphore, #tpu.memory_space<semaphore_mem>>) {add = true}
      %dma_wait3A_472 = arith.constant 0 : i32
      %dma_wait3A_473 = arith.constant 0 : i32
      %dma_wait3A_474 = arith.constant 6 : i32
      %dma_wait3A_475 = arith.constant 0 : i32
      %dma_wait3A_476 = arith.constant 0 : i32
      %dma_wait3A_477 = tpu.memref_slice %arg7[%dma_wait3A_474, %dma_wait3A_475, %dma_wait3A_476] : memref<8x125x64xbf16, #tpu.memory_space<vmem>> -> memref<1x125x64xbf16, #tpu.memory_space<vmem>>
      %dma_wait3A_478 = tpu.memref_squeeze %dma_wait3A_477 : memref<1x125x64xbf16, #tpu.memory_space<vmem>> -> memref<125x64xbf16, #tpu.memory_space<vmem>>
      %dma_wait3A_479 = arith.constant 0 : i32
      %dma_wait3A_480 = tpu.memref_slice %arg6[%dma_wait3A_472, %dma_wait3A_473, %dma_wait3A_479] : memref<2x160x125xi32, #tpu.memory_space<vmem>> -> memref<1x1x125xi32, #tpu.memory_space<vmem>>
      %dma_wait3A_481 = tpu.memref_squeeze %dma_wait3A_480 : memref<1x1x125xi32, #tpu.memory_space<vmem>> -> memref<125xi32, #tpu.memory_space<vmem>>
      %dma_wait3A_482 = arith.constant 0 : i32
      %dma_wait3A_483 = arith.constant 0 : i32
      %dma_wait3A_484 = tpu.memref_slice %arg2[%arg0, %dma_wait3A_482, %dma_wait3A_483] : memref<2x10240x64xbf16, #tpu.memory_space<hbm>> -> memref<1x10240x64xbf16, #tpu.memory_space<hbm>>
      %dma_wait3A_485 = tpu.memref_squeeze %dma_wait3A_484 : memref<1x10240x64xbf16, #tpu.memory_space<hbm>> -> memref<10240x64xbf16, #tpu.memory_space<hbm>>
      %dma_wait3A_486 = arith.constant 0 : i32
      %dma_wait3A_487 = arith.constant 0 : i32
      %dma_wait3A_488 = tpu.memref_slice %dma_wait3A_485[%dma_wait3A_486, %dma_wait3A_487] : memref<10240x64xbf16, #tpu.memory_space<hbm>> -> memref<10240x64xbf16, #tpu.memory_space<hbm>>
      tpu.wait_indirect_dma semaphore(%arg15 : memref<!tpu.dma_semaphore, #tpu.memory_space<semaphore_mem>>) src(%dma_wait3A_488 : memref<10240x64xbf16, #tpu.memory_space<hbm>>) dst(%dma_wait3A_478 : memref<125x64xbf16, #tpu.memory_space<vmem>>)
      %add3A_489 = arith.constant 6 : i32
      %add3A_490 = arith.addi %mul3A_286, %add3A_489 : i32
      %dma_start3A_491 = arith.constant 6 : i32
      %dma_start3A_492 = arith.constant 1 : i32
      %dma_start3A_493 = arith.constant 0 : i32
      %dma_start3A_494 = arith.constant 0 : i32
      %dma_start3A_495 = tpu.memref_slice %arg7[%dma_start3A_491, %dma_start3A_493, %dma_start3A_494] : memref<8x125x64xbf16, #tpu.memory_space<vmem>> -> memref<1x125x64xbf16, #tpu.memory_space<vmem>>
      %dma_start3A_496 = tpu.memref_squeeze %dma_start3A_495 : memref<1x125x64xbf16, #tpu.memory_space<vmem>> -> memref<125x64xbf16, #tpu.memory_space<vmem>>
      %dma_start3A_497 = arith.constant 0 : i32
      %dma_start3A_498 = tpu.memref_slice %arg6[%dma_start3A_492, %add3A_490, %dma_start3A_497] : memref<2x160x125xi32, #tpu.memory_space<vmem>> -> memref<1x1x125xi32, #tpu.memory_space<vmem>>
      %dma_start3A_499 = tpu.memref_squeeze %dma_start3A_498 : memref<1x1x125xi32, #tpu.memory_space<vmem>> -> memref<125xi32, #tpu.memory_space<vmem>>
      %dma_start3A_500 = arith.constant 0 : i32
      %dma_start3A_501 = arith.constant 0 : i32
      %dma_start3A_502 = tpu.memref_slice %arg8[%dma_start3A_500, %dma_start3A_501] : memref<10240x64xbf16, #tpu.memory_space<vmem_shared>> -> memref<10240x64xbf16, #tpu.memory_space<vmem_shared>>
      tpu.enqueue_indirect_dma source(%dma_start3A_496 : memref<125x64xbf16, #tpu.memory_space<vmem>>) target(%dma_start3A_502 : memref<10240x64xbf16, #tpu.memory_space<vmem_shared>>) offsets(%dma_start3A_499 : memref<125xi32, #tpu.memory_space<vmem>>) semaphore(%arg23 : memref<!tpu.dma_semaphore, #tpu.memory_space<semaphore_mem>>) {add = true}
      %dma_wait3A_503 = arith.constant 0 : i32
      %dma_wait3A_504 = arith.constant 0 : i32
      %dma_wait3A_505 = arith.constant 7 : i32
      %dma_wait3A_506 = arith.constant 0 : i32
      %dma_wait3A_507 = arith.constant 0 : i32
      %dma_wait3A_508 = tpu.memref_slice %arg7[%dma_wait3A_505, %dma_wait3A_506, %dma_wait3A_507] : memref<8x125x64xbf16, #tpu.memory_space<vmem>> -> memref<1x125x64xbf16, #tpu.memory_space<vmem>>
      %dma_wait3A_509 = tpu.memref_squeeze %dma_wait3A_508 : memref<1x125x64xbf16, #tpu.memory_space<vmem>> -> memref<125x64xbf16, #tpu.memory_space<vmem>>
      %dma_wait3A_510 = arith.constant 0 : i32
      %dma_wait3A_511 = tpu.memref_slice %arg6[%dma_wait3A_503, %dma_wait3A_504, %dma_wait3A_510] : memref<2x160x125xi32, #tpu.memory_space<vmem>> -> memref<1x1x125xi32, #tpu.memory_space<vmem>>
      %dma_wait3A_512 = tpu.memref_squeeze %dma_wait3A_511 : memref<1x1x125xi32, #tpu.memory_space<vmem>> -> memref<125xi32, #tpu.memory_space<vmem>>
      %dma_wait3A_513 = arith.constant 0 : i32
      %dma_wait3A_514 = arith.constant 0 : i32
      %dma_wait3A_515 = tpu.memref_slice %arg2[%arg0, %dma_wait3A_513, %dma_wait3A_514] : memref<2x10240x64xbf16, #tpu.memory_space<hbm>> -> memref<1x10240x64xbf16, #tpu.memory_space<hbm>>
      %dma_wait3A_516 = tpu.memref_squeeze %dma_wait3A_515 : memref<1x10240x64xbf16, #tpu.memory_space<hbm>> -> memref<10240x64xbf16, #tpu.memory_space<hbm>>
      %dma_wait3A_517 = arith.constant 0 : i32
      %dma_wait3A_518 = arith.constant 0 : i32
      %dma_wait3A_519 = tpu.memref_slice %dma_wait3A_516[%dma_wait3A_517, %dma_wait3A_518] : memref<10240x64xbf16, #tpu.memory_space<hbm>> -> memref<10240x64xbf16, #tpu.memory_space<hbm>>
      tpu.wait_indirect_dma semaphore(%arg16 : memref<!tpu.dma_semaphore, #tpu.memory_space<semaphore_mem>>) src(%dma_wait3A_519 : memref<10240x64xbf16, #tpu.memory_space<hbm>>) dst(%dma_wait3A_509 : memref<125x64xbf16, #tpu.memory_space<vmem>>)
      %add3A_520 = arith.constant 7 : i32
      %add3A_521 = arith.addi %mul3A_286, %add3A_520 : i32
      %dma_start3A_522 = arith.constant 7 : i32
      %dma_start3A_523 = arith.constant 1 : i32
      %dma_start3A_524 = arith.constant 0 : i32
      %dma_start3A_525 = arith.constant 0 : i32
      %dma_start3A_526 = tpu.memref_slice %arg7[%dma_start3A_522, %dma_start3A_524, %dma_start3A_525] : memref<8x125x64xbf16, #tpu.memory_space<vmem>> -> memref<1x125x64xbf16, #tpu.memory_space<vmem>>
      %dma_start3A_527 = tpu.memref_squeeze %dma_start3A_526 : memref<1x125x64xbf16, #tpu.memory_space<vmem>> -> memref<125x64xbf16, #tpu.memory_space<vmem>>
      %dma_start3A_528 = arith.constant 0 : i32
      %dma_start3A_529 = tpu.memref_slice %arg6[%dma_start3A_523, %add3A_521, %dma_start3A_528] : memref<2x160x125xi32, #tpu.memory_space<vmem>> -> memref<1x1x125xi32, #tpu.memory_space<vmem>>
      %dma_start3A_530 = tpu.memref_squeeze %dma_start3A_529 : memref<1x1x125xi32, #tpu.memory_space<vmem>> -> memref<125xi32, #tpu.memory_space<vmem>>
      %dma_start3A_531 = arith.constant 0 : i32
      %dma_start3A_532 = arith.constant 0 : i32
      %dma_start3A_533 = tpu.memref_slice %arg8[%dma_start3A_531, %dma_start3A_532] : memref<10240x64xbf16, #tpu.memory_space<vmem_shared>> -> memref<10240x64xbf16, #tpu.memory_space<vmem_shared>>
      tpu.enqueue_indirect_dma source(%dma_start3A_527 : memref<125x64xbf16, #tpu.memory_space<vmem>>) target(%dma_start3A_533 : memref<10240x64xbf16, #tpu.memory_space<vmem_shared>>) offsets(%dma_start3A_530 : memref<125xi32, #tpu.memory_space<vmem>>) semaphore(%arg24 : memref<!tpu.dma_semaphore, #tpu.memory_space<semaphore_mem>>) {add = true}
      %dma_wait3A_534 = arith.constant 0 : i32
      %dma_wait3A_535 = arith.constant 1 : i32
      %dma_wait3A_536 = arith.constant 0 : i32
      %dma_wait3A_537 = arith.constant 0 : i32
      %dma_wait3A_538 = arith.constant 0 : i32
      %dma_wait3A_539 = tpu.memref_slice %arg7[%dma_wait3A_534, %dma_wait3A_537, %dma_wait3A_538] : memref<8x125x64xbf16, #tpu.memory_space<vmem>> -> memref<1x125x64xbf16, #tpu.memory_space<vmem>>
      %dma_wait3A_540 = tpu.memref_squeeze %dma_wait3A_539 : memref<1x125x64xbf16, #tpu.memory_space<vmem>> -> memref<125x64xbf16, #tpu.memory_space<vmem>>
      %dma_wait3A_541 = arith.constant 0 : i32
      %dma_wait3A_542 = tpu.memref_slice %arg6[%dma_wait3A_535, %dma_wait3A_536, %dma_wait3A_541] : memref<2x160x125xi32, #tpu.memory_space<vmem>> -> memref<1x1x125xi32, #tpu.memory_space<vmem>>
      %dma_wait3A_543 = tpu.memref_squeeze %dma_wait3A_542 : memref<1x1x125xi32, #tpu.memory_space<vmem>> -> memref<125xi32, #tpu.memory_space<vmem>>
      %dma_wait3A_544 = arith.constant 0 : i32
      %dma_wait3A_545 = arith.constant 0 : i32
      %dma_wait3A_546 = tpu.memref_slice %arg8[%dma_wait3A_544, %dma_wait3A_545] : memref<10240x64xbf16, #tpu.memory_space<vmem_shared>> -> memref<10240x64xbf16, #tpu.memory_space<vmem_shared>>
      tpu.wait_indirect_dma semaphore(%arg17 : memref<!tpu.dma_semaphore, #tpu.memory_space<semaphore_mem>>) src(%dma_wait3A_540 : memref<125x64xbf16, #tpu.memory_space<vmem>>) dst(%dma_wait3A_546 : memref<10240x64xbf16, #tpu.memory_space<vmem_shared>>)
      %add3A_547 = arith.constant 8 : i32
      %add3A_548 = arith.addi %mul3A_286, %add3A_547 : i32
      %add3A_549 = arith.constant 0 : i32
      %add3A_550 = arith.addi %add3A_548, %add3A_549 : i32
      %min3A = arith.constant 159 : i32
      %min3A_551 = arith.minsi %add3A_550, %min3A : i32
      %dma_start3A_552 = arith.constant 0 : i32
      %dma_start3A_553 = arith.constant 0 : i32
      %dma_start3A_554 = arith.constant 0 : i32
      %dma_start3A_555 = arith.constant 0 : i32
      %dma_start3A_556 = tpu.memref_slice %arg7[%dma_start3A_553, %dma_start3A_554, %dma_start3A_555] : memref<8x125x64xbf16, #tpu.memory_space<vmem>> -> memref<1x125x64xbf16, #tpu.memory_space<vmem>>
      %dma_start3A_557 = tpu.memref_squeeze %dma_start3A_556 : memref<1x125x64xbf16, #tpu.memory_space<vmem>> -> memref<125x64xbf16, #tpu.memory_space<vmem>>
      %dma_start3A_558 = arith.constant 0 : i32
      %dma_start3A_559 = tpu.memref_slice %arg6[%dma_start3A_552, %min3A_551, %dma_start3A_558] : memref<2x160x125xi32, #tpu.memory_space<vmem>> -> memref<1x1x125xi32, #tpu.memory_space<vmem>>
      %dma_start3A_560 = tpu.memref_squeeze %dma_start3A_559 : memref<1x1x125xi32, #tpu.memory_space<vmem>> -> memref<125xi32, #tpu.memory_space<vmem>>
      %dma_start3A_561 = arith.constant 0 : i32
      %dma_start3A_562 = arith.constant 0 : i32
      %dma_start3A_563 = tpu.memref_slice %arg2[%arg0, %dma_start3A_561, %dma_start3A_562] : memref<2x10240x64xbf16, #tpu.memory_space<hbm>> -> memref<1x10240x64xbf16, #tpu.memory_space<hbm>>
      %dma_start3A_564 = tpu.memref_squeeze %dma_start3A_563 : memref<1x10240x64xbf16, #tpu.memory_space<hbm>> -> memref<10240x64xbf16, #tpu.memory_space<hbm>>
      %dma_start3A_565 = arith.constant 0 : i32
      %dma_start3A_566 = arith.constant 0 : i32
      %dma_start3A_567 = tpu.memref_slice %dma_start3A_564[%dma_start3A_565, %dma_start3A_566] : memref<10240x64xbf16, #tpu.memory_space<hbm>> -> memref<10240x64xbf16, #tpu.memory_space<hbm>>
      tpu.enqueue_indirect_dma source(%dma_start3A_567 : memref<10240x64xbf16, #tpu.memory_space<hbm>>) target(%dma_start3A_557 : memref<125x64xbf16, #tpu.memory_space<vmem>>) offsets(%dma_start3A_560 : memref<125xi32, #tpu.memory_space<vmem>>) semaphore(%arg9 : memref<!tpu.dma_semaphore, #tpu.memory_space<semaphore_mem>>)
      %dma_wait3A_568 = arith.constant 1 : i32
      %dma_wait3A_569 = arith.constant 1 : i32
      %dma_wait3A_570 = arith.constant 0 : i32
      %dma_wait3A_571 = arith.constant 0 : i32
      %dma_wait3A_572 = arith.constant 0 : i32
      %dma_wait3A_573 = tpu.memref_slice %arg7[%dma_wait3A_568, %dma_wait3A_571, %dma_wait3A_572] : memref<8x125x64xbf16, #tpu.memory_space<vmem>> -> memref<1x125x64xbf16, #tpu.memory_space<vmem>>
      %dma_wait3A_574 = tpu.memref_squeeze %dma_wait3A_573 : memref<1x125x64xbf16, #tpu.memory_space<vmem>> -> memref<125x64xbf16, #tpu.memory_space<vmem>>
      %dma_wait3A_575 = arith.constant 0 : i32
      %dma_wait3A_576 = tpu.memref_slice %arg6[%dma_wait3A_569, %dma_wait3A_570, %dma_wait3A_575] : memref<2x160x125xi32, #tpu.memory_space<vmem>> -> memref<1x1x125xi32, #tpu.memory_space<vmem>>
      %dma_wait3A_577 = tpu.memref_squeeze %dma_wait3A_576 : memref<1x1x125xi32, #tpu.memory_space<vmem>> -> memref<125xi32, #tpu.memory_space<vmem>>
      %dma_wait3A_578 = arith.constant 0 : i32
      %dma_wait3A_579 = arith.constant 0 : i32
      %dma_wait3A_580 = tpu.memref_slice %arg8[%dma_wait3A_578, %dma_wait3A_579] : memref<10240x64xbf16, #tpu.memory_space<vmem_shared>> -> memref<10240x64xbf16, #tpu.memory_space<vmem_shared>>
      tpu.wait_indirect_dma semaphore(%arg18 : memref<!tpu.dma_semaphore, #tpu.memory_space<semaphore_mem>>) src(%dma_wait3A_574 : memref<125x64xbf16, #tpu.memory_space<vmem>>) dst(%dma_wait3A_580 : memref<10240x64xbf16, #tpu.memory_space<vmem_shared>>)
      %add3A_581 = arith.constant 8 : i32
      %add3A_582 = arith.addi %mul3A_286, %add3A_581 : i32
      %add3A_583 = arith.constant 1 : i32
      %add3A_584 = arith.addi %add3A_582, %add3A_583 : i32
      %min3A_585 = arith.constant 159 : i32
      %min3A_586 = arith.minsi %add3A_584, %min3A_585 : i32
      %dma_start3A_587 = arith.constant 0 : i32
      %dma_start3A_588 = arith.constant 1 : i32
      %dma_start3A_589 = arith.constant 0 : i32
      %dma_start3A_590 = arith.constant 0 : i32
      %dma_start3A_591 = tpu.memref_slice %arg7[%dma_start3A_588, %dma_start3A_589, %dma_start3A_590] : memref<8x125x64xbf16, #tpu.memory_space<vmem>> -> memref<1x125x64xbf16, #tpu.memory_space<vmem>>
      %dma_start3A_592 = tpu.memref_squeeze %dma_start3A_591 : memref<1x125x64xbf16, #tpu.memory_space<vmem>> -> memref<125x64xbf16, #tpu.memory_space<vmem>>
      %dma_start3A_593 = arith.constant 0 : i32
      %dma_start3A_594 = tpu.memref_slice %arg6[%dma_start3A_587, %min3A_586, %dma_start3A_593] : memref<2x160x125xi32, #tpu.memory_space<vmem>> -> memref<1x1x125xi32, #tpu.memory_space<vmem>>
      %dma_start3A_595 = tpu.memref_squeeze %dma_start3A_594 : memref<1x1x125xi32, #tpu.memory_space<vmem>> -> memref<125xi32, #tpu.memory_space<vmem>>
      %dma_start3A_596 = arith.constant 0 : i32
      %dma_start3A_597 = arith.constant 0 : i32
      %dma_start3A_598 = tpu.memref_slice %arg2[%arg0, %dma_start3A_596, %dma_start3A_597] : memref<2x10240x64xbf16, #tpu.memory_space<hbm>> -> memref<1x10240x64xbf16, #tpu.memory_space<hbm>>
      %dma_start3A_599 = tpu.memref_squeeze %dma_start3A_598 : memref<1x10240x64xbf16, #tpu.memory_space<hbm>> -> memref<10240x64xbf16, #tpu.memory_space<hbm>>
      %dma_start3A_600 = arith.constant 0 : i32
      %dma_start3A_601 = arith.constant 0 : i32
      %dma_start3A_602 = tpu.memref_slice %dma_start3A_599[%dma_start3A_600, %dma_start3A_601] : memref<10240x64xbf16, #tpu.memory_space<hbm>> -> memref<10240x64xbf16, #tpu.memory_space<hbm>>
      tpu.enqueue_indirect_dma source(%dma_start3A_602 : memref<10240x64xbf16, #tpu.memory_space<hbm>>) target(%dma_start3A_592 : memref<125x64xbf16, #tpu.memory_space<vmem>>) offsets(%dma_start3A_595 : memref<125xi32, #tpu.memory_space<vmem>>) semaphore(%arg10 : memref<!tpu.dma_semaphore, #tpu.memory_space<semaphore_mem>>)
      %dma_wait3A_603 = arith.constant 2 : i32
      %dma_wait3A_604 = arith.constant 1 : i32
      %dma_wait3A_605 = arith.constant 0 : i32
      %dma_wait3A_606 = arith.constant 0 : i32
      %dma_wait3A_607 = arith.constant 0 : i32
      %dma_wait3A_608 = tpu.memref_slice %arg7[%dma_wait3A_603, %dma_wait3A_606, %dma_wait3A_607] : memref<8x125x64xbf16, #tpu.memory_space<vmem>> -> memref<1x125x64xbf16, #tpu.memory_space<vmem>>
      %dma_wait3A_609 = tpu.memref_squeeze %dma_wait3A_608 : memref<1x125x64xbf16, #tpu.memory_space<vmem>> -> memref<125x64xbf16, #tpu.memory_space<vmem>>
      %dma_wait3A_610 = arith.constant 0 : i32
      %dma_wait3A_611 = tpu.memref_slice %arg6[%dma_wait3A_604, %dma_wait3A_605, %dma_wait3A_610] : memref<2x160x125xi32, #tpu.memory_space<vmem>> -> memref<1x1x125xi32, #tpu.memory_space<vmem>>
      %dma_wait3A_612 = tpu.memref_squeeze %dma_wait3A_611 : memref<1x1x125xi32, #tpu.memory_space<vmem>> -> memref<125xi32, #tpu.memory_space<vmem>>
      %dma_wait3A_613 = arith.constant 0 : i32
      %dma_wait3A_614 = arith.constant 0 : i32
      %dma_wait3A_615 = tpu.memref_slice %arg8[%dma_wait3A_613, %dma_wait3A_614] : memref<10240x64xbf16, #tpu.memory_space<vmem_shared>> -> memref<10240x64xbf16, #tpu.memory_space<vmem_shared>>
      tpu.wait_indirect_dma semaphore(%arg19 : memref<!tpu.dma_semaphore, #tpu.memory_space<semaphore_mem>>) src(%dma_wait3A_609 : memref<125x64xbf16, #tpu.memory_space<vmem>>) dst(%dma_wait3A_615 : memref<10240x64xbf16, #tpu.memory_space<vmem_shared>>)
      %add3A_616 = arith.constant 8 : i32
      %add3A_617 = arith.addi %mul3A_286, %add3A_616 : i32
      %add3A_618 = arith.constant 2 : i32
      %add3A_619 = arith.addi %add3A_617, %add3A_618 : i32
      %min3A_620 = arith.constant 159 : i32
      %min3A_621 = arith.minsi %add3A_619, %min3A_620 : i32
      %dma_start3A_622 = arith.constant 0 : i32
      %dma_start3A_623 = arith.constant 2 : i32
      %dma_start3A_624 = arith.constant 0 : i32
      %dma_start3A_625 = arith.constant 0 : i32
      %dma_start3A_626 = tpu.memref_slice %arg7[%dma_start3A_623, %dma_start3A_624, %dma_start3A_625] : memref<8x125x64xbf16, #tpu.memory_space<vmem>> -> memref<1x125x64xbf16, #tpu.memory_space<vmem>>
      %dma_start3A_627 = tpu.memref_squeeze %dma_start3A_626 : memref<1x125x64xbf16, #tpu.memory_space<vmem>> -> memref<125x64xbf16, #tpu.memory_space<vmem>>
      %dma_start3A_628 = arith.constant 0 : i32
      %dma_start3A_629 = tpu.memref_slice %arg6[%dma_start3A_622, %min3A_621, %dma_start3A_628] : memref<2x160x125xi32, #tpu.memory_space<vmem>> -> memref<1x1x125xi32, #tpu.memory_space<vmem>>
      %dma_start3A_630 = tpu.memref_squeeze %dma_start3A_629 : memref<1x1x125xi32, #tpu.memory_space<vmem>> -> memref<125xi32, #tpu.memory_space<vmem>>
      %dma_start3A_631 = arith.constant 0 : i32
      %dma_start3A_632 = arith.constant 0 : i32
      %dma_start3A_633 = tpu.memref_slice %arg2[%arg0, %dma_start3A_631, %dma_start3A_632] : memref<2x10240x64xbf16, #tpu.memory_space<hbm>> -> memref<1x10240x64xbf16, #tpu.memory_space<hbm>>
      %dma_start3A_634 = tpu.memref_squeeze %dma_start3A_633 : memref<1x10240x64xbf16, #tpu.memory_space<hbm>> -> memref<10240x64xbf16, #tpu.memory_space<hbm>>
      %dma_start3A_635 = arith.constant 0 : i32
      %dma_start3A_636 = arith.constant 0 : i32
      %dma_start3A_637 = tpu.memref_slice %dma_start3A_634[%dma_start3A_635, %dma_start3A_636] : memref<10240x64xbf16, #tpu.memory_space<hbm>> -> memref<10240x64xbf16, #tpu.memory_space<hbm>>
      tpu.enqueue_indirect_dma source(%dma_start3A_637 : memref<10240x64xbf16, #tpu.memory_space<hbm>>) target(%dma_start3A_627 : memref<125x64xbf16, #tpu.memory_space<vmem>>) offsets(%dma_start3A_630 : memref<125xi32, #tpu.memory_space<vmem>>) semaphore(%arg11 : memref<!tpu.dma_semaphore, #tpu.memory_space<semaphore_mem>>)
      %dma_wait3A_638 = arith.constant 3 : i32
      %dma_wait3A_639 = arith.constant 1 : i32
      %dma_wait3A_640 = arith.constant 0 : i32
      %dma_wait3A_641 = arith.constant 0 : i32
      %dma_wait3A_642 = arith.constant 0 : i32
      %dma_wait3A_643 = tpu.memref_slice %arg7[%dma_wait3A_638, %dma_wait3A_641, %dma_wait3A_642] : memref<8x125x64xbf16, #tpu.memory_space<vmem>> -> memref<1x125x64xbf16, #tpu.memory_space<vmem>>
      %dma_wait3A_644 = tpu.memref_squeeze %dma_wait3A_643 : memref<1x125x64xbf16, #tpu.memory_space<vmem>> -> memref<125x64xbf16, #tpu.memory_space<vmem>>
      %dma_wait3A_645 = arith.constant 0 : i32
      %dma_wait3A_646 = tpu.memref_slice %arg6[%dma_wait3A_639, %dma_wait3A_640, %dma_wait3A_645] : memref<2x160x125xi32, #tpu.memory_space<vmem>> -> memref<1x1x125xi32, #tpu.memory_space<vmem>>
      %dma_wait3A_647 = tpu.memref_squeeze %dma_wait3A_646 : memref<1x1x125xi32, #tpu.memory_space<vmem>> -> memref<125xi32, #tpu.memory_space<vmem>>
      %dma_wait3A_648 = arith.constant 0 : i32
      %dma_wait3A_649 = arith.constant 0 : i32
      %dma_wait3A_650 = tpu.memref_slice %arg8[%dma_wait3A_648, %dma_wait3A_649] : memref<10240x64xbf16, #tpu.memory_space<vmem_shared>> -> memref<10240x64xbf16, #tpu.memory_space<vmem_shared>>
      tpu.wait_indirect_dma semaphore(%arg20 : memref<!tpu.dma_semaphore, #tpu.memory_space<semaphore_mem>>) src(%dma_wait3A_644 : memref<125x64xbf16, #tpu.memory_space<vmem>>) dst(%dma_wait3A_650 : memref<10240x64xbf16, #tpu.memory_space<vmem_shared>>)
      %add3A_651 = arith.constant 8 : i32
      %add3A_652 = arith.addi %mul3A_286, %add3A_651 : i32
      %add3A_653 = arith.constant 3 : i32
      %add3A_654 = arith.addi %add3A_652, %add3A_653 : i32
      %min3A_655 = arith.constant 159 : i32
      %min3A_656 = arith.minsi %add3A_654, %min3A_655 : i32
      %dma_start3A_657 = arith.constant 0 : i32
      %dma_start3A_658 = arith.constant 3 : i32
      %dma_start3A_659 = arith.constant 0 : i32
      %dma_start3A_660 = arith.constant 0 : i32
      %dma_start3A_661 = tpu.memref_slice %arg7[%dma_start3A_658, %dma_start3A_659, %dma_start3A_660] : memref<8x125x64xbf16, #tpu.memory_space<vmem>> -> memref<1x125x64xbf16, #tpu.memory_space<vmem>>
      %dma_start3A_662 = tpu.memref_squeeze %dma_start3A_661 : memref<1x125x64xbf16, #tpu.memory_space<vmem>> -> memref<125x64xbf16, #tpu.memory_space<vmem>>
      %dma_start3A_663 = arith.constant 0 : i32
      %dma_start3A_664 = tpu.memref_slice %arg6[%dma_start3A_657, %min3A_656, %dma_start3A_663] : memref<2x160x125xi32, #tpu.memory_space<vmem>> -> memref<1x1x125xi32, #tpu.memory_space<vmem>>
      %dma_start3A_665 = tpu.memref_squeeze %dma_start3A_664 : memref<1x1x125xi32, #tpu.memory_space<vmem>> -> memref<125xi32, #tpu.memory_space<vmem>>
      %dma_start3A_666 = arith.constant 0 : i32
      %dma_start3A_667 = arith.constant 0 : i32
      %dma_start3A_668 = tpu.memref_slice %arg2[%arg0, %dma_start3A_666, %dma_start3A_667] : memref<2x10240x64xbf16, #tpu.memory_space<hbm>> -> memref<1x10240x64xbf16, #tpu.memory_space<hbm>>
      %dma_start3A_669 = tpu.memref_squeeze %dma_start3A_668 : memref<1x10240x64xbf16, #tpu.memory_space<hbm>> -> memref<10240x64xbf16, #tpu.memory_space<hbm>>
      %dma_start3A_670 = arith.constant 0 : i32
      %dma_start3A_671 = arith.constant 0 : i32
      %dma_start3A_672 = tpu.memref_slice %dma_start3A_669[%dma_start3A_670, %dma_start3A_671] : memref<10240x64xbf16, #tpu.memory_space<hbm>> -> memref<10240x64xbf16, #tpu.memory_space<hbm>>
      tpu.enqueue_indirect_dma source(%dma_start3A_672 : memref<10240x64xbf16, #tpu.memory_space<hbm>>) target(%dma_start3A_662 : memref<125x64xbf16, #tpu.memory_space<vmem>>) offsets(%dma_start3A_665 : memref<125xi32, #tpu.memory_space<vmem>>) semaphore(%arg12 : memref<!tpu.dma_semaphore, #tpu.memory_space<semaphore_mem>>)
      %dma_wait3A_673 = arith.constant 4 : i32
      %dma_wait3A_674 = arith.constant 1 : i32
      %dma_wait3A_675 = arith.constant 0 : i32
      %dma_wait3A_676 = arith.constant 0 : i32
      %dma_wait3A_677 = arith.constant 0 : i32
      %dma_wait3A_678 = tpu.memref_slice %arg7[%dma_wait3A_673, %dma_wait3A_676, %dma_wait3A_677] : memref<8x125x64xbf16, #tpu.memory_space<vmem>> -> memref<1x125x64xbf16, #tpu.memory_space<vmem>>
      %dma_wait3A_679 = tpu.memref_squeeze %dma_wait3A_678 : memref<1x125x64xbf16, #tpu.memory_space<vmem>> -> memref<125x64xbf16, #tpu.memory_space<vmem>>
      %dma_wait3A_680 = arith.constant 0 : i32
      %dma_wait3A_681 = tpu.memref_slice %arg6[%dma_wait3A_674, %dma_wait3A_675, %dma_wait3A_680] : memref<2x160x125xi32, #tpu.memory_space<vmem>> -> memref<1x1x125xi32, #tpu.memory_space<vmem>>
      %dma_wait3A_682 = tpu.memref_squeeze %dma_wait3A_681 : memref<1x1x125xi32, #tpu.memory_space<vmem>> -> memref<125xi32, #tpu.memory_space<vmem>>
      %dma_wait3A_683 = arith.constant 0 : i32
      %dma_wait3A_684 = arith.constant 0 : i32
      %dma_wait3A_685 = tpu.memref_slice %arg8[%dma_wait3A_683, %dma_wait3A_684] : memref<10240x64xbf16, #tpu.memory_space<vmem_shared>> -> memref<10240x64xbf16, #tpu.memory_space<vmem_shared>>
      tpu.wait_indirect_dma semaphore(%arg21 : memref<!tpu.dma_semaphore, #tpu.memory_space<semaphore_mem>>) src(%dma_wait3A_679 : memref<125x64xbf16, #tpu.memory_space<vmem>>) dst(%dma_wait3A_685 : memref<10240x64xbf16, #tpu.memory_space<vmem_shared>>)
      %add3A_686 = arith.constant 8 : i32
      %add3A_687 = arith.addi %mul3A_286, %add3A_686 : i32
      %add3A_688 = arith.constant 4 : i32
      %add3A_689 = arith.addi %add3A_687, %add3A_688 : i32
      %min3A_690 = arith.constant 159 : i32
      %min3A_691 = arith.minsi %add3A_689, %min3A_690 : i32
      %dma_start3A_692 = arith.constant 0 : i32
      %dma_start3A_693 = arith.constant 4 : i32
      %dma_start3A_694 = arith.constant 0 : i32
      %dma_start3A_695 = arith.constant 0 : i32
      %dma_start3A_696 = tpu.memref_slice %arg7[%dma_start3A_693, %dma_start3A_694, %dma_start3A_695] : memref<8x125x64xbf16, #tpu.memory_space<vmem>> -> memref<1x125x64xbf16, #tpu.memory_space<vmem>>
      %dma_start3A_697 = tpu.memref_squeeze %dma_start3A_696 : memref<1x125x64xbf16, #tpu.memory_space<vmem>> -> memref<125x64xbf16, #tpu.memory_space<vmem>>
      %dma_start3A_698 = arith.constant 0 : i32
      %dma_start3A_699 = tpu.memref_slice %arg6[%dma_start3A_692, %min3A_691, %dma_start3A_698] : memref<2x160x125xi32, #tpu.memory_space<vmem>> -> memref<1x1x125xi32, #tpu.memory_space<vmem>>
      %dma_start3A_700 = tpu.memref_squeeze %dma_start3A_699 : memref<1x1x125xi32, #tpu.memory_space<vmem>> -> memref<125xi32, #tpu.memory_space<vmem>>
      %dma_start3A_701 = arith.constant 0 : i32
      %dma_start3A_702 = arith.constant 0 : i32
      %dma_start3A_703 = tpu.memref_slice %arg2[%arg0, %dma_start3A_701, %dma_start3A_702] : memref<2x10240x64xbf16, #tpu.memory_space<hbm>> -> memref<1x10240x64xbf16, #tpu.memory_space<hbm>>
      %dma_start3A_704 = tpu.memref_squeeze %dma_start3A_703 : memref<1x10240x64xbf16, #tpu.memory_space<hbm>> -> memref<10240x64xbf16, #tpu.memory_space<hbm>>
      %dma_start3A_705 = arith.constant 0 : i32
      %dma_start3A_706 = arith.constant 0 : i32
      %dma_start3A_707 = tpu.memref_slice %dma_start3A_704[%dma_start3A_705, %dma_start3A_706] : memref<10240x64xbf16, #tpu.memory_space<hbm>> -> memref<10240x64xbf16, #tpu.memory_space<hbm>>
      tpu.enqueue_indirect_dma source(%dma_start3A_707 : memref<10240x64xbf16, #tpu.memory_space<hbm>>) target(%dma_start3A_697 : memref<125x64xbf16, #tpu.memory_space<vmem>>) offsets(%dma_start3A_700 : memref<125xi32, #tpu.memory_space<vmem>>) semaphore(%arg13 : memref<!tpu.dma_semaphore, #tpu.memory_space<semaphore_mem>>)
      %dma_wait3A_708 = arith.constant 5 : i32
      %dma_wait3A_709 = arith.constant 1 : i32
      %dma_wait3A_710 = arith.constant 0 : i32
      %dma_wait3A_711 = arith.constant 0 : i32
      %dma_wait3A_712 = arith.constant 0 : i32
      %dma_wait3A_713 = tpu.memref_slice %arg7[%dma_wait3A_708, %dma_wait3A_711, %dma_wait3A_712] : memref<8x125x64xbf16, #tpu.memory_space<vmem>> -> memref<1x125x64xbf16, #tpu.memory_space<vmem>>
      %dma_wait3A_714 = tpu.memref_squeeze %dma_wait3A_713 : memref<1x125x64xbf16, #tpu.memory_space<vmem>> -> memref<125x64xbf16, #tpu.memory_space<vmem>>
      %dma_wait3A_715 = arith.constant 0 : i32
      %dma_wait3A_716 = tpu.memref_slice %arg6[%dma_wait3A_709, %dma_wait3A_710, %dma_wait3A_715] : memref<2x160x125xi32, #tpu.memory_space<vmem>> -> memref<1x1x125xi32, #tpu.memory_space<vmem>>
      %dma_wait3A_717 = tpu.memref_squeeze %dma_wait3A_716 : memref<1x1x125xi32, #tpu.memory_space<vmem>> -> memref<125xi32, #tpu.memory_space<vmem>>
      %dma_wait3A_718 = arith.constant 0 : i32
      %dma_wait3A_719 = arith.constant 0 : i32
      %dma_wait3A_720 = tpu.memref_slice %arg8[%dma_wait3A_718, %dma_wait3A_719] : memref<10240x64xbf16, #tpu.memory_space<vmem_shared>> -> memref<10240x64xbf16, #tpu.memory_space<vmem_shared>>
      tpu.wait_indirect_dma semaphore(%arg22 : memref<!tpu.dma_semaphore, #tpu.memory_space<semaphore_mem>>) src(%dma_wait3A_714 : memref<125x64xbf16, #tpu.memory_space<vmem>>) dst(%dma_wait3A_720 : memref<10240x64xbf16, #tpu.memory_space<vmem_shared>>)
      %add3A_721 = arith.constant 8 : i32
      %add3A_722 = arith.addi %mul3A_286, %add3A_721 : i32
      %add3A_723 = arith.constant 5 : i32
      %add3A_724 = arith.addi %add3A_722, %add3A_723 : i32
      %min3A_725 = arith.constant 159 : i32
      %min3A_726 = arith.minsi %add3A_724, %min3A_725 : i32
      %dma_start3A_727 = arith.constant 0 : i32
      %dma_start3A_728 = arith.constant 5 : i32
      %dma_start3A_729 = arith.constant 0 : i32
      %dma_start3A_730 = arith.constant 0 : i32
      %dma_start3A_731 = tpu.memref_slice %arg7[%dma_start3A_728, %dma_start3A_729, %dma_start3A_730] : memref<8x125x64xbf16, #tpu.memory_space<vmem>> -> memref<1x125x64xbf16, #tpu.memory_space<vmem>>
      %dma_start3A_732 = tpu.memref_squeeze %dma_start3A_731 : memref<1x125x64xbf16, #tpu.memory_space<vmem>> -> memref<125x64xbf16, #tpu.memory_space<vmem>>
      %dma_start3A_733 = arith.constant 0 : i32
      %dma_start3A_734 = tpu.memref_slice %arg6[%dma_start3A_727, %min3A_726, %dma_start3A_733] : memref<2x160x125xi32, #tpu.memory_space<vmem>> -> memref<1x1x125xi32, #tpu.memory_space<vmem>>
      %dma_start3A_735 = tpu.memref_squeeze %dma_start3A_734 : memref<1x1x125xi32, #tpu.memory_space<vmem>> -> memref<125xi32, #tpu.memory_space<vmem>>
      %dma_start3A_736 = arith.constant 0 : i32
      %dma_start3A_737 = arith.constant 0 : i32
      %dma_start3A_738 = tpu.memref_slice %arg2[%arg0, %dma_start3A_736, %dma_start3A_737] : memref<2x10240x64xbf16, #tpu.memory_space<hbm>> -> memref<1x10240x64xbf16, #tpu.memory_space<hbm>>
      %dma_start3A_739 = tpu.memref_squeeze %dma_start3A_738 : memref<1x10240x64xbf16, #tpu.memory_space<hbm>> -> memref<10240x64xbf16, #tpu.memory_space<hbm>>
      %dma_start3A_740 = arith.constant 0 : i32
      %dma_start3A_741 = arith.constant 0 : i32
      %dma_start3A_742 = tpu.memref_slice %dma_start3A_739[%dma_start3A_740, %dma_start3A_741] : memref<10240x64xbf16, #tpu.memory_space<hbm>> -> memref<10240x64xbf16, #tpu.memory_space<hbm>>
      tpu.enqueue_indirect_dma source(%dma_start3A_742 : memref<10240x64xbf16, #tpu.memory_space<hbm>>) target(%dma_start3A_732 : memref<125x64xbf16, #tpu.memory_space<vmem>>) offsets(%dma_start3A_735 : memref<125xi32, #tpu.memory_space<vmem>>) semaphore(%arg14 : memref<!tpu.dma_semaphore, #tpu.memory_space<semaphore_mem>>)
      %dma_wait3A_743 = arith.constant 6 : i32
      %dma_wait3A_744 = arith.constant 1 : i32
      %dma_wait3A_745 = arith.constant 0 : i32
      %dma_wait3A_746 = arith.constant 0 : i32
      %dma_wait3A_747 = arith.constant 0 : i32
      %dma_wait3A_748 = tpu.memref_slice %arg7[%dma_wait3A_743, %dma_wait3A_746, %dma_wait3A_747] : memref<8x125x64xbf16, #tpu.memory_space<vmem>> -> memref<1x125x64xbf16, #tpu.memory_space<vmem>>
      %dma_wait3A_749 = tpu.memref_squeeze %dma_wait3A_748 : memref<1x125x64xbf16, #tpu.memory_space<vmem>> -> memref<125x64xbf16, #tpu.memory_space<vmem>>
      %dma_wait3A_750 = arith.constant 0 : i32
      %dma_wait3A_751 = tpu.memref_slice %arg6[%dma_wait3A_744, %dma_wait3A_745, %dma_wait3A_750] : memref<2x160x125xi32, #tpu.memory_space<vmem>> -> memref<1x1x125xi32, #tpu.memory_space<vmem>>
      %dma_wait3A_752 = tpu.memref_squeeze %dma_wait3A_751 : memref<1x1x125xi32, #tpu.memory_space<vmem>> -> memref<125xi32, #tpu.memory_space<vmem>>
      %dma_wait3A_753 = arith.constant 0 : i32
      %dma_wait3A_754 = arith.constant 0 : i32
      %dma_wait3A_755 = tpu.memref_slice %arg8[%dma_wait3A_753, %dma_wait3A_754] : memref<10240x64xbf16, #tpu.memory_space<vmem_shared>> -> memref<10240x64xbf16, #tpu.memory_space<vmem_shared>>
      tpu.wait_indirect_dma semaphore(%arg23 : memref<!tpu.dma_semaphore, #tpu.memory_space<semaphore_mem>>) src(%dma_wait3A_749 : memref<125x64xbf16, #tpu.memory_space<vmem>>) dst(%dma_wait3A_755 : memref<10240x64xbf16, #tpu.memory_space<vmem_shared>>)
      %add3A_756 = arith.constant 8 : i32
      %add3A_757 = arith.addi %mul3A_286, %add3A_756 : i32
      %add3A_758 = arith.constant 6 : i32
      %add3A_759 = arith.addi %add3A_757, %add3A_758 : i32
      %min3A_760 = arith.constant 159 : i32
      %min3A_761 = arith.minsi %add3A_759, %min3A_760 : i32
      %dma_start3A_762 = arith.constant 0 : i32
      %dma_start3A_763 = arith.constant 6 : i32
      %dma_start3A_764 = arith.constant 0 : i32
      %dma_start3A_765 = arith.constant 0 : i32
      %dma_start3A_766 = tpu.memref_slice %arg7[%dma_start3A_763, %dma_start3A_764, %dma_start3A_765] : memref<8x125x64xbf16, #tpu.memory_space<vmem>> -> memref<1x125x64xbf16, #tpu.memory_space<vmem>>
      %dma_start3A_767 = tpu.memref_squeeze %dma_start3A_766 : memref<1x125x64xbf16, #tpu.memory_space<vmem>> -> memref<125x64xbf16, #tpu.memory_space<vmem>>
      %dma_start3A_768 = arith.constant 0 : i32
      %dma_start3A_769 = tpu.memref_slice %arg6[%dma_start3A_762, %min3A_761, %dma_start3A_768] : memref<2x160x125xi32, #tpu.memory_space<vmem>> -> memref<1x1x125xi32, #tpu.memory_space<vmem>>
      %dma_start3A_770 = tpu.memref_squeeze %dma_start3A_769 : memref<1x1x125xi32, #tpu.memory_space<vmem>> -> memref<125xi32, #tpu.memory_space<vmem>>
      %dma_start3A_771 = arith.constant 0 : i32
      %dma_start3A_772 = arith.constant 0 : i32
      %dma_start3A_773 = tpu.memref_slice %arg2[%arg0, %dma_start3A_771, %dma_start3A_772] : memref<2x10240x64xbf16, #tpu.memory_space<hbm>> -> memref<1x10240x64xbf16, #tpu.memory_space<hbm>>
      %dma_start3A_774 = tpu.memref_squeeze %dma_start3A_773 : memref<1x10240x64xbf16, #tpu.memory_space<hbm>> -> memref<10240x64xbf16, #tpu.memory_space<hbm>>
      %dma_start3A_775 = arith.constant 0 : i32
      %dma_start3A_776 = arith.constant 0 : i32
      %dma_start3A_777 = tpu.memref_slice %dma_start3A_774[%dma_start3A_775, %dma_start3A_776] : memref<10240x64xbf16, #tpu.memory_space<hbm>> -> memref<10240x64xbf16, #tpu.memory_space<hbm>>
      tpu.enqueue_indirect_dma source(%dma_start3A_777 : memref<10240x64xbf16, #tpu.memory_space<hbm>>) target(%dma_start3A_767 : memref<125x64xbf16, #tpu.memory_space<vmem>>) offsets(%dma_start3A_770 : memref<125xi32, #tpu.memory_space<vmem>>) semaphore(%arg15 : memref<!tpu.dma_semaphore, #tpu.memory_space<semaphore_mem>>)
      %dma_wait3A_778 = arith.constant 7 : i32
      %dma_wait3A_779 = arith.constant 1 : i32
      %dma_wait3A_780 = arith.constant 0 : i32
      %dma_wait3A_781 = arith.constant 0 : i32
      %dma_wait3A_782 = arith.constant 0 : i32
      %dma_wait3A_783 = tpu.memref_slice %arg7[%dma_wait3A_778, %dma_wait3A_781, %dma_wait3A_782] : memref<8x125x64xbf16, #tpu.memory_space<vmem>> -> memref<1x125x64xbf16, #tpu.memory_space<vmem>>
      %dma_wait3A_784 = tpu.memref_squeeze %dma_wait3A_783 : memref<1x125x64xbf16, #tpu.memory_space<vmem>> -> memref<125x64xbf16, #tpu.memory_space<vmem>>
      %dma_wait3A_785 = arith.constant 0 : i32
      %dma_wait3A_786 = tpu.memref_slice %arg6[%dma_wait3A_779, %dma_wait3A_780, %dma_wait3A_785] : memref<2x160x125xi32, #tpu.memory_space<vmem>> -> memref<1x1x125xi32, #tpu.memory_space<vmem>>
      %dma_wait3A_787 = tpu.memref_squeeze %dma_wait3A_786 : memref<1x1x125xi32, #tpu.memory_space<vmem>> -> memref<125xi32, #tpu.memory_space<vmem>>
      %dma_wait3A_788 = arith.constant 0 : i32
      %dma_wait3A_789 = arith.constant 0 : i32
      %dma_wait3A_790 = tpu.memref_slice %arg8[%dma_wait3A_788, %dma_wait3A_789] : memref<10240x64xbf16, #tpu.memory_space<vmem_shared>> -> memref<10240x64xbf16, #tpu.memory_space<vmem_shared>>
      tpu.wait_indirect_dma semaphore(%arg24 : memref<!tpu.dma_semaphore, #tpu.memory_space<semaphore_mem>>) src(%dma_wait3A_784 : memref<125x64xbf16, #tpu.memory_space<vmem>>) dst(%dma_wait3A_790 : memref<10240x64xbf16, #tpu.memory_space<vmem_shared>>)
      %add3A_791 = arith.constant 8 : i32
      %add3A_792 = arith.addi %mul3A_286, %add3A_791 : i32
      %add3A_793 = arith.constant 7 : i32
      %add3A_794 = arith.addi %add3A_792, %add3A_793 : i32
      %min3A_795 = arith.constant 159 : i32
      %min3A_796 = arith.minsi %add3A_794, %min3A_795 : i32
      %dma_start3A_797 = arith.constant 0 : i32
      %dma_start3A_798 = arith.constant 7 : i32
      %dma_start3A_799 = arith.constant 0 : i32
      %dma_start3A_800 = arith.constant 0 : i32
      %dma_start3A_801 = tpu.memref_slice %arg7[%dma_start3A_798, %dma_start3A_799, %dma_start3A_800] : memref<8x125x64xbf16, #tpu.memory_space<vmem>> -> memref<1x125x64xbf16, #tpu.memory_space<vmem>>
      %dma_start3A_802 = tpu.memref_squeeze %dma_start3A_801 : memref<1x125x64xbf16, #tpu.memory_space<vmem>> -> memref<125x64xbf16, #tpu.memory_space<vmem>>
      %dma_start3A_803 = arith.constant 0 : i32
      %dma_start3A_804 = tpu.memref_slice %arg6[%dma_start3A_797, %min3A_796, %dma_start3A_803] : memref<2x160x125xi32, #tpu.memory_space<vmem>> -> memref<1x1x125xi32, #tpu.memory_space<vmem>>
      %dma_start3A_805 = tpu.memref_squeeze %dma_start3A_804 : memref<1x1x125xi32, #tpu.memory_space<vmem>> -> memref<125xi32, #tpu.memory_space<vmem>>
      %dma_start3A_806 = arith.constant 0 : i32
      %dma_start3A_807 = arith.constant 0 : i32
      %dma_start3A_808 = tpu.memref_slice %arg2[%arg0, %dma_start3A_806, %dma_start3A_807] : memref<2x10240x64xbf16, #tpu.memory_space<hbm>> -> memref<1x10240x64xbf16, #tpu.memory_space<hbm>>
      %dma_start3A_809 = tpu.memref_squeeze %dma_start3A_808 : memref<1x10240x64xbf16, #tpu.memory_space<hbm>> -> memref<10240x64xbf16, #tpu.memory_space<hbm>>
      %dma_start3A_810 = arith.constant 0 : i32
      %dma_start3A_811 = arith.constant 0 : i32
      %dma_start3A_812 = tpu.memref_slice %dma_start3A_809[%dma_start3A_810, %dma_start3A_811] : memref<10240x64xbf16, #tpu.memory_space<hbm>> -> memref<10240x64xbf16, #tpu.memory_space<hbm>>
      tpu.enqueue_indirect_dma source(%dma_start3A_812 : memref<10240x64xbf16, #tpu.memory_space<hbm>>) target(%dma_start3A_802 : memref<125x64xbf16, #tpu.memory_space<vmem>>) offsets(%dma_start3A_805 : memref<125xi32, #tpu.memory_space<vmem>>) semaphore(%arg16 : memref<!tpu.dma_semaphore, #tpu.memory_space<semaphore_mem>>)
    }
    %scan3A_143 = arith.constant 20 : i32
    %dma_wait3A = arith.constant 0 : i32
    %dma_wait3A_144 = arith.constant 0 : i32
    %dma_wait3A_145 = arith.constant 0 : i32
    %dma_wait3A_146 = arith.constant 0 : i32
    %dma_wait3A_147 = arith.constant 0 : i32
    %dma_wait3A_148 = tpu.memref_slice %arg7[%dma_wait3A_145, %dma_wait3A_146, %dma_wait3A_147] : memref<8x125x64xbf16, #tpu.memory_space<vmem>> -> memref<1x125x64xbf16, #tpu.memory_space<vmem>>
    %dma_wait3A_149 = tpu.memref_squeeze %dma_wait3A_148 : memref<1x125x64xbf16, #tpu.memory_space<vmem>> -> memref<125x64xbf16, #tpu.memory_space<vmem>>
    %dma_wait3A_150 = arith.constant 0 : i32
    %dma_wait3A_151 = tpu.memref_slice %arg6[%dma_wait3A, %dma_wait3A_144, %dma_wait3A_150] : memref<2x160x125xi32, #tpu.memory_space<vmem>> -> memref<1x1x125xi32, #tpu.memory_space<vmem>>
    %dma_wait3A_152 = tpu.memref_squeeze %dma_wait3A_151 : memref<1x1x125xi32, #tpu.memory_space<vmem>> -> memref<125xi32, #tpu.memory_space<vmem>>
    %dma_wait3A_153 = arith.constant 0 : i32
    %dma_wait3A_154 = arith.constant 0 : i32
    %dma_wait3A_155 = tpu.memref_slice %arg2[%arg0, %dma_wait3A_153, %dma_wait3A_154] : memref<2x10240x64xbf16, #tpu.memory_space<hbm>> -> memref<1x10240x64xbf16, #tpu.memory_space<hbm>>
    %dma_wait3A_156 = tpu.memref_squeeze %dma_wait3A_155 : memref<1x10240x64xbf16, #tpu.memory_space<hbm>> -> memref<10240x64xbf16, #tpu.memory_space<hbm>>
    %dma_wait3A_157 = arith.constant 0 : i32
    %dma_wait3A_158 = arith.constant 0 : i32
    %dma_wait3A_159 = tpu.memref_slice %dma_wait3A_156[%dma_wait3A_157, %dma_wait3A_158] : memref<10240x64xbf16, #tpu.memory_space<hbm>> -> memref<10240x64xbf16, #tpu.memory_space<hbm>>
    tpu.wait_indirect_dma semaphore(%arg9 : memref<!tpu.dma_semaphore, #tpu.memory_space<semaphore_mem>>) src(%dma_wait3A_159 : memref<10240x64xbf16, #tpu.memory_space<hbm>>) dst(%dma_wait3A_149 : memref<125x64xbf16, #tpu.memory_space<vmem>>)
    %dma_wait3A_160 = arith.constant 0 : i32
    %dma_wait3A_161 = arith.constant 0 : i32
    %dma_wait3A_162 = arith.constant 1 : i32
    %dma_wait3A_163 = arith.constant 0 : i32
    %dma_wait3A_164 = arith.constant 0 : i32
    %dma_wait3A_165 = tpu.memref_slice %arg7[%dma_wait3A_162, %dma_wait3A_163, %dma_wait3A_164] : memref<8x125x64xbf16, #tpu.memory_space<vmem>> -> memref<1x125x64xbf16, #tpu.memory_space<vmem>>
    %dma_wait3A_166 = tpu.memref_squeeze %dma_wait3A_165 : memref<1x125x64xbf16, #tpu.memory_space<vmem>> -> memref<125x64xbf16, #tpu.memory_space<vmem>>
    %dma_wait3A_167 = arith.constant 0 : i32
    %dma_wait3A_168 = tpu.memref_slice %arg6[%dma_wait3A_160, %dma_wait3A_161, %dma_wait3A_167] : memref<2x160x125xi32, #tpu.memory_space<vmem>> -> memref<1x1x125xi32, #tpu.memory_space<vmem>>
    %dma_wait3A_169 = tpu.memref_squeeze %dma_wait3A_168 : memref<1x1x125xi32, #tpu.memory_space<vmem>> -> memref<125xi32, #tpu.memory_space<vmem>>
    %dma_wait3A_170 = arith.constant 0 : i32
    %dma_wait3A_171 = arith.constant 0 : i32
    %dma_wait3A_172 = tpu.memref_slice %arg2[%arg0, %dma_wait3A_170, %dma_wait3A_171] : memref<2x10240x64xbf16, #tpu.memory_space<hbm>> -> memref<1x10240x64xbf16, #tpu.memory_space<hbm>>
    %dma_wait3A_173 = tpu.memref_squeeze %dma_wait3A_172 : memref<1x10240x64xbf16, #tpu.memory_space<hbm>> -> memref<10240x64xbf16, #tpu.memory_space<hbm>>
    %dma_wait3A_174 = arith.constant 0 : i32
    %dma_wait3A_175 = arith.constant 0 : i32
    %dma_wait3A_176 = tpu.memref_slice %dma_wait3A_173[%dma_wait3A_174, %dma_wait3A_175] : memref<10240x64xbf16, #tpu.memory_space<hbm>> -> memref<10240x64xbf16, #tpu.memory_space<hbm>>
    tpu.wait_indirect_dma semaphore(%arg10 : memref<!tpu.dma_semaphore, #tpu.memory_space<semaphore_mem>>) src(%dma_wait3A_176 : memref<10240x64xbf16, #tpu.memory_space<hbm>>) dst(%dma_wait3A_166 : memref<125x64xbf16, #tpu.memory_space<vmem>>)
    %dma_wait3A_177 = arith.constant 0 : i32
    %dma_wait3A_178 = arith.constant 0 : i32
    %dma_wait3A_179 = arith.constant 2 : i32
    %dma_wait3A_180 = arith.constant 0 : i32
    %dma_wait3A_181 = arith.constant 0 : i32
    %dma_wait3A_182 = tpu.memref_slice %arg7[%dma_wait3A_179, %dma_wait3A_180, %dma_wait3A_181] : memref<8x125x64xbf16, #tpu.memory_space<vmem>> -> memref<1x125x64xbf16, #tpu.memory_space<vmem>>
    %dma_wait3A_183 = tpu.memref_squeeze %dma_wait3A_182 : memref<1x125x64xbf16, #tpu.memory_space<vmem>> -> memref<125x64xbf16, #tpu.memory_space<vmem>>
    %dma_wait3A_184 = arith.constant 0 : i32
    %dma_wait3A_185 = tpu.memref_slice %arg6[%dma_wait3A_177, %dma_wait3A_178, %dma_wait3A_184] : memref<2x160x125xi32, #tpu.memory_space<vmem>> -> memref<1x1x125xi32, #tpu.memory_space<vmem>>
    %dma_wait3A_186 = tpu.memref_squeeze %dma_wait3A_185 : memref<1x1x125xi32, #tpu.memory_space<vmem>> -> memref<125xi32, #tpu.memory_space<vmem>>
    %dma_wait3A_187 = arith.constant 0 : i32
    %dma_wait3A_188 = arith.constant 0 : i32
    %dma_wait3A_189 = tpu.memref_slice %arg2[%arg0, %dma_wait3A_187, %dma_wait3A_188] : memref<2x10240x64xbf16, #tpu.memory_space<hbm>> -> memref<1x10240x64xbf16, #tpu.memory_space<hbm>>
    %dma_wait3A_190 = tpu.memref_squeeze %dma_wait3A_189 : memref<1x10240x64xbf16, #tpu.memory_space<hbm>> -> memref<10240x64xbf16, #tpu.memory_space<hbm>>
    %dma_wait3A_191 = arith.constant 0 : i32
    %dma_wait3A_192 = arith.constant 0 : i32
    %dma_wait3A_193 = tpu.memref_slice %dma_wait3A_190[%dma_wait3A_191, %dma_wait3A_192] : memref<10240x64xbf16, #tpu.memory_space<hbm>> -> memref<10240x64xbf16, #tpu.memory_space<hbm>>
    tpu.wait_indirect_dma semaphore(%arg11 : memref<!tpu.dma_semaphore, #tpu.memory_space<semaphore_mem>>) src(%dma_wait3A_193 : memref<10240x64xbf16, #tpu.memory_space<hbm>>) dst(%dma_wait3A_183 : memref<125x64xbf16, #tpu.memory_space<vmem>>)
    %dma_wait3A_194 = arith.constant 0 : i32
    %dma_wait3A_195 = arith.constant 0 : i32
    %dma_wait3A_196 = arith.constant 3 : i32
    %dma_wait3A_197 = arith.constant 0 : i32
    %dma_wait3A_198 = arith.constant 0 : i32
    %dma_wait3A_199 = tpu.memref_slice %arg7[%dma_wait3A_196, %dma_wait3A_197, %dma_wait3A_198] : memref<8x125x64xbf16, #tpu.memory_space<vmem>> -> memref<1x125x64xbf16, #tpu.memory_space<vmem>>
    %dma_wait3A_200 = tpu.memref_squeeze %dma_wait3A_199 : memref<1x125x64xbf16, #tpu.memory_space<vmem>> -> memref<125x64xbf16, #tpu.memory_space<vmem>>
    %dma_wait3A_201 = arith.constant 0 : i32
    %dma_wait3A_202 = tpu.memref_slice %arg6[%dma_wait3A_194, %dma_wait3A_195, %dma_wait3A_201] : memref<2x160x125xi32, #tpu.memory_space<vmem>> -> memref<1x1x125xi32, #tpu.memory_space<vmem>>
    %dma_wait3A_203 = tpu.memref_squeeze %dma_wait3A_202 : memref<1x1x125xi32, #tpu.memory_space<vmem>> -> memref<125xi32, #tpu.memory_space<vmem>>
    %dma_wait3A_204 = arith.constant 0 : i32
    %dma_wait3A_205 = arith.constant 0 : i32
    %dma_wait3A_206 = tpu.memref_slice %arg2[%arg0, %dma_wait3A_204, %dma_wait3A_205] : memref<2x10240x64xbf16, #tpu.memory_space<hbm>> -> memref<1x10240x64xbf16, #tpu.memory_space<hbm>>
    %dma_wait3A_207 = tpu.memref_squeeze %dma_wait3A_206 : memref<1x10240x64xbf16, #tpu.memory_space<hbm>> -> memref<10240x64xbf16, #tpu.memory_space<hbm>>
    %dma_wait3A_208 = arith.constant 0 : i32
    %dma_wait3A_209 = arith.constant 0 : i32
    %dma_wait3A_210 = tpu.memref_slice %dma_wait3A_207[%dma_wait3A_208, %dma_wait3A_209] : memref<10240x64xbf16, #tpu.memory_space<hbm>> -> memref<10240x64xbf16, #tpu.memory_space<hbm>>
    tpu.wait_indirect_dma semaphore(%arg12 : memref<!tpu.dma_semaphore, #tpu.memory_space<semaphore_mem>>) src(%dma_wait3A_210 : memref<10240x64xbf16, #tpu.memory_space<hbm>>) dst(%dma_wait3A_200 : memref<125x64xbf16, #tpu.memory_space<vmem>>)
    %dma_wait3A_211 = arith.constant 0 : i32
    %dma_wait3A_212 = arith.constant 0 : i32
    %dma_wait3A_213 = arith.constant 4 : i32
    %dma_wait3A_214 = arith.constant 0 : i32
    %dma_wait3A_215 = arith.constant 0 : i32
    %dma_wait3A_216 = tpu.memref_slice %arg7[%dma_wait3A_213, %dma_wait3A_214, %dma_wait3A_215] : memref<8x125x64xbf16, #tpu.memory_space<vmem>> -> memref<1x125x64xbf16, #tpu.memory_space<vmem>>
    %dma_wait3A_217 = tpu.memref_squeeze %dma_wait3A_216 : memref<1x125x64xbf16, #tpu.memory_space<vmem>> -> memref<125x64xbf16, #tpu.memory_space<vmem>>
    %dma_wait3A_218 = arith.constant 0 : i32
    %dma_wait3A_219 = tpu.memref_slice %arg6[%dma_wait3A_211, %dma_wait3A_212, %dma_wait3A_218] : memref<2x160x125xi32, #tpu.memory_space<vmem>> -> memref<1x1x125xi32, #tpu.memory_space<vmem>>
    %dma_wait3A_220 = tpu.memref_squeeze %dma_wait3A_219 : memref<1x1x125xi32, #tpu.memory_space<vmem>> -> memref<125xi32, #tpu.memory_space<vmem>>
    %dma_wait3A_221 = arith.constant 0 : i32
    %dma_wait3A_222 = arith.constant 0 : i32
    %dma_wait3A_223 = tpu.memref_slice %arg2[%arg0, %dma_wait3A_221, %dma_wait3A_222] : memref<2x10240x64xbf16, #tpu.memory_space<hbm>> -> memref<1x10240x64xbf16, #tpu.memory_space<hbm>>
    %dma_wait3A_224 = tpu.memref_squeeze %dma_wait3A_223 : memref<1x10240x64xbf16, #tpu.memory_space<hbm>> -> memref<10240x64xbf16, #tpu.memory_space<hbm>>
    %dma_wait3A_225 = arith.constant 0 : i32
    %dma_wait3A_226 = arith.constant 0 : i32
    %dma_wait3A_227 = tpu.memref_slice %dma_wait3A_224[%dma_wait3A_225, %dma_wait3A_226] : memref<10240x64xbf16, #tpu.memory_space<hbm>> -> memref<10240x64xbf16, #tpu.memory_space<hbm>>
    tpu.wait_indirect_dma semaphore(%arg13 : memref<!tpu.dma_semaphore, #tpu.memory_space<semaphore_mem>>) src(%dma_wait3A_227 : memref<10240x64xbf16, #tpu.memory_space<hbm>>) dst(%dma_wait3A_217 : memref<125x64xbf16, #tpu.memory_space<vmem>>)
    %dma_wait3A_228 = arith.constant 0 : i32
    %dma_wait3A_229 = arith.constant 0 : i32
    %dma_wait3A_230 = arith.constant 5 : i32
    %dma_wait3A_231 = arith.constant 0 : i32
    %dma_wait3A_232 = arith.constant 0 : i32
    %dma_wait3A_233 = tpu.memref_slice %arg7[%dma_wait3A_230, %dma_wait3A_231, %dma_wait3A_232] : memref<8x125x64xbf16, #tpu.memory_space<vmem>> -> memref<1x125x64xbf16, #tpu.memory_space<vmem>>
    %dma_wait3A_234 = tpu.memref_squeeze %dma_wait3A_233 : memref<1x125x64xbf16, #tpu.memory_space<vmem>> -> memref<125x64xbf16, #tpu.memory_space<vmem>>
    %dma_wait3A_235 = arith.constant 0 : i32
    %dma_wait3A_236 = tpu.memref_slice %arg6[%dma_wait3A_228, %dma_wait3A_229, %dma_wait3A_235] : memref<2x160x125xi32, #tpu.memory_space<vmem>> -> memref<1x1x125xi32, #tpu.memory_space<vmem>>
    %dma_wait3A_237 = tpu.memref_squeeze %dma_wait3A_236 : memref<1x1x125xi32, #tpu.memory_space<vmem>> -> memref<125xi32, #tpu.memory_space<vmem>>
    %dma_wait3A_238 = arith.constant 0 : i32
    %dma_wait3A_239 = arith.constant 0 : i32
    %dma_wait3A_240 = tpu.memref_slice %arg2[%arg0, %dma_wait3A_238, %dma_wait3A_239] : memref<2x10240x64xbf16, #tpu.memory_space<hbm>> -> memref<1x10240x64xbf16, #tpu.memory_space<hbm>>
    %dma_wait3A_241 = tpu.memref_squeeze %dma_wait3A_240 : memref<1x10240x64xbf16, #tpu.memory_space<hbm>> -> memref<10240x64xbf16, #tpu.memory_space<hbm>>
    %dma_wait3A_242 = arith.constant 0 : i32
    %dma_wait3A_243 = arith.constant 0 : i32
    %dma_wait3A_244 = tpu.memref_slice %dma_wait3A_241[%dma_wait3A_242, %dma_wait3A_243] : memref<10240x64xbf16, #tpu.memory_space<hbm>> -> memref<10240x64xbf16, #tpu.memory_space<hbm>>
    tpu.wait_indirect_dma semaphore(%arg14 : memref<!tpu.dma_semaphore, #tpu.memory_space<semaphore_mem>>) src(%dma_wait3A_244 : memref<10240x64xbf16, #tpu.memory_space<hbm>>) dst(%dma_wait3A_234 : memref<125x64xbf16, #tpu.memory_space<vmem>>)
    %dma_wait3A_245 = arith.constant 0 : i32
    %dma_wait3A_246 = arith.constant 0 : i32
    %dma_wait3A_247 = arith.constant 6 : i32
    %dma_wait3A_248 = arith.constant 0 : i32
    %dma_wait3A_249 = arith.constant 0 : i32
    %dma_wait3A_250 = tpu.memref_slice %arg7[%dma_wait3A_247, %dma_wait3A_248, %dma_wait3A_249] : memref<8x125x64xbf16, #tpu.memory_space<vmem>> -> memref<1x125x64xbf16, #tpu.memory_space<vmem>>
    %dma_wait3A_251 = tpu.memref_squeeze %dma_wait3A_250 : memref<1x125x64xbf16, #tpu.memory_space<vmem>> -> memref<125x64xbf16, #tpu.memory_space<vmem>>
    %dma_wait3A_252 = arith.constant 0 : i32
    %dma_wait3A_253 = tpu.memref_slice %arg6[%dma_wait3A_245, %dma_wait3A_246, %dma_wait3A_252] : memref<2x160x125xi32, #tpu.memory_space<vmem>> -> memref<1x1x125xi32, #tpu.memory_space<vmem>>
    %dma_wait3A_254 = tpu.memref_squeeze %dma_wait3A_253 : memref<1x1x125xi32, #tpu.memory_space<vmem>> -> memref<125xi32, #tpu.memory_space<vmem>>
    %dma_wait3A_255 = arith.constant 0 : i32
    %dma_wait3A_256 = arith.constant 0 : i32
    %dma_wait3A_257 = tpu.memref_slice %arg2[%arg0, %dma_wait3A_255, %dma_wait3A_256] : memref<2x10240x64xbf16, #tpu.memory_space<hbm>> -> memref<1x10240x64xbf16, #tpu.memory_space<hbm>>
    %dma_wait3A_258 = tpu.memref_squeeze %dma_wait3A_257 : memref<1x10240x64xbf16, #tpu.memory_space<hbm>> -> memref<10240x64xbf16, #tpu.memory_space<hbm>>
    %dma_wait3A_259 = arith.constant 0 : i32
    %dma_wait3A_260 = arith.constant 0 : i32
    %dma_wait3A_261 = tpu.memref_slice %dma_wait3A_258[%dma_wait3A_259, %dma_wait3A_260] : memref<10240x64xbf16, #tpu.memory_space<hbm>> -> memref<10240x64xbf16, #tpu.memory_space<hbm>>
    tpu.wait_indirect_dma semaphore(%arg15 : memref<!tpu.dma_semaphore, #tpu.memory_space<semaphore_mem>>) src(%dma_wait3A_261 : memref<10240x64xbf16, #tpu.memory_space<hbm>>) dst(%dma_wait3A_251 : memref<125x64xbf16, #tpu.memory_space<vmem>>)
    %dma_wait3A_262 = arith.constant 0 : i32
    %dma_wait3A_263 = arith.constant 0 : i32
    %dma_wait3A_264 = arith.constant 7 : i32
    %dma_wait3A_265 = arith.constant 0 : i32
    %dma_wait3A_266 = arith.constant 0 : i32
    %dma_wait3A_267 = tpu.memref_slice %arg7[%dma_wait3A_264, %dma_wait3A_265, %dma_wait3A_266] : memref<8x125x64xbf16, #tpu.memory_space<vmem>> -> memref<1x125x64xbf16, #tpu.memory_space<vmem>>
    %dma_wait3A_268 = tpu.memref_squeeze %dma_wait3A_267 : memref<1x125x64xbf16, #tpu.memory_space<vmem>> -> memref<125x64xbf16, #tpu.memory_space<vmem>>
    %dma_wait3A_269 = arith.constant 0 : i32
    %dma_wait3A_270 = tpu.memref_slice %arg6[%dma_wait3A_262, %dma_wait3A_263, %dma_wait3A_269] : memref<2x160x125xi32, #tpu.memory_space<vmem>> -> memref<1x1x125xi32, #tpu.memory_space<vmem>>
    %dma_wait3A_271 = tpu.memref_squeeze %dma_wait3A_270 : memref<1x1x125xi32, #tpu.memory_space<vmem>> -> memref<125xi32, #tpu.memory_space<vmem>>
    %dma_wait3A_272 = arith.constant 0 : i32
    %dma_wait3A_273 = arith.constant 0 : i32
    %dma_wait3A_274 = tpu.memref_slice %arg2[%arg0, %dma_wait3A_272, %dma_wait3A_273] : memref<2x10240x64xbf16, #tpu.memory_space<hbm>> -> memref<1x10240x64xbf16, #tpu.memory_space<hbm>>
    %dma_wait3A_275 = tpu.memref_squeeze %dma_wait3A_274 : memref<1x10240x64xbf16, #tpu.memory_space<hbm>> -> memref<10240x64xbf16, #tpu.memory_space<hbm>>
    %dma_wait3A_276 = arith.constant 0 : i32
    %dma_wait3A_277 = arith.constant 0 : i32
    %dma_wait3A_278 = tpu.memref_slice %dma_wait3A_275[%dma_wait3A_276, %dma_wait3A_277] : memref<10240x64xbf16, #tpu.memory_space<hbm>> -> memref<10240x64xbf16, #tpu.memory_space<hbm>>
    tpu.wait_indirect_dma semaphore(%arg16 : memref<!tpu.dma_semaphore, #tpu.memory_space<semaphore_mem>>) src(%dma_wait3A_278 : memref<10240x64xbf16, #tpu.memory_space<hbm>>) dst(%dma_wait3A_268 : memref<125x64xbf16, #tpu.memory_space<vmem>>)
    %barrier3A_279 = arith.constant 0 : index
    tpu.barrier barrier_id(%barrier3A_279)
    %mul3A_280 = arith.constant 640 : i32
    %mul3A_281 = arith.muli %arg1, %mul3A_280 : i32
    %mul3A_282 = arith.constant 640 : i32
    %mul3A_283 = arith.muli %arg1, %mul3A_282 : i32
    "tpu.region"() ({
      %run_scoped3A_284 = tpu.sem_alloc : memref<!tpu.dma_semaphore, #tpu.memory_space<semaphore_mem>>
      %dma_start3A_285 = arith.constant 0 : i32
      %dma_start3A_286 = tpu.memref_slice %arg5[%arg0, %mul3A_283, %dma_start3A_285] : memref<2x10240x64xbf16, #tpu.memory_space<hbm>> -> memref<1x640x64xbf16, #tpu.memory_space<hbm>>
      %dma_start3A_287 = tpu.memref_squeeze %dma_start3A_286 : memref<1x640x64xbf16, #tpu.memory_space<hbm>> -> memref<640x64xbf16, #tpu.memory_space<hbm>>
      %dma_start3A_288 = arith.constant 0 : i32
      %dma_start3A_289 = tpu.memref_slice %arg8[%mul3A_281, %dma_start3A_288] : memref<10240x64xbf16, #tpu.memory_space<vmem_shared>> -> memref<640x64xbf16, #tpu.memory_space<vmem_shared>>
      tpu.enqueue_dma source(%dma_start3A_289 : memref<640x64xbf16, #tpu.memory_space<vmem_shared>>) target(%dma_start3A_287 : memref<640x64xbf16, #tpu.memory_space<hbm>>) target_semaphore(%run_scoped3A_284 : memref<!tpu.dma_semaphore, #tpu.memory_space<semaphore_mem>>)
      %dma_wait3A_290 = arith.constant 0 : i32
      %dma_wait3A_291 = tpu.memref_slice %arg5[%arg0, %mul3A_283, %dma_wait3A_290] : memref<2x10240x64xbf16, #tpu.memory_space<hbm>> -> memref<1x640x64xbf16, #tpu.memory_space<hbm>>
      %dma_wait3A_292 = tpu.memref_squeeze %dma_wait3A_291 : memref<1x640x64xbf16, #tpu.memory_space<hbm>> -> memref<640x64xbf16, #tpu.memory_space<hbm>>
      %dma_wait3A_293 = arith.constant 0 : i32
      %dma_wait3A_294 = tpu.memref_slice %arg8[%mul3A_281, %dma_wait3A_293] : memref<10240x64xbf16, #tpu.memory_space<vmem_shared>> -> memref<640x64xbf16, #tpu.memory_space<vmem_shared>>
      tpu.wait_dma2 semaphore(%run_scoped3A_284 : memref<!tpu.dma_semaphore, #tpu.memory_space<semaphore_mem>>) src(%dma_wait3A_294 : memref<640x64xbf16, #tpu.memory_space<vmem_shared>>) dst(%dma_wait3A_292 : memref<640x64xbf16, #tpu.memory_space<hbm>>)
      tpu.yield
    }) : () -> ()
    return
  }
}

module attributes {stable_mosaic.version = 14 : i64} {
  func.func @_k1_body(%arg0: i32, %arg1: memref<2560x128xf32, #tpu.memory_space<vmem>>, %arg2: memref<128x128xf32, #tpu.memory_space<vmem>>, %arg3: memref<2x80x128xf32, #tpu.memory_space<vmem>>, %arg4: memref<2x2560x64xbf16, #tpu.memory_space<vmem>>) attributes {dimension_semantics = [#tpu.dimension_semantics<arbitrary>], iteration_bounds = array<i64: 4>, scalar_prefetch = 0 : i64, scratch_operands = 0 : i64, tpu.core_type = #tpu.core_type<tc>, window_params = [{transform_indices = @transform_0, window_bounds = array<i64: 2560, 128>}, {pipeline_mode = #tpu.pipeline_mode<synchronous>, transform_indices = @transform_1, window_bounds = array<i64: 128, 128>}, {pipeline_mode = #tpu.pipeline_mode<synchronous>, transform_indices = @transform_2, window_bounds = array<i64: 2, 80, 128>}, {transform_indices = @transform_3, window_bounds = array<i64: 2, 2560, 64>}]} {
    %mul3A = arith.constant 20 : i32
    %mul3A_0 = arith.muli %arg0, %mul3A : i32
    %get3A = arith.constant 0 : index
    %get3A_1 = arith.index_cast %mul3A_0 : i32 to index
    %get3A_2 = arith.constant 0 : index
    %get3A_3 = vector.load %arg3[%get3A, %get3A_1, %get3A_2] : memref<2x80x128xf32, #tpu.memory_space<vmem>>, vector<1x20x128xf32>
    %get3A_4 = vector.shape_cast %get3A_3 : vector<1x20x128xf32> to vector<20x128xf32>
    %get3A_5 = arith.constant 1 : index
    %get3A_6 = arith.index_cast %mul3A_0 : i32 to index
    %get3A_7 = arith.constant 0 : index
    %get3A_8 = vector.load %arg3[%get3A_5, %get3A_6, %get3A_7] : memref<2x80x128xf32, #tpu.memory_space<vmem>>, vector<1x20x128xf32>
    %get3A_9 = vector.shape_cast %get3A_8 : vector<1x20x128xf32> to vector<20x128xf32>
    %add3A = arith.addf %get3A_4, %get3A_9 : vector<20x128xf32>
    %add3A_10 = arith.constant 1.000000e+00 : f32
    %add3A_11 = vector.broadcast %add3A_10 : f32 to vector<20x128xf32>
    %add3A_12 = arith.addf %add3A, %add3A_11 : vector<20x128xf32>
    %rsqrt3A = math.rsqrt %add3A_12 : vector<20x128xf32>
    %broadcast_in_dim3A = vector.shape_cast %rsqrt3A : vector<20x128xf32> to vector<20x128x1xf32>
    %get3A_13 = arith.constant 0 : index
    %get3A_14 = arith.constant 0 : index
    %get3A_15 = vector.load %arg1[%get3A_13, %get3A_14] : memref<2560x128xf32, #tpu.memory_space<vmem>>, vector<2560x128xf32>
    %get3A_16 = arith.constant 0 : index
    %get3A_17 = arith.constant 0 : index
    %get3A_18 = vector.load %arg2[%get3A_16, %get3A_17] : memref<128x128xf32, #tpu.memory_space<vmem>>, vector<128x128xf32>
    %dot_general3A = arith.constant dense<0.000000e+00> : vector<2560x128xf32>
    %dot_general3A_19 = tpu.matmul %get3A_15, %get3A_18, %dot_general3A {dimension_numbers = #tpu.dot_dimension_numbers<[1], [0], [0], [1], [0, 0, 1, 1], [], []>, transpose_lhs_hint = false} : vector<2560x128xf32>, vector<128x128xf32>, vector<2560x128xf32> -> vector<2560x128xf32>
    %reshape3A = vector.shape_cast %dot_general3A_19 : vector<2560x128xf32> to vector<20x128x128xf32>
    %mul3A_20 = vector.broadcast %broadcast_in_dim3A : vector<20x128x1xf32> to vector<20x128x128xf32>
    %mul3A_21 = arith.mulf %reshape3A, %mul3A_20 : vector<20x128x128xf32>
    %reshape3A_22 = vector.shape_cast %mul3A_21 : vector<20x128x128xf32> to vector<2560x128xf32>
    %convert_element_type3A = arith.truncf %reshape3A_22 : vector<2560x128xf32> to vector<2560x128xbf16>
    %slice3A = vector.extract_strided_slice %convert_element_type3A {offsets = [0, 0], sizes = [2560, 64], strides = [1, 1]} : vector<2560x128xbf16> to vector<2560x64xbf16>
    %swap3A = arith.constant 0 : index
    %swap3A_23 = arith.constant 0 : index
    %swap3A_24 = arith.constant 0 : index
    %swap3A_25 = vector.load %arg4[%swap3A, %swap3A_23, %swap3A_24] : memref<2x2560x64xbf16, #tpu.memory_space<vmem>>, vector<1x2560x64xbf16>
    %swap3A_26 = vector.shape_cast %swap3A_25 : vector<1x2560x64xbf16> to vector<2560x64xbf16>
    %swap3A_27 = vector.shape_cast %slice3A : vector<2560x64xbf16> to vector<1x2560x64xbf16>
    tpu.vector_store %arg4[%swap3A, %swap3A_23, %swap3A_24], %swap3A_27 {strides = array<i32>} : memref<2x2560x64xbf16, #tpu.memory_space<vmem>>, vector<1x2560x64xbf16>,
    %slice3A_28 = vector.extract_strided_slice %convert_element_type3A {offsets = [0, 64], sizes = [2560, 64], strides = [1, 1]} : vector<2560x128xbf16> to vector<2560x64xbf16>
    %swap3A_29 = arith.constant 1 : index
    %swap3A_30 = arith.constant 0 : index
    %swap3A_31 = arith.constant 0 : index
    %swap3A_32 = vector.load %arg4[%swap3A_29, %swap3A_30, %swap3A_31] : memref<2x2560x64xbf16, #tpu.memory_space<vmem>>, vector<1x2560x64xbf16>
    %swap3A_33 = vector.shape_cast %swap3A_32 : vector<1x2560x64xbf16> to vector<2560x64xbf16>
    %swap3A_34 = vector.shape_cast %slice3A_28 : vector<2560x64xbf16> to vector<1x2560x64xbf16>
    tpu.vector_store %arg4[%swap3A_29, %swap3A_30, %swap3A_31], %swap3A_34 {strides = array<i32>} : memref<2x2560x64xbf16, #tpu.memory_space<vmem>>, vector<1x2560x64xbf16>,
    return
  }
  func.func @transform_0(%arg0: i32) -> (i32, i32) {
    %c0_i32 = arith.constant 0 : i32
    %c0_i32_0 = arith.constant 0 : i32
    return %arg0, %c0_i32 : i32, i32
  }
  func.func @transform_1(%arg0: i32) -> (i32, i32) {
    %c0_i32 = arith.constant 0 : i32
    %c0_i32_0 = arith.constant 0 : i32
    %c0_i32_1 = arith.constant 0 : i32
    return %c0_i32, %c0_i32_0 : i32, i32
  }
  func.func @transform_2(%arg0: i32) -> (i32, i32, i32) {
    %c0_i32 = arith.constant 0 : i32
    %c0_i32_0 = arith.constant 0 : i32
    %c0_i32_1 = arith.constant 0 : i32
    %c0_i32_2 = arith.constant 0 : i32
    return %c0_i32, %c0_i32_0, %c0_i32_1 : i32, i32, i32
  }
  func.func @transform_3(%arg0: i32) -> (i32, i32, i32) {
    %c0_i32 = arith.constant 0 : i32
    %c0_i32_0 = arith.constant 0 : i32
    %c0_i32_1 = arith.constant 0 : i32
    return %c0_i32, %arg0, %c0_i32_0 : i32, i32, i32
  }
}

module attributes {stable_mosaic.version = 14 : i64} {
  func.func @_k3_body(%arg0: i32, %arg1: memref<2x2560x64xbf16, #tpu.memory_space<vmem>>, %arg2: memref<2x2560x64xbf16, #tpu.memory_space<vmem>>, %arg3: memref<2x80x128xf32, #tpu.memory_space<vmem>>, %arg4: memref<1x128xf32, #tpu.memory_space<vmem>>, %arg5: memref<128x128xf32, #tpu.memory_space<vmem>>, %arg6: memref<2x2560x64xbf16, #tpu.memory_space<vmem>>) attributes {dimension_semantics = [#tpu.dimension_semantics<arbitrary>], iteration_bounds = array<i64: 4>, scalar_prefetch = 0 : i64, scratch_operands = 0 : i64, tpu.core_type = #tpu.core_type<tc>, window_params = [{transform_indices = @transform_0, window_bounds = array<i64: 2, 2560, 64>}, {transform_indices = @transform_1, window_bounds = array<i64: 2, 2560, 64>}, {pipeline_mode = #tpu.pipeline_mode<synchronous>, transform_indices = @transform_2, window_bounds = array<i64: 2, 80, 128>}, {pipeline_mode = #tpu.pipeline_mode<synchronous>, transform_indices = @transform_3, window_bounds = array<i64: 1, 128>}, {pipeline_mode = #tpu.pipeline_mode<synchronous>, transform_indices = @transform_4, window_bounds = array<i64: 128, 128>}, {transform_indices = @transform_5, window_bounds = array<i64: 2, 2560, 64>}]} {
    %mul3A = arith.constant 20 : i32
    %mul3A_0 = arith.muli %arg0, %mul3A : i32
    %get3A = arith.constant 0 : index
    %get3A_1 = arith.index_cast %mul3A_0 : i32 to index
    %get3A_2 = arith.constant 0 : index
    %get3A_3 = vector.load %arg3[%get3A, %get3A_1, %get3A_2] : memref<2x80x128xf32, #tpu.memory_space<vmem>>, vector<1x20x128xf32>
    %get3A_4 = vector.shape_cast %get3A_3 : vector<1x20x128xf32> to vector<20x128xf32>
    %get3A_5 = arith.constant 1 : index
    %get3A_6 = arith.index_cast %mul3A_0 : i32 to index
    %get3A_7 = arith.constant 0 : index
    %get3A_8 = vector.load %arg3[%get3A_5, %get3A_6, %get3A_7] : memref<2x80x128xf32, #tpu.memory_space<vmem>>, vector<1x20x128xf32>
    %get3A_9 = vector.shape_cast %get3A_8 : vector<1x20x128xf32> to vector<20x128xf32>
    %add3A = arith.addf %get3A_4, %get3A_9 : vector<20x128xf32>
    %add3A_10 = arith.constant 1.000000e+00 : f32
    %add3A_11 = vector.broadcast %add3A_10 : f32 to vector<20x128xf32>
    %add3A_12 = arith.addf %add3A, %add3A_11 : vector<20x128xf32>
    %rsqrt3A = math.rsqrt %add3A_12 : vector<20x128xf32>
    %broadcast_in_dim3A = vector.shape_cast %rsqrt3A : vector<20x128xf32> to vector<20x128x1xf32>
    %get3A_13 = arith.constant 0 : index
    %get3A_14 = arith.constant 0 : index
    %get3A_15 = arith.constant 0 : index
    %get3A_16 = vector.load %arg1[%get3A_13, %get3A_14, %get3A_15] : memref<2x2560x64xbf16, #tpu.memory_space<vmem>>, vector<1x2560x64xbf16>
    %get3A_17 = vector.shape_cast %get3A_16 : vector<1x2560x64xbf16> to vector<2560x64xbf16>
    %convert_element_type3A = arith.extf %get3A_17 : vector<2560x64xbf16> to vector<2560x64xf32>
    %get3A_18 = arith.constant 0 : index
    %get3A_19 = arith.constant 0 : index
    %get3A_20 = arith.constant 0 : index
    %get3A_21 = vector.load %arg2[%get3A_18, %get3A_19, %get3A_20] : memref<2x2560x64xbf16, #tpu.memory_space<vmem>>, vector<1x2560x64xbf16>
    %get3A_22 = vector.shape_cast %get3A_21 : vector<1x2560x64xbf16> to vector<2560x64xbf16>
    %convert_element_type3A_23 = arith.extf %get3A_22 : vector<2560x64xbf16> to vector<2560x64xf32>
    %add3A_24 = arith.addf %convert_element_type3A, %convert_element_type3A_23 : vector<2560x64xf32>
    %reshape3A = vector.shape_cast %add3A_24 : vector<2560x64xf32> to vector<20x128x64xf32>
    %mul3A_25 = vector.broadcast %broadcast_in_dim3A : vector<20x128x1xf32> to vector<20x128x64xf32>
    %mul3A_26 = arith.mulf %reshape3A, %mul3A_25 : vector<20x128x64xf32>
    %reshape3A_27 = vector.shape_cast %mul3A_26 : vector<20x128x64xf32> to vector<2560x64xf32>
    %get3A_28 = arith.constant 0 : index
    %get3A_29 = arith.constant 0 : index
    %get3A_30 = vector.load %arg4[%get3A_28, %get3A_29] : memref<1x128xf32, #tpu.memory_space<vmem>>, vector<1x64xf32>
    %get3A_31 = vector.shape_cast %get3A_30 : vector<1x64xf32> to vector<64xf32>
    %broadcast_in_dim3A_32 = vector.shape_cast %get3A_31 : vector<64xf32> to vector<1x64xf32>
    %add3A_33 = vector.broadcast %broadcast_in_dim3A_32 : vector<1x64xf32> to vector<2560x64xf32>
    %add3A_34 = arith.addf %reshape3A_27, %add3A_33 : vector<2560x64xf32>
    %max3A = arith.constant 0.000000e+00 : f32
    %max3A_35 = vector.broadcast %max3A : f32 to vector<2560x64xf32>
    %max3A_36 = arith.maximumf %add3A_34, %max3A_35 : vector<2560x64xf32>
    %get3A_37 = arith.constant 1 : index
    %get3A_38 = arith.constant 0 : index
    %get3A_39 = arith.constant 0 : index
    %get3A_40 = vector.load %arg1[%get3A_37, %get3A_38, %get3A_39] : memref<2x2560x64xbf16, #tpu.memory_space<vmem>>, vector<1x2560x64xbf16>
    %get3A_41 = vector.shape_cast %get3A_40 : vector<1x2560x64xbf16> to vector<2560x64xbf16>
    %convert_element_type3A_42 = arith.extf %get3A_41 : vector<2560x64xbf16> to vector<2560x64xf32>
    %get3A_43 = arith.constant 1 : index
    %get3A_44 = arith.constant 0 : index
    %get3A_45 = arith.constant 0 : index
    %get3A_46 = vector.load %arg2[%get3A_43, %get3A_44, %get3A_45] : memref<2x2560x64xbf16, #tpu.memory_space<vmem>>, vector<1x2560x64xbf16>
    %get3A_47 = vector.shape_cast %get3A_46 : vector<1x2560x64xbf16> to vector<2560x64xbf16>
    %convert_element_type3A_48 = arith.extf %get3A_47 : vector<2560x64xbf16> to vector<2560x64xf32>
    %add3A_49 = arith.addf %convert_element_type3A_42, %convert_element_type3A_48 : vector<2560x64xf32>
    %reshape3A_50 = vector.shape_cast %add3A_49 : vector<2560x64xf32> to vector<20x128x64xf32>
    %mul3A_51 = vector.broadcast %broadcast_in_dim3A : vector<20x128x1xf32> to vector<20x128x64xf32>
    %mul3A_52 = arith.mulf %reshape3A_50, %mul3A_51 : vector<20x128x64xf32>
    %reshape3A_53 = vector.shape_cast %mul3A_52 : vector<20x128x64xf32> to vector<2560x64xf32>
    %get3A_54 = arith.constant 0 : index
    %get3A_55 = arith.constant 64 : index
    %get3A_56 = vector.load %arg4[%get3A_54, %get3A_55] : memref<1x128xf32, #tpu.memory_space<vmem>>, vector<1x64xf32>
    %get3A_57 = vector.shape_cast %get3A_56 : vector<1x64xf32> to vector<64xf32>
    %broadcast_in_dim3A_58 = vector.shape_cast %get3A_57 : vector<64xf32> to vector<1x64xf32>
    %add3A_59 = vector.broadcast %broadcast_in_dim3A_58 : vector<1x64xf32> to vector<2560x64xf32>
    %add3A_60 = arith.addf %reshape3A_53, %add3A_59 : vector<2560x64xf32>
    %max3A_61 = arith.constant 0.000000e+00 : f32
    %max3A_62 = vector.broadcast %max3A_61 : f32 to vector<2560x64xf32>
    %max3A_63 = arith.maximumf %add3A_60, %max3A_62 : vector<2560x64xf32>
    %get3A_64 = arith.constant 0 : index
    %get3A_65 = arith.constant 0 : index
    %get3A_66 = vector.load %arg5[%get3A_64, %get3A_65] : memref<128x128xf32, #tpu.memory_space<vmem>>, vector<64x128xf32>
    %dot_general3A = arith.constant dense<0.000000e+00> : vector<2560x128xf32>
    %dot_general3A_67 = tpu.matmul %max3A_36, %get3A_66, %dot_general3A {dimension_numbers = #tpu.dot_dimension_numbers<[1], [0], [0], [1], [0, 0, 1, 1], [], []>, transpose_lhs_hint = false} : vector<2560x64xf32>, vector<64x128xf32>, vector<2560x128xf32> -> vector<2560x128xf32>
    %get3A_68 = arith.constant 64 : index
    %get3A_69 = arith.constant 0 : index
    %get3A_70 = vector.load %arg5[%get3A_68, %get3A_69] : memref<128x128xf32, #tpu.memory_space<vmem>>, vector<64x128xf32>
    %dot_general3A_71 = arith.constant dense<0.000000e+00> : vector<2560x128xf32>
    %dot_general3A_72 = tpu.matmul %max3A_63, %get3A_70, %dot_general3A_71 {dimension_numbers = #tpu.dot_dimension_numbers<[1], [0], [0], [1], [0, 0, 1, 1], [], []>, transpose_lhs_hint = false} : vector<2560x64xf32>, vector<64x128xf32>, vector<2560x128xf32> -> vector<2560x128xf32>
    %add3A_73 = arith.addf %dot_general3A_67, %dot_general3A_72 : vector<2560x128xf32>
    %reshape3A_74 = vector.shape_cast %add3A_73 : vector<2560x128xf32> to vector<20x128x128xf32>
    %mul3A_75 = vector.broadcast %broadcast_in_dim3A : vector<20x128x1xf32> to vector<20x128x128xf32>
    %mul3A_76 = arith.mulf %reshape3A_74, %mul3A_75 : vector<20x128x128xf32>
    %reshape3A_77 = vector.shape_cast %mul3A_76 : vector<20x128x128xf32> to vector<2560x128xf32>
    %convert_element_type3A_78 = arith.truncf %reshape3A_77 : vector<2560x128xf32> to vector<2560x128xbf16>
    %slice3A = vector.extract_strided_slice %convert_element_type3A_78 {offsets = [0, 0], sizes = [2560, 64], strides = [1, 1]} : vector<2560x128xbf16> to vector<2560x64xbf16>
    %swap3A = arith.constant 0 : index
    %swap3A_79 = arith.constant 0 : index
    %swap3A_80 = arith.constant 0 : index
    %swap3A_81 = vector.load %arg6[%swap3A, %swap3A_79, %swap3A_80] : memref<2x2560x64xbf16, #tpu.memory_space<vmem>>, vector<1x2560x64xbf16>
    %swap3A_82 = vector.shape_cast %swap3A_81 : vector<1x2560x64xbf16> to vector<2560x64xbf16>
    %swap3A_83 = vector.shape_cast %slice3A : vector<2560x64xbf16> to vector<1x2560x64xbf16>
    tpu.vector_store %arg6[%swap3A, %swap3A_79, %swap3A_80], %swap3A_83 {strides = array<i32>} : memref<2x2560x64xbf16, #tpu.memory_space<vmem>>, vector<1x2560x64xbf16>,
    %slice3A_84 = vector.extract_strided_slice %convert_element_type3A_78 {offsets = [0, 64], sizes = [2560, 64], strides = [1, 1]} : vector<2560x128xbf16> to vector<2560x64xbf16>
    %swap3A_85 = arith.constant 1 : index
    %swap3A_86 = arith.constant 0 : index
    %swap3A_87 = arith.constant 0 : index
    %swap3A_88 = vector.load %arg6[%swap3A_85, %swap3A_86, %swap3A_87] : memref<2x2560x64xbf16, #tpu.memory_space<vmem>>, vector<1x2560x64xbf16>
    %swap3A_89 = vector.shape_cast %swap3A_88 : vector<1x2560x64xbf16> to vector<2560x64xbf16>
    %swap3A_90 = vector.shape_cast %slice3A_84 : vector<2560x64xbf16> to vector<1x2560x64xbf16>
    tpu.vector_store %arg6[%swap3A_85, %swap3A_86, %swap3A_87], %swap3A_90 {strides = array<i32>} : memref<2x2560x64xbf16, #tpu.memory_space<vmem>>, vector<1x2560x64xbf16>,
    return
  }
  func.func @transform_0(%arg0: i32) -> (i32, i32, i32) {
    %c0_i32 = arith.constant 0 : i32
    %c0_i32_0 = arith.constant 0 : i32
    %c0_i32_1 = arith.constant 0 : i32
    return %c0_i32, %arg0, %c0_i32_0 : i32, i32, i32
  }
  func.func @transform_1(%arg0: i32) -> (i32, i32, i32) {
    %c0_i32 = arith.constant 0 : i32
    %c0_i32_0 = arith.constant 0 : i32
    %c0_i32_1 = arith.constant 0 : i32
    return %c0_i32, %arg0, %c0_i32_0 : i32, i32, i32
  }
  func.func @transform_2(%arg0: i32) -> (i32, i32, i32) {
    %c0_i32 = arith.constant 0 : i32
    %c0_i32_0 = arith.constant 0 : i32
    %c0_i32_1 = arith.constant 0 : i32
    %c0_i32_2 = arith.constant 0 : i32
    return %c0_i32, %c0_i32_0, %c0_i32_1 : i32, i32, i32
  }
  func.func @transform_3(%arg0: i32) -> (i32, i32) {
    %c0_i32 = arith.constant 0 : i32
    %c0_i32_0 = arith.constant 0 : i32
    %c0_i32_1 = arith.constant 0 : i32
    return %c0_i32, %c0_i32_0 : i32, i32
  }
  func.func @transform_4(%arg0: i32) -> (i32, i32) {
    %c0_i32 = arith.constant 0 : i32
    %c0_i32_0 = arith.constant 0 : i32
    %c0_i32_1 = arith.constant 0 : i32
    return %c0_i32, %c0_i32_0 : i32, i32
  }
  func.func @transform_5(%arg0: i32) -> (i32, i32, i32) {
    %c0_i32 = arith.constant 0 : i32
    %c0_i32_0 = arith.constant 0 : i32
    %c0_i32_1 = arith.constant 0 : i32
    return %c0_i32, %arg0, %c0_i32_0 : i32, i32, i32
  }
}

module attributes {stable_mosaic.version = 14 : i64} {
  func.func @_k5_body(%arg0: i32, %arg1: memref<2x2560x64xbf16, #tpu.memory_space<vmem>>, %arg2: memref<2x2560x64xbf16, #tpu.memory_space<vmem>>, %arg3: memref<2x80x128xf32, #tpu.memory_space<vmem>>, %arg4: memref<1x128xf32, #tpu.memory_space<vmem>>, %arg5: memref<2560x128xf32, #tpu.memory_space<vmem>>) attributes {dimension_semantics = [#tpu.dimension_semantics<arbitrary>], iteration_bounds = array<i64: 4>, scalar_prefetch = 0 : i64, scratch_operands = 0 : i64, tpu.core_type = #tpu.core_type<tc>, window_params = [{transform_indices = @transform_0, window_bounds = array<i64: 2, 2560, 64>}, {transform_indices = @transform_1, window_bounds = array<i64: 2, 2560, 64>}, {pipeline_mode = #tpu.pipeline_mode<synchronous>, transform_indices = @transform_2, window_bounds = array<i64: 2, 80, 128>}, {pipeline_mode = #tpu.pipeline_mode<synchronous>, transform_indices = @transform_3, window_bounds = array<i64: 1, 128>}, {transform_indices = @transform_4, window_bounds = array<i64: 2560, 128>}]} {
    %mul3A = arith.constant 20 : i32
    %mul3A_0 = arith.muli %arg0, %mul3A : i32
    %get3A = arith.constant 0 : index
    %get3A_1 = arith.index_cast %mul3A_0 : i32 to index
    %get3A_2 = arith.constant 0 : index
    %get3A_3 = vector.load %arg3[%get3A, %get3A_1, %get3A_2] : memref<2x80x128xf32, #tpu.memory_space<vmem>>, vector<1x20x128xf32>
    %get3A_4 = vector.shape_cast %get3A_3 : vector<1x20x128xf32> to vector<20x128xf32>
    %get3A_5 = arith.constant 1 : index
    %get3A_6 = arith.index_cast %mul3A_0 : i32 to index
    %get3A_7 = arith.constant 0 : index
    %get3A_8 = vector.load %arg3[%get3A_5, %get3A_6, %get3A_7] : memref<2x80x128xf32, #tpu.memory_space<vmem>>, vector<1x20x128xf32>
    %get3A_9 = vector.shape_cast %get3A_8 : vector<1x20x128xf32> to vector<20x128xf32>
    %add3A = arith.addf %get3A_4, %get3A_9 : vector<20x128xf32>
    %add3A_10 = arith.constant 1.000000e+00 : f32
    %add3A_11 = vector.broadcast %add3A_10 : f32 to vector<20x128xf32>
    %add3A_12 = arith.addf %add3A, %add3A_11 : vector<20x128xf32>
    %rsqrt3A = math.rsqrt %add3A_12 : vector<20x128xf32>
    %broadcast_in_dim3A = vector.shape_cast %rsqrt3A : vector<20x128xf32> to vector<20x128x1xf32>
    %get3A_13 = arith.constant 0 : index
    %get3A_14 = arith.constant 0 : index
    %get3A_15 = arith.constant 0 : index
    %get3A_16 = vector.load %arg1[%get3A_13, %get3A_14, %get3A_15] : memref<2x2560x64xbf16, #tpu.memory_space<vmem>>, vector<1x2560x64xbf16>
    %get3A_17 = vector.shape_cast %get3A_16 : vector<1x2560x64xbf16> to vector<2560x64xbf16>
    %convert_element_type3A = arith.extf %get3A_17 : vector<2560x64xbf16> to vector<2560x64xf32>
    %get3A_18 = arith.constant 0 : index
    %get3A_19 = arith.constant 0 : index
    %get3A_20 = arith.constant 0 : index
    %get3A_21 = vector.load %arg2[%get3A_18, %get3A_19, %get3A_20] : memref<2x2560x64xbf16, #tpu.memory_space<vmem>>, vector<1x2560x64xbf16>
    %get3A_22 = vector.shape_cast %get3A_21 : vector<1x2560x64xbf16> to vector<2560x64xbf16>
    %convert_element_type3A_23 = arith.extf %get3A_22 : vector<2560x64xbf16> to vector<2560x64xf32>
    %add3A_24 = arith.addf %convert_element_type3A, %convert_element_type3A_23 : vector<2560x64xf32>
    %reshape3A = vector.shape_cast %add3A_24 : vector<2560x64xf32> to vector<20x128x64xf32>
    %mul3A_25 = vector.broadcast %broadcast_in_dim3A : vector<20x128x1xf32> to vector<20x128x64xf32>
    %mul3A_26 = arith.mulf %reshape3A, %mul3A_25 : vector<20x128x64xf32>
    %reshape3A_27 = vector.shape_cast %mul3A_26 : vector<20x128x64xf32> to vector<2560x64xf32>
    %get3A_28 = arith.constant 0 : index
    %get3A_29 = arith.constant 0 : index
    %get3A_30 = vector.load %arg4[%get3A_28, %get3A_29] : memref<1x128xf32, #tpu.memory_space<vmem>>, vector<1x64xf32>
    %get3A_31 = vector.shape_cast %get3A_30 : vector<1x64xf32> to vector<64xf32>
    %broadcast_in_dim3A_32 = vector.shape_cast %get3A_31 : vector<64xf32> to vector<1x64xf32>
    %add3A_33 = vector.broadcast %broadcast_in_dim3A_32 : vector<1x64xf32> to vector<2560x64xf32>
    %add3A_34 = arith.addf %reshape3A_27, %add3A_33 : vector<2560x64xf32>
    %max3A = arith.constant 0.000000e+00 : f32
    %max3A_35 = vector.broadcast %max3A : f32 to vector<2560x64xf32>
    %max3A_36 = arith.maximumf %add3A_34, %max3A_35 : vector<2560x64xf32>
    %get3A_37 = arith.constant 1 : index
    %get3A_38 = arith.constant 0 : index
    %get3A_39 = arith.constant 0 : index
    %get3A_40 = vector.load %arg1[%get3A_37, %get3A_38, %get3A_39] : memref<2x2560x64xbf16, #tpu.memory_space<vmem>>, vector<1x2560x64xbf16>
    %get3A_41 = vector.shape_cast %get3A_40 : vector<1x2560x64xbf16> to vector<2560x64xbf16>
    %convert_element_type3A_42 = arith.extf %get3A_41 : vector<2560x64xbf16> to vector<2560x64xf32>
    %get3A_43 = arith.constant 1 : index
    %get3A_44 = arith.constant 0 : index
    %get3A_45 = arith.constant 0 : index
    %get3A_46 = vector.load %arg2[%get3A_43, %get3A_44, %get3A_45] : memref<2x2560x64xbf16, #tpu.memory_space<vmem>>, vector<1x2560x64xbf16>
    %get3A_47 = vector.shape_cast %get3A_46 : vector<1x2560x64xbf16> to vector<2560x64xbf16>
    %convert_element_type3A_48 = arith.extf %get3A_47 : vector<2560x64xbf16> to vector<2560x64xf32>
    %add3A_49 = arith.addf %convert_element_type3A_42, %convert_element_type3A_48 : vector<2560x64xf32>
    %reshape3A_50 = vector.shape_cast %add3A_49 : vector<2560x64xf32> to vector<20x128x64xf32>
    %mul3A_51 = vector.broadcast %broadcast_in_dim3A : vector<20x128x1xf32> to vector<20x128x64xf32>
    %mul3A_52 = arith.mulf %reshape3A_50, %mul3A_51 : vector<20x128x64xf32>
    %reshape3A_53 = vector.shape_cast %mul3A_52 : vector<20x128x64xf32> to vector<2560x64xf32>
    %get3A_54 = arith.constant 0 : index
    %get3A_55 = arith.constant 64 : index
    %get3A_56 = vector.load %arg4[%get3A_54, %get3A_55] : memref<1x128xf32, #tpu.memory_space<vmem>>, vector<1x64xf32>
    %get3A_57 = vector.shape_cast %get3A_56 : vector<1x64xf32> to vector<64xf32>
    %broadcast_in_dim3A_58 = vector.shape_cast %get3A_57 : vector<64xf32> to vector<1x64xf32>
    %add3A_59 = vector.broadcast %broadcast_in_dim3A_58 : vector<1x64xf32> to vector<2560x64xf32>
    %add3A_60 = arith.addf %reshape3A_53, %add3A_59 : vector<2560x64xf32>
    %max3A_61 = arith.constant 0.000000e+00 : f32
    %max3A_62 = vector.broadcast %max3A_61 : f32 to vector<2560x64xf32>
    %max3A_63 = arith.maximumf %add3A_60, %max3A_62 : vector<2560x64xf32>
    %swap3A = arith.constant 0 : index
    %swap3A_64 = arith.constant 0 : index
    %swap3A_65 = vector.load %arg5[%swap3A, %swap3A_64] : memref<2560x128xf32, #tpu.memory_space<vmem>>, vector<2560x64xf32>
    tpu.vector_store %arg5[%swap3A, %swap3A_64], %max3A_36 {strides = array<i32>} : memref<2560x128xf32, #tpu.memory_space<vmem>>, vector<2560x64xf32>,
    %swap3A_66 = arith.constant 0 : index
    %swap3A_67 = arith.constant 64 : index
    %swap3A_68 = vector.load %arg5[%swap3A_66, %swap3A_67] : memref<2560x128xf32, #tpu.memory_space<vmem>>, vector<2560x64xf32>
    tpu.vector_store %arg5[%swap3A_66, %swap3A_67], %max3A_63 {strides = array<i32>} : memref<2560x128xf32, #tpu.memory_space<vmem>>, vector<2560x64xf32>,
    return
  }
  func.func @transform_0(%arg0: i32) -> (i32, i32, i32) {
    %c0_i32 = arith.constant 0 : i32
    %c0_i32_0 = arith.constant 0 : i32
    %c0_i32_1 = arith.constant 0 : i32
    return %c0_i32, %arg0, %c0_i32_0 : i32, i32, i32
  }
  func.func @transform_1(%arg0: i32) -> (i32, i32, i32) {
    %c0_i32 = arith.constant 0 : i32
    %c0_i32_0 = arith.constant 0 : i32
    %c0_i32_1 = arith.constant 0 : i32
    return %c0_i32, %arg0, %c0_i32_0 : i32, i32, i32
  }
  func.func @transform_2(%arg0: i32) -> (i32, i32, i32) {
    %c0_i32 = arith.constant 0 : i32
    %c0_i32_0 = arith.constant 0 : i32
    %c0_i32_1 = arith.constant 0 : i32
    %c0_i32_2 = arith.constant 0 : i32
    return %c0_i32, %c0_i32_0, %c0_i32_1 : i32, i32, i32
  }
  func.func @transform_3(%arg0: i32) -> (i32, i32) {
    %c0_i32 = arith.constant 0 : i32
    %c0_i32_0 = arith.constant 0 : i32
    %c0_i32_1 = arith.constant 0 : i32
    return %c0_i32, %c0_i32_0 : i32, i32
  }
  func.func @transform_4(%arg0: i32) -> (i32, i32) {
    %c0_i32 = arith.constant 0 : i32
    %c0_i32_0 = arith.constant 0 : i32
    return %arg0, %c0_i32 : i32, i32
  }
}

</mosaic_0001>

<sc_bundles>
// kernel: kernel.11.cloned.1.call-start
scs
__scs_entry_jumppad:
0x0: {  	(pc) =	sbr.rel $0x88, $3  }
0x1: {  	(tag) =	ssettag $0x0;
	lr =	simm.s32 $0x1  }
0x2: {  	[smem:$0x3F9B] =	sst lr;
	_ =	strace $0xD0000000  }
0x3: {  	_ = 	snop  }
0x4: {  	_ = 	snop  }
0x5: {  	_ = 	snop  }
0x6: {  	_ = 	snop  }
0x7: {  	_ = 	snop  }
__scs_overlays_trampoline_lowered:
0x8: {  	[smem:$0x3FAA] =	sst s0  }
0x9: {  	[smem:$0x3FAB] =	sst s1  }
0xa: {  	[smem:$0x3FAC] =	sst s2  }
0xb: {  	[smem:$0x3FAD] =	sst s3  }
0xc: {  	[smem:$0x3FAE] =	sst s4  }
0xd: {  	[smem:$0x3FAF] =	sst s5  }
0xe: {  	[smem:$0x3FB0] =	sst s6  }
0xf: {  	[smem:$0x3FB1] =	sst s7  }
0x10: {  	[smem:$0x3FB2] =	sst s8  }
0x11: {  	[smem:$0x3FB3] =	sst s9;
	s0 =	simm.s32 @!p0 $0x0  }
0x12: {  	s1 =	sld [smem:$0x3F99];
	s0 =	simm.s32 @p0 $0x1  }
0x13: {  	[smem:$0x3FB4] =	sst s0;
	s0 =	simm.s32 @!p1 $0x0  }
0x14: {  	s2 =	sld [smem:$0x3F98];
	s0 =	simm.s32 @p1 $0x1  }
0x15: {  	[smem:$0x3FB5] =	sst s0;
	s0 =	simm.s32 @!p2 $0x0  }
0x16: {  	s3 =	sld [smem:$0x3FDB];
	s0 =	simm.s32 @p2 $0x1  }
0x17: {  	s4 =	simm.s32 $0x1BF5;
	[smem:$0x3FB7] =	sst s0  }
0x18: {  	s0 =	sld [smem:$0x3F9A];
	_ =	swait.ge [sflag:s4], $0x0  }
0x19: {  	s7 =	sld [smem:$0x3F9B]  }
0x1a: {  	s8 =	sadd.s32 $0xFFFFE003, lr  }
0x1b: {  	s9 =	sadd.s32 $0xFFFFFEF7, lr;
	s5 =	simm.s32 $0xFFFFFFFF;
	p2 =	slt.u32 s8, $0xFFFFF086  }
0x1c: {  	p1 =	slt.u32 s9, $0xF7A;
	s5 =	simm.s32 @!p2 $0x0  }
0x1d: {  	s5 =	simm.s32 @p1 $0x1;
	p0 =	seq.s32 s7, s2  }
0x1e: {  	s7 =	smul.u32 @!p0 $0xF7A, s2;
	p2 =	seq.s32 @!p0 s5, $0x0  }
0x1f: {  	s9 =	smul.u32 $0xF7A, s1;
	s8 =	simm.s32 @!p0 $0x1BF5;
	p2 =	por !p2, p0  }
0x20: {  	[sflag:s8] =	ssyncset.s32 @!p0 $0xFFFFF086;
	s6 =	sadd.s32 @!p0 s3, s7;
	s7 =	simm.s32 @!p0 $0x108  }
0x21: {  	s3 =	sadd.s32 s3, s9;
	s6 =	sadd.s32 @!p0 $0x88, s6;
	s7 =	simm.s32 @p2 $0x1082  }
0x22: {  	[simem:s7], [sflag:s8] =	dma.local @!p0 [hbm:s6], $0xF7A  }
0x23: {  	s9 =	sor.u32 $0xD0000000, s2;
	s6 =	simm.s32 $0x108;
	_ =	swait.ge @!p0 [sflag:s8], $0x0  }
0x24: {  	s3 =	sadd.s32 $0x88, s3;
	s6 =	simm.s32 @!p1 $0x1082;
	[sflag:s4] =	ssyncset.s32 $0xFFFFF086  }
0x25: {  	[simem:s6], [sflag:s4] =	dma.local [hbm:s3], $0xF7A  }
0x26: {  	[smem:$0x3F9B] =	sst s1;
	(tag) =	ssettag s2;
	_ =	strace s9  }
0x27: {  	s1 =	sld [smem:$0x3FAB]  }
0x28: {  	s2 =	sld [smem:$0x3FAC]  }
0x29: {  	s4 =	sld [smem:$0x3FAE]  }
0x2a: {  	p0 =	seq.s32 s5, $0x0;
	s5 =	sld [smem:$0x3FAF]  }
0x2b: {  	s6 =	sld [smem:$0x3FB0]  }
0x2c: {  	s7 =	sld [smem:$0x3FB1]  }
0x2d: {  	s3 =	simm.s32 $0x108;
	s8 =	sld [smem:$0x3FB2]  }
0x2e: {  	s3 =	simm.s32 @!p0 $0x1082;
	s9 =	sld [smem:$0x3FB3]  }
0x2f: {  	lr =	sadd.s32 s0, s3;
	s0 =	sld [smem:$0x3FAA]  }
0x30: {  	s3 =	sld [smem:$0x3FAD]  }
0x31: {  	[smem:$0x3FB6] =	sst s10  }
0x32: {  	s10 =	sld [smem:$0x3FB4];
	_ =	sdelay $0x3  }
0x33: {  	p0 =	seq.s32 s10, $0x1;
	s10 =	sld [smem:$0x3FB6];
	_ =	sdelay $0x3  }
0x34: {  	[smem:$0x3FB6] =	sst s10  }
0x35: {  	s10 =	sld [smem:$0x3FB5];
	_ =	sdelay $0x3  }
0x36: {  	p1 =	seq.s32 s10, $0x1;
	s10 =	sld [smem:$0x3FB6];
	_ =	sdelay $0x3  }
0x37: {  	[smem:$0x3FB6] =	sst s10  }
0x38: {  	s10 =	sld [smem:$0x3FB7]  }
0x39: {  	_ = 	snop;
	(pc) =	sbr.ind lr, $3  }
0x3a: {  	_ = 	snop  }
0x3b: {  	_ = 	snop  }
0x3c: {  	p2 =	seq.s32 s10, $0x1;
	s10 =	sld [smem:$0x3FB6]  }
0x3d: {  	_ =	shalt  }
0x3e: {  	_ =	shalt  }
0x3f: {  	_ =	shalt  }
0x40: {  	_ =	shalt  }
0x41: {  	_ =	shalt  }
0x42: {  	_ =	shalt  }
0x43: {  	_ =	shalt  }
0x44: {  	_ =	shalt  }
0x45: {  	_ =	shalt  }
0x46: {  	_ =	shalt  }
0x47: {  	_ =	shalt  }
0x48: {  	_ =	shalt  }
0x49: {  	_ =	shalt  }
0x4a: {  	_ =	shalt  }
0x4b: {  	_ =	shalt  }
0x4c: {  	_ =	shalt  }
0x4d: {  	_ =	shalt  }
0x4e: {  	_ =	shalt  }
0x4f: {  	_ =	shalt  }
0x50: {  	_ =	shalt  }
0x51: {  	_ =	shalt  }
0x52: {  	_ =	shalt  }
0x53: {  	_ =	shalt  }
0x54: {  	_ =	shalt  }
0x55: {  	_ =	shalt  }
0x56: {  	_ =	shalt  }
0x57: {  	_ =	shalt  }
0x58: {  	_ =	shalt  }
0x59: {  	_ =	shalt  }
0x5a: {  	_ =	shalt  }
0x5b: {  	_ =	shalt  }
0x5c: {  	_ =	shalt  }
0x5d: {  	_ =	shalt  }
0x5e: {  	_ =	shalt  }
0x5f: {  	_ =	shalt  }
0x60: {  	_ =	shalt  }
0x61: {  	_ =	shalt  }
0x62: {  	_ =	shalt  }
0x63: {  	_ =	shalt  }
0x64: {  	_ =	shalt  }
0x65: {  	_ =	shalt  }
0x66: {  	_ =	shalt  }
0x67: {  	_ =	shalt  }
0x68: {  	_ =	shalt  }
0x69: {  	_ =	shalt  }
0x6a: {  	_ =	shalt  }
0x6b: {  	_ =	shalt  }
0x6c: {  	_ =	shalt  }
0x6d: {  	_ =	shalt  }
0x6e: {  	_ =	shalt  }
0x6f: {  	_ =	shalt  }
0x70: {  	_ =	shalt  }
0x71: {  	_ =	shalt  }
0x72: {  	_ =	shalt  }
0x73: {  	_ =	shalt  }
0x74: {  	_ =	shalt  }
0x75: {  	_ =	shalt  }
0x76: {  	_ =	shalt  }
0x77: {  	_ =	shalt  }
0x78: {  	_ =	shalt  }
0x79: {  	_ =	shalt  }
0x7a: {  	_ =	shalt  }
0x7b: {  	_ =	shalt  }
0x7c: {  	_ =	shalt  }
0x7d: {  	_ =	shalt  }
0x7e: {  	_ =	shalt  }
0x7f: {  	_ =	shalt  }
0x80: {  	_ =	shalt  }
0x81: {  	_ =	shalt  }
0x82: {  	_ =	shalt  }
0x83: {  	_ =	shalt  }
0x84: {  	_ =	shalt  }
0x85: {  	_ =	shalt  }
0x86: {  	_ =	shalt  }
0x87: {  	_ =	shalt  }
.Lfunc_end0:
.L_simem_size_0:
called_computation.1_lowered:
.L_overlay_start_0:
0x88: {  	s2 =	sld [smem:$0x3FD9]  }
0x89: {  	s3 =	sld [smem:$0x3FFE];
	_ =	sdelay $0x1  }
0x8a: {  	s1 =	srdreg.scid  }
0x8b: {  	s0 =	sand.u32 $0x1, s1  }
0x8c: {  	s17 =	sshll.u32 s0, $0xA;
	s2 =	sadd.s32 s3, s2  }
0x8d: {  	s2 =	sadd.s32 s2, s17  }
0x8e: {  	[smem:$0x3FC2] =	sst s2  }
0x8f: {  	_ = 	snop  }
0x90: {  	s2 =	sld [smem:$0x3FD0];
	(tm) =	ssettm $0x1  }
0x91: {  	s18 =	sld [smem:$0x3FFB];
	_ =	sdelay $0x3  }
0x92: {  	_ =	strace s18  }
0x93: {  	s3 =	sld [smem:$0x3FFC];
	_ =	sdelay $0x3  }
0x94: {  	_ =	strace s3  }
0x95: {  	s3 =	sld [smem:$0x3FFD];
	_ =	sdelay $0x3  }
0x96: {  	_ =	strace s3  }
0x97: {  	_ =	strace $0x8FFFFFFF  }
0x98: {  	s19 =	sld [smem:$0x3FDB];
	_ =	sdelay $0x1  }
0x99: {  	s4 =	simm.s32 $_scs_section_size  }
0x9a: {  	s5 =	simm.s32 $_size__tile_overlayer_lowered;
	s6 =	simm.s32 $_tile_overlayer_lowered  }
0x9b: {  	s22 =	simm.s32 $0x1BFF;
	s21 =	sshll.u32 s6, $0x1;
	s3 =	sadd.s32 s4, s19  }
0x9c: {  	s7 =	simm.s32 $0x0;
	s20 =	sshll.u32 s5, $0x1;
	s5 =	sadd.s32 s21, s3  }
0x9d: {  	[timem:s7], [sflag:s22] =	dma.local [hbm:s5], s20  }
0x9e: {  	_ =	swait.ge [sflag:s22], s20  }
0x9f: {  	s4 =	ssub.s32 $0x0, s20;
	[sflag:s22] =	ssyncset.done $0x0  }
0xa0: {  	[sflag:s22] =	ssyncadd.s32 s4;
	_ =	sdelay $0x1  }
0xa1: {  	s23 =	simm.s32 $0x1B8B  }
0xa2: {  	_ =	swait.ge [sflag:s23], $0x1  }
0xa3: {  	[sflag:s23] =	ssyncset.done $0x0  }
0xa4: {  	s25 =	simm.s32 $0x1B8E;
	s24 =	sld [smem:$0x3FFE];
	[sflag:s23] =	ssyncadd.s32 $0xFFFFFFFF  }
0xa5: {  	s26 =	simm.s32 $execute0_lowered;
	[smem:$0x3FD2] =	sst s25  }
0xa6: {  	s5 =	sshll.u32 s26, $0x1;
	_ =	strace $0x80000049;
	[dreg:$0x1] =	wrdreg $0xFFFFFFFF  }
0xa7: {  	s28 =	simm.s32 $_size_execute0_lowered;
	s3 =	sadd.s32 s3, s5;
	[dreg:$0x0] =	wrdreg $0x0  }
0xa8: {  	s5 =	sshll.u32 s28, $0x1;
	[dreg:$0x2] =	wrdreg s3  }
0xa9: {  	[dreg:$0x3] =	wrdreg s5  }
0xaa: {  	[dreg:$0x4] =	wrdreg $0xC0  }
0xab: {  	_ =	task [dreg:s7], $0x5FFFF  }
0xac: {  	[dreg:$0x1] =	wrdreg $0xFFFFFFFF  }
0xad: {  	[dreg:$0x0] =	wrdreg $0x60  }
0xae: {  	[dreg:$0x2] =	wrdreg s24  }
0xaf: {  	[dreg:$0x3] =	wrdreg s2  }
0xb0: {  	[dreg:$0x4] =	wrdreg $0x11D000  }
0xb1: {  	[dreg:$0x5] =	wrdreg $0x9  }
0xb2: {  	_ =	task.clear_ibuf [dreg:s7], $0x6FFFF;
	_ =	strace $0x90000049  }
0xb3: {  	s29 =	simm.s32 $0x9;
	_ =	strace $0x8000004B  }
0xb4: {  	_ =	swait.ge [sflag:s29], $0x1  }
0xb5: {  	[sflag:s29] =	ssyncadd.s32 $0xFFFFFFFF  }
0xb6: {  	_ =	strace $0x9000004B  }
0xb7: {  	_ =	sfence  }
0xb8: {  	s30 =	sld [smem:$0x0];
	_ =	sdelay $0x2  }
0xb9: {  	s31 =	sshll.u32 s1, $0xD;
	s1 =	sshrl.u32 s1, $0x2  }
0xba: {  	s3 =	sand.u32 $0x4000, s31;
	s1 =	sadd.s32 s1, s30  }
0xbb: {  	s0 =	sor.u32 s3, s0;
	s1 =	sshll.u32 s1, $0x11  }
0xbc: {  	s0 =	sor.u32 s1, s0  }
0xbd: {  	s0 =	sadd.s32 $0x8F2B, s0  }
0xbe: {  	[sflag:s0] =	ssyncadd.remote.s32 $0x1  }
0xbf: {  	_ =	sfence.sel $0xFFFF  }
0xc0: {  	[dreg:$0x0] =	wrdreg $0xFFFFFFFF;
	(pc) =	sbr.abs _section_cstart, $3  }
0xc1: {  	[dreg:$0x1] =	wrdreg $0xFFFFFFFF  }
0xc2: {  	_ =	task.clear_ibuf [dreg:s7], $0x2FFFF;
	_ =	strace $0x9FFFFFFF  }
0xc3: {  	(tm) =	ssettm $0x7FFFFFFF  }
tec
execute0_lowered:
.L_overlay_start_1:
0x0: {  	(tag) =	ssettag $0x1  }
0x1: {  	s0 =	rddreg [dreg:$0x0]  }
0x2: {  	s2 =	rddreg [dreg:$0x1]  }
0x3: {  	s1 =	rddreg [dreg:$0x2];
	s3 =	srdreg.scid  }
0x4: {  	s5 =	simm.s32 $0x0;
	s8 =	stileid.u32;
	s12 =	simm.s32 $0x11  }
0x5: {  	s14 =	simm.s32 $0x7D;
	s15 =	simm.s32 $0xA000;
	s17 =	simm.s32 $0xAFA0  }
0x6: {  	s19 =	simm.s32 $0xBF40;
	s28 =	simm.s32 $0xFDC0;
	s30 =	simm.s32 $0x10D60  }
0x7: {  	s31 =	simm.s32 $0x1;
	s11 =	simm.s32 $0x4;
	s16 =	simm.s32 $0x5  }
0x8: {  	s18 =	simm.s32 $0x6;
	s29 =	simm.s32 $0xB;
	s20 =	smul.u32 $0xA000, s8  }
0x9: {  	s3 =	sand.u32 $0x1, s3;
	[smem:$0x7FF] =	sst s5;
	s7 =	smul.u32 $0x5000, s8  }
0xa: {  	s9 =	sadd.s32 $0x2A00, s0;
	s26 =	sshll.u32 s8, $0x6;
	s8 =	simm.s32 $0xE  }
0xb: {  	s5 =	simm.s32 $0x10;
	s4 =	smul.u32 $0xA0000, s3;
	_ =	strace $0x8000004A  }
0xc: {  	[dreg:$0x4] =	wrdreg s9;
	s3 =	ssub.s32 $0x2, s3;
	s10 =	sor.u32 $0x1C11, s26  }
0xd: {  	s26 =	simm.s32 $0xA;
	s9 =	simm.s32 $0xF;
	s7 =	sshrl.u32 s7, $0x3  }
0xe: {  	s21 =	sshrl.u32 s3, $0x1;
	s24 =	sshrl.u32 s20, $0x1;
	[dreg:$0x9] =	wrdreg s10  }
0xf: {  	s6 =	sshrl.u32 s4, $0x4;
	s4 =	sadd.s32 s20, s4;
	s7 =	sadd.s32 s2, s7  }
0x10: {  	s22 =	ssub.s32 s3, s21;
	s3 =	sadd.s32 s24, s1;
	s21 =	simm.s32 $0xCEE0  }
0x11: {  	s2 =	simm.s32 $0x3;
	s20 =	simm.s32 $0x7;
	s24 =	simm.s32 $0x9  }
0x12: {  	s6 =	sadd.s32 s6, s0;
	s4 =	sshrl.u32 s4, $0x4;
	[dreg:$0x5] =	wrdreg s7  }
0x13: {  	s23 =	sadd.s32 $0xA000, s7;
	s25 =	smax.u32 s22, $0x1;
	s13 =	sshrl.u32 s3, $0x3  }
0x14: {  	s22 =	simm.s32 $0x8;
	s3 =	simm.s32 $0x0;
	[dreg:$0x6] =	wrdreg s23  }
0x15: {  	s0 =	sadd.s32 s4, s0;
	s7 =	sadd.s32 $0x3400, s6;
	[dreg:$0x8] =	wrdreg s25  }
0x16: {  	s23 =	simm.s32 $0xDE80;
	s25 =	simm.s32 $0xEE20;
	[dreg:$0xb] =	wrdreg s3  }
0x17: {  	s4 =	simm.s32 $0xC;
	[dreg:$0xa] =	wrdreg s13;
	s0 =	sadd.s32 $0x17400, s0  }
0x18: {  	s6 =	simm.s32 $0xD;
	[dreg:$0x7] =	wrdreg s0;
	s0 =	simm.s32 $0x2  }
.LBB2_1:
0x19: {  	s10 =	simm.s32 $0x0;
	s3 =	rddreg [dreg:$0x5]  }
0x1a: {  	[tilespmem:s10], [sflag:$0x11] =	stream.linear.gather [hbm4b:s3+s10], $0x5000, $0x38;
	[tilespmem:$0x16D00] =	vst v63  }
0x1b: {  	_ =	swait.ge [sflag:s12], $0x5000  }
0x1c: {  	s13 =	simm.s32 $0x5000;
	[sflag:s12] =	ssyncset.done $0x0  }
0x1d: {  	s10 =	simm.s32 $0x0;
	s3 =	rddreg [dreg:$0x6];
	[sflag:s12] =	ssyncadd.s32 $0xFFFFB000  }
0x1e: {  	[tilespmem:s13], [sflag:$0x11] =	stream.linear.gather [hbm4b:s3+s10], $0x5000, $0x38;
	[tilespmem:$0x16D00] =	vst v63  }
0x1f: {  	_ =	swait.ge [sflag:s12], $0x5000  }
0x20: {  	s3 =	rddreg [dreg:$0x4]  }
0x21: {  	[sflag:s12] =	ssyncset.done $0x0;
	s13 =	rddreg [dreg:$0x9]  }
0x22: {  	s10 =	rddreg [dreg:$0xa];
	[sflag:s12] =	ssyncadd.s32 $0xFFFFB000  }
0x23: {  	[spmem:s10], [sflag:s13] =	dma.local [hbm:s3], $0xA00  }
0x24: {  	_ =	swait.ge [sflag:s12], $0xA00  }
0x25: {  	[sflag:s12] =	ssyncset.done $0x0  }
0x26: {  	[sflag:s12] =	ssyncadd.s32 $0xFFFFF600  }
0x27: {  	s10 =	simm.s32 $0x0;
	[bflag:$0x0] =	sbarrier.arrive $0xFFFF  }
0x28: {  	[tilespmem:s15], [sflag:$0x1] =	stream.indirect.gather [hbm4b:s7+s14], $0x20, s10, s14, $0xb8;
	[tilespmem:$0x16D00] =	vst v63  }
0x29: {  	s13 =	simm.s32 $0x80  }
0x2a: {  	[tilespmem:s17], [sflag:$0x2] =	stream.indirect.gather [hbm4b:s7+s14], $0x20, s13, s14, $0xb8;
	[tilespmem:$0x16D00] =	vst v63  }
0x2b: {  	s12 =	simm.s32 $0x100  }
0x2c: {  	[tilespmem:s19], [sflag:$0x3] =	stream.indirect.gather [hbm4b:s7+s14], $0x20, s12, s14, $0xb8;
	[tilespmem:$0x16D00] =	vst v63  }
0x2d: {  	s13 =	simm.s32 $0x180  }
0x2e: {  	[tilespmem:s21], [sflag:$0x4] =	stream.indirect.gather [hbm4b:s7+s14], $0x20, s13, s14, $0xb8;
	[tilespmem:$0x16D00] =	vst v63  }
0x2f: {  	s12 =	simm.s32 $0x200  }
0x30: {  	[tilespmem:s23], [sflag:$0x5] =	stream.indirect.gather [hbm4b:s7+s14], $0x20, s12, s14, $0xb8;
	[tilespmem:$0x16D00] =	vst v63  }
0x31: {  	s13 =	simm.s32 $0x280  }
0x32: {  	[tilespmem:s25], [sflag:$0x6] =	stream.indirect.gather [hbm4b:s7+s14], $0x20, s13, s14, $0xb8;
	[tilespmem:$0x16D00] =	vst v63  }
0x33: {  	s12 =	simm.s32 $0x300  }
0x34: {  	[tilespmem:s28], [sflag:$0x7] =	stream.indirect.gather [hbm4b:s7+s14], $0x20, s12, s14, $0xb8;
	[tilespmem:$0x16D00] =	vst v63  }
0x35: {  	s13 =	simm.s32 $0x380  }
0x36: {  	[tilespmem:s30], [sflag:$0x8] =	stream.indirect.gather [hbm4b:s7+s14], $0x20, s13, s14, $0xb8;
	[tilespmem:$0x16D00] =	vst v63  }
0x37: {  	_ =	swait.ge [sflag:s31], $0xFA0  }
0x38: {  	[sflag:s31] =	ssyncset.done $0x0  }
0x39: {  	s12 =	simm.s32 $0x5000;
	[sflag:s31] =	ssyncadd.s32 $0xFFFFF060  }
0x3a: {  	[spmem:s1] =	stream.indirect.scatter.add.bf16 [tilespmem:s15], [sflag:$0x9], $0x20, s12, s14, $0xb8;
	[tilespmem:$0x16D00] =	vst v63  }
0x3b: {  	_ =	swait.ge [sflag:s0], $0xFA0  }
0x3c: {  	[sflag:s0] =	ssyncset.done $0x0  }
0x3d: {  	s13 =	simm.s32 $0x5080;
	[sflag:s0] =	ssyncadd.s32 $0xFFFFF060  }
0x3e: {  	[spmem:s1] =	stream.indirect.scatter.add.bf16 [tilespmem:s17], [sflag:$0xA], $0x20, s13, s14, $0xb8;
	[tilespmem:$0x16D00] =	vst v63  }
0x3f: {  	_ =	swait.ge [sflag:s2], $0xFA0  }
0x40: {  	[sflag:s2] =	ssyncset.done $0x0  }
0x41: {  	s12 =	simm.s32 $0x5100;
	[sflag:s2] =	ssyncadd.s32 $0xFFFFF060  }
0x42: {  	[spmem:s1] =	stream.indirect.scatter.add.bf16 [tilespmem:s19], [sflag:$0xB], $0x20, s12, s14, $0xb8;
	[tilespmem:$0x16D00] =	vst v63  }
0x43: {  	_ =	swait.ge [sflag:s11], $0xFA0  }
0x44: {  	[sflag:s11] =	ssyncset.done $0x0  }
0x45: {  	s13 =	simm.s32 $0x5180;
	[sflag:s11] =	ssyncadd.s32 $0xFFFFF060  }
0x46: {  	[spmem:s1] =	stream.indirect.scatter.add.bf16 [tilespmem:s21], [sflag:$0xC], $0x20, s13, s14, $0xb8;
	[tilespmem:$0x16D00] =	vst v63  }
0x47: {  	_ =	swait.ge [sflag:s16], $0xFA0  }
0x48: {  	[sflag:s16] =	ssyncset.done $0x0  }
0x49: {  	s12 =	simm.s32 $0x5200;
	[sflag:s16] =	ssyncadd.s32 $0xFFFFF060  }
0x4a: {  	[spmem:s1] =	stream.indirect.scatter.add.bf16 [tilespmem:s23], [sflag:$0xD], $0x20, s12, s14, $0xb8;
	[tilespmem:$0x16D00] =	vst v63  }
0x4b: {  	_ =	swait.ge [sflag:s18], $0xFA0  }
0x4c: {  	[sflag:s18] =	ssyncset.done $0x0  }
0x4d: {  	s13 =	simm.s32 $0x5280;
	[sflag:s18] =	ssyncadd.s32 $0xFFFFF060  }
0x4e: {  	[spmem:s1] =	stream.indirect.scatter.add.bf16 [tilespmem:s25], [sflag:$0xE], $0x20, s13, s14, $0xb8;
	[tilespmem:$0x16D00] =	vst v63  }
0x4f: {  	_ =	swait.ge [sflag:s20], $0xFA0  }
0x50: {  	[sflag:s20] =	ssyncset.done $0x0  }
0x51: {  	s12 =	simm.s32 $0x5300;
	[sflag:s20] =	ssyncadd.s32 $0xFFFFF060  }
0x52: {  	[spmem:s1] =	stream.indirect.scatter.add.bf16 [tilespmem:s28], [sflag:$0xF], $0x20, s12, s14, $0xb8;
	[tilespmem:$0x16D00] =	vst v63  }
0x53: {  	_ =	swait.ge [sflag:s22], $0xFA0  }
0x54: {  	[sflag:s22] =	ssyncset.done $0x0  }
0x55: {  	s13 =	simm.s32 $0x5380;
	[sflag:s22] =	ssyncadd.s32 $0xFFFFF060  }
0x56: {  	[spmem:s1] =	stream.indirect.scatter.add.bf16 [tilespmem:s30], [sflag:$0x10], $0x20, s13, s14, $0xb8;
	[tilespmem:$0x16D00] =	vst v63  }
0x57: {  	s12 =	smin.u32 s10, $0x97;
	_ =	swait.ge [sflag:s24], $0xFA0  }
0x58: {  	s3 =	sshll.u32 s12, $0x7;
	[sflag:s24] =	ssyncset.done $0x0  }
0x59: {  	s3 =	sadd.s32 $0x400, s3;
	[sflag:s24] =	ssyncadd.s32 $0xFFFFF060  }
0x5a: {  	[tilespmem:s15], [sflag:$0x1] =	stream.indirect.gather [hbm4b:s7+s14], $0x20, s3, s14, $0xb8;
	[tilespmem:$0x16D00] =	vst v63  }
0x5b: {  	s13 =	smin.u32 s10, $0x96;
	_ =	swait.ge [sflag:s26], $0xFA0  }
0x5c: {  	s3 =	sshll.u32 s13, $0x7;
	[sflag:s26] =	ssyncset.done $0x0  }
0x5d: {  	s3 =	sadd.s32 $0x480, s3;
	[sflag:s26] =	ssyncadd.s32 $0xFFFFF060  }
0x5e: {  	[tilespmem:s17], [sflag:$0x2] =	stream.indirect.gather [hbm4b:s7+s14], $0x20, s3, s14, $0xb8;
	[tilespmem:$0x16D00] =	vst v63  }
0x5f: {  	s12 =	smin.u32 s10, $0x95;
	_ =	swait.ge [sflag:s29], $0xFA0  }
0x60: {  	s3 =	sshll.u32 s12, $0x7;
	[sflag:s29] =	ssyncset.done $0x0  }
0x61: {  	s3 =	sadd.s32 $0x500, s3;
	[sflag:s29] =	ssyncadd.s32 $0xFFFFF060  }
0x62: {  	[tilespmem:s19], [sflag:$0x3] =	stream.indirect.gather [hbm4b:s7+s14], $0x20, s3, s14, $0xb8;
	[tilespmem:$0x16D00] =	vst v63  }
0x63: {  	s13 =	smin.u32 s10, $0x94;
	_ =	swait.ge [sflag:s4], $0xFA0  }
0x64: {  	s3 =	sshll.u32 s13, $0x7;
	[sflag:s4] =	ssyncset.done $0x0  }
0x65: {  	s3 =	sadd.s32 $0x580, s3;
	[sflag:s4] =	ssyncadd.s32 $0xFFFFF060  }
0x66: {  	[tilespmem:s21], [sflag:$0x4] =	stream.indirect.gather [hbm4b:s7+s14], $0x20, s3, s14, $0xb8;
	[tilespmem:$0x16D00] =	vst v63  }
0x67: {  	s12 =	smin.u32 s10, $0x93;
	_ =	swait.ge [sflag:s6], $0xFA0  }
0x68: {  	s3 =	sshll.u32 s12, $0x7;
	[sflag:s6] =	ssyncset.done $0x0  }
0x69: {  	s3 =	sadd.s32 $0x600, s3;
	[sflag:s6] =	ssyncadd.s32 $0xFFFFF060  }
0x6a: {  	[tilespmem:s23], [sflag:$0x5] =	stream.indirect.gather [hbm4b:s7+s14], $0x20, s3, s14, $0xb8;
	[tilespmem:$0x16D00] =	vst v63  }
0x6b: {  	s13 =	smin.u32 s10, $0x92;
	_ =	swait.ge [sflag:s8], $0xFA0  }
0x6c: {  	s3 =	sshll.u32 s13, $0x7;
	[sflag:s8] =	ssyncset.done $0x0  }
0x6d: {  	s3 =	sadd.s32 $0x680, s3;
	[sflag:s8] =	ssyncadd.s32 $0xFFFFF060  }
0x6e: {  	[tilespmem:s25], [sflag:$0x6] =	stream.indirect.gather [hbm4b:s7+s14], $0x20, s3, s14, $0xb8;
	[tilespmem:$0x16D00] =	vst v63  }
0x6f: {  	s12 =	smin.u32 s10, $0x91;
	_ =	swait.ge [sflag:s9], $0xFA0  }
0x70: {  	s3 =	sshll.u32 s12, $0x7;
	[sflag:s9] =	ssyncset.done $0x0  }
0x71: {  	s13 =	simm.s32 $0x0;
	s3 =	sadd.s32 $0x700, s3;
	[sflag:s9] =	ssyncadd.s32 $0xFFFFF060  }
0x72: {  	[tilespmem:s28], [sflag:$0x7] =	stream.indirect.gather [hbm4b:s7+s14], $0x20, s3, s14, $0xb8;
	[tilespmem:$0x16D00] =	vst v63  }
0x73: {  	s12 =	smin.u32 s13, $0x90;
	_ =	swait.ge [sflag:s5], $0xFA0  }
0x74: {  	s13 =	simm.s32 $0x1000;
	s3 =	sshll.u32 s12, $0x7;
	[sflag:s5] =	ssyncset.done $0x0  }
0x75: {  	s10 =	sadd.s32 $0x780, s3;
	s3 =	simm.s32 $0x8;
	[sflag:s5] =	ssyncadd.s32 $0xFFFFF060  }
.LBB2_2:
0x76: {  	[tilespmem:s30], [sflag:$0x8] =	stream.indirect.gather [hbm4b:s7+s14], $0x20, s10, s14, $0xb8;
	[tilespmem:$0x16D00] =	vst v63  }
0x77: {  	s10 =	smov.u32 s13  }
0x78: {  	p0 =	sne.s32 s13, $0x13000;
	s13 =	sadd.s32 $0x1000, s13;
	_ =	swait.ge [sflag:s31], $0xFA0  }
0x79: {  	s10 =	sshra.s32 s10, $0x2;
	[sflag:s31] =	ssyncset.done $0x0  }
0x7a: {  	s12 =	sadd.s32 $0x5000, s10;
	[sflag:s31] =	ssyncadd.s32 $0xFFFFF060  }
0x7b: {  	[spmem:s1] =	stream.indirect.scatter.add.bf16 [tilespmem:s15], [sflag:$0x9], $0x20, s12, s14, $0xb8;
	[tilespmem:$0x16D00] =	vst v63  }
0x7c: {  	_ =	swait.ge [sflag:s0], $0xFA0  }
0x7d: {  	[sflag:s0] =	ssyncset.done $0x0  }
0x7e: {  	s12 =	sadd.s32 $0x5080, s10;
	[sflag:s0] =	ssyncadd.s32 $0xFFFFF060  }
0x7f: {  	[spmem:s1] =	stream.indirect.scatter.add.bf16 [tilespmem:s17], [sflag:$0xA], $0x20, s12, s14, $0xb8;
	[tilespmem:$0x16D00] =	vst v63  }
0x80: {  	_ =	swait.ge [sflag:s2], $0xFA0  }
0x81: {  	[sflag:s2] =	ssyncset.done $0x0  }
0x82: {  	s12 =	sadd.s32 $0x5100, s10;
	[sflag:s2] =	ssyncadd.s32 $0xFFFFF060  }
0x83: {  	[spmem:s1] =	stream.indirect.scatter.add.bf16 [tilespmem:s19], [sflag:$0xB], $0x20, s12, s14, $0xb8;
	[tilespmem:$0x16D00] =	vst v63  }
0x84: {  	_ =	swait.ge [sflag:s11], $0xFA0  }
0x85: {  	[sflag:s11] =	ssyncset.done $0x0  }
0x86: {  	s12 =	sadd.s32 $0x5180, s10;
	[sflag:s11] =	ssyncadd.s32 $0xFFFFF060  }
0x87: {  	[spmem:s1] =	stream.indirect.scatter.add.bf16 [tilespmem:s21], [sflag:$0xC], $0x20, s12, s14, $0xb8;
	[tilespmem:$0x16D00] =	vst v63  }
0x88: {  	_ =	swait.ge [sflag:s16], $0xFA0  }
0x89: {  	[sflag:s16] =	ssyncset.done $0x0  }
0x8a: {  	s12 =	sadd.s32 $0x5200, s10;
	[sflag:s16] =	ssyncadd.s32 $0xFFFFF060  }
0x8b: {  	[spmem:s1] =	stream.indirect.scatter.add.bf16 [tilespmem:s23], [sflag:$0xD], $0x20, s12, s14, $0xb8;
	[tilespmem:$0x16D00] =	vst v63  }
0x8c: {  	_ =	swait.ge [sflag:s18], $0xFA0  }
0x8d: {  	[sflag:s18] =	ssyncset.done $0x0  }
0x8e: {  	s12 =	sadd.s32 $0x5280, s10;
	[sflag:s18] =	ssyncadd.s32 $0xFFFFF060  }
0x8f: {  	[spmem:s1] =	stream.indirect.scatter.add.bf16 [tilespmem:s25], [sflag:$0xE], $0x20, s12, s14, $0xb8;
	[tilespmem:$0x16D00] =	vst v63  }
0x90: {  	_ =	swait.ge [sflag:s20], $0xFA0  }
0x91: {  	[sflag:s20] =	ssyncset.done $0x0  }
0x92: {  	s12 =	sadd.s32 $0x5300, s10;
	[sflag:s20] =	ssyncadd.s32 $0xFFFFF060  }
0x93: {  	[spmem:s1] =	stream.indirect.scatter.add.bf16 [tilespmem:s28], [sflag:$0xF], $0x20, s12, s14, $0xb8;
	[tilespmem:$0x16D00] =	vst v63  }
0x94: {  	_ =	swait.ge [sflag:s22], $0xFA0  }
0x95: {  	[sflag:s22] =	ssyncset.done $0x0  }
0x96: {  	s10 =	sadd.s32 $0x5380, s10;
	[sflag:s22] =	ssyncadd.s32 $0xFFFFF060  }
0x97: {  	[spmem:s1] =	stream.indirect.scatter.add.bf16 [tilespmem:s30], [sflag:$0x10], $0x20, s10, s14, $0xb8;
	[tilespmem:$0x16D00] =	vst v63  }
0x98: {  	s10 =	smin.u32 s3, $0x97;
	_ =	swait.ge [sflag:s24], $0xFA0  }
0x99: {  	s10 =	sshll.u32 s10, $0x7;
	[sflag:s24] =	ssyncset.done $0x0  }
0x9a: {  	s10 =	sadd.s32 $0x400, s10;
	[sflag:s24] =	ssyncadd.s32 $0xFFFFF060  }
0x9b: {  	[tilespmem:s15], [sflag:$0x1] =	stream.indirect.gather [hbm4b:s7+s14], $0x20, s10, s14, $0xb8;
	[tilespmem:$0x16D00] =	vst v63  }
0x9c: {  	s10 =	smin.u32 s3, $0x96;
	_ =	swait.ge [sflag:s26], $0xFA0  }
0x9d: {  	s10 =	sshll.u32 s10, $0x7;
	[sflag:s26] =	ssyncset.done $0x0  }
0x9e: {  	s10 =	sadd.s32 $0x480, s10;
	[sflag:s26] =	ssyncadd.s32 $0xFFFFF060  }
0x9f: {  	[tilespmem:s17], [sflag:$0x2] =	stream.indirect.gather [hbm4b:s7+s14], $0x20, s10, s14, $0xb8;
	[tilespmem:$0x16D00] =	vst v63  }
0xa0: {  	s10 =	smin.u32 s3, $0x95;
	_ =	swait.ge [sflag:s29], $0xFA0  }
0xa1: {  	s10 =	sshll.u32 s10, $0x7;
	[sflag:s29] =	ssyncset.done $0x0  }
0xa2: {  	s10 =	sadd.s32 $0x500, s10;
	[sflag:s29] =	ssyncadd.s32 $0xFFFFF060  }
0xa3: {  	[tilespmem:s19], [sflag:$0x3] =	stream.indirect.gather [hbm4b:s7+s14], $0x20, s10, s14, $0xb8;
	[tilespmem:$0x16D00] =	vst v63  }
0xa4: {  	s10 =	smin.u32 s3, $0x94;
	_ =	swait.ge [sflag:s4], $0xFA0  }
0xa5: {  	s10 =	sshll.u32 s10, $0x7;
	[sflag:s4] =	ssyncset.done $0x0  }
0xa6: {  	s10 =	sadd.s32 $0x580, s10;
	[sflag:s4] =	ssyncadd.s32 $0xFFFFF060  }
0xa7: {  	[tilespmem:s21], [sflag:$0x4] =	stream.indirect.gather [hbm4b:s7+s14], $0x20, s10, s14, $0xb8;
	[tilespmem:$0x16D00] =	vst v63  }
0xa8: {  	s10 =	smin.u32 s3, $0x93;
	_ =	swait.ge [sflag:s6], $0xFA0  }
0xa9: {  	s10 =	sshll.u32 s10, $0x7;
	[sflag:s6] =	ssyncset.done $0x0  }
0xaa: {  	s10 =	sadd.s32 $0x600, s10;
	[sflag:s6] =	ssyncadd.s32 $0xFFFFF060  }
0xab: {  	[tilespmem:s23], [sflag:$0x5] =	stream.indirect.gather [hbm4b:s7+s14], $0x20, s10, s14, $0xb8;
	[tilespmem:$0x16D00] =	vst v63  }
0xac: {  	s10 =	smin.u32 s3, $0x92;
	_ =	swait.ge [sflag:s8], $0xFA0  }
0xad: {  	s10 =	sshll.u32 s10, $0x7;
	[sflag:s8] =	ssyncset.done $0x0  }
0xae: {  	s10 =	sadd.s32 $0x680, s10;
	[sflag:s8] =	ssyncadd.s32 $0xFFFFF060  }
0xaf: {  	[tilespmem:s25], [sflag:$0x6] =	stream.indirect.gather [hbm4b:s7+s14], $0x20, s10, s14, $0xb8;
	[tilespmem:$0x16D00] =	vst v63  }
0xb0: {  	s10 =	smin.u32 s3, $0x91;
	_ =	swait.ge [sflag:s9], $0xFA0  }
0xb1: {  	s10 =	sshll.u32 s10, $0x7;
	[sflag:s9] =	ssyncset.done $0x0  }
.Ltmp0:
0xb2: {  	s10 =	sadd.s32 $0x700, s10;
	[sflag:s9] =	ssyncadd.s32 $0xFFFFF060;
	(pc) =	sbr.rel @p0 .LBB2_2-.Ltmp0, $4  }
0xb3: {  	[tilespmem:s28], [sflag:$0x7] =	stream.indirect.gather [hbm4b:s7+s14], $0x20, s10, s14, $0xb8;
	[tilespmem:$0x16D00] =	vst v63  }
0xb4: {  	s10 =	smin.u32 s3, $0x90;
	_ =	swait.ge [sflag:s5], $0xFA0  }
0xb5: {  	s10 =	sshll.u32 s10, $0x7;
	[sflag:s5] =	ssyncset.done $0x0  }
0xb6: {  	s3 =	sadd.s32 $0x8, s3;
	s10 =	sadd.s32 $0x780, s10;
	[sflag:s5] =	ssyncadd.s32 $0xFFFFF060  }
0xb7: {  	[tilespmem:s30], [sflag:$0x8] =	stream.indirect.gather [hbm4b:s7+s14], $0x20, s10, s14, $0xb8;
	[tilespmem:$0x16D00] =	vst v63  }
0xb8: {  	_ =	swait.ge [sflag:s31], $0xFA0  }
0xb9: {  	[sflag:s31] =	ssyncset.done $0x0  }
0xba: {  	[sflag:s31] =	ssyncadd.s32 $0xFFFFF060  }
0xbb: {  	_ =	swait.ge [sflag:s0], $0xFA0  }
0xbc: {  	[sflag:s0] =	ssyncset.done $0x0  }
0xbd: {  	[sflag:s0] =	ssyncadd.s32 $0xFFFFF060  }
0xbe: {  	_ =	swait.ge [sflag:s2], $0xFA0  }
0xbf: {  	[sflag:s2] =	ssyncset.done $0x0  }
0xc0: {  	[sflag:s2] =	ssyncadd.s32 $0xFFFFF060  }
0xc1: {  	_ =	swait.ge [sflag:s11], $0xFA0  }
0xc2: {  	[sflag:s11] =	ssyncset.done $0x0  }
0xc3: {  	[sflag:s11] =	ssyncadd.s32 $0xFFFFF060  }
0xc4: {  	_ =	swait.ge [sflag:s16], $0xFA0  }
0xc5: {  	[sflag:s16] =	ssyncset.done $0x0  }
0xc6: {  	[sflag:s16] =	ssyncadd.s32 $0xFFFFF060  }
0xc7: {  	_ =	swait.ge [sflag:s18], $0xFA0  }
0xc8: {  	[sflag:s18] =	ssyncset.done $0x0  }
0xc9: {  	[sflag:s18] =	ssyncadd.s32 $0xFFFFF060  }
0xca: {  	_ =	swait.ge [sflag:s20], $0xFA0  }
0xcb: {  	[sflag:s20] =	ssyncset.done $0x0  }
0xcc: {  	[sflag:s20] =	ssyncadd.s32 $0xFFFFF060  }
0xcd: {  	_ =	swait.ge [sflag:s22], $0xFA0  }
0xce: {  	[sflag:s22] =	ssyncset.done $0x0  }
0xcf: {  	[sflag:s22] =	ssyncadd.s32 $0xFFFFF060  }
0xd0: {  	[bflag:$0x0] =	sbarrier.arrive $0xFFFF  }
0xd1: {  	s3 =	rddreg [dreg:$0x7]  }
0xd2: {  	s12 =	rddreg [dreg:$0x9]  }
0xd3: {  	s13 =	rddreg [dreg:$0xa]  }
0xd4: {  	[hbm:s3], [sflag:s12] =	dma.local [spmem:s13], $0xA00  }
0xd5: {  	s12 =	simm.s32 $0x11  }
0xd6: {  	_ =	swait.ge [sflag:s12], $0xA00  }
0xd7: {  	s13 =	rddreg [dreg:$0xb]  }
0xd8: {  	s10 =	rddreg [dreg:$0x8];
	s13 =	sadd.s32 $0x1, s13  }
0xd9: {  	p0 =	sne.s32 s13, s10  }
.Ltmp1:
0xda: {  	_ = 	snop;
	(pc) =	sbr.rel @p0 .LBB2_1-.Ltmp1, $3  }
0xdb: {  	_ =	sdelay $0x1  }
0xdc: {  	[sflag:s12] =	ssyncset.done $0x0  }
0xdd: {  	[sflag:s12] =	ssyncadd.s32 $0xFFFFF600;
	[dreg:$0xb] =	wrdreg s13  }
0xde: {  	_ =	sfence.sel $0x180000  }
0xdf: {  	[bflag:$0x0] =	sbarrier.arrive $0xFFFF  }
0xe0: {  	_ =	strace $0x9000004A  }
0xe1: {  	s0 =	stileid.u32;
	[bflag:$0x2] =	sbarrier.arrive $0xFFFF  }
0xe2: {  	p0 =	sne.s32 s0, $0x0;
	s0 =	rddreg [dreg:$0x3]  }
0xe3: {  	s0 =	sadd.s32 @!p0 $0x100000, s0  }
0xe4: {  	[sflag:s0] =	ssyncadd.tile.s32 @!p0 $0x1;
	_ =	shalt  }
.Lfunc_end2:
_tile_overlayer_lowered:
.L_overlay_start_2:
0xe5: {  	(tag) =	ssettag $0x2  }
0xe6: {  	s0 =	rddreg [dreg:$0x0];
	s2 =	stileid.u32  }
0xe7: {  	s1 =	rddreg [dreg:$0x1];
	p0 =	sne.s32 s2, $0x0  }
0xe8: {  	s3 =	rddreg [dreg:$0x2];
	[bflag:$0x3] =	sbarrier.arrive $0xFFFF;
	s2 =	simm.s32 @!p0 $0x1C11  }
0xe9: {  	[timem:s3], [sflag:s2] =	dma.local @!p0 [hbm:s0], s1  }
0xea: {  	s0 =	simm.s32 @!p0 $0x11  }
0xeb: {  	_ =	swait.ge @!p0 [sflag:s0], s1  }
0xec: {  	s1 =	ssub.s32 @!p0 $0x0, s1;
	[sflag:s0] =	ssyncset.done @!p0 $0x0  }
0xed: {  	[sflag:s0] =	ssyncadd.s32 @!p0 s1  }
0xee: {  	[bflag:$0x3] =	sbarrier.arrive $0xFFFF  }
0xef: {  	_ =	shalt  }

// kernel: kernel.14.cloned.1.call-start
scs
__scs_entry_jumppad:
0x0: {  	(pc) =	sbr.rel $0x88, $3  }
0x1: {  	(tag) =	ssettag $0x0;
	lr =	simm.s32 $0x1  }
0x2: {  	[smem:$0x3F9B] =	sst lr;
	_ =	strace $0xD0000000  }
0x3: {  	_ = 	snop  }
0x4: {  	_ = 	snop  }
0x5: {  	_ = 	snop  }
0x6: {  	_ = 	snop  }
0x7: {  	_ = 	snop  }
__scs_overlays_trampoline_lowered:
0x8: {  	[smem:$0x3FAA] =	sst s0  }
0x9: {  	[smem:$0x3FAB] =	sst s1  }
0xa: {  	[smem:$0x3FAC] =	sst s2  }
0xb: {  	[smem:$0x3FAD] =	sst s3  }
0xc: {  	[smem:$0x3FAE] =	sst s4  }
0xd: {  	[smem:$0x3FAF] =	sst s5  }
0xe: {  	[smem:$0x3FB0] =	sst s6  }
0xf: {  	[smem:$0x3FB1] =	sst s7  }
0x10: {  	[smem:$0x3FB2] =	sst s8  }
0x11: {  	[smem:$0x3FB3] =	sst s9;
	s0 =	simm.s32 @!p0 $0x0  }
0x12: {  	s1 =	sld [smem:$0x3F99];
	s0 =	simm.s32 @p0 $0x1  }
0x13: {  	[smem:$0x3FB4] =	sst s0;
	s0 =	simm.s32 @!p1 $0x0  }
0x14: {  	s2 =	sld [smem:$0x3F98];
	s0 =	simm.s32 @p1 $0x1  }
0x15: {  	[smem:$0x3FB5] =	sst s0;
	s0 =	simm.s32 @!p2 $0x0  }
0x16: {  	s3 =	sld [smem:$0x3FDB];
	s0 =	simm.s32 @p2 $0x1  }
0x17: {  	s4 =	simm.s32 $0x1BF5;
	[smem:$0x3FB7] =	sst s0  }
0x18: {  	s0 =	sld [smem:$0x3F9A];
	_ =	swait.ge [sflag:s4], $0x0  }
0x19: {  	s7 =	sld [smem:$0x3F9B]  }
0x1a: {  	s8 =	sadd.s32 $0xFFFFE003, lr  }
0x1b: {  	s9 =	sadd.s32 $0xFFFFFEF7, lr;
	s5 =	simm.s32 $0xFFFFFFFF;
	p2 =	slt.u32 s8, $0xFFFFF086  }
0x1c: {  	p1 =	slt.u32 s9, $0xF7A;
	s5 =	simm.s32 @!p2 $0x0  }
0x1d: {  	s5 =	simm.s32 @p1 $0x1;
	p0 =	seq.s32 s7, s2  }
0x1e: {  	s7 =	smul.u32 @!p0 $0xF7A, s2;
	p2 =	seq.s32 @!p0 s5, $0x0  }
0x1f: {  	s9 =	smul.u32 $0xF7A, s1;
	s8 =	simm.s32 @!p0 $0x1BF5;
	p2 =	por !p2, p0  }
0x20: {  	[sflag:s8] =	ssyncset.s32 @!p0 $0xFFFFF086;
	s6 =	sadd.s32 @!p0 s3, s7;
	s7 =	simm.s32 @!p0 $0x108  }
0x21: {  	s3 =	sadd.s32 s3, s9;
	s6 =	sadd.s32 @!p0 $0x88, s6;
	s7 =	simm.s32 @p2 $0x1082  }
0x22: {  	[simem:s7], [sflag:s8] =	dma.local @!p0 [hbm:s6], $0xF7A  }
0x23: {  	s9 =	sor.u32 $0xD0000000, s2;
	s6 =	simm.s32 $0x108;
	_ =	swait.ge @!p0 [sflag:s8], $0x0  }
0x24: {  	s3 =	sadd.s32 $0x88, s3;
	s6 =	simm.s32 @!p1 $0x1082;
	[sflag:s4] =	ssyncset.s32 $0xFFFFF086  }
0x25: {  	[simem:s6], [sflag:s4] =	dma.local [hbm:s3], $0xF7A  }
0x26: {  	[smem:$0x3F9B] =	sst s1;
	(tag) =	ssettag s2;
	_ =	strace s9  }
0x27: {  	s1 =	sld [smem:$0x3FAB]  }
0x28: {  	s2 =	sld [smem:$0x3FAC]  }
0x29: {  	s4 =	sld [smem:$0x3FAE]  }
0x2a: {  	p0 =	seq.s32 s5, $0x0;
	s5 =	sld [smem:$0x3FAF]  }
0x2b: {  	s6 =	sld [smem:$0x3FB0]  }
0x2c: {  	s7 =	sld [smem:$0x3FB1]  }
0x2d: {  	s3 =	simm.s32 $0x108;
	s8 =	sld [smem:$0x3FB2]  }
0x2e: {  	s3 =	simm.s32 @!p0 $0x1082;
	s9 =	sld [smem:$0x3FB3]  }
0x2f: {  	lr =	sadd.s32 s0, s3;
	s0 =	sld [smem:$0x3FAA]  }
0x30: {  	s3 =	sld [smem:$0x3FAD]  }
0x31: {  	[smem:$0x3FB6] =	sst s10  }
0x32: {  	s10 =	sld [smem:$0x3FB4];
	_ =	sdelay $0x3  }
0x33: {  	p0 =	seq.s32 s10, $0x1;
	s10 =	sld [smem:$0x3FB6];
	_ =	sdelay $0x3  }
0x34: {  	[smem:$0x3FB6] =	sst s10  }
0x35: {  	s10 =	sld [smem:$0x3FB5];
	_ =	sdelay $0x3  }
0x36: {  	p1 =	seq.s32 s10, $0x1;
	s10 =	sld [smem:$0x3FB6];
	_ =	sdelay $0x3  }
0x37: {  	[smem:$0x3FB6] =	sst s10  }
0x38: {  	s10 =	sld [smem:$0x3FB7]  }
0x39: {  	_ = 	snop;
	(pc) =	sbr.ind lr, $3  }
0x3a: {  	_ = 	snop  }
0x3b: {  	_ = 	snop  }
0x3c: {  	p2 =	seq.s32 s10, $0x1;
	s10 =	sld [smem:$0x3FB6]  }
0x3d: {  	_ =	shalt  }
0x3e: {  	_ =	shalt  }
0x3f: {  	_ =	shalt  }
0x40: {  	_ =	shalt  }
0x41: {  	_ =	shalt  }
0x42: {  	_ =	shalt  }
0x43: {  	_ =	shalt  }
0x44: {  	_ =	shalt  }
0x45: {  	_ =	shalt  }
0x46: {  	_ =	shalt  }
0x47: {  	_ =	shalt  }
0x48: {  	_ =	shalt  }
0x49: {  	_ =	shalt  }
0x4a: {  	_ =	shalt  }
0x4b: {  	_ =	shalt  }
0x4c: {  	_ =	shalt  }
0x4d: {  	_ =	shalt  }
0x4e: {  	_ =	shalt  }
0x4f: {  	_ =	shalt  }
0x50: {  	_ =	shalt  }
0x51: {  	_ =	shalt  }
0x52: {  	_ =	shalt  }
0x53: {  	_ =	shalt  }
0x54: {  	_ =	shalt  }
0x55: {  	_ =	shalt  }
0x56: {  	_ =	shalt  }
0x57: {  	_ =	shalt  }
0x58: {  	_ =	shalt  }
0x59: {  	_ =	shalt  }
0x5a: {  	_ =	shalt  }
0x5b: {  	_ =	shalt  }
0x5c: {  	_ =	shalt  }
0x5d: {  	_ =	shalt  }
0x5e: {  	_ =	shalt  }
0x5f: {  	_ =	shalt  }
0x60: {  	_ =	shalt  }
0x61: {  	_ =	shalt  }
0x62: {  	_ =	shalt  }
0x63: {  	_ =	shalt  }
0x64: {  	_ =	shalt  }
0x65: {  	_ =	shalt  }
0x66: {  	_ =	shalt  }
0x67: {  	_ =	shalt  }
0x68: {  	_ =	shalt  }
0x69: {  	_ =	shalt  }
0x6a: {  	_ =	shalt  }
0x6b: {  	_ =	shalt  }
0x6c: {  	_ =	shalt  }
0x6d: {  	_ =	shalt  }
0x6e: {  	_ =	shalt  }
0x6f: {  	_ =	shalt  }
0x70: {  	_ =	shalt  }
0x71: {  	_ =	shalt  }
0x72: {  	_ =	shalt  }
0x73: {  	_ =	shalt  }
0x74: {  	_ =	shalt  }
0x75: {  	_ =	shalt  }
0x76: {  	_ =	shalt  }
0x77: {  	_ =	shalt  }
0x78: {  	_ =	shalt  }
0x79: {  	_ =	shalt  }
0x7a: {  	_ =	shalt  }
0x7b: {  	_ =	shalt  }
0x7c: {  	_ =	shalt  }
0x7d: {  	_ =	shalt  }
0x7e: {  	_ =	shalt  }
0x7f: {  	_ =	shalt  }
0x80: {  	_ =	shalt  }
0x81: {  	_ =	shalt  }
0x82: {  	_ =	shalt  }
0x83: {  	_ =	shalt  }
0x84: {  	_ =	shalt  }
0x85: {  	_ =	shalt  }
0x86: {  	_ =	shalt  }
0x87: {  	_ =	shalt  }
.Lfunc_end0:
.L_simem_size_0:
called_computation.2_lowered:
.L_overlay_start_0:
0x88: {  	s2 =	sld [smem:$0x3FD9]  }
0x89: {  	s3 =	sld [smem:$0x3FFE];
	_ =	sdelay $0x1  }
0x8a: {  	s1 =	srdreg.scid  }
0x8b: {  	s0 =	sand.u32 $0x1, s1  }
0x8c: {  	s17 =	sshll.u32 s0, $0xA;
	s2 =	sadd.s32 s3, s2  }
0x8d: {  	s2 =	sadd.s32 s2, s17  }
0x8e: {  	[smem:$0x3FC2] =	sst s2  }
0x8f: {  	_ = 	snop  }
0x90: {  	s2 =	sld [smem:$0x3FD0];
	(tm) =	ssettm $0x1  }
0x91: {  	s18 =	sld [smem:$0x3FFB];
	_ =	sdelay $0x3  }
0x92: {  	_ =	strace s18  }
0x93: {  	s3 =	sld [smem:$0x3FFC];
	_ =	sdelay $0x3  }
0x94: {  	_ =	strace s3  }
0x95: {  	s3 =	sld [smem:$0x3FFD];
	_ =	sdelay $0x3  }
0x96: {  	_ =	strace s3  }
0x97: {  	_ =	strace $0x8FFFFFFF  }
0x98: {  	s19 =	sld [smem:$0x3FDB];
	_ =	sdelay $0x1  }
0x99: {  	s4 =	simm.s32 $_scs_section_size  }
0x9a: {  	s5 =	simm.s32 $_size__tile_overlayer_lowered;
	s6 =	simm.s32 $_tile_overlayer_lowered  }
0x9b: {  	s22 =	simm.s32 $0x1BFF;
	s21 =	sshll.u32 s6, $0x1;
	s3 =	sadd.s32 s4, s19  }
0x9c: {  	s7 =	simm.s32 $0x0;
	s20 =	sshll.u32 s5, $0x1;
	s5 =	sadd.s32 s21, s3  }
0x9d: {  	[timem:s7], [sflag:s22] =	dma.local [hbm:s5], s20  }
0x9e: {  	_ =	swait.ge [sflag:s22], s20  }
0x9f: {  	s4 =	ssub.s32 $0x0, s20;
	[sflag:s22] =	ssyncset.done $0x0  }
0xa0: {  	[sflag:s22] =	ssyncadd.s32 s4;
	_ =	sdelay $0x1  }
0xa1: {  	s23 =	simm.s32 $0x1B8B  }
0xa2: {  	_ =	swait.ge [sflag:s23], $0x1  }
0xa3: {  	[sflag:s23] =	ssyncset.done $0x0  }
0xa4: {  	s25 =	simm.s32 $0x1B8E;
	s24 =	sld [smem:$0x3FFE];
	[sflag:s23] =	ssyncadd.s32 $0xFFFFFFFF  }
0xa5: {  	s26 =	simm.s32 $execute0_lowered;
	[smem:$0x3FD2] =	sst s25  }
0xa6: {  	s5 =	sshll.u32 s26, $0x1;
	_ =	strace $0x8000004C;
	[dreg:$0x1] =	wrdreg $0xFFFFFFFF  }
0xa7: {  	s28 =	simm.s32 $_size_execute0_lowered;
	s3 =	sadd.s32 s3, s5;
	[dreg:$0x0] =	wrdreg $0x0  }
0xa8: {  	s5 =	sshll.u32 s28, $0x1;
	[dreg:$0x2] =	wrdreg s3  }
0xa9: {  	[dreg:$0x3] =	wrdreg s5  }
0xaa: {  	[dreg:$0x4] =	wrdreg $0xC0  }
0xab: {  	_ =	task [dreg:s7], $0x5FFFF  }
0xac: {  	[dreg:$0x1] =	wrdreg $0xFFFFFFFF  }
0xad: {  	[dreg:$0x0] =	wrdreg $0x60  }
0xae: {  	[dreg:$0x2] =	wrdreg s24  }
0xaf: {  	[dreg:$0x3] =	wrdreg s2  }
0xb0: {  	[dreg:$0x4] =	wrdreg $0x11D000  }
0xb1: {  	[dreg:$0x5] =	wrdreg $0x9  }
0xb2: {  	_ =	task.clear_ibuf [dreg:s7], $0x6FFFF;
	_ =	strace $0x9000004C  }
0xb3: {  	s29 =	simm.s32 $0x9;
	_ =	strace $0x8000004E  }
0xb4: {  	_ =	swait.ge [sflag:s29], $0x1  }
0xb5: {  	[sflag:s29] =	ssyncadd.s32 $0xFFFFFFFF  }
0xb6: {  	_ =	strace $0x9000004E  }
0xb7: {  	_ =	sfence  }
0xb8: {  	s30 =	sld [smem:$0x0];
	_ =	sdelay $0x2  }
0xb9: {  	s31 =	sshll.u32 s1, $0xD;
	s1 =	sshrl.u32 s1, $0x2  }
0xba: {  	s3 =	sand.u32 $0x4000, s31;
	s1 =	sadd.s32 s1, s30  }
0xbb: {  	s0 =	sor.u32 s3, s0;
	s1 =	sshll.u32 s1, $0x11  }
0xbc: {  	s0 =	sor.u32 s1, s0  }
0xbd: {  	s0 =	sadd.s32 $0x8F2B, s0  }
0xbe: {  	[sflag:s0] =	ssyncadd.remote.s32 $0x1  }
0xbf: {  	_ =	sfence.sel $0xFFFF  }
0xc0: {  	[dreg:$0x0] =	wrdreg $0xFFFFFFFF;
	(pc) =	sbr.abs _section_cstart, $3  }
0xc1: {  	[dreg:$0x1] =	wrdreg $0xFFFFFFFF  }
0xc2: {  	_ =	task.clear_ibuf [dreg:s7], $0x2FFFF;
	_ =	strace $0x9FFFFFFF  }
0xc3: {  	(tm) =	ssettm $0x7FFFFFFF  }
tec
execute0_lowered:
.L_overlay_start_1:
0x0: {  	(tag) =	ssettag $0x1  }
0x1: {  	s0 =	rddreg [dreg:$0x0]  }
0x2: {  	s2 =	rddreg [dreg:$0x1]  }
0x3: {  	s1 =	rddreg [dreg:$0x2];
	s3 =	srdreg.scid  }
0x4: {  	s5 =	simm.s32 $0x0;
	s8 =	stileid.u32;
	s12 =	simm.s32 $0x11  }
0x5: {  	s14 =	simm.s32 $0x7D;
	s15 =	simm.s32 $0xA000;
	s17 =	simm.s32 $0xAFA0  }
0x6: {  	s19 =	simm.s32 $0xBF40;
	s28 =	simm.s32 $0xFDC0;
	s30 =	simm.s32 $0x10D60  }
0x7: {  	s31 =	simm.s32 $0x1;
	s11 =	simm.s32 $0x4;
	s16 =	simm.s32 $0x5  }
0x8: {  	s18 =	simm.s32 $0x6;
	s29 =	simm.s32 $0xB;
	s20 =	smul.u32 $0xA000, s8  }
0x9: {  	s3 =	sand.u32 $0x1, s3;
	[smem:$0x7FF] =	sst s5;
	s7 =	smul.u32 $0x5000, s8  }
0xa: {  	s9 =	sadd.s32 $0x2A00, s0;
	s26 =	sshll.u32 s8, $0x6;
	s8 =	simm.s32 $0xE  }
0xb: {  	s5 =	simm.s32 $0x10;
	s4 =	smul.u32 $0xA0000, s3;
	_ =	strace $0x8000004D  }
0xc: {  	[dreg:$0x4] =	wrdreg s9;
	s3 =	ssub.s32 $0x2, s3;
	s10 =	sor.u32 $0x1C11, s26  }
0xd: {  	s26 =	simm.s32 $0xA;
	s9 =	simm.s32 $0xF;
	s7 =	sshrl.u32 s7, $0x3  }
0xe: {  	s21 =	sshrl.u32 s3, $0x1;
	s24 =	sshrl.u32 s20, $0x1;
	[dreg:$0x9] =	wrdreg s10  }
0xf: {  	s6 =	sshrl.u32 s4, $0x4;
	s4 =	sadd.s32 s20, s4;
	s7 =	sadd.s32 s2, s7  }
0x10: {  	s22 =	ssub.s32 s3, s21;
	s3 =	sadd.s32 s24, s1;
	s21 =	simm.s32 $0xCEE0  }
0x11: {  	s2 =	simm.s32 $0x3;
	s20 =	simm.s32 $0x7;
	s24 =	simm.s32 $0x9  }
0x12: {  	s6 =	sadd.s32 s6, s0;
	s4 =	sshrl.u32 s4, $0x4;
	[dreg:$0x5] =	wrdreg s7  }
0x13: {  	s23 =	sadd.s32 $0xA000, s7;
	s25 =	smax.u32 s22, $0x1;
	s13 =	sshrl.u32 s3, $0x3  }
0x14: {  	s22 =	simm.s32 $0x8;
	s3 =	simm.s32 $0x0;
	[dreg:$0x6] =	wrdreg s23  }
0x15: {  	s0 =	sadd.s32 s4, s0;
	s7 =	sadd.s32 $0x3400, s6;
	[dreg:$0x8] =	wrdreg s25  }
0x16: {  	s23 =	simm.s32 $0xDE80;
	s25 =	simm.s32 $0xEE20;
	[dreg:$0xb] =	wrdreg s3  }
0x17: {  	s4 =	simm.s32 $0xC;
	[dreg:$0xa] =	wrdreg s13;
	s0 =	sadd.s32 $0x17400, s0  }
0x18: {  	s6 =	simm.s32 $0xD;
	[dreg:$0x7] =	wrdreg s0;
	s0 =	simm.s32 $0x2  }
.LBB2_1:
0x19: {  	s10 =	simm.s32 $0x0;
	s3 =	rddreg [dreg:$0x5]  }
0x1a: {  	[tilespmem:s10], [sflag:$0x11] =	stream.linear.gather [hbm4b:s3+s10], $0x5000, $0x38;
	[tilespmem:$0x16D00] =	vst v63  }
0x1b: {  	_ =	swait.ge [sflag:s12], $0x5000  }
0x1c: {  	s13 =	simm.s32 $0x5000;
	[sflag:s12] =	ssyncset.done $0x0  }
0x1d: {  	s10 =	simm.s32 $0x0;
	s3 =	rddreg [dreg:$0x6];
	[sflag:s12] =	ssyncadd.s32 $0xFFFFB000  }
0x1e: {  	[tilespmem:s13], [sflag:$0x11] =	stream.linear.gather [hbm4b:s3+s10], $0x5000, $0x38;
	[tilespmem:$0x16D00] =	vst v63  }
0x1f: {  	_ =	swait.ge [sflag:s12], $0x5000  }
0x20: {  	s3 =	rddreg [dreg:$0x4]  }
0x21: {  	[sflag:s12] =	ssyncset.done $0x0;
	s13 =	rddreg [dreg:$0x9]  }
0x22: {  	s10 =	rddreg [dreg:$0xa];
	[sflag:s12] =	ssyncadd.s32 $0xFFFFB000  }
0x23: {  	[spmem:s10], [sflag:s13] =	dma.local [hbm:s3], $0xA00  }
0x24: {  	_ =	swait.ge [sflag:s12], $0xA00  }
0x25: {  	[sflag:s12] =	ssyncset.done $0x0  }
0x26: {  	[sflag:s12] =	ssyncadd.s32 $0xFFFFF600  }
0x27: {  	s10 =	simm.s32 $0x0;
	[bflag:$0x0] =	sbarrier.arrive $0xFFFF  }
0x28: {  	[tilespmem:s15], [sflag:$0x1] =	stream.indirect.gather [hbm4b:s7+s14], $0x20, s10, s14, $0xb8;
	[tilespmem:$0x16D00] =	vst v63  }
0x29: {  	s13 =	simm.s32 $0x80  }
0x2a: {  	[tilespmem:s17], [sflag:$0x2] =	stream.indirect.gather [hbm4b:s7+s14], $0x20, s13, s14, $0xb8;
	[tilespmem:$0x16D00] =	vst v63  }
0x2b: {  	s12 =	simm.s32 $0x100  }
0x2c: {  	[tilespmem:s19], [sflag:$0x3] =	stream.indirect.gather [hbm4b:s7+s14], $0x20, s12, s14, $0xb8;
	[tilespmem:$0x16D00] =	vst v63  }
0x2d: {  	s13 =	simm.s32 $0x180  }
0x2e: {  	[tilespmem:s21], [sflag:$0x4] =	stream.indirect.gather [hbm4b:s7+s14], $0x20, s13, s14, $0xb8;
	[tilespmem:$0x16D00] =	vst v63  }
0x2f: {  	s12 =	simm.s32 $0x200  }
0x30: {  	[tilespmem:s23], [sflag:$0x5] =	stream.indirect.gather [hbm4b:s7+s14], $0x20, s12, s14, $0xb8;
	[tilespmem:$0x16D00] =	vst v63  }
0x31: {  	s13 =	simm.s32 $0x280  }
0x32: {  	[tilespmem:s25], [sflag:$0x6] =	stream.indirect.gather [hbm4b:s7+s14], $0x20, s13, s14, $0xb8;
	[tilespmem:$0x16D00] =	vst v63  }
0x33: {  	s12 =	simm.s32 $0x300  }
0x34: {  	[tilespmem:s28], [sflag:$0x7] =	stream.indirect.gather [hbm4b:s7+s14], $0x20, s12, s14, $0xb8;
	[tilespmem:$0x16D00] =	vst v63  }
0x35: {  	s13 =	simm.s32 $0x380  }
0x36: {  	[tilespmem:s30], [sflag:$0x8] =	stream.indirect.gather [hbm4b:s7+s14], $0x20, s13, s14, $0xb8;
	[tilespmem:$0x16D00] =	vst v63  }
0x37: {  	_ =	swait.ge [sflag:s31], $0xFA0  }
0x38: {  	[sflag:s31] =	ssyncset.done $0x0  }
0x39: {  	s12 =	simm.s32 $0x5000;
	[sflag:s31] =	ssyncadd.s32 $0xFFFFF060  }
0x3a: {  	[spmem:s1] =	stream.indirect.scatter.add.bf16 [tilespmem:s15], [sflag:$0x9], $0x20, s12, s14, $0xb8;
	[tilespmem:$0x16D00] =	vst v63  }
0x3b: {  	_ =	swait.ge [sflag:s0], $0xFA0  }
0x3c: {  	[sflag:s0] =	ssyncset.done $0x0  }
0x3d: {  	s13 =	simm.s32 $0x5080;
	[sflag:s0] =	ssyncadd.s32 $0xFFFFF060  }
0x3e: {  	[spmem:s1] =	stream.indirect.scatter.add.bf16 [tilespmem:s17], [sflag:$0xA], $0x20, s13, s14, $0xb8;
	[tilespmem:$0x16D00] =	vst v63  }
0x3f: {  	_ =	swait.ge [sflag:s2], $0xFA0  }
0x40: {  	[sflag:s2] =	ssyncset.done $0x0  }
0x41: {  	s12 =	simm.s32 $0x5100;
	[sflag:s2] =	ssyncadd.s32 $0xFFFFF060  }
0x42: {  	[spmem:s1] =	stream.indirect.scatter.add.bf16 [tilespmem:s19], [sflag:$0xB], $0x20, s12, s14, $0xb8;
	[tilespmem:$0x16D00] =	vst v63  }
0x43: {  	_ =	swait.ge [sflag:s11], $0xFA0  }
0x44: {  	[sflag:s11] =	ssyncset.done $0x0  }
0x45: {  	s13 =	simm.s32 $0x5180;
	[sflag:s11] =	ssyncadd.s32 $0xFFFFF060  }
0x46: {  	[spmem:s1] =	stream.indirect.scatter.add.bf16 [tilespmem:s21], [sflag:$0xC], $0x20, s13, s14, $0xb8;
	[tilespmem:$0x16D00] =	vst v63  }
0x47: {  	_ =	swait.ge [sflag:s16], $0xFA0  }
0x48: {  	[sflag:s16] =	ssyncset.done $0x0  }
0x49: {  	s12 =	simm.s32 $0x5200;
	[sflag:s16] =	ssyncadd.s32 $0xFFFFF060  }
0x4a: {  	[spmem:s1] =	stream.indirect.scatter.add.bf16 [tilespmem:s23], [sflag:$0xD], $0x20, s12, s14, $0xb8;
	[tilespmem:$0x16D00] =	vst v63  }
0x4b: {  	_ =	swait.ge [sflag:s18], $0xFA0  }
0x4c: {  	[sflag:s18] =	ssyncset.done $0x0  }
0x4d: {  	s13 =	simm.s32 $0x5280;
	[sflag:s18] =	ssyncadd.s32 $0xFFFFF060  }
0x4e: {  	[spmem:s1] =	stream.indirect.scatter.add.bf16 [tilespmem:s25], [sflag:$0xE], $0x20, s13, s14, $0xb8;
	[tilespmem:$0x16D00] =	vst v63  }
0x4f: {  	_ =	swait.ge [sflag:s20], $0xFA0  }
0x50: {  	[sflag:s20] =	ssyncset.done $0x0  }
0x51: {  	s12 =	simm.s32 $0x5300;
	[sflag:s20] =	ssyncadd.s32 $0xFFFFF060  }
0x52: {  	[spmem:s1] =	stream.indirect.scatter.add.bf16 [tilespmem:s28], [sflag:$0xF], $0x20, s12, s14, $0xb8;
	[tilespmem:$0x16D00] =	vst v63  }
0x53: {  	_ =	swait.ge [sflag:s22], $0xFA0  }
0x54: {  	[sflag:s22] =	ssyncset.done $0x0  }
0x55: {  	s13 =	simm.s32 $0x5380;
	[sflag:s22] =	ssyncadd.s32 $0xFFFFF060  }
0x56: {  	[spmem:s1] =	stream.indirect.scatter.add.bf16 [tilespmem:s30], [sflag:$0x10], $0x20, s13, s14, $0xb8;
	[tilespmem:$0x16D00] =	vst v63  }
0x57: {  	s12 =	smin.u32 s10, $0x97;
	_ =	swait.ge [sflag:s24], $0xFA0  }
0x58: {  	s3 =	sshll.u32 s12, $0x7;
	[sflag:s24] =	ssyncset.done $0x0  }
0x59: {  	s3 =	sadd.s32 $0x400, s3;
	[sflag:s24] =	ssyncadd.s32 $0xFFFFF060  }
0x5a: {  	[tilespmem:s15], [sflag:$0x1] =	stream.indirect.gather [hbm4b:s7+s14], $0x20, s3, s14, $0xb8;
	[tilespmem:$0x16D00] =	vst v63  }
0x5b: {  	s13 =	smin.u32 s10, $0x96;
	_ =	swait.ge [sflag:s26], $0xFA0  }
0x5c: {  	s3 =	sshll.u32 s13, $0x7;
	[sflag:s26] =	ssyncset.done $0x0  }
0x5d: {  	s3 =	sadd.s32 $0x480, s3;
	[sflag:s26] =	ssyncadd.s32 $0xFFFFF060  }
0x5e: {  	[tilespmem:s17], [sflag:$0x2] =	stream.indirect.gather [hbm4b:s7+s14], $0x20, s3, s14, $0xb8;
	[tilespmem:$0x16D00] =	vst v63  }
0x5f: {  	s12 =	smin.u32 s10, $0x95;
	_ =	swait.ge [sflag:s29], $0xFA0  }
0x60: {  	s3 =	sshll.u32 s12, $0x7;
	[sflag:s29] =	ssyncset.done $0x0  }
0x61: {  	s3 =	sadd.s32 $0x500, s3;
	[sflag:s29] =	ssyncadd.s32 $0xFFFFF060  }
0x62: {  	[tilespmem:s19], [sflag:$0x3] =	stream.indirect.gather [hbm4b:s7+s14], $0x20, s3, s14, $0xb8;
	[tilespmem:$0x16D00] =	vst v63  }
0x63: {  	s13 =	smin.u32 s10, $0x94;
	_ =	swait.ge [sflag:s4], $0xFA0  }
0x64: {  	s3 =	sshll.u32 s13, $0x7;
	[sflag:s4] =	ssyncset.done $0x0  }
0x65: {  	s3 =	sadd.s32 $0x580, s3;
	[sflag:s4] =	ssyncadd.s32 $0xFFFFF060  }
0x66: {  	[tilespmem:s21], [sflag:$0x4] =	stream.indirect.gather [hbm4b:s7+s14], $0x20, s3, s14, $0xb8;
	[tilespmem:$0x16D00] =	vst v63  }
0x67: {  	s12 =	smin.u32 s10, $0x93;
	_ =	swait.ge [sflag:s6], $0xFA0  }
0x68: {  	s3 =	sshll.u32 s12, $0x7;
	[sflag:s6] =	ssyncset.done $0x0  }
0x69: {  	s3 =	sadd.s32 $0x600, s3;
	[sflag:s6] =	ssyncadd.s32 $0xFFFFF060  }
0x6a: {  	[tilespmem:s23], [sflag:$0x5] =	stream.indirect.gather [hbm4b:s7+s14], $0x20, s3, s14, $0xb8;
	[tilespmem:$0x16D00] =	vst v63  }
0x6b: {  	s13 =	smin.u32 s10, $0x92;
	_ =	swait.ge [sflag:s8], $0xFA0  }
0x6c: {  	s3 =	sshll.u32 s13, $0x7;
	[sflag:s8] =	ssyncset.done $0x0  }
0x6d: {  	s3 =	sadd.s32 $0x680, s3;
	[sflag:s8] =	ssyncadd.s32 $0xFFFFF060  }
0x6e: {  	[tilespmem:s25], [sflag:$0x6] =	stream.indirect.gather [hbm4b:s7+s14], $0x20, s3, s14, $0xb8;
	[tilespmem:$0x16D00] =	vst v63  }
0x6f: {  	s12 =	smin.u32 s10, $0x91;
	_ =	swait.ge [sflag:s9], $0xFA0  }
0x70: {  	s3 =	sshll.u32 s12, $0x7;
	[sflag:s9] =	ssyncset.done $0x0  }
0x71: {  	s13 =	simm.s32 $0x0;
	s3 =	sadd.s32 $0x700, s3;
	[sflag:s9] =	ssyncadd.s32 $0xFFFFF060  }
0x72: {  	[tilespmem:s28], [sflag:$0x7] =	stream.indirect.gather [hbm4b:s7+s14], $0x20, s3, s14, $0xb8;
	[tilespmem:$0x16D00] =	vst v63  }
0x73: {  	s12 =	smin.u32 s13, $0x90;
	_ =	swait.ge [sflag:s5], $0xFA0  }
0x74: {  	s13 =	simm.s32 $0x1000;
	s3 =	sshll.u32 s12, $0x7;
	[sflag:s5] =	ssyncset.done $0x0  }
0x75: {  	s10 =	sadd.s32 $0x780, s3;
	s3 =	simm.s32 $0x8;
	[sflag:s5] =	ssyncadd.s32 $0xFFFFF060  }
.LBB2_2:
0x76: {  	[tilespmem:s30], [sflag:$0x8] =	stream.indirect.gather [hbm4b:s7+s14], $0x20, s10, s14, $0xb8;
	[tilespmem:$0x16D00] =	vst v63  }
0x77: {  	s10 =	smov.u32 s13  }
0x78: {  	p0 =	sne.s32 s13, $0x13000;
	s13 =	sadd.s32 $0x1000, s13;
	_ =	swait.ge [sflag:s31], $0xFA0  }
0x79: {  	s10 =	sshra.s32 s10, $0x2;
	[sflag:s31] =	ssyncset.done $0x0  }
0x7a: {  	s12 =	sadd.s32 $0x5000, s10;
	[sflag:s31] =	ssyncadd.s32 $0xFFFFF060  }
0x7b: {  	[spmem:s1] =	stream.indirect.scatter.add.bf16 [tilespmem:s15], [sflag:$0x9], $0x20, s12, s14, $0xb8;
	[tilespmem:$0x16D00] =	vst v63  }
0x7c: {  	_ =	swait.ge [sflag:s0], $0xFA0  }
0x7d: {  	[sflag:s0] =	ssyncset.done $0x0  }
0x7e: {  	s12 =	sadd.s32 $0x5080, s10;
	[sflag:s0] =	ssyncadd.s32 $0xFFFFF060  }
0x7f: {  	[spmem:s1] =	stream.indirect.scatter.add.bf16 [tilespmem:s17], [sflag:$0xA], $0x20, s12, s14, $0xb8;
	[tilespmem:$0x16D00] =	vst v63  }
0x80: {  	_ =	swait.ge [sflag:s2], $0xFA0  }
0x81: {  	[sflag:s2] =	ssyncset.done $0x0  }
0x82: {  	s12 =	sadd.s32 $0x5100, s10;
	[sflag:s2] =	ssyncadd.s32 $0xFFFFF060  }
0x83: {  	[spmem:s1] =	stream.indirect.scatter.add.bf16 [tilespmem:s19], [sflag:$0xB], $0x20, s12, s14, $0xb8;
	[tilespmem:$0x16D00] =	vst v63  }
0x84: {  	_ =	swait.ge [sflag:s11], $0xFA0  }
0x85: {  	[sflag:s11] =	ssyncset.done $0x0  }
0x86: {  	s12 =	sadd.s32 $0x5180, s10;
	[sflag:s11] =	ssyncadd.s32 $0xFFFFF060  }
0x87: {  	[spmem:s1] =	stream.indirect.scatter.add.bf16 [tilespmem:s21], [sflag:$0xC], $0x20, s12, s14, $0xb8;
	[tilespmem:$0x16D00] =	vst v63  }
0x88: {  	_ =	swait.ge [sflag:s16], $0xFA0  }
0x89: {  	[sflag:s16] =	ssyncset.done $0x0  }
0x8a: {  	s12 =	sadd.s32 $0x5200, s10;
	[sflag:s16] =	ssyncadd.s32 $0xFFFFF060  }
0x8b: {  	[spmem:s1] =	stream.indirect.scatter.add.bf16 [tilespmem:s23], [sflag:$0xD], $0x20, s12, s14, $0xb8;
	[tilespmem:$0x16D00] =	vst v63  }
0x8c: {  	_ =	swait.ge [sflag:s18], $0xFA0  }
0x8d: {  	[sflag:s18] =	ssyncset.done $0x0  }
0x8e: {  	s12 =	sadd.s32 $0x5280, s10;
	[sflag:s18] =	ssyncadd.s32 $0xFFFFF060  }
0x8f: {  	[spmem:s1] =	stream.indirect.scatter.add.bf16 [tilespmem:s25], [sflag:$0xE], $0x20, s12, s14, $0xb8;
	[tilespmem:$0x16D00] =	vst v63  }
0x90: {  	_ =	swait.ge [sflag:s20], $0xFA0  }
0x91: {  	[sflag:s20] =	ssyncset.done $0x0  }
0x92: {  	s12 =	sadd.s32 $0x5300, s10;
	[sflag:s20] =	ssyncadd.s32 $0xFFFFF060  }
0x93: {  	[spmem:s1] =	stream.indirect.scatter.add.bf16 [tilespmem:s28], [sflag:$0xF], $0x20, s12, s14, $0xb8;
	[tilespmem:$0x16D00] =	vst v63  }
0x94: {  	_ =	swait.ge [sflag:s22], $0xFA0  }
0x95: {  	[sflag:s22] =	ssyncset.done $0x0  }
0x96: {  	s10 =	sadd.s32 $0x5380, s10;
	[sflag:s22] =	ssyncadd.s32 $0xFFFFF060  }
0x97: {  	[spmem:s1] =	stream.indirect.scatter.add.bf16 [tilespmem:s30], [sflag:$0x10], $0x20, s10, s14, $0xb8;
	[tilespmem:$0x16D00] =	vst v63  }
0x98: {  	s10 =	smin.u32 s3, $0x97;
	_ =	swait.ge [sflag:s24], $0xFA0  }
0x99: {  	s10 =	sshll.u32 s10, $0x7;
	[sflag:s24] =	ssyncset.done $0x0  }
0x9a: {  	s10 =	sadd.s32 $0x400, s10;
	[sflag:s24] =	ssyncadd.s32 $0xFFFFF060  }
0x9b: {  	[tilespmem:s15], [sflag:$0x1] =	stream.indirect.gather [hbm4b:s7+s14], $0x20, s10, s14, $0xb8;
	[tilespmem:$0x16D00] =	vst v63  }
0x9c: {  	s10 =	smin.u32 s3, $0x96;
	_ =	swait.ge [sflag:s26], $0xFA0  }
0x9d: {  	s10 =	sshll.u32 s10, $0x7;
	[sflag:s26] =	ssyncset.done $0x0  }
0x9e: {  	s10 =	sadd.s32 $0x480, s10;
	[sflag:s26] =	ssyncadd.s32 $0xFFFFF060  }
0x9f: {  	[tilespmem:s17], [sflag:$0x2] =	stream.indirect.gather [hbm4b:s7+s14], $0x20, s10, s14, $0xb8;
	[tilespmem:$0x16D00] =	vst v63  }
0xa0: {  	s10 =	smin.u32 s3, $0x95;
	_ =	swait.ge [sflag:s29], $0xFA0  }
0xa1: {  	s10 =	sshll.u32 s10, $0x7;
	[sflag:s29] =	ssyncset.done $0x0  }
0xa2: {  	s10 =	sadd.s32 $0x500, s10;
	[sflag:s29] =	ssyncadd.s32 $0xFFFFF060  }
0xa3: {  	[tilespmem:s19], [sflag:$0x3] =	stream.indirect.gather [hbm4b:s7+s14], $0x20, s10, s14, $0xb8;
	[tilespmem:$0x16D00] =	vst v63  }
0xa4: {  	s10 =	smin.u32 s3, $0x94;
	_ =	swait.ge [sflag:s4], $0xFA0  }
0xa5: {  	s10 =	sshll.u32 s10, $0x7;
	[sflag:s4] =	ssyncset.done $0x0  }
0xa6: {  	s10 =	sadd.s32 $0x580, s10;
	[sflag:s4] =	ssyncadd.s32 $0xFFFFF060  }
0xa7: {  	[tilespmem:s21], [sflag:$0x4] =	stream.indirect.gather [hbm4b:s7+s14], $0x20, s10, s14, $0xb8;
	[tilespmem:$0x16D00] =	vst v63  }
0xa8: {  	s10 =	smin.u32 s3, $0x93;
	_ =	swait.ge [sflag:s6], $0xFA0  }
0xa9: {  	s10 =	sshll.u32 s10, $0x7;
	[sflag:s6] =	ssyncset.done $0x0  }
0xaa: {  	s10 =	sadd.s32 $0x600, s10;
	[sflag:s6] =	ssyncadd.s32 $0xFFFFF060  }
0xab: {  	[tilespmem:s23], [sflag:$0x5] =	stream.indirect.gather [hbm4b:s7+s14], $0x20, s10, s14, $0xb8;
	[tilespmem:$0x16D00] =	vst v63  }
0xac: {  	s10 =	smin.u32 s3, $0x92;
	_ =	swait.ge [sflag:s8], $0xFA0  }
0xad: {  	s10 =	sshll.u32 s10, $0x7;
	[sflag:s8] =	ssyncset.done $0x0  }
0xae: {  	s10 =	sadd.s32 $0x680, s10;
	[sflag:s8] =	ssyncadd.s32 $0xFFFFF060  }
0xaf: {  	[tilespmem:s25], [sflag:$0x6] =	stream.indirect.gather [hbm4b:s7+s14], $0x20, s10, s14, $0xb8;
	[tilespmem:$0x16D00] =	vst v63  }
0xb0: {  	s10 =	smin.u32 s3, $0x91;
	_ =	swait.ge [sflag:s9], $0xFA0  }
0xb1: {  	s10 =	sshll.u32 s10, $0x7;
	[sflag:s9] =	ssyncset.done $0x0  }
.Ltmp0:
0xb2: {  	s10 =	sadd.s32 $0x700, s10;
	[sflag:s9] =	ssyncadd.s32 $0xFFFFF060;
	(pc) =	sbr.rel @p0 .LBB2_2-.Ltmp0, $4  }
0xb3: {  	[tilespmem:s28], [sflag:$0x7] =	stream.indirect.gather [hbm4b:s7+s14], $0x20, s10, s14, $0xb8;
	[tilespmem:$0x16D00] =	vst v63  }
0xb4: {  	s10 =	smin.u32 s3, $0x90;
	_ =	swait.ge [sflag:s5], $0xFA0  }
0xb5: {  	s10 =	sshll.u32 s10, $0x7;
	[sflag:s5] =	ssyncset.done $0x0  }
0xb6: {  	s3 =	sadd.s32 $0x8, s3;
	s10 =	sadd.s32 $0x780, s10;
	[sflag:s5] =	ssyncadd.s32 $0xFFFFF060  }
0xb7: {  	[tilespmem:s30], [sflag:$0x8] =	stream.indirect.gather [hbm4b:s7+s14], $0x20, s10, s14, $0xb8;
	[tilespmem:$0x16D00] =	vst v63  }
0xb8: {  	_ =	swait.ge [sflag:s31], $0xFA0  }
0xb9: {  	[sflag:s31] =	ssyncset.done $0x0  }
0xba: {  	[sflag:s31] =	ssyncadd.s32 $0xFFFFF060  }
0xbb: {  	_ =	swait.ge [sflag:s0], $0xFA0  }
0xbc: {  	[sflag:s0] =	ssyncset.done $0x0  }
0xbd: {  	[sflag:s0] =	ssyncadd.s32 $0xFFFFF060  }
0xbe: {  	_ =	swait.ge [sflag:s2], $0xFA0  }
0xbf: {  	[sflag:s2] =	ssyncset.done $0x0  }
0xc0: {  	[sflag:s2] =	ssyncadd.s32 $0xFFFFF060  }
0xc1: {  	_ =	swait.ge [sflag:s11], $0xFA0  }
0xc2: {  	[sflag:s11] =	ssyncset.done $0x0  }
0xc3: {  	[sflag:s11] =	ssyncadd.s32 $0xFFFFF060  }
0xc4: {  	_ =	swait.ge [sflag:s16], $0xFA0  }
0xc5: {  	[sflag:s16] =	ssyncset.done $0x0  }
0xc6: {  	[sflag:s16] =	ssyncadd.s32 $0xFFFFF060  }
0xc7: {  	_ =	swait.ge [sflag:s18], $0xFA0  }
0xc8: {  	[sflag:s18] =	ssyncset.done $0x0  }
0xc9: {  	[sflag:s18] =	ssyncadd.s32 $0xFFFFF060  }
0xca: {  	_ =	swait.ge [sflag:s20], $0xFA0  }
0xcb: {  	[sflag:s20] =	ssyncset.done $0x0  }
0xcc: {  	[sflag:s20] =	ssyncadd.s32 $0xFFFFF060  }
0xcd: {  	_ =	swait.ge [sflag:s22], $0xFA0  }
0xce: {  	[sflag:s22] =	ssyncset.done $0x0  }
0xcf: {  	[sflag:s22] =	ssyncadd.s32 $0xFFFFF060  }
0xd0: {  	[bflag:$0x0] =	sbarrier.arrive $0xFFFF  }
0xd1: {  	s3 =	rddreg [dreg:$0x7]  }
0xd2: {  	s12 =	rddreg [dreg:$0x9]  }
0xd3: {  	s13 =	rddreg [dreg:$0xa]  }
0xd4: {  	[hbm:s3], [sflag:s12] =	dma.local [spmem:s13], $0xA00  }
0xd5: {  	s12 =	simm.s32 $0x11  }
0xd6: {  	_ =	swait.ge [sflag:s12], $0xA00  }
0xd7: {  	s13 =	rddreg [dreg:$0xb]  }
0xd8: {  	s10 =	rddreg [dreg:$0x8];
	s13 =	sadd.s32 $0x1, s13  }
0xd9: {  	p0 =	sne.s32 s13, s10  }
.Ltmp1:
0xda: {  	_ = 	snop;
	(pc) =	sbr.rel @p0 .LBB2_1-.Ltmp1, $3  }
0xdb: {  	_ =	sdelay $0x1  }
0xdc: {  	[sflag:s12] =	ssyncset.done $0x0  }
0xdd: {  	[sflag:s12] =	ssyncadd.s32 $0xFFFFF600;
	[dreg:$0xb] =	wrdreg s13  }
0xde: {  	_ =	sfence.sel $0x180000  }
0xdf: {  	[bflag:$0x0] =	sbarrier.arrive $0xFFFF  }
0xe0: {  	_ =	strace $0x9000004D  }
0xe1: {  	s0 =	stileid.u32;
	[bflag:$0x2] =	sbarrier.arrive $0xFFFF  }
0xe2: {  	p0 =	sne.s32 s0, $0x0;
	s0 =	rddreg [dreg:$0x3]  }
0xe3: {  	s0 =	sadd.s32 @!p0 $0x100000, s0  }
0xe4: {  	[sflag:s0] =	ssyncadd.tile.s32 @!p0 $0x1;
	_ =	shalt  }
.Lfunc_end2:
_tile_overlayer_lowered:
.L_overlay_start_2:
0xe5: {  	(tag) =	ssettag $0x2  }
0xe6: {  	s0 =	rddreg [dreg:$0x0];
	s2 =	stileid.u32  }
0xe7: {  	s1 =	rddreg [dreg:$0x1];
	p0 =	sne.s32 s2, $0x0  }
0xe8: {  	s3 =	rddreg [dreg:$0x2];
	[bflag:$0x3] =	sbarrier.arrive $0xFFFF;
	s2 =	simm.s32 @!p0 $0x1C11  }
0xe9: {  	[timem:s3], [sflag:s2] =	dma.local @!p0 [hbm:s0], s1  }
0xea: {  	s0 =	simm.s32 @!p0 $0x11  }
0xeb: {  	_ =	swait.ge @!p0 [sflag:s0], s1  }
0xec: {  	s1 =	ssub.s32 @!p0 $0x0, s1;
	[sflag:s0] =	ssyncset.done @!p0 $0x0  }
0xed: {  	[sflag:s0] =	ssyncadd.s32 @!p0 s1  }
0xee: {  	[bflag:$0x3] =	sbarrier.arrive $0xFFFF  }
0xef: {  	_ =	shalt  }

// kernel: kernel.8.cloned.1.call-start
scs
__scs_entry_jumppad:
0x0: {  	(pc) =	sbr.rel $0x88, $3  }
0x1: {  	(tag) =	ssettag $0x0;
	lr =	simm.s32 $0x1  }
0x2: {  	[smem:$0x3F9B] =	sst lr;
	_ =	strace $0xD0000000  }
0x3: {  	_ = 	snop  }
0x4: {  	_ = 	snop  }
0x5: {  	_ = 	snop  }
0x6: {  	_ = 	snop  }
0x7: {  	_ = 	snop  }
__scs_overlays_trampoline_lowered:
0x8: {  	[smem:$0x3FAA] =	sst s0  }
0x9: {  	[smem:$0x3FAB] =	sst s1  }
0xa: {  	[smem:$0x3FAC] =	sst s2  }
0xb: {  	[smem:$0x3FAD] =	sst s3  }
0xc: {  	[smem:$0x3FAE] =	sst s4  }
0xd: {  	[smem:$0x3FAF] =	sst s5  }
0xe: {  	[smem:$0x3FB0] =	sst s6  }
0xf: {  	[smem:$0x3FB1] =	sst s7  }
0x10: {  	[smem:$0x3FB2] =	sst s8  }
0x11: {  	[smem:$0x3FB3] =	sst s9;
	s0 =	simm.s32 @!p0 $0x0  }
0x12: {  	s1 =	sld [smem:$0x3F99];
	s0 =	simm.s32 @p0 $0x1  }
0x13: {  	[smem:$0x3FB4] =	sst s0;
	s0 =	simm.s32 @!p1 $0x0  }
0x14: {  	s2 =	sld [smem:$0x3F98];
	s0 =	simm.s32 @p1 $0x1  }
0x15: {  	[smem:$0x3FB5] =	sst s0;
	s0 =	simm.s32 @!p2 $0x0  }
0x16: {  	s3 =	sld [smem:$0x3FDB];
	s0 =	simm.s32 @p2 $0x1  }
0x17: {  	s4 =	simm.s32 $0x1BF5;
	[smem:$0x3FB7] =	sst s0  }
0x18: {  	s0 =	sld [smem:$0x3F9A];
	_ =	swait.ge [sflag:s4], $0x0  }
0x19: {  	s7 =	sld [smem:$0x3F9B]  }
0x1a: {  	s8 =	sadd.s32 $0xFFFFE003, lr  }
0x1b: {  	s9 =	sadd.s32 $0xFFFFFEF7, lr;
	s5 =	simm.s32 $0xFFFFFFFF;
	p2 =	slt.u32 s8, $0xFFFFF086  }
0x1c: {  	p1 =	slt.u32 s9, $0xF7A;
	s5 =	simm.s32 @!p2 $0x0  }
0x1d: {  	s5 =	simm.s32 @p1 $0x1;
	p0 =	seq.s32 s7, s2  }
0x1e: {  	s7 =	smul.u32 @!p0 $0xF7A, s2;
	p2 =	seq.s32 @!p0 s5, $0x0  }
0x1f: {  	s9 =	smul.u32 $0xF7A, s1;
	s8 =	simm.s32 @!p0 $0x1BF5;
	p2 =	por !p2, p0  }
0x20: {  	[sflag:s8] =	ssyncset.s32 @!p0 $0xFFFFF086;
	s6 =	sadd.s32 @!p0 s3, s7;
	s7 =	simm.s32 @!p0 $0x108  }
0x21: {  	s3 =	sadd.s32 s3, s9;
	s6 =	sadd.s32 @!p0 $0x88, s6;
	s7 =	simm.s32 @p2 $0x1082  }
0x22: {  	[simem:s7], [sflag:s8] =	dma.local @!p0 [hbm:s6], $0xF7A  }
0x23: {  	s9 =	sor.u32 $0xD0000000, s2;
	s6 =	simm.s32 $0x108;
	_ =	swait.ge @!p0 [sflag:s8], $0x0  }
0x24: {  	s3 =	sadd.s32 $0x88, s3;
	s6 =	simm.s32 @!p1 $0x1082;
	[sflag:s4] =	ssyncset.s32 $0xFFFFF086  }
0x25: {  	[simem:s6], [sflag:s4] =	dma.local [hbm:s3], $0xF7A  }
0x26: {  	[smem:$0x3F9B] =	sst s1;
	(tag) =	ssettag s2;
	_ =	strace s9  }
0x27: {  	s1 =	sld [smem:$0x3FAB]  }
0x28: {  	s2 =	sld [smem:$0x3FAC]  }
0x29: {  	s4 =	sld [smem:$0x3FAE]  }
0x2a: {  	p0 =	seq.s32 s5, $0x0;
	s5 =	sld [smem:$0x3FAF]  }
0x2b: {  	s6 =	sld [smem:$0x3FB0]  }
0x2c: {  	s7 =	sld [smem:$0x3FB1]  }
0x2d: {  	s3 =	simm.s32 $0x108;
	s8 =	sld [smem:$0x3FB2]  }
0x2e: {  	s3 =	simm.s32 @!p0 $0x1082;
	s9 =	sld [smem:$0x3FB3]  }
0x2f: {  	lr =	sadd.s32 s0, s3;
	s0 =	sld [smem:$0x3FAA]  }
0x30: {  	s3 =	sld [smem:$0x3FAD]  }
0x31: {  	[smem:$0x3FB6] =	sst s10  }
0x32: {  	s10 =	sld [smem:$0x3FB4];
	_ =	sdelay $0x3  }
0x33: {  	p0 =	seq.s32 s10, $0x1;
	s10 =	sld [smem:$0x3FB6];
	_ =	sdelay $0x3  }
0x34: {  	[smem:$0x3FB6] =	sst s10  }
0x35: {  	s10 =	sld [smem:$0x3FB5];
	_ =	sdelay $0x3  }
0x36: {  	p1 =	seq.s32 s10, $0x1;
	s10 =	sld [smem:$0x3FB6];
	_ =	sdelay $0x3  }
0x37: {  	[smem:$0x3FB6] =	sst s10  }
0x38: {  	s10 =	sld [smem:$0x3FB7]  }
0x39: {  	_ = 	snop;
	(pc) =	sbr.ind lr, $3  }
0x3a: {  	_ = 	snop  }
0x3b: {  	_ = 	snop  }
0x3c: {  	p2 =	seq.s32 s10, $0x1;
	s10 =	sld [smem:$0x3FB6]  }
0x3d: {  	_ =	shalt  }
0x3e: {  	_ =	shalt  }
0x3f: {  	_ =	shalt  }
0x40: {  	_ =	shalt  }
0x41: {  	_ =	shalt  }
0x42: {  	_ =	shalt  }
0x43: {  	_ =	shalt  }
0x44: {  	_ =	shalt  }
0x45: {  	_ =	shalt  }
0x46: {  	_ =	shalt  }
0x47: {  	_ =	shalt  }
0x48: {  	_ =	shalt  }
0x49: {  	_ =	shalt  }
0x4a: {  	_ =	shalt  }
0x4b: {  	_ =	shalt  }
0x4c: {  	_ =	shalt  }
0x4d: {  	_ =	shalt  }
0x4e: {  	_ =	shalt  }
0x4f: {  	_ =	shalt  }
0x50: {  	_ =	shalt  }
0x51: {  	_ =	shalt  }
0x52: {  	_ =	shalt  }
0x53: {  	_ =	shalt  }
0x54: {  	_ =	shalt  }
0x55: {  	_ =	shalt  }
0x56: {  	_ =	shalt  }
0x57: {  	_ =	shalt  }
0x58: {  	_ =	shalt  }
0x59: {  	_ =	shalt  }
0x5a: {  	_ =	shalt  }
0x5b: {  	_ =	shalt  }
0x5c: {  	_ =	shalt  }
0x5d: {  	_ =	shalt  }
0x5e: {  	_ =	shalt  }
0x5f: {  	_ =	shalt  }
0x60: {  	_ =	shalt  }
0x61: {  	_ =	shalt  }
0x62: {  	_ =	shalt  }
0x63: {  	_ =	shalt  }
0x64: {  	_ =	shalt  }
0x65: {  	_ =	shalt  }
0x66: {  	_ =	shalt  }
0x67: {  	_ =	shalt  }
0x68: {  	_ =	shalt  }
0x69: {  	_ =	shalt  }
0x6a: {  	_ =	shalt  }
0x6b: {  	_ =	shalt  }
0x6c: {  	_ =	shalt  }
0x6d: {  	_ =	shalt  }
0x6e: {  	_ =	shalt  }
0x6f: {  	_ =	shalt  }
0x70: {  	_ =	shalt  }
0x71: {  	_ =	shalt  }
0x72: {  	_ =	shalt  }
0x73: {  	_ =	shalt  }
0x74: {  	_ =	shalt  }
0x75: {  	_ =	shalt  }
0x76: {  	_ =	shalt  }
0x77: {  	_ =	shalt  }
0x78: {  	_ =	shalt  }
0x79: {  	_ =	shalt  }
0x7a: {  	_ =	shalt  }
0x7b: {  	_ =	shalt  }
0x7c: {  	_ =	shalt  }
0x7d: {  	_ =	shalt  }
0x7e: {  	_ =	shalt  }
0x7f: {  	_ =	shalt  }
0x80: {  	_ =	shalt  }
0x81: {  	_ =	shalt  }
0x82: {  	_ =	shalt  }
0x83: {  	_ =	shalt  }
0x84: {  	_ =	shalt  }
0x85: {  	_ =	shalt  }
0x86: {  	_ =	shalt  }
0x87: {  	_ =	shalt  }
.Lfunc_end0:
.L_simem_size_0:
called_computation_lowered:
.L_overlay_start_0:
0x88: {  	s2 =	sld [smem:$0x3FD9]  }
0x89: {  	s3 =	sld [smem:$0x3FFE];
	_ =	sdelay $0x1  }
0x8a: {  	s1 =	srdreg.scid  }
0x8b: {  	s0 =	sand.u32 $0x1, s1  }
0x8c: {  	s17 =	sshll.u32 s0, $0xA;
	s2 =	sadd.s32 s3, s2  }
0x8d: {  	s2 =	sadd.s32 s2, s17  }
0x8e: {  	[smem:$0x3FC2] =	sst s2  }
0x8f: {  	_ = 	snop  }
0x90: {  	s2 =	sld [smem:$0x3FD0];
	(tm) =	ssettm $0x1  }
0x91: {  	s18 =	sld [smem:$0x3FFB];
	_ =	sdelay $0x3  }
0x92: {  	_ =	strace s18  }
0x93: {  	s3 =	sld [smem:$0x3FFC];
	_ =	sdelay $0x3  }
0x94: {  	_ =	strace s3  }
0x95: {  	s3 =	sld [smem:$0x3FFD];
	_ =	sdelay $0x3  }
0x96: {  	_ =	strace s3  }
0x97: {  	_ =	strace $0x8FFFFFFF  }
0x98: {  	s19 =	sld [smem:$0x3FDB];
	_ =	sdelay $0x1  }
0x99: {  	s4 =	simm.s32 $_scs_section_size  }
0x9a: {  	s5 =	simm.s32 $_size__tile_overlayer_lowered;
	s6 =	simm.s32 $_tile_overlayer_lowered  }
0x9b: {  	s22 =	simm.s32 $0x1BFF;
	s21 =	sshll.u32 s6, $0x1;
	s3 =	sadd.s32 s4, s19  }
0x9c: {  	s7 =	simm.s32 $0x0;
	s20 =	sshll.u32 s5, $0x1;
	s5 =	sadd.s32 s21, s3  }
0x9d: {  	[timem:s7], [sflag:s22] =	dma.local [hbm:s5], s20  }
0x9e: {  	_ =	swait.ge [sflag:s22], s20  }
0x9f: {  	s4 =	ssub.s32 $0x0, s20;
	[sflag:s22] =	ssyncset.done $0x0  }
0xa0: {  	[sflag:s22] =	ssyncadd.s32 s4;
	_ =	sdelay $0x1  }
0xa1: {  	s23 =	simm.s32 $0x1B8B  }
0xa2: {  	_ =	swait.ge [sflag:s23], $0x1  }
0xa3: {  	[sflag:s23] =	ssyncset.done $0x0  }
0xa4: {  	s25 =	simm.s32 $0x1B8E;
	s24 =	sld [smem:$0x3FFE];
	[sflag:s23] =	ssyncadd.s32 $0xFFFFFFFF  }
0xa5: {  	s26 =	simm.s32 $execute0_lowered;
	[smem:$0x3FD2] =	sst s25  }
0xa6: {  	s5 =	sshll.u32 s26, $0x1;
	_ =	strace $0x80000046;
	[dreg:$0x1] =	wrdreg $0xFFFFFFFF  }
0xa7: {  	s28 =	simm.s32 $_size_execute0_lowered;
	s3 =	sadd.s32 s3, s5;
	[dreg:$0x0] =	wrdreg $0x0  }
0xa8: {  	s5 =	sshll.u32 s28, $0x1;
	[dreg:$0x2] =	wrdreg s3  }
0xa9: {  	[dreg:$0x3] =	wrdreg s5  }
0xaa: {  	[dreg:$0x4] =	wrdreg $0xC0  }
0xab: {  	_ =	task [dreg:s7], $0x5FFFF  }
0xac: {  	[dreg:$0x1] =	wrdreg $0xFFFFFFFF  }
0xad: {  	[dreg:$0x0] =	wrdreg $0x60  }
0xae: {  	[dreg:$0x2] =	wrdreg s2  }
0xaf: {  	[dreg:$0x3] =	wrdreg s24  }
0xb0: {  	[dreg:$0x4] =	wrdreg $0x28800  }
0xb1: {  	[dreg:$0x5] =	wrdreg $0x9  }
0xb2: {  	_ =	task.clear_ibuf [dreg:s7], $0x6FFFF;
	_ =	strace $0x90000046  }
0xb3: {  	s29 =	simm.s32 $0x9;
	_ =	strace $0x80000048  }
0xb4: {  	_ =	swait.ge [sflag:s29], $0x1  }
0xb5: {  	[sflag:s29] =	ssyncadd.s32 $0xFFFFFFFF  }
0xb6: {  	_ =	strace $0x90000048  }
0xb7: {  	_ =	sfence  }
0xb8: {  	s30 =	sld [smem:$0x0];
	_ =	sdelay $0x2  }
0xb9: {  	s31 =	sshll.u32 s1, $0xD;
	s1 =	sshrl.u32 s1, $0x2  }
0xba: {  	s3 =	sand.u32 $0x4000, s31;
	s1 =	sadd.s32 s1, s30  }
0xbb: {  	s0 =	sor.u32 s3, s0;
	s1 =	sshll.u32 s1, $0x11  }
0xbc: {  	s0 =	sor.u32 s1, s0  }
0xbd: {  	s0 =	sadd.s32 $0x8F2B, s0  }
0xbe: {  	[sflag:s0] =	ssyncadd.remote.s32 $0x1  }
0xbf: {  	_ =	sfence.sel $0xFFFF  }
0xc0: {  	[dreg:$0x0] =	wrdreg $0xFFFFFFFF;
	(pc) =	sbr.abs _section_cstart, $3  }
0xc1: {  	[dreg:$0x1] =	wrdreg $0xFFFFFFFF  }
0xc2: {  	_ =	task.clear_ibuf [dreg:s7], $0x2FFFF;
	_ =	strace $0x9FFFFFFF  }
0xc3: {  	(tm) =	ssettm $0x7FFFFFFF  }
tec
execute0_lowered:
.L_overlay_start_1:
0x0: {  	(tag) =	ssettag $0x1  }
0x1: {  	s5 =	rddreg [dreg:$0x0]  }
0x2: {  	s6 =	rddreg [dreg:$0x1];
	s0 =	srdreg.scid  }
0x3: {  	s2 =	rddreg [dreg:$0x2];
	s1 =	stileid.u32  }
0x4: {  	s3 =	simm.s32 $0x0;
	s12 =	simm.s32 $0x2800;
	s13 =	simm.s32 $0x1  }
0x5: {  	s7 =	sand.u32 $0x1, s0;
	s0 =	rddreg [dreg:$0x3];
	s9 =	smul.u32 $0x280, s1  }
0x6: {  	s14 =	simm.s32 $0x0;
	[smem:$0x7FF] =	sst s3;
	s10 =	smul.u32 $0x5000, s1  }
0x7: {  	s4 =	sadd.s32 $0x1E00, s6;
	s8 =	smul.u32 $0x2800, s7;
	s7 =	ssub.s32 $0x2, s7  }
0x8: {  	s31 =	sshll.u32 s1, $0x6;
	_ =	strace $0x80000047;
	s29 =	sshrl.u32 s7, $0x1  }
0x9: {  	s30 =	sadd.s32 s9, s2;
	s11 =	sadd.s32 s9, s8;
	s8 =	sadd.s32 s8, s10  }
0xa: {  	s7 =	ssub.s32 s7, s29;
	s9 =	sor.u32 $0x1C02, s31;
	s10 =	sshrl.u32 s30, $0x3  }
0xb: {  	s28 =	sshrl.u32 s11, $0x3;
	s8 =	sadd.s32 $0x50000, s8;
	s7 =	smax.u32 s7, $0x1  }
0xc: {  	s11 =	simm.s32 $0x7D;
	s6 =	sadd.s32 s28, s6;
	s8 =	sshrl.u32 s8, $0x3  }
0xd: {  	v0 =	vimm.f32 $1.000000000e+00;
	s5 =	sadd.s32 s5, s8;
	s6 =	sadd.s32 $0x2000, s6;
	s8 =	simm.s32 $0x2  }
.LBB2_1:
0xe: {  	[tilespmem:$0x2800] =	vst v0  }
0xf: {  	[tilespmem:$0x2810] =	vst v0  }
0x10: {  	[tilespmem:$0x2820] =	vst v0  }
0x11: {  	[tilespmem:$0x2830] =	vst v0  }
0x12: {  	[tilespmem:$0x2840] =	vst v0  }
0x13: {  	[tilespmem:$0x2850] =	vst v0  }
0x14: {  	[tilespmem:$0x2860] =	vst v0  }
0x15: {  	[tilespmem:$0x286D] =	vst v0  }
0x16: {  	[tilespmem:s3], [sflag:$0x2] =	stream.linear.gather [hbm4b:s5+s3], $0x2800, $0x38;
	[tilespmem:$0x2B00] =	vst v63  }
0x17: {  	_ =	swait.ge [sflag:s8], $0x2800  }
0x18: {  	[sflag:s8] =	ssyncset.done $0x0  }
0x19: {  	[sflag:s8] =	ssyncadd.s32 $0xFFFFD800  }
0x1a: {  	[spmem:s10], [sflag:s9] =	dma.local [hbm:s4], $0x50  }
0x1b: {  	_ =	swait.ge [sflag:s8], $0x50  }
0x1c: {  	[sflag:s8] =	ssyncset.done $0x0  }
0x1d: {  	[sflag:s8] =	ssyncadd.s32 $0xFFFFFFB0  }
0x1e: {  	s15 =	simm.s32 $0x0;
	[bflag:$0x0] =	sbarrier.arrive $0xFFFF  }
0x1f: {  	[spmem:s2] =	stream.indirect.scatter.add.f32 [tilespmem:s12], [sflag:$0x1], $0x1, s15, s11, $0xb8;
	[tilespmem:$0x2B00] =	vst v63  }
0x20: {  	s24 =	simm.s32 $0x80  }
0x21: {  	[spmem:s2] =	stream.indirect.scatter.add.f32 [tilespmem:s12], [sflag:$0x1], $0x1, s24, s11, $0xb8;
	[tilespmem:$0x2B00] =	vst v63  }
0x22: {  	s25 =	simm.s32 $0x100  }
0x23: {  	[spmem:s2] =	stream.indirect.scatter.add.f32 [tilespmem:s12], [sflag:$0x1], $0x1, s25, s11, $0xb8;
	[tilespmem:$0x2B00] =	vst v63  }
0x24: {  	s26 =	simm.s32 $0x180  }
0x25: {  	[spmem:s2] =	stream.indirect.scatter.add.f32 [tilespmem:s12], [sflag:$0x1], $0x1, s26, s11, $0xb8;
	[tilespmem:$0x2B00] =	vst v63  }
0x26: {  	s28 =	simm.s32 $0x200  }
0x27: {  	[spmem:s2] =	stream.indirect.scatter.add.f32 [tilespmem:s12], [sflag:$0x1], $0x1, s28, s11, $0xb8;
	[tilespmem:$0x2B00] =	vst v63  }
0x28: {  	s29 =	simm.s32 $0x280  }
0x29: {  	[spmem:s2] =	stream.indirect.scatter.add.f32 [tilespmem:s12], [sflag:$0x1], $0x1, s29, s11, $0xb8;
	[tilespmem:$0x2B00] =	vst v63  }
0x2a: {  	s30 =	simm.s32 $0x300  }
0x2b: {  	[spmem:s2] =	stream.indirect.scatter.add.f32 [tilespmem:s12], [sflag:$0x1], $0x1, s30, s11, $0xb8;
	[tilespmem:$0x2B00] =	vst v63  }
0x2c: {  	s31 =	simm.s32 $0x380  }
0x2d: {  	[spmem:s2] =	stream.indirect.scatter.add.f32 [tilespmem:s12], [sflag:$0x1], $0x1, s31, s11, $0xb8;
	[tilespmem:$0x2B00] =	vst v63  }
0x2e: {  	_ =	swait.ge [sflag:s13], $0x7D  }
0x2f: {  	[sflag:s13] =	ssyncset.done $0x0  }
0x30: {  	[sflag:s13] =	ssyncadd.s32 $0xFFFFFF83  }
0x31: {  	_ =	swait.ge [sflag:s13], $0x7D  }
0x32: {  	[sflag:s13] =	ssyncset.done $0x0  }
0x33: {  	[sflag:s13] =	ssyncadd.s32 $0xFFFFFF83  }
0x34: {  	_ =	swait.ge [sflag:s13], $0x7D  }
0x35: {  	[sflag:s13] =	ssyncset.done $0x0  }
0x36: {  	[sflag:s13] =	ssyncadd.s32 $0xFFFFFF83  }
0x37: {  	_ =	swait.ge [sflag:s13], $0x7D  }
0x38: {  	[sflag:s13] =	ssyncset.done $0x0  }
0x39: {  	[sflag:s13] =	ssyncadd.s32 $0xFFFFFF83  }
0x3a: {  	_ =	swait.ge [sflag:s13], $0x7D  }
0x3b: {  	[sflag:s13] =	ssyncset.done $0x0  }
0x3c: {  	[sflag:s13] =	ssyncadd.s32 $0xFFFFFF83  }
0x3d: {  	_ =	swait.ge [sflag:s13], $0x7D  }
0x3e: {  	[sflag:s13] =	ssyncset.done $0x0  }
0x3f: {  	[sflag:s13] =	ssyncadd.s32 $0xFFFFFF83  }
0x40: {  	_ =	swait.ge [sflag:s13], $0x7D  }
0x41: {  	[sflag:s13] =	ssyncset.done $0x0  }
0x42: {  	[sflag:s13] =	ssyncadd.s32 $0xFFFFFF83  }
0x43: {  	_ =	swait.ge [sflag:s13], $0x7D  }
0x44: {  	s17 =	simm.s32 $0x2000;
	s15 =	simm.s32 $0x1000;
	[sflag:s13] =	ssyncset.done $0x0  }
.LBB2_2:
0x45: {  	s18 =	sshra.s32 s15, $0x2  }
0x46: {  	[sflag:s13] =	ssyncadd.s32 $0xFFFFFF83;
	s15 =	smov.u32 s17;
	s16 =	sadd.s32 $0x1000, s17  }
0x47: {  	[spmem:s2] =	stream.indirect.scatter.add.f32 [tilespmem:s12], [sflag:$0x1], $0x1, s18, s11, $0xb8;
	[tilespmem:$0x2B00] =	vst v63  }
0x48: {  	p0 =	sne.s32 s17, $0x9000;
	s17 =	sadd.s32 $0x80, s18  }
0x49: {  	[spmem:s2] =	stream.indirect.scatter.add.f32 [tilespmem:s12], [sflag:$0x1], $0x1, s17, s11, $0xb8;
	[tilespmem:$0x2B00] =	vst v63  }
0x4a: {  	s17 =	sadd.s32 $0x100, s18  }
0x4b: {  	[spmem:s2] =	stream.indirect.scatter.add.f32 [tilespmem:s12], [sflag:$0x1], $0x1, s17, s11, $0xb8;
	[tilespmem:$0x2B00] =	vst v63  }
0x4c: {  	s17 =	sadd.s32 $0x180, s18  }
0x4d: {  	[spmem:s2] =	stream.indirect.scatter.add.f32 [tilespmem:s12], [sflag:$0x1], $0x1, s17, s11, $0xb8;
	[tilespmem:$0x2B00] =	vst v63  }
0x4e: {  	s17 =	sadd.s32 $0x200, s18  }
0x4f: {  	[spmem:s2] =	stream.indirect.scatter.add.f32 [tilespmem:s12], [sflag:$0x1], $0x1, s17, s11, $0xb8;
	[tilespmem:$0x2B00] =	vst v63  }
0x50: {  	s17 =	sadd.s32 $0x280, s18  }
0x51: {  	[spmem:s2] =	stream.indirect.scatter.add.f32 [tilespmem:s12], [sflag:$0x1], $0x1, s17, s11, $0xb8;
	[tilespmem:$0x2B00] =	vst v63  }
0x52: {  	s17 =	sadd.s32 $0x300, s18  }
0x53: {  	[spmem:s2] =	stream.indirect.scatter.add.f32 [tilespmem:s12], [sflag:$0x1], $0x1, s17, s11, $0xb8;
	[tilespmem:$0x2B00] =	vst v63  }
0x54: {  	s17 =	sadd.s32 $0x380, s18  }
0x55: {  	[spmem:s2] =	stream.indirect.scatter.add.f32 [tilespmem:s12], [sflag:$0x1], $0x1, s17, s11, $0xb8;
	[tilespmem:$0x2B00] =	vst v63  }
0x56: {  	_ =	swait.ge [sflag:s13], $0x7D  }
0x57: {  	[sflag:s13] =	ssyncset.done $0x0  }
0x58: {  	[sflag:s13] =	ssyncadd.s32 $0xFFFFFF83  }
0x59: {  	_ =	swait.ge [sflag:s13], $0x7D  }
0x5a: {  	[sflag:s13] =	ssyncset.done $0x0  }
0x5b: {  	[sflag:s13] =	ssyncadd.s32 $0xFFFFFF83  }
0x5c: {  	_ =	swait.ge [sflag:s13], $0x7D  }
0x5d: {  	[sflag:s13] =	ssyncset.done $0x0  }
0x5e: {  	[sflag:s13] =	ssyncadd.s32 $0xFFFFFF83  }
0x5f: {  	_ =	swait.ge [sflag:s13], $0x7D  }
0x60: {  	[sflag:s13] =	ssyncset.done $0x0  }
0x61: {  	[sflag:s13] =	ssyncadd.s32 $0xFFFFFF83  }
0x62: {  	_ =	swait.ge [sflag:s13], $0x7D  }
0x63: {  	[sflag:s13] =	ssyncset.done $0x0  }
0x64: {  	[sflag:s13] =	ssyncadd.s32 $0xFFFFFF83  }
0x65: {  	_ =	swait.ge [sflag:s13], $0x7D  }
0x66: {  	[sflag:s13] =	ssyncset.done $0x0  }
0x67: {  	[sflag:s13] =	ssyncadd.s32 $0xFFFFFF83  }
.Ltmp0:
0x68: {  	_ =	swait.ge [sflag:s13], $0x7D;
	(pc) =	sbr.rel @p0 .LBB2_2-.Ltmp0, $4  }
0x69: {  	[sflag:s13] =	ssyncset.done $0x0  }
0x6a: {  	[sflag:s13] =	ssyncadd.s32 $0xFFFFFF83  }
0x6b: {  	_ =	swait.ge [sflag:s13], $0x7D  }
0x6c: {  	s17 =	smov.u32 s16;
	[sflag:s13] =	ssyncset.done $0x0  }
0x6d: {  	s15 =	sshra.s32 s15, $0x2;
	[sflag:s13] =	ssyncadd.s32 $0xFFFFFF83  }
0x6e: {  	[spmem:s2] =	stream.indirect.scatter.add.f32 [tilespmem:s12], [sflag:$0x1], $0x1, s15, s11, $0xb8;
	[tilespmem:$0x2B00] =	vst v63  }
0x6f: {  	s16 =	sadd.s32 $0x80, s15  }
0x70: {  	[spmem:s2] =	stream.indirect.scatter.add.f32 [tilespmem:s12], [sflag:$0x1], $0x1, s16, s11, $0xb8;
	[tilespmem:$0x2B00] =	vst v63  }
0x71: {  	s26 =	sadd.s32 $0x100, s15  }
0x72: {  	[spmem:s2] =	stream.indirect.scatter.add.f32 [tilespmem:s12], [sflag:$0x1], $0x1, s26, s11, $0xb8;
	[tilespmem:$0x2B00] =	vst v63  }
0x73: {  	s28 =	sadd.s32 $0x180, s15  }
0x74: {  	[spmem:s2] =	stream.indirect.scatter.add.f32 [tilespmem:s12], [sflag:$0x1], $0x1, s28, s11, $0xb8;
	[tilespmem:$0x2B00] =	vst v63  }
0x75: {  	s29 =	sadd.s32 $0x200, s15  }
0x76: {  	[spmem:s2] =	stream.indirect.scatter.add.f32 [tilespmem:s12], [sflag:$0x1], $0x1, s29, s11, $0xb8;
	[tilespmem:$0x2B00] =	vst v63  }
0x77: {  	s30 =	sadd.s32 $0x280, s15  }
0x78: {  	[spmem:s2] =	stream.indirect.scatter.add.f32 [tilespmem:s12], [sflag:$0x1], $0x1, s30, s11, $0xb8;
	[tilespmem:$0x2B00] =	vst v63  }
0x79: {  	s31 =	sadd.s32 $0x300, s15  }
0x7a: {  	[spmem:s2] =	stream.indirect.scatter.add.f32 [tilespmem:s12], [sflag:$0x1], $0x1, s31, s11, $0xb8;
	[tilespmem:$0x2B00] =	vst v63  }
0x7b: {  	s15 =	sadd.s32 $0x380, s15  }
0x7c: {  	[spmem:s2] =	stream.indirect.scatter.add.f32 [tilespmem:s12], [sflag:$0x1], $0x1, s15, s11, $0xb8;
	[tilespmem:$0x2B00] =	vst v63  }
0x7d: {  	_ =	swait.ge [sflag:s13], $0x7D  }
0x7e: {  	[sflag:s13] =	ssyncset.done $0x0  }
0x7f: {  	[sflag:s13] =	ssyncadd.s32 $0xFFFFFF83  }
0x80: {  	_ =	swait.ge [sflag:s13], $0x7D  }
0x81: {  	[sflag:s13] =	ssyncset.done $0x0  }
0x82: {  	[sflag:s13] =	ssyncadd.s32 $0xFFFFFF83  }
0x83: {  	_ =	swait.ge [sflag:s13], $0x7D  }
0x84: {  	[sflag:s13] =	ssyncset.done $0x0  }
0x85: {  	[sflag:s13] =	ssyncadd.s32 $0xFFFFFF83  }
0x86: {  	_ =	swait.ge [sflag:s13], $0x7D  }
0x87: {  	[sflag:s13] =	ssyncset.done $0x0  }
0x88: {  	[sflag:s13] =	ssyncadd.s32 $0xFFFFFF83  }
0x89: {  	_ =	swait.ge [sflag:s13], $0x7D  }
0x8a: {  	[sflag:s13] =	ssyncset.done $0x0  }
0x8b: {  	[sflag:s13] =	ssyncadd.s32 $0xFFFFFF83  }
0x8c: {  	_ =	swait.ge [sflag:s13], $0x7D  }
0x8d: {  	[sflag:s13] =	ssyncset.done $0x0  }
0x8e: {  	[sflag:s13] =	ssyncadd.s32 $0xFFFFFF83  }
0x8f: {  	_ =	swait.ge [sflag:s13], $0x7D  }
0x90: {  	[sflag:s13] =	ssyncset.done $0x0  }
0x91: {  	[sflag:s13] =	ssyncadd.s32 $0xFFFFFF83  }
0x92: {  	_ =	swait.ge [sflag:s13], $0x7D  }
0x93: {  	s14 =	sadd.s32 $0x1, s14;
	[sflag:s13] =	ssyncset.done $0x0  }
0x94: {  	p0 =	sne.s32 s14, s7;
	[sflag:s13] =	ssyncadd.s32 $0xFFFFFF83  }
.Ltmp1:
0x95: {  	[bflag:$0x0] =	sbarrier.arrive $0xFFFF;
	(pc) =	sbr.rel @p0 .LBB2_1-.Ltmp1, $4  }
0x96: {  	[hbm:s6], [sflag:s9] =	dma.local [spmem:s10], $0x50  }
0x97: {  	_ =	swait.ge [sflag:s8], $0x50  }
0x98: {  	[sflag:s8] =	ssyncset.done $0x0  }
0x99: {  	[sflag:s8] =	ssyncadd.s32 $0xFFFFFFB0  }
0x9a: {  	_ =	sfence.sel $0x180000  }
0x9b: {  	[bflag:$0x0] =	sbarrier.arrive $0xFFFF  }
0x9c: {  	p0 =	sne.s32 s1, $0x0;
	_ =	strace $0x90000047  }
0x9d: {  	s0 =	sadd.s32 @!p0 $0x100000, s0;
	[bflag:$0x2] =	sbarrier.arrive $0xFFFF  }
0x9e: {  	[sflag:s0] =	ssyncadd.tile.s32 @!p0 $0x1;
	_ =	shalt  }
.Lfunc_end2:
_tile_overlayer_lowered:
.L_overlay_start_2:
0x9f: {  	(tag) =	ssettag $0x2  }
0xa0: {  	s0 =	rddreg [dreg:$0x0];
	s2 =	stileid.u32  }
0xa1: {  	s1 =	rddreg [dreg:$0x1];
	p0 =	sne.s32 s2, $0x0  }
0xa2: {  	s3 =	rddreg [dreg:$0x2];
	[bflag:$0x3] =	sbarrier.arrive $0xFFFF;
	s2 =	simm.s32 @!p0 $0x1C02  }
0xa3: {  	[timem:s3], [sflag:s2] =	dma.local @!p0 [hbm:s0], s1  }
0xa4: {  	s0 =	simm.s32 @!p0 $0x2  }
0xa5: {  	_ =	swait.ge @!p0 [sflag:s0], s1  }
0xa6: {  	s1 =	ssub.s32 @!p0 $0x0, s1;
	[sflag:s0] =	ssyncset.done @!p0 $0x0  }
0xa7: {  	[sflag:s0] =	ssyncadd.s32 @!p0 s1  }
0xa8: {  	[bflag:$0x3] =	sbarrier.arrive $0xFFFF  }
0xa9: {  	_ =	shalt  }

</sc_bundles>
